<compile_context>
chip_gen: v7x
topology: tpu7x:2x2x1
jax: 0.10.2.dev20260603
libtpu: 0.0.44.dev20260713+nightly
codegen_flags: <defaults>
</compile_context>

<pallas_src>
import functools

import jax
import jax.numpy as jnp
from jax import lax
from jax.experimental import pallas as pl
from jax.experimental.pallas import tpu as pltpu
from jax.experimental.pallas import tpu_sc as plsc

NC = 2
NS = 16
L = 16
NW = NC * NS

EMB = 64
ROW = 128
CHUNK = 128
UBLK = 8192


def _prep_block(uT_ref, iT_ref, ub_ref, ib_ref, uout_ref, iout_ref):
    eye = jnp.eye(EMB, dtype=jnp.float32)
    for src, bias, dst in ((uT_ref, ub_ref, uout_ref),
                           (iT_ref, ib_ref, iout_ref)):
        rows = lax.dot_general(src[...], eye, (((0,), (0,)), ((), ())),
                               preferred_element_type=jnp.float32)
        cat = jnp.concatenate(
            [rows, bias[...].reshape(UBLK, 1),
             jnp.zeros((UBLK, ROW - EMB - 1), jnp.float32)], axis=1)
        dst[...] = cat


def _make_prep(n_rows: int):
    nblk = n_rows // UBLK
    return pl.pallas_call(
        _prep_block,
        grid=(nblk,),
        compiler_params=pltpu.CompilerParams(
            fuse_transposed_lhs_in_matmul=True),
        in_specs=[
            pl.BlockSpec((EMB, UBLK), lambda j: (0, j)),
            pl.BlockSpec((EMB, UBLK), lambda j: (0, j)),
            pl.BlockSpec((UBLK,), lambda j: (j,)),
            pl.BlockSpec((UBLK,), lambda j: (j,)),
        ],
        out_specs=[
            pl.BlockSpec((UBLK, ROW), lambda j: (j, 0)),
            pl.BlockSpec((UBLK, ROW), lambda j: (j, 0)),
        ],
        out_shape=[
            jax.ShapeDtypeStruct((n_rows, ROW), jnp.float32),
            jax.ShapeDtypeStruct((n_rows, ROW), jnp.float32),
        ],
    )


def _make_sc_kernel(batch: int, n_rows: int):
    bpw = batch // NW
    nchunk = bpw // CHUNK
    blk_per_chunk = CHUNK // L

    mesh = plsc.VectorSubcoreMesh(core_axis_name="c", subcore_axis_name="s")

    @functools.partial(
        pl.kernel,
        mesh=mesh,
        compiler_params=pltpu.CompilerParams(needs_layout_passes=False),
        out_type=jax.ShapeDtypeStruct((batch,), jnp.float32),
        scratch_types=[
            pltpu.VMEM((nchunk, CHUNK), jnp.int32),
            pltpu.VMEM((nchunk, CHUNK), jnp.int32),
            pltpu.VMEM((CHUNK, ROW), jnp.float32),
            pltpu.VMEM((CHUNK, ROW), jnp.float32),
            pltpu.VMEM((CHUNK, ROW), jnp.float32),
            pltpu.VMEM((CHUNK, ROW), jnp.float32),
            pltpu.VMEM((L,), jnp.float32),
            pltpu.VMEM((bpw,), jnp.float32),
            pltpu.SemaphoreType.DMA,
            pltpu.SemaphoreType.DMA,
        ],
    )
    def sc_kernel(uid_hbm, iid_hbm, ucat_hbm, icat_hbm, mean_hbm, out_hbm,
                  uid_v, iid_v, ubuf0, ubuf1, ibuf0, ibuf1, mean_v, out_v,
                  sem0, sem1):
        ubufs = [ubuf0, ubuf1]
        ibufs = [ibuf0, ibuf1]
        sems = [sem0, sem1]
        wid = lax.axis_index("s") * NC + lax.axis_index("c")

        pltpu.sync_copy(uid_hbm.at[wid], uid_v)
        pltpu.sync_copy(iid_hbm.at[wid], iid_v)
        pltpu.sync_copy(mean_hbm, mean_v)

        def fire(j):
            b = j % 2
            cu = pltpu.async_copy(ucat_hbm.at[uid_v.at[j]], ubufs[b], sems[b])
            ci = pltpu.async_copy(icat_hbm.at[iid_v.at[j]], ibufs[b], sems[b])
            return (cu, ci)

        copies = [fire(0), fire(1)]

        mean_vec = mean_v[...]
        lanes = lax.iota(jnp.int32, L)
        bias_col = jnp.full((L,), EMB, jnp.int32)

        def make_blk_body(ub, ib, out_base):
            def blk_body(blk, carry):
                base = blk * L
                row = base + lanes
                accs = [
                    mean_vec
                    + plsc.load_gather(ub, [row, bias_col])
                    + plsc.load_gather(ib, [row, bias_col]),
                    jnp.zeros((L,), jnp.float32),
                    jnp.zeros((L,), jnp.float32),
                    jnp.zeros((L,), jnp.float32),
                ]
                for d in range(EMB):
                    col = jnp.full((L,), d, jnp.int32)
                    u = plsc.load_gather(ub, [row, col])
                    iv = plsc.load_gather(ib, [row, col])
                    accs[d % 4] = accs[d % 4] + u * iv
                out_v[pl.ds(out_base + base, L)] = (
                    (accs[0] + accs[1]) + (accs[2] + accs[3]))
                return carry
            return blk_body

        for j in range(nchunk):
            b = j % 2
            copies[j][0].wait()
            copies[j][1].wait()
            lax.fori_loop(0, blk_per_chunk,
                          make_blk_body(ubufs[b], ibufs[b], j * CHUNK), 0)
            if j + 2 < nchunk:
                copies.append(fire(j + 2))

        pltpu.sync_copy(out_v, out_hbm.at[pl.ds(wid * bpw, bpw)])

    return sc_kernel


def kernel(u_id, i_id, user_emb, user_bias, item_emb, item_bias,
           user_visual_emb, mean):
    batch = u_id.shape[0]
    nu = user_emb.shape[0]
    n_rows = ((nu + UBLK - 1) // UBLK) * UBLK

    uid3 = u_id.reshape(NW, batch // NW // CHUNK, CHUNK)
    iid3 = i_id.reshape(NW, batch // NW // CHUNK, CHUNK)
    ub = jnp.pad(user_bias.reshape(-1), (0, n_rows - nu))
    ib = jnp.pad(item_bias.reshape(-1), (0, n_rows - nu))
    mean_l = jnp.broadcast_to(mean, (L,))

    ucat, icat = _make_prep(n_rows)(user_emb.T, item_emb.T, ub, ib)

    sc = _make_sc_kernel(batch, n_rows)
    return sc(uid3, iid3, ucat, icat, mean_l)

# --- scband reference (transcript-rebuilt; emitter-appended) ---
"""Pipeline reference for scband-vbpr-8564164788618 (READ-ONLY COPY).

The authoritative reference and input builder live on the scoring server;
editing this copy changes nothing except your own understanding.
"""

import jax, jax.numpy as jnp
import numpy as np

NUM_USERS = 100000
NUM_ITEMS = 100000
EMB = 64
VPROJ = 64
BATCH = 16384


def setup_inputs(seed: int = 0) -> dict:
    key = jax.random.key(seed)
    ks = jax.random.split(key, 8)
    u_id = jax.random.randint(ks[0], (BATCH,), 0, NUM_USERS, dtype=jnp.int32)
    i_id = jax.random.randint(ks[1], (BATCH,), 0, NUM_ITEMS, dtype=jnp.int32)
    user_emb = jax.random.uniform(ks[2], (NUM_USERS, EMB), minval=0.0, maxval=0.005, dtype=jnp.float32)
    user_bias = jax.random.uniform(ks[3], (NUM_USERS, 1), minval=-0.01, maxval=0.01, dtype=jnp.float32)
    item_emb = jax.random.uniform(ks[4], (NUM_ITEMS, EMB), minval=0.0, maxval=0.005, dtype=jnp.float32)
    item_bias = jax.random.uniform(ks[5], (NUM_ITEMS, 1), minval=-0.01, maxval=0.01, dtype=jnp.float32)
    user_visual_emb = jax.random.uniform(ks[6], (NUM_USERS, VPROJ), minval=0.0, maxval=0.005, dtype=jnp.float32)
    mean = jnp.zeros((1,), dtype=jnp.float32)
    return {
        "u_id": u_id,
        "i_id": i_id,
        "user_emb": user_emb,
        "user_bias": user_bias,
        "item_emb": item_emb,
        "item_bias": item_bias,
        "user_visual_emb": user_visual_emb,
        "mean": mean,
    }


def reference(u_id, i_id, user_emb, user_bias, item_emb, item_bias, user_visual_emb, mean):
    # VBPR forward with visual_features=None and category_features=None
    # (the default state of the module: set_visual_features/set_category_features not called).
    U = jnp.take(user_emb, u_id, axis=0)            # [B, EMB]
    b_u = jnp.take(user_bias, u_id, axis=0).squeeze(-1)  # [B]
    I = jnp.take(item_emb, i_id, axis=0)            # [B, EMB]
    b_i = jnp.take(item_bias, i_id, axis=0).squeeze(-1)  # [B]
    U_v = jnp.take(user_visual_emb, u_id, axis=0)   # gathered in original forward; unused when no visual features
    mf_pred = jnp.sum(U * I, axis=1)                # [B]
    visual_pred = jnp.zeros((u_id.shape[0],), dtype=jnp.float32)
    category_pred = jnp.zeros((u_id.shape[0],), dtype=jnp.float32)
    prediction = mf_pred + visual_pred + category_pred + b_u + b_i + mean  # mean broadcasts from (1,)
    # dropout(p=0) is identity
    return prediction

if __name__ == "__main__":
    import jax
    _d = setup_inputs()
    print(jax.jit(kernel)(*tuple(_d.values())))

</pallas_src>

<mosaic_0001>
#map = affine_map<(d0, d1) -> (0, 0, 0)>
#map1 = affine_map<(d0, d1) -> (0, 0)>
#map2 = affine_map<(d0, d1) -> (0)>
module attributes {stable_mosaic.version = 14 : i64} {
  func.func @sc_kernel(%arg0: i32, %arg1: i32, %arg2: memref<32x4x128xi32, #tpu.memory_space<hbm>>, %arg3: memref<32x4x128xi32, #tpu.memory_space<hbm>>, %arg4: memref<106496x128xf32, #tpu.memory_space<hbm>>, %arg5: memref<106496x128xf32, #tpu.memory_space<hbm>>, %arg6: memref<16xf32, #tpu.memory_space<hbm>>, %arg7: memref<16384xf32, #tpu.memory_space<hbm>>, %arg8: memref<4x128xi32, #tpu.memory_space<vmem>>, %arg9: memref<4x128xi32, #tpu.memory_space<vmem>>, %arg10: memref<128x128xf32, #tpu.memory_space<vmem>>, %arg11: memref<128x128xf32, #tpu.memory_space<vmem>>, %arg12: memref<128x128xf32, #tpu.memory_space<vmem>>, %arg13: memref<128x128xf32, #tpu.memory_space<vmem>>, %arg14: memref<16xf32, #tpu.memory_space<vmem>>, %arg15: memref<512xf32, #tpu.memory_space<vmem>>, %arg16: memref<!tpu.dma_semaphore, #tpu.memory_space<semaphore_mem>>, %arg17: memref<!tpu.dma_semaphore, #tpu.memory_space<semaphore_mem>>) attributes {dimension_semantics = [#tpu.dimension_semantics<core_parallel>, #tpu.dimension_semantics<subcore_parallel>], iteration_bounds = array<i64: 2, 16>, scalar_prefetch = 0 : i64, scratch_operands = 10 : i64, tpu.core_type = #tpu.core_type<sc_vector_subcore>, window_params = [{transform_indices = #map}, {transform_indices = #map}, {transform_indices = #map1}, {transform_indices = #map1}, {transform_indices = #map2}, {transform_indices = #map2}]} {
    %mul3A = arith.constant 2 : i32
    %mul3A_0 = arith.muli %arg1, %mul3A : i32
    %add3A = arith.addi %mul3A_0, %arg0 : i32
    "tpu.region"() ({
      %run_scoped3A = tpu.sem_alloc : memref<!tpu.dma_semaphore, #tpu.memory_space<semaphore_mem>>
      %dma_start3A_138 = arith.constant 0 : i32
      %dma_start3A_139 = arith.constant 0 : i32
      %dma_start3A_140 = tpu.memref_slice %arg2[%add3A, %dma_start3A_138, %dma_start3A_139] : memref<32x4x128xi32, #tpu.memory_space<hbm>> -> memref<1x4x128xi32, #tpu.memory_space<hbm>>
      %dma_start3A_141 = tpu.memref_squeeze %dma_start3A_140 : memref<1x4x128xi32, #tpu.memory_space<hbm>> -> memref<4x128xi32, #tpu.memory_space<hbm>>
      %dma_start3A_142 = arith.constant 0 : i32
      %dma_start3A_143 = arith.constant 0 : i32
      %dma_start3A_144 = tpu.memref_slice %arg2[%add3A, %dma_start3A_142, %dma_start3A_143] : memref<32x4x128xi32, #tpu.memory_space<hbm>> -> memref<1x4x128xi32, #tpu.memory_space<hbm>>
      %dma_start3A_145 = tpu.memref_squeeze %dma_start3A_144 : memref<1x4x128xi32, #tpu.memory_space<hbm>> -> memref<4x128xi32, #tpu.memory_space<hbm>>
      tpu.enqueue_dma source(%dma_start3A_145 : memref<4x128xi32, #tpu.memory_space<hbm>>) target(%arg8 : memref<4x128xi32, #tpu.memory_space<vmem>>) target_semaphore(%run_scoped3A : memref<!tpu.dma_semaphore, #tpu.memory_space<semaphore_mem>>)
      %dma_wait3A_146 = arith.constant 0 : i32
      %dma_wait3A_147 = arith.constant 0 : i32
      %dma_wait3A_148 = tpu.memref_slice %arg2[%add3A, %dma_wait3A_146, %dma_wait3A_147] : memref<32x4x128xi32, #tpu.memory_space<hbm>> -> memref<1x4x128xi32, #tpu.memory_space<hbm>>
      %dma_wait3A_149 = tpu.memref_squeeze %dma_wait3A_148 : memref<1x4x128xi32, #tpu.memory_space<hbm>> -> memref<4x128xi32, #tpu.memory_space<hbm>>
      %dma_wait3A_150 = arith.constant 0 : i32
      %dma_wait3A_151 = arith.constant 0 : i32
      %dma_wait3A_152 = tpu.memref_slice %arg2[%add3A, %dma_wait3A_150, %dma_wait3A_151] : memref<32x4x128xi32, #tpu.memory_space<hbm>> -> memref<1x4x128xi32, #tpu.memory_space<hbm>>
      %dma_wait3A_153 = tpu.memref_squeeze %dma_wait3A_152 : memref<1x4x128xi32, #tpu.memory_space<hbm>> -> memref<4x128xi32, #tpu.memory_space<hbm>>
      tpu.wait_dma2 semaphore(%run_scoped3A : memref<!tpu.dma_semaphore, #tpu.memory_space<semaphore_mem>>) src(%dma_wait3A_153 : memref<4x128xi32, #tpu.memory_space<hbm>>) dst(%arg8 : memref<4x128xi32, #tpu.memory_space<vmem>>)
      tpu.yield
    }) : () -> ()
    "tpu.region"() ({
      %run_scoped3A = tpu.sem_alloc : memref<!tpu.dma_semaphore, #tpu.memory_space<semaphore_mem>>
      %dma_start3A_138 = arith.constant 0 : i32
      %dma_start3A_139 = arith.constant 0 : i32
      %dma_start3A_140 = tpu.memref_slice %arg3[%add3A, %dma_start3A_138, %dma_start3A_139] : memref<32x4x128xi32, #tpu.memory_space<hbm>> -> memref<1x4x128xi32, #tpu.memory_space<hbm>>
      %dma_start3A_141 = tpu.memref_squeeze %dma_start3A_140 : memref<1x4x128xi32, #tpu.memory_space<hbm>> -> memref<4x128xi32, #tpu.memory_space<hbm>>
      %dma_start3A_142 = arith.constant 0 : i32
      %dma_start3A_143 = arith.constant 0 : i32
      %dma_start3A_144 = tpu.memref_slice %arg3[%add3A, %dma_start3A_142, %dma_start3A_143] : memref<32x4x128xi32, #tpu.memory_space<hbm>> -> memref<1x4x128xi32, #tpu.memory_space<hbm>>
      %dma_start3A_145 = tpu.memref_squeeze %dma_start3A_144 : memref<1x4x128xi32, #tpu.memory_space<hbm>> -> memref<4x128xi32, #tpu.memory_space<hbm>>
      tpu.enqueue_dma source(%dma_start3A_145 : memref<4x128xi32, #tpu.memory_space<hbm>>) target(%arg9 : memref<4x128xi32, #tpu.memory_space<vmem>>) target_semaphore(%run_scoped3A : memref<!tpu.dma_semaphore, #tpu.memory_space<semaphore_mem>>)
      %dma_wait3A_146 = arith.constant 0 : i32
      %dma_wait3A_147 = arith.constant 0 : i32
      %dma_wait3A_148 = tpu.memref_slice %arg3[%add3A, %dma_wait3A_146, %dma_wait3A_147] : memref<32x4x128xi32, #tpu.memory_space<hbm>> -> memref<1x4x128xi32, #tpu.memory_space<hbm>>
      %dma_wait3A_149 = tpu.memref_squeeze %dma_wait3A_148 : memref<1x4x128xi32, #tpu.memory_space<hbm>> -> memref<4x128xi32, #tpu.memory_space<hbm>>
      %dma_wait3A_150 = arith.constant 0 : i32
      %dma_wait3A_151 = arith.constant 0 : i32
      %dma_wait3A_152 = tpu.memref_slice %arg3[%add3A, %dma_wait3A_150, %dma_wait3A_151] : memref<32x4x128xi32, #tpu.memory_space<hbm>> -> memref<1x4x128xi32, #tpu.memory_space<hbm>>
      %dma_wait3A_153 = tpu.memref_squeeze %dma_wait3A_152 : memref<1x4x128xi32, #tpu.memory_space<hbm>> -> memref<4x128xi32, #tpu.memory_space<hbm>>
      tpu.wait_dma2 semaphore(%run_scoped3A : memref<!tpu.dma_semaphore, #tpu.memory_space<semaphore_mem>>) src(%dma_wait3A_153 : memref<4x128xi32, #tpu.memory_space<hbm>>) dst(%arg9 : memref<4x128xi32, #tpu.memory_space<vmem>>)
      tpu.yield
    }) : () -> ()
    "tpu.region"() ({
      %run_scoped3A = tpu.sem_alloc : memref<!tpu.dma_semaphore, #tpu.memory_space<semaphore_mem>>
      tpu.enqueue_dma source(%arg6 : memref<16xf32, #tpu.memory_space<hbm>>) target(%arg14 : memref<16xf32, #tpu.memory_space<vmem>>) target_semaphore(%run_scoped3A : memref<!tpu.dma_semaphore, #tpu.memory_space<semaphore_mem>>)
      tpu.wait_dma2 semaphore(%run_scoped3A : memref<!tpu.dma_semaphore, #tpu.memory_space<semaphore_mem>>) src(%arg6 : memref<16xf32, #tpu.memory_space<hbm>>) dst(%arg14 : memref<16xf32, #tpu.memory_space<vmem>>)
      tpu.yield
    }) : () -> ()
    %dma_start3A = arith.constant 0 : i32
    %dma_start3A_1 = arith.constant 0 : i32
    %dma_start3A_2 = tpu.memref_slice %arg8[%dma_start3A, %dma_start3A_1] : memref<4x128xi32, #tpu.memory_space<vmem>> -> memref<1x128xi32, #tpu.memory_space<vmem>>
    %dma_start3A_3 = tpu.memref_squeeze %dma_start3A_2 : memref<1x128xi32, #tpu.memory_space<vmem>> -> memref<128xi32, #tpu.memory_space<vmem>>
    %dma_start3A_4 = arith.constant 0 : i32
    %dma_start3A_5 = arith.constant 0 : i32
    %dma_start3A_6 = tpu.memref_slice %arg4[%dma_start3A_4, %dma_start3A_5] : memref<106496x128xf32, #tpu.memory_space<hbm>> -> memref<106496x128xf32, #tpu.memory_space<hbm>>
    tpu.enqueue_indirect_dma source(%dma_start3A_6 : memref<106496x128xf32, #tpu.memory_space<hbm>>) target(%arg10 : memref<128x128xf32, #tpu.memory_space<vmem>>) offsets(%dma_start3A_3 : memref<128xi32, #tpu.memory_space<vmem>>) semaphore(%arg16 : memref<!tpu.dma_semaphore, #tpu.memory_space<semaphore_mem>>)
    %dma_start3A_7 = arith.constant 0 : i32
    %dma_start3A_8 = arith.constant 0 : i32
    %dma_start3A_9 = tpu.memref_slice %arg9[%dma_start3A_7, %dma_start3A_8] : memref<4x128xi32, #tpu.memory_space<vmem>> -> memref<1x128xi32, #tpu.memory_space<vmem>>
    %dma_start3A_10 = tpu.memref_squeeze %dma_start3A_9 : memref<1x128xi32, #tpu.memory_space<vmem>> -> memref<128xi32, #tpu.memory_space<vmem>>
    %dma_start3A_11 = arith.constant 0 : i32
    %dma_start3A_12 = arith.constant 0 : i32
    %dma_start3A_13 = tpu.memref_slice %arg5[%dma_start3A_11, %dma_start3A_12] : memref<106496x128xf32, #tpu.memory_space<hbm>> -> memref<106496x128xf32, #tpu.memory_space<hbm>>
    tpu.enqueue_indirect_dma source(%dma_start3A_13 : memref<106496x128xf32, #tpu.memory_space<hbm>>) target(%arg12 : memref<128x128xf32, #tpu.memory_space<vmem>>) offsets(%dma_start3A_10 : memref<128xi32, #tpu.memory_space<vmem>>) semaphore(%arg16 : memref<!tpu.dma_semaphore, #tpu.memory_space<semaphore_mem>>)
    %dma_start3A_14 = arith.constant 1 : i32
    %dma_start3A_15 = arith.constant 0 : i32
    %dma_start3A_16 = tpu.memref_slice %arg8[%dma_start3A_14, %dma_start3A_15] : memref<4x128xi32, #tpu.memory_space<vmem>> -> memref<1x128xi32, #tpu.memory_space<vmem>>
    %dma_start3A_17 = tpu.memref_squeeze %dma_start3A_16 : memref<1x128xi32, #tpu.memory_space<vmem>> -> memref<128xi32, #tpu.memory_space<vmem>>
    %dma_start3A_18 = arith.constant 0 : i32
    %dma_start3A_19 = arith.constant 0 : i32
    %dma_start3A_20 = tpu.memref_slice %arg4[%dma_start3A_18, %dma_start3A_19] : memref<106496x128xf32, #tpu.memory_space<hbm>> -> memref<106496x128xf32, #tpu.memory_space<hbm>>
    tpu.enqueue_indirect_dma source(%dma_start3A_20 : memref<106496x128xf32, #tpu.memory_space<hbm>>) target(%arg11 : memref<128x128xf32, #tpu.memory_space<vmem>>) offsets(%dma_start3A_17 : memref<128xi32, #tpu.memory_space<vmem>>) semaphore(%arg17 : memref<!tpu.dma_semaphore, #tpu.memory_space<semaphore_mem>>)
    %dma_start3A_21 = arith.constant 1 : i32
    %dma_start3A_22 = arith.constant 0 : i32
    %dma_start3A_23 = tpu.memref_slice %arg9[%dma_start3A_21, %dma_start3A_22] : memref<4x128xi32, #tpu.memory_space<vmem>> -> memref<1x128xi32, #tpu.memory_space<vmem>>
    %dma_start3A_24 = tpu.memref_squeeze %dma_start3A_23 : memref<1x128xi32, #tpu.memory_space<vmem>> -> memref<128xi32, #tpu.memory_space<vmem>>
    %dma_start3A_25 = arith.constant 0 : i32
    %dma_start3A_26 = arith.constant 0 : i32
    %dma_start3A_27 = tpu.memref_slice %arg5[%dma_start3A_25, %dma_start3A_26] : memref<106496x128xf32, #tpu.memory_space<hbm>> -> memref<106496x128xf32, #tpu.memory_space<hbm>>
    tpu.enqueue_indirect_dma source(%dma_start3A_27 : memref<106496x128xf32, #tpu.memory_space<hbm>>) target(%arg13 : memref<128x128xf32, #tpu.memory_space<vmem>>) offsets(%dma_start3A_24 : memref<128xi32, #tpu.memory_space<vmem>>) semaphore(%arg17 : memref<!tpu.dma_semaphore, #tpu.memory_space<semaphore_mem>>)
    %get3A = arith.constant 0 : index
    %get3A_28 = tpu.vector_load %arg14[%get3A] {strides = array<i32>} : memref<16xf32, #tpu.memory_space<vmem>>, vector<16xf32>,
    %iota3A = tpu.iota {dimensions = array<i32: 0>} : vector<16xi32>
    %broadcast_in_dim3A = arith.constant 64 : i32
    %broadcast_in_dim3A_29 = vector.broadcast %broadcast_in_dim3A : i32 to vector<16xi32>
    %dma_wait3A = arith.constant 0 : i32
    %dma_wait3A_30 = arith.constant 0 : i32
    %dma_wait3A_31 = tpu.memref_slice %arg8[%dma_wait3A, %dma_wait3A_30] : memref<4x128xi32, #tpu.memory_space<vmem>> -> memref<1x128xi32, #tpu.memory_space<vmem>>
    %dma_wait3A_32 = tpu.memref_squeeze %dma_wait3A_31 : memref<1x128xi32, #tpu.memory_space<vmem>> -> memref<128xi32, #tpu.memory_space<vmem>>
    %dma_wait3A_33 = arith.constant 0 : i32
    %dma_wait3A_34 = arith.constant 0 : i32
    %dma_wait3A_35 = tpu.memref_slice %arg4[%dma_wait3A_33, %dma_wait3A_34] : memref<106496x128xf32, #tpu.memory_space<hbm>> -> memref<106496x128xf32, #tpu.memory_space<hbm>>
    tpu.wait_indirect_dma semaphore(%arg16 : memref<!tpu.dma_semaphore, #tpu.memory_space<semaphore_mem>>) src(%dma_wait3A_35 : memref<106496x128xf32, #tpu.memory_space<hbm>>) dst(%arg10 : memref<128x128xf32, #tpu.memory_space<vmem>>)
    %dma_wait3A_36 = arith.constant 0 : i32
    %dma_wait3A_37 = arith.constant 0 : i32
    %dma_wait3A_38 = tpu.memref_slice %arg9[%dma_wait3A_36, %dma_wait3A_37] : memref<4x128xi32, #tpu.memory_space<vmem>> -> memref<1x128xi32, #tpu.memory_space<vmem>>
    %dma_wait3A_39 = tpu.memref_squeeze %dma_wait3A_38 : memref<1x128xi32, #tpu.memory_space<vmem>> -> memref<128xi32, #tpu.memory_space<vmem>>
    %dma_wait3A_40 = arith.constant 0 : i32
    %dma_wait3A_41 = arith.constant 0 : i32
    %dma_wait3A_42 = tpu.memref_slice %arg5[%dma_wait3A_40, %dma_wait3A_41] : memref<106496x128xf32, #tpu.memory_space<hbm>> -> memref<106496x128xf32, #tpu.memory_space<hbm>>
    tpu.wait_indirect_dma semaphore(%arg16 : memref<!tpu.dma_semaphore, #tpu.memory_space<semaphore_mem>>) src(%dma_wait3A_42 : memref<106496x128xf32, #tpu.memory_space<hbm>>) dst(%arg12 : memref<128x128xf32, #tpu.memory_space<vmem>>)
    %scan3A = arith.constant 0 : i32
    %scan3A_43 = arith.constant 0 : i32
    %scan3A_44 = arith.constant 8 : i32
    %scan3A_45 = arith.addi %scan3A_43, %scan3A_44 : i32
    %scan3A_46 = arith.constant 1 : i32
    scf.for %scan3A_138 = %scan3A_43 to %scan3A_45 step %scan3A_46  : i32 {
      %mul3A_139 = arith.constant 16 : i32
      %mul3A_140 = arith.muli %scan3A_138, %mul3A_139 : i32
      %add3A_141 = vector.broadcast %mul3A_140 : i32 to vector<16xi32>
      %add3A_142 = arith.addi %add3A_141, %iota3A : vector<16xi32>
      %gather3A = tpu.vector_load_idx %arg10[%add3A_142, %broadcast_in_dim3A_29] : memref<128x128xf32, #tpu.memory_space<vmem>>[vector<16xi32>, vector<16xi32>], vector<16xf32>,
      %add3A_143 = arith.addf %get3A_28, %gather3A : vector<16xf32>
      %gather3A_144 = tpu.vector_load_idx %arg12[%add3A_142, %broadcast_in_dim3A_29] : memref<128x128xf32, #tpu.memory_space<vmem>>[vector<16xi32>, vector<16xi32>], vector<16xf32>,
      %add3A_145 = arith.addf %add3A_143, %gather3A_144 : vector<16xf32>
      %broadcast_in_dim3A_146 = arith.constant 0.000000e+00 : f32
      %broadcast_in_dim3A_147 = vector.broadcast %broadcast_in_dim3A_146 : f32 to vector<16xf32>
      %broadcast_in_dim3A_148 = arith.constant 0.000000e+00 : f32
      %broadcast_in_dim3A_149 = vector.broadcast %broadcast_in_dim3A_148 : f32 to vector<16xf32>
      %broadcast_in_dim3A_150 = arith.constant 0.000000e+00 : f32
      %broadcast_in_dim3A_151 = vector.broadcast %broadcast_in_dim3A_150 : f32 to vector<16xf32>
      %broadcast_in_dim3A_152 = arith.constant 0 : i32
      %broadcast_in_dim3A_153 = vector.broadcast %broadcast_in_dim3A_152 : i32 to vector<16xi32>
      %gather3A_154 = tpu.vector_load_idx %arg10[%add3A_142, %broadcast_in_dim3A_153] : memref<128x128xf32, #tpu.memory_space<vmem>>[vector<16xi32>, vector<16xi32>], vector<16xf32>,
      %gather3A_155 = tpu.vector_load_idx %arg12[%add3A_142, %broadcast_in_dim3A_153] : memref<128x128xf32, #tpu.memory_space<vmem>>[vector<16xi32>, vector<16xi32>], vector<16xf32>,
      %mul3A_156 = arith.mulf %gather3A_154, %gather3A_155 : vector<16xf32>
      %add3A_157 = arith.addf %add3A_145, %mul3A_156 : vector<16xf32>
      %broadcast_in_dim3A_158 = arith.constant 1 : i32
      %broadcast_in_dim3A_159 = vector.broadcast %broadcast_in_dim3A_158 : i32 to vector<16xi32>
      %gather3A_160 = tpu.vector_load_idx %arg10[%add3A_142, %broadcast_in_dim3A_159] : memref<128x128xf32, #tpu.memory_space<vmem>>[vector<16xi32>, vector<16xi32>], vector<16xf32>,
      %gather3A_161 = tpu.vector_load_idx %arg12[%add3A_142, %broadcast_in_dim3A_159] : memref<128x128xf32, #tpu.memory_space<vmem>>[vector<16xi32>, vector<16xi32>], vector<16xf32>,
      %mul3A_162 = arith.mulf %gather3A_160, %gather3A_161 : vector<16xf32>
      %add3A_163 = arith.addf %broadcast_in_dim3A_147, %mul3A_162 : vector<16xf32>
      %broadcast_in_dim3A_164 = arith.constant 2 : i32
      %broadcast_in_dim3A_165 = vector.broadcast %broadcast_in_dim3A_164 : i32 to vector<16xi32>
      %gather3A_166 = tpu.vector_load_idx %arg10[%add3A_142, %broadcast_in_dim3A_165] : memref<128x128xf32, #tpu.memory_space<vmem>>[vector<16xi32>, vector<16xi32>], vector<16xf32>,
      %gather3A_167 = tpu.vector_load_idx %arg12[%add3A_142, %broadcast_in_dim3A_165] : memref<128x128xf32, #tpu.memory_space<vmem>>[vector<16xi32>, vector<16xi32>], vector<16xf32>,
      %mul3A_168 = arith.mulf %gather3A_166, %gather3A_167 : vector<16xf32>
      %add3A_169 = arith.addf %broadcast_in_dim3A_149, %mul3A_168 : vector<16xf32>
      %broadcast_in_dim3A_170 = arith.constant 3 : i32
      %broadcast_in_dim3A_171 = vector.broadcast %broadcast_in_dim3A_170 : i32 to vector<16xi32>
      %gather3A_172 = tpu.vector_load_idx %arg10[%add3A_142, %broadcast_in_dim3A_171] : memref<128x128xf32, #tpu.memory_space<vmem>>[vector<16xi32>, vector<16xi32>], vector<16xf32>,
      %gather3A_173 = tpu.vector_load_idx %arg12[%add3A_142, %broadcast_in_dim3A_171] : memref<128x128xf32, #tpu.memory_space<vmem>>[vector<16xi32>, vector<16xi32>], vector<16xf32>,
      %mul3A_174 = arith.mulf %gather3A_172, %gather3A_173 : vector<16xf32>
      %add3A_175 = arith.addf %broadcast_in_dim3A_151, %mul3A_174 : vector<16xf32>
      %broadcast_in_dim3A_176 = arith.constant 4 : i32
      %broadcast_in_dim3A_177 = vector.broadcast %broadcast_in_dim3A_176 : i32 to vector<16xi32>
      %gather3A_178 = tpu.vector_load_idx %arg10[%add3A_142, %broadcast_in_dim3A_177] : memref<128x128xf32, #tpu.memory_space<vmem>>[vector<16xi32>, vector<16xi32>], vector<16xf32>,
      %gather3A_179 = tpu.vector_load_idx %arg12[%add3A_142, %broadcast_in_dim3A_177] : memref<128x128xf32, #tpu.memory_space<vmem>>[vector<16xi32>, vector<16xi32>], vector<16xf32>,
      %mul3A_180 = arith.mulf %gather3A_178, %gather3A_179 : vector<16xf32>
      %add3A_181 = arith.addf %add3A_157, %mul3A_180 : vector<16xf32>
      %broadcast_in_dim3A_182 = arith.constant 5 : i32
      %broadcast_in_dim3A_183 = vector.broadcast %broadcast_in_dim3A_182 : i32 to vector<16xi32>
      %gather3A_184 = tpu.vector_load_idx %arg10[%add3A_142, %broadcast_in_dim3A_183] : memref<128x128xf32, #tpu.memory_space<vmem>>[vector<16xi32>, vector<16xi32>], vector<16xf32>,
      %gather3A_185 = tpu.vector_load_idx %arg12[%add3A_142, %broadcast_in_dim3A_183] : memref<128x128xf32, #tpu.memory_space<vmem>>[vector<16xi32>, vector<16xi32>], vector<16xf32>,
      %mul3A_186 = arith.mulf %gather3A_184, %gather3A_185 : vector<16xf32>
      %add3A_187 = arith.addf %add3A_163, %mul3A_186 : vector<16xf32>
      %broadcast_in_dim3A_188 = arith.constant 6 : i32
      %broadcast_in_dim3A_189 = vector.broadcast %broadcast_in_dim3A_188 : i32 to vector<16xi32>
      %gather3A_190 = tpu.vector_load_idx %arg10[%add3A_142, %broadcast_in_dim3A_189] : memref<128x128xf32, #tpu.memory_space<vmem>>[vector<16xi32>, vector<16xi32>], vector<16xf32>,
      %gather3A_191 = tpu.vector_load_idx %arg12[%add3A_142, %broadcast_in_dim3A_189] : memref<128x128xf32, #tpu.memory_space<vmem>>[vector<16xi32>, vector<16xi32>], vector<16xf32>,
      %mul3A_192 = arith.mulf %gather3A_190, %gather3A_191 : vector<16xf32>
      %add3A_193 = arith.addf %add3A_169, %mul3A_192 : vector<16xf32>
      %broadcast_in_dim3A_194 = arith.constant 7 : i32
      %broadcast_in_dim3A_195 = vector.broadcast %broadcast_in_dim3A_194 : i32 to vector<16xi32>
      %gather3A_196 = tpu.vector_load_idx %arg10[%add3A_142, %broadcast_in_dim3A_195] : memref<128x128xf32, #tpu.memory_space<vmem>>[vector<16xi32>, vector<16xi32>], vector<16xf32>,
      %gather3A_197 = tpu.vector_load_idx %arg12[%add3A_142, %broadcast_in_dim3A_195] : memref<128x128xf32, #tpu.memory_space<vmem>>[vector<16xi32>, vector<16xi32>], vector<16xf32>,
      %mul3A_198 = arith.mulf %gather3A_196, %gather3A_197 : vector<16xf32>
      %add3A_199 = arith.addf %add3A_175, %mul3A_198 : vector<16xf32>
      %broadcast_in_dim3A_200 = arith.constant 8 : i32
      %broadcast_in_dim3A_201 = vector.broadcast %broadcast_in_dim3A_200 : i32 to vector<16xi32>
      %gather3A_202 = tpu.vector_load_idx %arg10[%add3A_142, %broadcast_in_dim3A_201] : memref<128x128xf32, #tpu.memory_space<vmem>>[vector<16xi32>, vector<16xi32>], vector<16xf32>,
      %gather3A_203 = tpu.vector_load_idx %arg12[%add3A_142, %broadcast_in_dim3A_201] : memref<128x128xf32, #tpu.memory_space<vmem>>[vector<16xi32>, vector<16xi32>], vector<16xf32>,
      %mul3A_204 = arith.mulf %gather3A_202, %gather3A_203 : vector<16xf32>
      %add3A_205 = arith.addf %add3A_181, %mul3A_204 : vector<16xf32>
      %broadcast_in_dim3A_206 = arith.constant 9 : i32
      %broadcast_in_dim3A_207 = vector.broadcast %broadcast_in_dim3A_206 : i32 to vector<16xi32>
      %gather3A_208 = tpu.vector_load_idx %arg10[%add3A_142, %broadcast_in_dim3A_207] : memref<128x128xf32, #tpu.memory_space<vmem>>[vector<16xi32>, vector<16xi32>], vector<16xf32>,
      %gather3A_209 = tpu.vector_load_idx %arg12[%add3A_142, %broadcast_in_dim3A_207] : memref<128x128xf32, #tpu.memory_space<vmem>>[vector<16xi32>, vector<16xi32>], vector<16xf32>,
      %mul3A_210 = arith.mulf %gather3A_208, %gather3A_209 : vector<16xf32>
      %add3A_211 = arith.addf %add3A_187, %mul3A_210 : vector<16xf32>
      %broadcast_in_dim3A_212 = arith.constant 10 : i32
      %broadcast_in_dim3A_213 = vector.broadcast %broadcast_in_dim3A_212 : i32 to vector<16xi32>
      %gather3A_214 = tpu.vector_load_idx %arg10[%add3A_142, %broadcast_in_dim3A_213] : memref<128x128xf32, #tpu.memory_space<vmem>>[vector<16xi32>, vector<16xi32>], vector<16xf32>,
      %gather3A_215 = tpu.vector_load_idx %arg12[%add3A_142, %broadcast_in_dim3A_213] : memref<128x128xf32, #tpu.memory_space<vmem>>[vector<16xi32>, vector<16xi32>], vector<16xf32>,
      %mul3A_216 = arith.mulf %gather3A_214, %gather3A_215 : vector<16xf32>
      %add3A_217 = arith.addf %add3A_193, %mul3A_216 : vector<16xf32>
      %broadcast_in_dim3A_218 = arith.constant 11 : i32
      %broadcast_in_dim3A_219 = vector.broadcast %broadcast_in_dim3A_218 : i32 to vector<16xi32>
      %gather3A_220 = tpu.vector_load_idx %arg10[%add3A_142, %broadcast_in_dim3A_219] : memref<128x128xf32, #tpu.memory_space<vmem>>[vector<16xi32>, vector<16xi32>], vector<16xf32>,
      %gather3A_221 = tpu.vector_load_idx %arg12[%add3A_142, %broadcast_in_dim3A_219] : memref<128x128xf32, #tpu.memory_space<vmem>>[vector<16xi32>, vector<16xi32>], vector<16xf32>,
      %mul3A_222 = arith.mulf %gather3A_220, %gather3A_221 : vector<16xf32>
      %add3A_223 = arith.addf %add3A_199, %mul3A_222 : vector<16xf32>
      %broadcast_in_dim3A_224 = arith.constant 12 : i32
      %broadcast_in_dim3A_225 = vector.broadcast %broadcast_in_dim3A_224 : i32 to vector<16xi32>
      %gather3A_226 = tpu.vector_load_idx %arg10[%add3A_142, %broadcast_in_dim3A_225] : memref<128x128xf32, #tpu.memory_space<vmem>>[vector<16xi32>, vector<16xi32>], vector<16xf32>,
      %gather3A_227 = tpu.vector_load_idx %arg12[%add3A_142, %broadcast_in_dim3A_225] : memref<128x128xf32, #tpu.memory_space<vmem>>[vector<16xi32>, vector<16xi32>], vector<16xf32>,
      %mul3A_228 = arith.mulf %gather3A_226, %gather3A_227 : vector<16xf32>
      %add3A_229 = arith.addf %add3A_205, %mul3A_228 : vector<16xf32>
      %broadcast_in_dim3A_230 = arith.constant 13 : i32
      %broadcast_in_dim3A_231 = vector.broadcast %broadcast_in_dim3A_230 : i32 to vector<16xi32>
      %gather3A_232 = tpu.vector_load_idx %arg10[%add3A_142, %broadcast_in_dim3A_231] : memref<128x128xf32, #tpu.memory_space<vmem>>[vector<16xi32>, vector<16xi32>], vector<16xf32>,
      %gather3A_233 = tpu.vector_load_idx %arg12[%add3A_142, %broadcast_in_dim3A_231] : memref<128x128xf32, #tpu.memory_space<vmem>>[vector<16xi32>, vector<16xi32>], vector<16xf32>,
      %mul3A_234 = arith.mulf %gather3A_232, %gather3A_233 : vector<16xf32>
      %add3A_235 = arith.addf %add3A_211, %mul3A_234 : vector<16xf32>
      %broadcast_in_dim3A_236 = arith.constant 14 : i32
      %broadcast_in_dim3A_237 = vector.broadcast %broadcast_in_dim3A_236 : i32 to vector<16xi32>
      %gather3A_238 = tpu.vector_load_idx %arg10[%add3A_142, %broadcast_in_dim3A_237] : memref<128x128xf32, #tpu.memory_space<vmem>>[vector<16xi32>, vector<16xi32>], vector<16xf32>,
      %gather3A_239 = tpu.vector_load_idx %arg12[%add3A_142, %broadcast_in_dim3A_237] : memref<128x128xf32, #tpu.memory_space<vmem>>[vector<16xi32>, vector<16xi32>], vector<16xf32>,
      %mul3A_240 = arith.mulf %gather3A_238, %gather3A_239 : vector<16xf32>
      %add3A_241 = arith.addf %add3A_217, %mul3A_240 : vector<16xf32>
      %broadcast_in_dim3A_242 = arith.constant 15 : i32
      %broadcast_in_dim3A_243 = vector.broadcast %broadcast_in_dim3A_242 : i32 to vector<16xi32>
      %gather3A_244 = tpu.vector_load_idx %arg10[%add3A_142, %broadcast_in_dim3A_243] : memref<128x128xf32, #tpu.memory_space<vmem>>[vector<16xi32>, vector<16xi32>], vector<16xf32>,
      %gather3A_245 = tpu.vector_load_idx %arg12[%add3A_142, %broadcast_in_dim3A_243] : memref<128x128xf32, #tpu.memory_space<vmem>>[vector<16xi32>, vector<16xi32>], vector<16xf32>,
      %mul3A_246 = arith.mulf %gather3A_244, %gather3A_245 : vector<16xf32>
      %add3A_247 = arith.addf %add3A_223, %mul3A_246 : vector<16xf32>
      %broadcast_in_dim3A_248 = arith.constant 16 : i32
      %broadcast_in_dim3A_249 = vector.broadcast %broadcast_in_dim3A_248 : i32 to vector<16xi32>
      %gather3A_250 = tpu.vector_load_idx %arg10[%add3A_142, %broadcast_in_dim3A_249] : memref<128x128xf32, #tpu.memory_space<vmem>>[vector<16xi32>, vector<16xi32>], vector<16xf32>,
      %gather3A_251 = tpu.vector_load_idx %arg12[%add3A_142, %broadcast_in_dim3A_249] : memref<128x128xf32, #tpu.memory_space<vmem>>[vector<16xi32>, vector<16xi32>], vector<16xf32>,
      %mul3A_252 = arith.mulf %gather3A_250, %gather3A_251 : vector<16xf32>
      %add3A_253 = arith.addf %add3A_229, %mul3A_252 : vector<16xf32>
      %broadcast_in_dim3A_254 = arith.constant 17 : i32
      %broadcast_in_dim3A_255 = vector.broadcast %broadcast_in_dim3A_254 : i32 to vector<16xi32>
      %gather3A_256 = tpu.vector_load_idx %arg10[%add3A_142, %broadcast_in_dim3A_255] : memref<128x128xf32, #tpu.memory_space<vmem>>[vector<16xi32>, vector<16xi32>], vector<16xf32>,
      %gather3A_257 = tpu.vector_load_idx %arg12[%add3A_142, %broadcast_in_dim3A_255] : memref<128x128xf32, #tpu.memory_space<vmem>>[vector<16xi32>, vector<16xi32>], vector<16xf32>,
      %mul3A_258 = arith.mulf %gather3A_256, %gather3A_257 : vector<16xf32>
      %add3A_259 = arith.addf %add3A_235, %mul3A_258 : vector<16xf32>
      %broadcast_in_dim3A_260 = arith.constant 18 : i32
      %broadcast_in_dim3A_261 = vector.broadcast %broadcast_in_dim3A_260 : i32 to vector<16xi32>
      %gather3A_262 = tpu.vector_load_idx %arg10[%add3A_142, %broadcast_in_dim3A_261] : memref<128x128xf32, #tpu.memory_space<vmem>>[vector<16xi32>, vector<16xi32>], vector<16xf32>,
      %gather3A_263 = tpu.vector_load_idx %arg12[%add3A_142, %broadcast_in_dim3A_261] : memref<128x128xf32, #tpu.memory_space<vmem>>[vector<16xi32>, vector<16xi32>], vector<16xf32>,
      %mul3A_264 = arith.mulf %gather3A_262, %gather3A_263 : vector<16xf32>
      %add3A_265 = arith.addf %add3A_241, %mul3A_264 : vector<16xf32>
      %broadcast_in_dim3A_266 = arith.constant 19 : i32
      %broadcast_in_dim3A_267 = vector.broadcast %broadcast_in_dim3A_266 : i32 to vector<16xi32>
      %gather3A_268 = tpu.vector_load_idx %arg10[%add3A_142, %broadcast_in_dim3A_267] : memref<128x128xf32, #tpu.memory_space<vmem>>[vector<16xi32>, vector<16xi32>], vector<16xf32>,
      %gather3A_269 = tpu.vector_load_idx %arg12[%add3A_142, %broadcast_in_dim3A_267] : memref<128x128xf32, #tpu.memory_space<vmem>>[vector<16xi32>, vector<16xi32>], vector<16xf32>,
      %mul3A_270 = arith.mulf %gather3A_268, %gather3A_269 : vector<16xf32>
      %add3A_271 = arith.addf %add3A_247, %mul3A_270 : vector<16xf32>
      %broadcast_in_dim3A_272 = arith.constant 20 : i32
      %broadcast_in_dim3A_273 = vector.broadcast %broadcast_in_dim3A_272 : i32 to vector<16xi32>
      %gather3A_274 = tpu.vector_load_idx %arg10[%add3A_142, %broadcast_in_dim3A_273] : memref<128x128xf32, #tpu.memory_space<vmem>>[vector<16xi32>, vector<16xi32>], vector<16xf32>,
      %gather3A_275 = tpu.vector_load_idx %arg12[%add3A_142, %broadcast_in_dim3A_273] : memref<128x128xf32, #tpu.memory_space<vmem>>[vector<16xi32>, vector<16xi32>], vector<16xf32>,
      %mul3A_276 = arith.mulf %gather3A_274, %gather3A_275 : vector<16xf32>
      %add3A_277 = arith.addf %add3A_253, %mul3A_276 : vector<16xf32>
      %broadcast_in_dim3A_278 = arith.constant 21 : i32
      %broadcast_in_dim3A_279 = vector.broadcast %broadcast_in_dim3A_278 : i32 to vector<16xi32>
      %gather3A_280 = tpu.vector_load_idx %arg10[%add3A_142, %broadcast_in_dim3A_279] : memref<128x128xf32, #tpu.memory_space<vmem>>[vector<16xi32>, vector<16xi32>], vector<16xf32>,
      %gather3A_281 = tpu.vector_load_idx %arg12[%add3A_142, %broadcast_in_dim3A_279] : memref<128x128xf32, #tpu.memory_space<vmem>>[vector<16xi32>, vector<16xi32>], vector<16xf32>,
      %mul3A_282 = arith.mulf %gather3A_280, %gather3A_281 : vector<16xf32>
      %add3A_283 = arith.addf %add3A_259, %mul3A_282 : vector<16xf32>
      %broadcast_in_dim3A_284 = arith.constant 22 : i32
      %broadcast_in_dim3A_285 = vector.broadcast %broadcast_in_dim3A_284 : i32 to vector<16xi32>
      %gather3A_286 = tpu.vector_load_idx %arg10[%add3A_142, %broadcast_in_dim3A_285] : memref<128x128xf32, #tpu.memory_space<vmem>>[vector<16xi32>, vector<16xi32>], vector<16xf32>,
      %gather3A_287 = tpu.vector_load_idx %arg12[%add3A_142, %broadcast_in_dim3A_285] : memref<128x128xf32, #tpu.memory_space<vmem>>[vector<16xi32>, vector<16xi32>], vector<16xf32>,
      %mul3A_288 = arith.mulf %gather3A_286, %gather3A_287 : vector<16xf32>
      %add3A_289 = arith.addf %add3A_265, %mul3A_288 : vector<16xf32>
      %broadcast_in_dim3A_290 = arith.constant 23 : i32
      %broadcast_in_dim3A_291 = vector.broadcast %broadcast_in_dim3A_290 : i32 to vector<16xi32>
      %gather3A_292 = tpu.vector_load_idx %arg10[%add3A_142, %broadcast_in_dim3A_291] : memref<128x128xf32, #tpu.memory_space<vmem>>[vector<16xi32>, vector<16xi32>], vector<16xf32>,
      %gather3A_293 = tpu.vector_load_idx %arg12[%add3A_142, %broadcast_in_dim3A_291] : memref<128x128xf32, #tpu.memory_space<vmem>>[vector<16xi32>, vector<16xi32>], vector<16xf32>,
      %mul3A_294 = arith.mulf %gather3A_292, %gather3A_293 : vector<16xf32>
      %add3A_295 = arith.addf %add3A_271, %mul3A_294 : vector<16xf32>
      %broadcast_in_dim3A_296 = arith.constant 24 : i32
      %broadcast_in_dim3A_297 = vector.broadcast %broadcast_in_dim3A_296 : i32 to vector<16xi32>
      %gather3A_298 = tpu.vector_load_idx %arg10[%add3A_142, %broadcast_in_dim3A_297] : memref<128x128xf32, #tpu.memory_space<vmem>>[vector<16xi32>, vector<16xi32>], vector<16xf32>,
      %gather3A_299 = tpu.vector_load_idx %arg12[%add3A_142, %broadcast_in_dim3A_297] : memref<128x128xf32, #tpu.memory_space<vmem>>[vector<16xi32>, vector<16xi32>], vector<16xf32>,
      %mul3A_300 = arith.mulf %gather3A_298, %gather3A_299 : vector<16xf32>
      %add3A_301 = arith.addf %add3A_277, %mul3A_300 : vector<16xf32>
      %broadcast_in_dim3A_302 = arith.constant 25 : i32
      %broadcast_in_dim3A_303 = vector.broadcast %broadcast_in_dim3A_302 : i32 to vector<16xi32>
      %gather3A_304 = tpu.vector_load_idx %arg10[%add3A_142, %broadcast_in_dim3A_303] : memref<128x128xf32, #tpu.memory_space<vmem>>[vector<16xi32>, vector<16xi32>], vector<16xf32>,
      %gather3A_305 = tpu.vector_load_idx %arg12[%add3A_142, %broadcast_in_dim3A_303] : memref<128x128xf32, #tpu.memory_space<vmem>>[vector<16xi32>, vector<16xi32>], vector<16xf32>,
      %mul3A_306 = arith.mulf %gather3A_304, %gather3A_305 : vector<16xf32>
      %add3A_307 = arith.addf %add3A_283, %mul3A_306 : vector<16xf32>
      %broadcast_in_dim3A_308 = arith.constant 26 : i32
      %broadcast_in_dim3A_309 = vector.broadcast %broadcast_in_dim3A_308 : i32 to vector<16xi32>
      %gather3A_310 = tpu.vector_load_idx %arg10[%add3A_142, %broadcast_in_dim3A_309] : memref<128x128xf32, #tpu.memory_space<vmem>>[vector<16xi32>, vector<16xi32>], vector<16xf32>,
      %gather3A_311 = tpu.vector_load_idx %arg12[%add3A_142, %broadcast_in_dim3A_309] : memref<128x128xf32, #tpu.memory_space<vmem>>[vector<16xi32>, vector<16xi32>], vector<16xf32>,
      %mul3A_312 = arith.mulf %gather3A_310, %gather3A_311 : vector<16xf32>
      %add3A_313 = arith.addf %add3A_289, %mul3A_312 : vector<16xf32>
      %broadcast_in_dim3A_314 = arith.constant 27 : i32
      %broadcast_in_dim3A_315 = vector.broadcast %broadcast_in_dim3A_314 : i32 to vector<16xi32>
      %gather3A_316 = tpu.vector_load_idx %arg10[%add3A_142, %broadcast_in_dim3A_315] : memref<128x128xf32, #tpu.memory_space<vmem>>[vector<16xi32>, vector<16xi32>], vector<16xf32>,
      %gather3A_317 = tpu.vector_load_idx %arg12[%add3A_142, %broadcast_in_dim3A_315] : memref<128x128xf32, #tpu.memory_space<vmem>>[vector<16xi32>, vector<16xi32>], vector<16xf32>,
      %mul3A_318 = arith.mulf %gather3A_316, %gather3A_317 : vector<16xf32>
      %add3A_319 = arith.addf %add3A_295, %mul3A_318 : vector<16xf32>
      %broadcast_in_dim3A_320 = arith.constant 28 : i32
      %broadcast_in_dim3A_321 = vector.broadcast %broadcast_in_dim3A_320 : i32 to vector<16xi32>
      %gather3A_322 = tpu.vector_load_idx %arg10[%add3A_142, %broadcast_in_dim3A_321] : memref<128x128xf32, #tpu.memory_space<vmem>>[vector<16xi32>, vector<16xi32>], vector<16xf32>,
      %gather3A_323 = tpu.vector_load_idx %arg12[%add3A_142, %broadcast_in_dim3A_321] : memref<128x128xf32, #tpu.memory_space<vmem>>[vector<16xi32>, vector<16xi32>], vector<16xf32>,
      %mul3A_324 = arith.mulf %gather3A_322, %gather3A_323 : vector<16xf32>
      %add3A_325 = arith.addf %add3A_301, %mul3A_324 : vector<16xf32>
      %broadcast_in_dim3A_326 = arith.constant 29 : i32
      %broadcast_in_dim3A_327 = vector.broadcast %broadcast_in_dim3A_326 : i32 to vector<16xi32>
      %gather3A_328 = tpu.vector_load_idx %arg10[%add3A_142, %broadcast_in_dim3A_327] : memref<128x128xf32, #tpu.memory_space<vmem>>[vector<16xi32>, vector<16xi32>], vector<16xf32>,
      %gather3A_329 = tpu.vector_load_idx %arg12[%add3A_142, %broadcast_in_dim3A_327] : memref<128x128xf32, #tpu.memory_space<vmem>>[vector<16xi32>, vector<16xi32>], vector<16xf32>,
      %mul3A_330 = arith.mulf %gather3A_328, %gather3A_329 : vector<16xf32>
      %add3A_331 = arith.addf %add3A_307, %mul3A_330 : vector<16xf32>
      %broadcast_in_dim3A_332 = arith.constant 30 : i32
      %broadcast_in_dim3A_333 = vector.broadcast %broadcast_in_dim3A_332 : i32 to vector<16xi32>
      %gather3A_334 = tpu.vector_load_idx %arg10[%add3A_142, %broadcast_in_dim3A_333] : memref<128x128xf32, #tpu.memory_space<vmem>>[vector<16xi32>, vector<16xi32>], vector<16xf32>,
      %gather3A_335 = tpu.vector_load_idx %arg12[%add3A_142, %broadcast_in_dim3A_333] : memref<128x128xf32, #tpu.memory_space<vmem>>[vector<16xi32>, vector<16xi32>], vector<16xf32>,
      %mul3A_336 = arith.mulf %gather3A_334, %gather3A_335 : vector<16xf32>
      %add3A_337 = arith.addf %add3A_313, %mul3A_336 : vector<16xf32>
      %broadcast_in_dim3A_338 = arith.constant 31 : i32
      %broadcast_in_dim3A_339 = vector.broadcast %broadcast_in_dim3A_338 : i32 to vector<16xi32>
      %gather3A_340 = tpu.vector_load_idx %arg10[%add3A_142, %broadcast_in_dim3A_339] : memref<128x128xf32, #tpu.memory_space<vmem>>[vector<16xi32>, vector<16xi32>], vector<16xf32>,
      %gather3A_341 = tpu.vector_load_idx %arg12[%add3A_142, %broadcast_in_dim3A_339] : memref<128x128xf32, #tpu.memory_space<vmem>>[vector<16xi32>, vector<16xi32>], vector<16xf32>,
      %mul3A_342 = arith.mulf %gather3A_340, %gather3A_341 : vector<16xf32>
      %add3A_343 = arith.addf %add3A_319, %mul3A_342 : vector<16xf32>
      %broadcast_in_dim3A_344 = arith.constant 32 : i32
      %broadcast_in_dim3A_345 = vector.broadcast %broadcast_in_dim3A_344 : i32 to vector<16xi32>
      %gather3A_346 = tpu.vector_load_idx %arg10[%add3A_142, %broadcast_in_dim3A_345] : memref<128x128xf32, #tpu.memory_space<vmem>>[vector<16xi32>, vector<16xi32>], vector<16xf32>,
      %gather3A_347 = tpu.vector_load_idx %arg12[%add3A_142, %broadcast_in_dim3A_345] : memref<128x128xf32, #tpu.memory_space<vmem>>[vector<16xi32>, vector<16xi32>], vector<16xf32>,
      %mul3A_348 = arith.mulf %gather3A_346, %gather3A_347 : vector<16xf32>
      %add3A_349 = arith.addf %add3A_325, %mul3A_348 : vector<16xf32>
      %broadcast_in_dim3A_350 = arith.constant 33 : i32
      %broadcast_in_dim3A_351 = vector.broadcast %broadcast_in_dim3A_350 : i32 to vector<16xi32>
      %gather3A_352 = tpu.vector_load_idx %arg10[%add3A_142, %broadcast_in_dim3A_351] : memref<128x128xf32, #tpu.memory_space<vmem>>[vector<16xi32>, vector<16xi32>], vector<16xf32>,
      %gather3A_353 = tpu.vector_load_idx %arg12[%add3A_142, %broadcast_in_dim3A_351] : memref<128x128xf32, #tpu.memory_space<vmem>>[vector<16xi32>, vector<16xi32>], vector<16xf32>,
      %mul3A_354 = arith.mulf %gather3A_352, %gather3A_353 : vector<16xf32>
      %add3A_355 = arith.addf %add3A_331, %mul3A_354 : vector<16xf32>
      %broadcast_in_dim3A_356 = arith.constant 34 : i32
      %broadcast_in_dim3A_357 = vector.broadcast %broadcast_in_dim3A_356 : i32 to vector<16xi32>
      %gather3A_358 = tpu.vector_load_idx %arg10[%add3A_142, %broadcast_in_dim3A_357] : memref<128x128xf32, #tpu.memory_space<vmem>>[vector<16xi32>, vector<16xi32>], vector<16xf32>,
      %gather3A_359 = tpu.vector_load_idx %arg12[%add3A_142, %broadcast_in_dim3A_357] : memref<128x128xf32, #tpu.memory_space<vmem>>[vector<16xi32>, vector<16xi32>], vector<16xf32>,
      %mul3A_360 = arith.mulf %gather3A_358, %gather3A_359 : vector<16xf32>
      %add3A_361 = arith.addf %add3A_337, %mul3A_360 : vector<16xf32>
      %broadcast_in_dim3A_362 = arith.constant 35 : i32
      %broadcast_in_dim3A_363 = vector.broadcast %broadcast_in_dim3A_362 : i32 to vector<16xi32>
      %gather3A_364 = tpu.vector_load_idx %arg10[%add3A_142, %broadcast_in_dim3A_363] : memref<128x128xf32, #tpu.memory_space<vmem>>[vector<16xi32>, vector<16xi32>], vector<16xf32>,
      %gather3A_365 = tpu.vector_load_idx %arg12[%add3A_142, %broadcast_in_dim3A_363] : memref<128x128xf32, #tpu.memory_space<vmem>>[vector<16xi32>, vector<16xi32>], vector<16xf32>,
      %mul3A_366 = arith.mulf %gather3A_364, %gather3A_365 : vector<16xf32>
      %add3A_367 = arith.addf %add3A_343, %mul3A_366 : vector<16xf32>
      %broadcast_in_dim3A_368 = arith.constant 36 : i32
      %broadcast_in_dim3A_369 = vector.broadcast %broadcast_in_dim3A_368 : i32 to vector<16xi32>
      %gather3A_370 = tpu.vector_load_idx %arg10[%add3A_142, %broadcast_in_dim3A_369] : memref<128x128xf32, #tpu.memory_space<vmem>>[vector<16xi32>, vector<16xi32>], vector<16xf32>,
      %gather3A_371 = tpu.vector_load_idx %arg12[%add3A_142, %broadcast_in_dim3A_369] : memref<128x128xf32, #tpu.memory_space<vmem>>[vector<16xi32>, vector<16xi32>], vector<16xf32>,
      %mul3A_372 = arith.mulf %gather3A_370, %gather3A_371 : vector<16xf32>
      %add3A_373 = arith.addf %add3A_349, %mul3A_372 : vector<16xf32>
      %broadcast_in_dim3A_374 = arith.constant 37 : i32
      %broadcast_in_dim3A_375 = vector.broadcast %broadcast_in_dim3A_374 : i32 to vector<16xi32>
      %gather3A_376 = tpu.vector_load_idx %arg10[%add3A_142, %broadcast_in_dim3A_375] : memref<128x128xf32, #tpu.memory_space<vmem>>[vector<16xi32>, vector<16xi32>], vector<16xf32>,
      %gather3A_377 = tpu.vector_load_idx %arg12[%add3A_142, %broadcast_in_dim3A_375] : memref<128x128xf32, #tpu.memory_space<vmem>>[vector<16xi32>, vector<16xi32>], vector<16xf32>,
      %mul3A_378 = arith.mulf %gather3A_376, %gather3A_377 : vector<16xf32>
      %add3A_379 = arith.addf %add3A_355, %mul3A_378 : vector<16xf32>
      %broadcast_in_dim3A_380 = arith.constant 38 : i32
      %broadcast_in_dim3A_381 = vector.broadcast %broadcast_in_dim3A_380 : i32 to vector<16xi32>
      %gather3A_382 = tpu.vector_load_idx %arg10[%add3A_142, %broadcast_in_dim3A_381] : memref<128x128xf32, #tpu.memory_space<vmem>>[vector<16xi32>, vector<16xi32>], vector<16xf32>,
      %gather3A_383 = tpu.vector_load_idx %arg12[%add3A_142, %broadcast_in_dim3A_381] : memref<128x128xf32, #tpu.memory_space<vmem>>[vector<16xi32>, vector<16xi32>], vector<16xf32>,
      %mul3A_384 = arith.mulf %gather3A_382, %gather3A_383 : vector<16xf32>
      %add3A_385 = arith.addf %add3A_361, %mul3A_384 : vector<16xf32>
      %broadcast_in_dim3A_386 = arith.constant 39 : i32
      %broadcast_in_dim3A_387 = vector.broadcast %broadcast_in_dim3A_386 : i32 to vector<16xi32>
      %gather3A_388 = tpu.vector_load_idx %arg10[%add3A_142, %broadcast_in_dim3A_387] : memref<128x128xf32, #tpu.memory_space<vmem>>[vector<16xi32>, vector<16xi32>], vector<16xf32>,
      %gather3A_389 = tpu.vector_load_idx %arg12[%add3A_142, %broadcast_in_dim3A_387] : memref<128x128xf32, #tpu.memory_space<vmem>>[vector<16xi32>, vector<16xi32>], vector<16xf32>,
      %mul3A_390 = arith.mulf %gather3A_388, %gather3A_389 : vector<16xf32>
      %add3A_391 = arith.addf %add3A_367, %mul3A_390 : vector<16xf32>
      %broadcast_in_dim3A_392 = arith.constant 40 : i32
      %broadcast_in_dim3A_393 = vector.broadcast %broadcast_in_dim3A_392 : i32 to vector<16xi32>
      %gather3A_394 = tpu.vector_load_idx %arg10[%add3A_142, %broadcast_in_dim3A_393] : memref<128x128xf32, #tpu.memory_space<vmem>>[vector<16xi32>, vector<16xi32>], vector<16xf32>,
      %gather3A_395 = tpu.vector_load_idx %arg12[%add3A_142, %broadcast_in_dim3A_393] : memref<128x128xf32, #tpu.memory_space<vmem>>[vector<16xi32>, vector<16xi32>], vector<16xf32>,
      %mul3A_396 = arith.mulf %gather3A_394, %gather3A_395 : vector<16xf32>
      %add3A_397 = arith.addf %add3A_373, %mul3A_396 : vector<16xf32>
      %broadcast_in_dim3A_398 = arith.constant 41 : i32
      %broadcast_in_dim3A_399 = vector.broadcast %broadcast_in_dim3A_398 : i32 to vector<16xi32>
      %gather3A_400 = tpu.vector_load_idx %arg10[%add3A_142, %broadcast_in_dim3A_399] : memref<128x128xf32, #tpu.memory_space<vmem>>[vector<16xi32>, vector<16xi32>], vector<16xf32>,
      %gather3A_401 = tpu.vector_load_idx %arg12[%add3A_142, %broadcast_in_dim3A_399] : memref<128x128xf32, #tpu.memory_space<vmem>>[vector<16xi32>, vector<16xi32>], vector<16xf32>,
      %mul3A_402 = arith.mulf %gather3A_400, %gather3A_401 : vector<16xf32>
      %add3A_403 = arith.addf %add3A_379, %mul3A_402 : vector<16xf32>
      %broadcast_in_dim3A_404 = arith.constant 42 : i32
      %broadcast_in_dim3A_405 = vector.broadcast %broadcast_in_dim3A_404 : i32 to vector<16xi32>
      %gather3A_406 = tpu.vector_load_idx %arg10[%add3A_142, %broadcast_in_dim3A_405] : memref<128x128xf32, #tpu.memory_space<vmem>>[vector<16xi32>, vector<16xi32>], vector<16xf32>,
      %gather3A_407 = tpu.vector_load_idx %arg12[%add3A_142, %broadcast_in_dim3A_405] : memref<128x128xf32, #tpu.memory_space<vmem>>[vector<16xi32>, vector<16xi32>], vector<16xf32>,
      %mul3A_408 = arith.mulf %gather3A_406, %gather3A_407 : vector<16xf32>
      %add3A_409 = arith.addf %add3A_385, %mul3A_408 : vector<16xf32>
      %broadcast_in_dim3A_410 = arith.constant 43 : i32
      %broadcast_in_dim3A_411 = vector.broadcast %broadcast_in_dim3A_410 : i32 to vector<16xi32>
      %gather3A_412 = tpu.vector_load_idx %arg10[%add3A_142, %broadcast_in_dim3A_411] : memref<128x128xf32, #tpu.memory_space<vmem>>[vector<16xi32>, vector<16xi32>], vector<16xf32>,
      %gather3A_413 = tpu.vector_load_idx %arg12[%add3A_142, %broadcast_in_dim3A_411] : memref<128x128xf32, #tpu.memory_space<vmem>>[vector<16xi32>, vector<16xi32>], vector<16xf32>,
      %mul3A_414 = arith.mulf %gather3A_412, %gather3A_413 : vector<16xf32>
      %add3A_415 = arith.addf %add3A_391, %mul3A_414 : vector<16xf32>
      %broadcast_in_dim3A_416 = arith.constant 44 : i32
      %broadcast_in_dim3A_417 = vector.broadcast %broadcast_in_dim3A_416 : i32 to vector<16xi32>
      %gather3A_418 = tpu.vector_load_idx %arg10[%add3A_142, %broadcast_in_dim3A_417] : memref<128x128xf32, #tpu.memory_space<vmem>>[vector<16xi32>, vector<16xi32>], vector<16xf32>,
      %gather3A_419 = tpu.vector_load_idx %arg12[%add3A_142, %broadcast_in_dim3A_417] : memref<128x128xf32, #tpu.memory_space<vmem>>[vector<16xi32>, vector<16xi32>], vector<16xf32>,
      %mul3A_420 = arith.mulf %gather3A_418, %gather3A_419 : vector<16xf32>
      %add3A_421 = arith.addf %add3A_397, %mul3A_420 : vector<16xf32>
      %broadcast_in_dim3A_422 = arith.constant 45 : i32
      %broadcast_in_dim3A_423 = vector.broadcast %broadcast_in_dim3A_422 : i32 to vector<16xi32>
      %gather3A_424 = tpu.vector_load_idx %arg10[%add3A_142, %broadcast_in_dim3A_423] : memref<128x128xf32, #tpu.memory_space<vmem>>[vector<16xi32>, vector<16xi32>], vector<16xf32>,
      %gather3A_425 = tpu.vector_load_idx %arg12[%add3A_142, %broadcast_in_dim3A_423] : memref<128x128xf32, #tpu.memory_space<vmem>>[vector<16xi32>, vector<16xi32>], vector<16xf32>,
      %mul3A_426 = arith.mulf %gather3A_424, %gather3A_425 : vector<16xf32>
      %add3A_427 = arith.addf %add3A_403, %mul3A_426 : vector<16xf32>
      %broadcast_in_dim3A_428 = arith.constant 46 : i32
      %broadcast_in_dim3A_429 = vector.broadcast %broadcast_in_dim3A_428 : i32 to vector<16xi32>
      %gather3A_430 = tpu.vector_load_idx %arg10[%add3A_142, %broadcast_in_dim3A_429] : memref<128x128xf32, #tpu.memory_space<vmem>>[vector<16xi32>, vector<16xi32>], vector<16xf32>,
      %gather3A_431 = tpu.vector_load_idx %arg12[%add3A_142, %broadcast_in_dim3A_429] : memref<128x128xf32, #tpu.memory_space<vmem>>[vector<16xi32>, vector<16xi32>], vector<16xf32>,
      %mul3A_432 = arith.mulf %gather3A_430, %gather3A_431 : vector<16xf32>
      %add3A_433 = arith.addf %add3A_409, %mul3A_432 : vector<16xf32>
      %broadcast_in_dim3A_434 = arith.constant 47 : i32
      %broadcast_in_dim3A_435 = vector.broadcast %broadcast_in_dim3A_434 : i32 to vector<16xi32>
      %gather3A_436 = tpu.vector_load_idx %arg10[%add3A_142, %broadcast_in_dim3A_435] : memref<128x128xf32, #tpu.memory_space<vmem>>[vector<16xi32>, vector<16xi32>], vector<16xf32>,
      %gather3A_437 = tpu.vector_load_idx %arg12[%add3A_142, %broadcast_in_dim3A_435] : memref<128x128xf32, #tpu.memory_space<vmem>>[vector<16xi32>, vector<16xi32>], vector<16xf32>,
      %mul3A_438 = arith.mulf %gather3A_436, %gather3A_437 : vector<16xf32>
      %add3A_439 = arith.addf %add3A_415, %mul3A_438 : vector<16xf32>
      %broadcast_in_dim3A_440 = arith.constant 48 : i32
      %broadcast_in_dim3A_441 = vector.broadcast %broadcast_in_dim3A_440 : i32 to vector<16xi32>
      %gather3A_442 = tpu.vector_load_idx %arg10[%add3A_142, %broadcast_in_dim3A_441] : memref<128x128xf32, #tpu.memory_space<vmem>>[vector<16xi32>, vector<16xi32>], vector<16xf32>,
      %gather3A_443 = tpu.vector_load_idx %arg12[%add3A_142, %broadcast_in_dim3A_441] : memref<128x128xf32, #tpu.memory_space<vmem>>[vector<16xi32>, vector<16xi32>], vector<16xf32>,
      %mul3A_444 = arith.mulf %gather3A_442, %gather3A_443 : vector<16xf32>
      %add3A_445 = arith.addf %add3A_421, %mul3A_444 : vector<16xf32>
      %broadcast_in_dim3A_446 = arith.constant 49 : i32
      %broadcast_in_dim3A_447 = vector.broadcast %broadcast_in_dim3A_446 : i32 to vector<16xi32>
      %gather3A_448 = tpu.vector_load_idx %arg10[%add3A_142, %broadcast_in_dim3A_447] : memref<128x128xf32, #tpu.memory_space<vmem>>[vector<16xi32>, vector<16xi32>], vector<16xf32>,
      %gather3A_449 = tpu.vector_load_idx %arg12[%add3A_142, %broadcast_in_dim3A_447] : memref<128x128xf32, #tpu.memory_space<vmem>>[vector<16xi32>, vector<16xi32>], vector<16xf32>,
      %mul3A_450 = arith.mulf %gather3A_448, %gather3A_449 : vector<16xf32>
      %add3A_451 = arith.addf %add3A_427, %mul3A_450 : vector<16xf32>
      %broadcast_in_dim3A_452 = arith.constant 50 : i32
      %broadcast_in_dim3A_453 = vector.broadcast %broadcast_in_dim3A_452 : i32 to vector<16xi32>
      %gather3A_454 = tpu.vector_load_idx %arg10[%add3A_142, %broadcast_in_dim3A_453] : memref<128x128xf32, #tpu.memory_space<vmem>>[vector<16xi32>, vector<16xi32>], vector<16xf32>,
      %gather3A_455 = tpu.vector_load_idx %arg12[%add3A_142, %broadcast_in_dim3A_453] : memref<128x128xf32, #tpu.memory_space<vmem>>[vector<16xi32>, vector<16xi32>], vector<16xf32>,
      %mul3A_456 = arith.mulf %gather3A_454, %gather3A_455 : vector<16xf32>
      %add3A_457 = arith.addf %add3A_433, %mul3A_456 : vector<16xf32>
      %broadcast_in_dim3A_458 = arith.constant 51 : i32
      %broadcast_in_dim3A_459 = vector.broadcast %broadcast_in_dim3A_458 : i32 to vector<16xi32>
      %gather3A_460 = tpu.vector_load_idx %arg10[%add3A_142, %broadcast_in_dim3A_459] : memref<128x128xf32, #tpu.memory_space<vmem>>[vector<16xi32>, vector<16xi32>], vector<16xf32>,
      %gather3A_461 = tpu.vector_load_idx %arg12[%add3A_142, %broadcast_in_dim3A_459] : memref<128x128xf32, #tpu.memory_space<vmem>>[vector<16xi32>, vector<16xi32>], vector<16xf32>,
      %mul3A_462 = arith.mulf %gather3A_460, %gather3A_461 : vector<16xf32>
      %add3A_463 = arith.addf %add3A_439, %mul3A_462 : vector<16xf32>
      %broadcast_in_dim3A_464 = arith.constant 52 : i32
      %broadcast_in_dim3A_465 = vector.broadcast %broadcast_in_dim3A_464 : i32 to vector<16xi32>
      %gather3A_466 = tpu.vector_load_idx %arg10[%add3A_142, %broadcast_in_dim3A_465] : memref<128x128xf32, #tpu.memory_space<vmem>>[vector<16xi32>, vector<16xi32>], vector<16xf32>,
      %gather3A_467 = tpu.vector_load_idx %arg12[%add3A_142, %broadcast_in_dim3A_465] : memref<128x128xf32, #tpu.memory_space<vmem>>[vector<16xi32>, vector<16xi32>], vector<16xf32>,
      %mul3A_468 = arith.mulf %gather3A_466, %gather3A_467 : vector<16xf32>
      %add3A_469 = arith.addf %add3A_445, %mul3A_468 : vector<16xf32>
      %broadcast_in_dim3A_470 = arith.constant 53 : i32
      %broadcast_in_dim3A_471 = vector.broadcast %broadcast_in_dim3A_470 : i32 to vector<16xi32>
      %gather3A_472 = tpu.vector_load_idx %arg10[%add3A_142, %broadcast_in_dim3A_471] : memref<128x128xf32, #tpu.memory_space<vmem>>[vector<16xi32>, vector<16xi32>], vector<16xf32>,
      %gather3A_473 = tpu.vector_load_idx %arg12[%add3A_142, %broadcast_in_dim3A_471] : memref<128x128xf32, #tpu.memory_space<vmem>>[vector<16xi32>, vector<16xi32>], vector<16xf32>,
      %mul3A_474 = arith.mulf %gather3A_472, %gather3A_473 : vector<16xf32>
      %add3A_475 = arith.addf %add3A_451, %mul3A_474 : vector<16xf32>
      %broadcast_in_dim3A_476 = arith.constant 54 : i32
      %broadcast_in_dim3A_477 = vector.broadcast %broadcast_in_dim3A_476 : i32 to vector<16xi32>
      %gather3A_478 = tpu.vector_load_idx %arg10[%add3A_142, %broadcast_in_dim3A_477] : memref<128x128xf32, #tpu.memory_space<vmem>>[vector<16xi32>, vector<16xi32>], vector<16xf32>,
      %gather3A_479 = tpu.vector_load_idx %arg12[%add3A_142, %broadcast_in_dim3A_477] : memref<128x128xf32, #tpu.memory_space<vmem>>[vector<16xi32>, vector<16xi32>], vector<16xf32>,
      %mul3A_480 = arith.mulf %gather3A_478, %gather3A_479 : vector<16xf32>
      %add3A_481 = arith.addf %add3A_457, %mul3A_480 : vector<16xf32>
      %broadcast_in_dim3A_482 = arith.constant 55 : i32
      %broadcast_in_dim3A_483 = vector.broadcast %broadcast_in_dim3A_482 : i32 to vector<16xi32>
      %gather3A_484 = tpu.vector_load_idx %arg10[%add3A_142, %broadcast_in_dim3A_483] : memref<128x128xf32, #tpu.memory_space<vmem>>[vector<16xi32>, vector<16xi32>], vector<16xf32>,
      %gather3A_485 = tpu.vector_load_idx %arg12[%add3A_142, %broadcast_in_dim3A_483] : memref<128x128xf32, #tpu.memory_space<vmem>>[vector<16xi32>, vector<16xi32>], vector<16xf32>,
      %mul3A_486 = arith.mulf %gather3A_484, %gather3A_485 : vector<16xf32>
      %add3A_487 = arith.addf %add3A_463, %mul3A_486 : vector<16xf32>
      %broadcast_in_dim3A_488 = arith.constant 56 : i32
      %broadcast_in_dim3A_489 = vector.broadcast %broadcast_in_dim3A_488 : i32 to vector<16xi32>
      %gather3A_490 = tpu.vector_load_idx %arg10[%add3A_142, %broadcast_in_dim3A_489] : memref<128x128xf32, #tpu.memory_space<vmem>>[vector<16xi32>, vector<16xi32>], vector<16xf32>,
      %gather3A_491 = tpu.vector_load_idx %arg12[%add3A_142, %broadcast_in_dim3A_489] : memref<128x128xf32, #tpu.memory_space<vmem>>[vector<16xi32>, vector<16xi32>], vector<16xf32>,
      %mul3A_492 = arith.mulf %gather3A_490, %gather3A_491 : vector<16xf32>
      %add3A_493 = arith.addf %add3A_469, %mul3A_492 : vector<16xf32>
      %broadcast_in_dim3A_494 = arith.constant 57 : i32
      %broadcast_in_dim3A_495 = vector.broadcast %broadcast_in_dim3A_494 : i32 to vector<16xi32>
      %gather3A_496 = tpu.vector_load_idx %arg10[%add3A_142, %broadcast_in_dim3A_495] : memref<128x128xf32, #tpu.memory_space<vmem>>[vector<16xi32>, vector<16xi32>], vector<16xf32>,
      %gather3A_497 = tpu.vector_load_idx %arg12[%add3A_142, %broadcast_in_dim3A_495] : memref<128x128xf32, #tpu.memory_space<vmem>>[vector<16xi32>, vector<16xi32>], vector<16xf32>,
      %mul3A_498 = arith.mulf %gather3A_496, %gather3A_497 : vector<16xf32>
      %add3A_499 = arith.addf %add3A_475, %mul3A_498 : vector<16xf32>
      %broadcast_in_dim3A_500 = arith.constant 58 : i32
      %broadcast_in_dim3A_501 = vector.broadcast %broadcast_in_dim3A_500 : i32 to vector<16xi32>
      %gather3A_502 = tpu.vector_load_idx %arg10[%add3A_142, %broadcast_in_dim3A_501] : memref<128x128xf32, #tpu.memory_space<vmem>>[vector<16xi32>, vector<16xi32>], vector<16xf32>,
      %gather3A_503 = tpu.vector_load_idx %arg12[%add3A_142, %broadcast_in_dim3A_501] : memref<128x128xf32, #tpu.memory_space<vmem>>[vector<16xi32>, vector<16xi32>], vector<16xf32>,
      %mul3A_504 = arith.mulf %gather3A_502, %gather3A_503 : vector<16xf32>
      %add3A_505 = arith.addf %add3A_481, %mul3A_504 : vector<16xf32>
      %broadcast_in_dim3A_506 = arith.constant 59 : i32
      %broadcast_in_dim3A_507 = vector.broadcast %broadcast_in_dim3A_506 : i32 to vector<16xi32>
      %gather3A_508 = tpu.vector_load_idx %arg10[%add3A_142, %broadcast_in_dim3A_507] : memref<128x128xf32, #tpu.memory_space<vmem>>[vector<16xi32>, vector<16xi32>], vector<16xf32>,
      %gather3A_509 = tpu.vector_load_idx %arg12[%add3A_142, %broadcast_in_dim3A_507] : memref<128x128xf32, #tpu.memory_space<vmem>>[vector<16xi32>, vector<16xi32>], vector<16xf32>,
      %mul3A_510 = arith.mulf %gather3A_508, %gather3A_509 : vector<16xf32>
      %add3A_511 = arith.addf %add3A_487, %mul3A_510 : vector<16xf32>
      %broadcast_in_dim3A_512 = arith.constant 60 : i32
      %broadcast_in_dim3A_513 = vector.broadcast %broadcast_in_dim3A_512 : i32 to vector<16xi32>
      %gather3A_514 = tpu.vector_load_idx %arg10[%add3A_142, %broadcast_in_dim3A_513] : memref<128x128xf32, #tpu.memory_space<vmem>>[vector<16xi32>, vector<16xi32>], vector<16xf32>,
      %gather3A_515 = tpu.vector_load_idx %arg12[%add3A_142, %broadcast_in_dim3A_513] : memref<128x128xf32, #tpu.memory_space<vmem>>[vector<16xi32>, vector<16xi32>], vector<16xf32>,
      %mul3A_516 = arith.mulf %gather3A_514, %gather3A_515 : vector<16xf32>
      %add3A_517 = arith.addf %add3A_493, %mul3A_516 : vector<16xf32>
      %broadcast_in_dim3A_518 = arith.constant 61 : i32
      %broadcast_in_dim3A_519 = vector.broadcast %broadcast_in_dim3A_518 : i32 to vector<16xi32>
      %gather3A_520 = tpu.vector_load_idx %arg10[%add3A_142, %broadcast_in_dim3A_519] : memref<128x128xf32, #tpu.memory_space<vmem>>[vector<16xi32>, vector<16xi32>], vector<16xf32>,
      %gather3A_521 = tpu.vector_load_idx %arg12[%add3A_142, %broadcast_in_dim3A_519] : memref<128x128xf32, #tpu.memory_space<vmem>>[vector<16xi32>, vector<16xi32>], vector<16xf32>,
      %mul3A_522 = arith.mulf %gather3A_520, %gather3A_521 : vector<16xf32>
      %add3A_523 = arith.addf %add3A_499, %mul3A_522 : vector<16xf32>
      %broadcast_in_dim3A_524 = arith.constant 62 : i32
      %broadcast_in_dim3A_525 = vector.broadcast %broadcast_in_dim3A_524 : i32 to vector<16xi32>
      %gather3A_526 = tpu.vector_load_idx %arg10[%add3A_142, %broadcast_in_dim3A_525] : memref<128x128xf32, #tpu.memory_space<vmem>>[vector<16xi32>, vector<16xi32>], vector<16xf32>,
      %gather3A_527 = tpu.vector_load_idx %arg12[%add3A_142, %broadcast_in_dim3A_525] : memref<128x128xf32, #tpu.memory_space<vmem>>[vector<16xi32>, vector<16xi32>], vector<16xf32>,
      %mul3A_528 = arith.mulf %gather3A_526, %gather3A_527 : vector<16xf32>
      %add3A_529 = arith.addf %add3A_505, %mul3A_528 : vector<16xf32>
      %broadcast_in_dim3A_530 = arith.constant 63 : i32
      %broadcast_in_dim3A_531 = vector.broadcast %broadcast_in_dim3A_530 : i32 to vector<16xi32>
      %gather3A_532 = tpu.vector_load_idx %arg10[%add3A_142, %broadcast_in_dim3A_531] : memref<128x128xf32, #tpu.memory_space<vmem>>[vector<16xi32>, vector<16xi32>], vector<16xf32>,
      %gather3A_533 = tpu.vector_load_idx %arg12[%add3A_142, %broadcast_in_dim3A_531] : memref<128x128xf32, #tpu.memory_space<vmem>>[vector<16xi32>, vector<16xi32>], vector<16xf32>,
      %mul3A_534 = arith.mulf %gather3A_532, %gather3A_533 : vector<16xf32>
      %add3A_535 = arith.addf %add3A_511, %mul3A_534 : vector<16xf32>
      %add3A_536 = arith.addf %add3A_517, %add3A_523 : vector<16xf32>
      %add3A_537 = arith.addf %add3A_529, %add3A_535 : vector<16xf32>
      %add3A_538 = arith.addf %add3A_536, %add3A_537 : vector<16xf32>
      %add3A_539 = arith.constant 0 : i32
      %add3A_540 = arith.addi %add3A_539, %mul3A_140 : i32
      %swap3A = arith.index_cast %add3A_540 : i32 to index
      %swap3A_541 = tpu.vector_load %arg15[%swap3A] {strides = array<i32>} : memref<512xf32, #tpu.memory_space<vmem>>, vector<16xf32>,
      tpu.vector_store %arg15[%swap3A], %add3A_538 {strides = array<i32>} : memref<512xf32, #tpu.memory_space<vmem>>, vector<16xf32>,
    }
    %scan3A_47 = arith.constant 8 : i32
    %dma_start3A_48 = arith.constant 2 : i32
    %dma_start3A_49 = arith.constant 0 : i32
    %dma_start3A_50 = tpu.memref_slice %arg8[%dma_start3A_48, %dma_start3A_49] : memref<4x128xi32, #tpu.memory_space<vmem>> -> memref<1x128xi32, #tpu.memory_space<vmem>>
    %dma_start3A_51 = tpu.memref_squeeze %dma_start3A_50 : memref<1x128xi32, #tpu.memory_space<vmem>> -> memref<128xi32, #tpu.memory_space<vmem>>
    %dma_start3A_52 = arith.constant 0 : i32
    %dma_start3A_53 = arith.constant 0 : i32
    %dma_start3A_54 = tpu.memref_slice %arg4[%dma_start3A_52, %dma_start3A_53] : memref<106496x128xf32, #tpu.memory_space<hbm>> -> memref<106496x128xf32, #tpu.memory_space<hbm>>
    tpu.enqueue_indirect_dma source(%dma_start3A_54 : memref<106496x128xf32, #tpu.memory_space<hbm>>) target(%arg10 : memref<128x128xf32, #tpu.memory_space<vmem>>) offsets(%dma_start3A_51 : memref<128xi32, #tpu.memory_space<vmem>>) semaphore(%arg16 : memref<!tpu.dma_semaphore, #tpu.memory_space<semaphore_mem>>)
    %dma_start3A_55 = arith.constant 2 : i32
    %dma_start3A_56 = arith.constant 0 : i32
    %dma_start3A_57 = tpu.memref_slice %arg9[%dma_start3A_55, %dma_start3A_56] : memref<4x128xi32, #tpu.memory_space<vmem>> -> memref<1x128xi32, #tpu.memory_space<vmem>>
    %dma_start3A_58 = tpu.memref_squeeze %dma_start3A_57 : memref<1x128xi32, #tpu.memory_space<vmem>> -> memref<128xi32, #tpu.memory_space<vmem>>
    %dma_start3A_59 = arith.constant 0 : i32
    %dma_start3A_60 = arith.constant 0 : i32
    %dma_start3A_61 = tpu.memref_slice %arg5[%dma_start3A_59, %dma_start3A_60] : memref<106496x128xf32, #tpu.memory_space<hbm>> -> memref<106496x128xf32, #tpu.memory_space<hbm>>
    tpu.enqueue_indirect_dma source(%dma_start3A_61 : memref<106496x128xf32, #tpu.memory_space<hbm>>) target(%arg12 : memref<128x128xf32, #tpu.memory_space<vmem>>) offsets(%dma_start3A_58 : memref<128xi32, #tpu.memory_space<vmem>>) semaphore(%arg16 : memref<!tpu.dma_semaphore, #tpu.memory_space<semaphore_mem>>)
    %dma_wait3A_62 = arith.constant 1 : i32
    %dma_wait3A_63 = arith.constant 0 : i32
    %dma_wait3A_64 = tpu.memref_slice %arg8[%dma_wait3A_62, %dma_wait3A_63] : memref<4x128xi32, #tpu.memory_space<vmem>> -> memref<1x128xi32, #tpu.memory_space<vmem>>
    %dma_wait3A_65 = tpu.memref_squeeze %dma_wait3A_64 : memref<1x128xi32, #tpu.memory_space<vmem>> -> memref<128xi32, #tpu.memory_space<vmem>>
    %dma_wait3A_66 = arith.constant 0 : i32
    %dma_wait3A_67 = arith.constant 0 : i32
    %dma_wait3A_68 = tpu.memref_slice %arg4[%dma_wait3A_66, %dma_wait3A_67] : memref<106496x128xf32, #tpu.memory_space<hbm>> -> memref<106496x128xf32, #tpu.memory_space<hbm>>
    tpu.wait_indirect_dma semaphore(%arg17 : memref<!tpu.dma_semaphore, #tpu.memory_space<semaphore_mem>>) src(%dma_wait3A_68 : memref<106496x128xf32, #tpu.memory_space<hbm>>) dst(%arg11 : memref<128x128xf32, #tpu.memory_space<vmem>>)
    %dma_wait3A_69 = arith.constant 1 : i32
    %dma_wait3A_70 = arith.constant 0 : i32
    %dma_wait3A_71 = tpu.memref_slice %arg9[%dma_wait3A_69, %dma_wait3A_70] : memref<4x128xi32, #tpu.memory_space<vmem>> -> memref<1x128xi32, #tpu.memory_space<vmem>>
    %dma_wait3A_72 = tpu.memref_squeeze %dma_wait3A_71 : memref<1x128xi32, #tpu.memory_space<vmem>> -> memref<128xi32, #tpu.memory_space<vmem>>
    %dma_wait3A_73 = arith.constant 0 : i32
    %dma_wait3A_74 = arith.constant 0 : i32
    %dma_wait3A_75 = tpu.memref_slice %arg5[%dma_wait3A_73, %dma_wait3A_74] : memref<106496x128xf32, #tpu.memory_space<hbm>> -> memref<106496x128xf32, #tpu.memory_space<hbm>>
    tpu.wait_indirect_dma semaphore(%arg17 : memref<!tpu.dma_semaphore, #tpu.memory_space<semaphore_mem>>) src(%dma_wait3A_75 : memref<106496x128xf32, #tpu.memory_space<hbm>>) dst(%arg13 : memref<128x128xf32, #tpu.memory_space<vmem>>)
    %scan3A_76 = arith.constant 0 : i32
    %scan3A_77 = arith.constant 0 : i32
    %scan3A_78 = arith.constant 8 : i32
    %scan3A_79 = arith.addi %scan3A_77, %scan3A_78 : i32
    %scan3A_80 = arith.constant 1 : i32
    scf.for %scan3A_138 = %scan3A_77 to %scan3A_79 step %scan3A_80  : i32 {
      %mul3A_139 = arith.constant 16 : i32
      %mul3A_140 = arith.muli %scan3A_138, %mul3A_139 : i32
      %add3A_141 = vector.broadcast %mul3A_140 : i32 to vector<16xi32>
      %add3A_142 = arith.addi %add3A_141, %iota3A : vector<16xi32>
      %gather3A = tpu.vector_load_idx %arg11[%add3A_142, %broadcast_in_dim3A_29] : memref<128x128xf32, #tpu.memory_space<vmem>>[vector<16xi32>, vector<16xi32>], vector<16xf32>,
      %add3A_143 = arith.addf %get3A_28, %gather3A : vector<16xf32>
      %gather3A_144 = tpu.vector_load_idx %arg13[%add3A_142, %broadcast_in_dim3A_29] : memref<128x128xf32, #tpu.memory_space<vmem>>[vector<16xi32>, vector<16xi32>], vector<16xf32>,
      %add3A_145 = arith.addf %add3A_143, %gather3A_144 : vector<16xf32>
      %broadcast_in_dim3A_146 = arith.constant 0.000000e+00 : f32
      %broadcast_in_dim3A_147 = vector.broadcast %broadcast_in_dim3A_146 : f32 to vector<16xf32>
      %broadcast_in_dim3A_148 = arith.constant 0.000000e+00 : f32
      %broadcast_in_dim3A_149 = vector.broadcast %broadcast_in_dim3A_148 : f32 to vector<16xf32>
      %broadcast_in_dim3A_150 = arith.constant 0.000000e+00 : f32
      %broadcast_in_dim3A_151 = vector.broadcast %broadcast_in_dim3A_150 : f32 to vector<16xf32>
      %broadcast_in_dim3A_152 = arith.constant 0 : i32
      %broadcast_in_dim3A_153 = vector.broadcast %broadcast_in_dim3A_152 : i32 to vector<16xi32>
      %gather3A_154 = tpu.vector_load_idx %arg11[%add3A_142, %broadcast_in_dim3A_153] : memref<128x128xf32, #tpu.memory_space<vmem>>[vector<16xi32>, vector<16xi32>], vector<16xf32>,
      %gather3A_155 = tpu.vector_load_idx %arg13[%add3A_142, %broadcast_in_dim3A_153] : memref<128x128xf32, #tpu.memory_space<vmem>>[vector<16xi32>, vector<16xi32>], vector<16xf32>,
      %mul3A_156 = arith.mulf %gather3A_154, %gather3A_155 : vector<16xf32>
      %add3A_157 = arith.addf %add3A_145, %mul3A_156 : vector<16xf32>
      %broadcast_in_dim3A_158 = arith.constant 1 : i32
      %broadcast_in_dim3A_159 = vector.broadcast %broadcast_in_dim3A_158 : i32 to vector<16xi32>
      %gather3A_160 = tpu.vector_load_idx %arg11[%add3A_142, %broadcast_in_dim3A_159] : memref<128x128xf32, #tpu.memory_space<vmem>>[vector<16xi32>, vector<16xi32>], vector<16xf32>,
      %gather3A_161 = tpu.vector_load_idx %arg13[%add3A_142, %broadcast_in_dim3A_159] : memref<128x128xf32, #tpu.memory_space<vmem>>[vector<16xi32>, vector<16xi32>], vector<16xf32>,
      %mul3A_162 = arith.mulf %gather3A_160, %gather3A_161 : vector<16xf32>
      %add3A_163 = arith.addf %broadcast_in_dim3A_147, %mul3A_162 : vector<16xf32>
      %broadcast_in_dim3A_164 = arith.constant 2 : i32
      %broadcast_in_dim3A_165 = vector.broadcast %broadcast_in_dim3A_164 : i32 to vector<16xi32>
      %gather3A_166 = tpu.vector_load_idx %arg11[%add3A_142, %broadcast_in_dim3A_165] : memref<128x128xf32, #tpu.memory_space<vmem>>[vector<16xi32>, vector<16xi32>], vector<16xf32>,
      %gather3A_167 = tpu.vector_load_idx %arg13[%add3A_142, %broadcast_in_dim3A_165] : memref<128x128xf32, #tpu.memory_space<vmem>>[vector<16xi32>, vector<16xi32>], vector<16xf32>,
      %mul3A_168 = arith.mulf %gather3A_166, %gather3A_167 : vector<16xf32>
      %add3A_169 = arith.addf %broadcast_in_dim3A_149, %mul3A_168 : vector<16xf32>
      %broadcast_in_dim3A_170 = arith.constant 3 : i32
      %broadcast_in_dim3A_171 = vector.broadcast %broadcast_in_dim3A_170 : i32 to vector<16xi32>
      %gather3A_172 = tpu.vector_load_idx %arg11[%add3A_142, %broadcast_in_dim3A_171] : memref<128x128xf32, #tpu.memory_space<vmem>>[vector<16xi32>, vector<16xi32>], vector<16xf32>,
      %gather3A_173 = tpu.vector_load_idx %arg13[%add3A_142, %broadcast_in_dim3A_171] : memref<128x128xf32, #tpu.memory_space<vmem>>[vector<16xi32>, vector<16xi32>], vector<16xf32>,
      %mul3A_174 = arith.mulf %gather3A_172, %gather3A_173 : vector<16xf32>
      %add3A_175 = arith.addf %broadcast_in_dim3A_151, %mul3A_174 : vector<16xf32>
      %broadcast_in_dim3A_176 = arith.constant 4 : i32
      %broadcast_in_dim3A_177 = vector.broadcast %broadcast_in_dim3A_176 : i32 to vector<16xi32>
      %gather3A_178 = tpu.vector_load_idx %arg11[%add3A_142, %broadcast_in_dim3A_177] : memref<128x128xf32, #tpu.memory_space<vmem>>[vector<16xi32>, vector<16xi32>], vector<16xf32>,
      %gather3A_179 = tpu.vector_load_idx %arg13[%add3A_142, %broadcast_in_dim3A_177] : memref<128x128xf32, #tpu.memory_space<vmem>>[vector<16xi32>, vector<16xi32>], vector<16xf32>,
      %mul3A_180 = arith.mulf %gather3A_178, %gather3A_179 : vector<16xf32>
      %add3A_181 = arith.addf %add3A_157, %mul3A_180 : vector<16xf32>
      %broadcast_in_dim3A_182 = arith.constant 5 : i32
      %broadcast_in_dim3A_183 = vector.broadcast %broadcast_in_dim3A_182 : i32 to vector<16xi32>
      %gather3A_184 = tpu.vector_load_idx %arg11[%add3A_142, %broadcast_in_dim3A_183] : memref<128x128xf32, #tpu.memory_space<vmem>>[vector<16xi32>, vector<16xi32>], vector<16xf32>,
      %gather3A_185 = tpu.vector_load_idx %arg13[%add3A_142, %broadcast_in_dim3A_183] : memref<128x128xf32, #tpu.memory_space<vmem>>[vector<16xi32>, vector<16xi32>], vector<16xf32>,
      %mul3A_186 = arith.mulf %gather3A_184, %gather3A_185 : vector<16xf32>
      %add3A_187 = arith.addf %add3A_163, %mul3A_186 : vector<16xf32>
      %broadcast_in_dim3A_188 = arith.constant 6 : i32
      %broadcast_in_dim3A_189 = vector.broadcast %broadcast_in_dim3A_188 : i32 to vector<16xi32>
      %gather3A_190 = tpu.vector_load_idx %arg11[%add3A_142, %broadcast_in_dim3A_189] : memref<128x128xf32, #tpu.memory_space<vmem>>[vector<16xi32>, vector<16xi32>], vector<16xf32>,
      %gather3A_191 = tpu.vector_load_idx %arg13[%add3A_142, %broadcast_in_dim3A_189] : memref<128x128xf32, #tpu.memory_space<vmem>>[vector<16xi32>, vector<16xi32>], vector<16xf32>,
      %mul3A_192 = arith.mulf %gather3A_190, %gather3A_191 : vector<16xf32>
      %add3A_193 = arith.addf %add3A_169, %mul3A_192 : vector<16xf32>
      %broadcast_in_dim3A_194 = arith.constant 7 : i32
      %broadcast_in_dim3A_195 = vector.broadcast %broadcast_in_dim3A_194 : i32 to vector<16xi32>
      %gather3A_196 = tpu.vector_load_idx %arg11[%add3A_142, %broadcast_in_dim3A_195] : memref<128x128xf32, #tpu.memory_space<vmem>>[vector<16xi32>, vector<16xi32>], vector<16xf32>,
      %gather3A_197 = tpu.vector_load_idx %arg13[%add3A_142, %broadcast_in_dim3A_195] : memref<128x128xf32, #tpu.memory_space<vmem>>[vector<16xi32>, vector<16xi32>], vector<16xf32>,
      %mul3A_198 = arith.mulf %gather3A_196, %gather3A_197 : vector<16xf32>
      %add3A_199 = arith.addf %add3A_175, %mul3A_198 : vector<16xf32>
      %broadcast_in_dim3A_200 = arith.constant 8 : i32
      %broadcast_in_dim3A_201 = vector.broadcast %broadcast_in_dim3A_200 : i32 to vector<16xi32>
      %gather3A_202 = tpu.vector_load_idx %arg11[%add3A_142, %broadcast_in_dim3A_201] : memref<128x128xf32, #tpu.memory_space<vmem>>[vector<16xi32>, vector<16xi32>], vector<16xf32>,
      %gather3A_203 = tpu.vector_load_idx %arg13[%add3A_142, %broadcast_in_dim3A_201] : memref<128x128xf32, #tpu.memory_space<vmem>>[vector<16xi32>, vector<16xi32>], vector<16xf32>,
      %mul3A_204 = arith.mulf %gather3A_202, %gather3A_203 : vector<16xf32>
      %add3A_205 = arith.addf %add3A_181, %mul3A_204 : vector<16xf32>
      %broadcast_in_dim3A_206 = arith.constant 9 : i32
      %broadcast_in_dim3A_207 = vector.broadcast %broadcast_in_dim3A_206 : i32 to vector<16xi32>
      %gather3A_208 = tpu.vector_load_idx %arg11[%add3A_142, %broadcast_in_dim3A_207] : memref<128x128xf32, #tpu.memory_space<vmem>>[vector<16xi32>, vector<16xi32>], vector<16xf32>,
      %gather3A_209 = tpu.vector_load_idx %arg13[%add3A_142, %broadcast_in_dim3A_207] : memref<128x128xf32, #tpu.memory_space<vmem>>[vector<16xi32>, vector<16xi32>], vector<16xf32>,
      %mul3A_210 = arith.mulf %gather3A_208, %gather3A_209 : vector<16xf32>
      %add3A_211 = arith.addf %add3A_187, %mul3A_210 : vector<16xf32>
      %broadcast_in_dim3A_212 = arith.constant 10 : i32
      %broadcast_in_dim3A_213 = vector.broadcast %broadcast_in_dim3A_212 : i32 to vector<16xi32>
      %gather3A_214 = tpu.vector_load_idx %arg11[%add3A_142, %broadcast_in_dim3A_213] : memref<128x128xf32, #tpu.memory_space<vmem>>[vector<16xi32>, vector<16xi32>], vector<16xf32>,
      %gather3A_215 = tpu.vector_load_idx %arg13[%add3A_142, %broadcast_in_dim3A_213] : memref<128x128xf32, #tpu.memory_space<vmem>>[vector<16xi32>, vector<16xi32>], vector<16xf32>,
      %mul3A_216 = arith.mulf %gather3A_214, %gather3A_215 : vector<16xf32>
      %add3A_217 = arith.addf %add3A_193, %mul3A_216 : vector<16xf32>
      %broadcast_in_dim3A_218 = arith.constant 11 : i32
      %broadcast_in_dim3A_219 = vector.broadcast %broadcast_in_dim3A_218 : i32 to vector<16xi32>
      %gather3A_220 = tpu.vector_load_idx %arg11[%add3A_142, %broadcast_in_dim3A_219] : memref<128x128xf32, #tpu.memory_space<vmem>>[vector<16xi32>, vector<16xi32>], vector<16xf32>,
      %gather3A_221 = tpu.vector_load_idx %arg13[%add3A_142, %broadcast_in_dim3A_219] : memref<128x128xf32, #tpu.memory_space<vmem>>[vector<16xi32>, vector<16xi32>], vector<16xf32>,
      %mul3A_222 = arith.mulf %gather3A_220, %gather3A_221 : vector<16xf32>
      %add3A_223 = arith.addf %add3A_199, %mul3A_222 : vector<16xf32>
      %broadcast_in_dim3A_224 = arith.constant 12 : i32
      %broadcast_in_dim3A_225 = vector.broadcast %broadcast_in_dim3A_224 : i32 to vector<16xi32>
      %gather3A_226 = tpu.vector_load_idx %arg11[%add3A_142, %broadcast_in_dim3A_225] : memref<128x128xf32, #tpu.memory_space<vmem>>[vector<16xi32>, vector<16xi32>], vector<16xf32>,
      %gather3A_227 = tpu.vector_load_idx %arg13[%add3A_142, %broadcast_in_dim3A_225] : memref<128x128xf32, #tpu.memory_space<vmem>>[vector<16xi32>, vector<16xi32>], vector<16xf32>,
      %mul3A_228 = arith.mulf %gather3A_226, %gather3A_227 : vector<16xf32>
      %add3A_229 = arith.addf %add3A_205, %mul3A_228 : vector<16xf32>
      %broadcast_in_dim3A_230 = arith.constant 13 : i32
      %broadcast_in_dim3A_231 = vector.broadcast %broadcast_in_dim3A_230 : i32 to vector<16xi32>
      %gather3A_232 = tpu.vector_load_idx %arg11[%add3A_142, %broadcast_in_dim3A_231] : memref<128x128xf32, #tpu.memory_space<vmem>>[vector<16xi32>, vector<16xi32>], vector<16xf32>,
      %gather3A_233 = tpu.vector_load_idx %arg13[%add3A_142, %broadcast_in_dim3A_231] : memref<128x128xf32, #tpu.memory_space<vmem>>[vector<16xi32>, vector<16xi32>], vector<16xf32>,
      %mul3A_234 = arith.mulf %gather3A_232, %gather3A_233 : vector<16xf32>
      %add3A_235 = arith.addf %add3A_211, %mul3A_234 : vector<16xf32>
      %broadcast_in_dim3A_236 = arith.constant 14 : i32
      %broadcast_in_dim3A_237 = vector.broadcast %broadcast_in_dim3A_236 : i32 to vector<16xi32>
      %gather3A_238 = tpu.vector_load_idx %arg11[%add3A_142, %broadcast_in_dim3A_237] : memref<128x128xf32, #tpu.memory_space<vmem>>[vector<16xi32>, vector<16xi32>], vector<16xf32>,
      %gather3A_239 = tpu.vector_load_idx %arg13[%add3A_142, %broadcast_in_dim3A_237] : memref<128x128xf32, #tpu.memory_space<vmem>>[vector<16xi32>, vector<16xi32>], vector<16xf32>,
      %mul3A_240 = arith.mulf %gather3A_238, %gather3A_239 : vector<16xf32>
      %add3A_241 = arith.addf %add3A_217, %mul3A_240 : vector<16xf32>
      %broadcast_in_dim3A_242 = arith.constant 15 : i32
      %broadcast_in_dim3A_243 = vector.broadcast %broadcast_in_dim3A_242 : i32 to vector<16xi32>
      %gather3A_244 = tpu.vector_load_idx %arg11[%add3A_142, %broadcast_in_dim3A_243] : memref<128x128xf32, #tpu.memory_space<vmem>>[vector<16xi32>, vector<16xi32>], vector<16xf32>,
      %gather3A_245 = tpu.vector_load_idx %arg13[%add3A_142, %broadcast_in_dim3A_243] : memref<128x128xf32, #tpu.memory_space<vmem>>[vector<16xi32>, vector<16xi32>], vector<16xf32>,
      %mul3A_246 = arith.mulf %gather3A_244, %gather3A_245 : vector<16xf32>
      %add3A_247 = arith.addf %add3A_223, %mul3A_246 : vector<16xf32>
      %broadcast_in_dim3A_248 = arith.constant 16 : i32
      %broadcast_in_dim3A_249 = vector.broadcast %broadcast_in_dim3A_248 : i32 to vector<16xi32>
      %gather3A_250 = tpu.vector_load_idx %arg11[%add3A_142, %broadcast_in_dim3A_249] : memref<128x128xf32, #tpu.memory_space<vmem>>[vector<16xi32>, vector<16xi32>], vector<16xf32>,
      %gather3A_251 = tpu.vector_load_idx %arg13[%add3A_142, %broadcast_in_dim3A_249] : memref<128x128xf32, #tpu.memory_space<vmem>>[vector<16xi32>, vector<16xi32>], vector<16xf32>,
      %mul3A_252 = arith.mulf %gather3A_250, %gather3A_251 : vector<16xf32>
      %add3A_253 = arith.addf %add3A_229, %mul3A_252 : vector<16xf32>
      %broadcast_in_dim3A_254 = arith.constant 17 : i32
      %broadcast_in_dim3A_255 = vector.broadcast %broadcast_in_dim3A_254 : i32 to vector<16xi32>
      %gather3A_256 = tpu.vector_load_idx %arg11[%add3A_142, %broadcast_in_dim3A_255] : memref<128x128xf32, #tpu.memory_space<vmem>>[vector<16xi32>, vector<16xi32>], vector<16xf32>,
      %gather3A_257 = tpu.vector_load_idx %arg13[%add3A_142, %broadcast_in_dim3A_255] : memref<128x128xf32, #tpu.memory_space<vmem>>[vector<16xi32>, vector<16xi32>], vector<16xf32>,
      %mul3A_258 = arith.mulf %gather3A_256, %gather3A_257 : vector<16xf32>
      %add3A_259 = arith.addf %add3A_235, %mul3A_258 : vector<16xf32>
      %broadcast_in_dim3A_260 = arith.constant 18 : i32
      %broadcast_in_dim3A_261 = vector.broadcast %broadcast_in_dim3A_260 : i32 to vector<16xi32>
      %gather3A_262 = tpu.vector_load_idx %arg11[%add3A_142, %broadcast_in_dim3A_261] : memref<128x128xf32, #tpu.memory_space<vmem>>[vector<16xi32>, vector<16xi32>], vector<16xf32>,
      %gather3A_263 = tpu.vector_load_idx %arg13[%add3A_142, %broadcast_in_dim3A_261] : memref<128x128xf32, #tpu.memory_space<vmem>>[vector<16xi32>, vector<16xi32>], vector<16xf32>,
      %mul3A_264 = arith.mulf %gather3A_262, %gather3A_263 : vector<16xf32>
      %add3A_265 = arith.addf %add3A_241, %mul3A_264 : vector<16xf32>
      %broadcast_in_dim3A_266 = arith.constant 19 : i32
      %broadcast_in_dim3A_267 = vector.broadcast %broadcast_in_dim3A_266 : i32 to vector<16xi32>
      %gather3A_268 = tpu.vector_load_idx %arg11[%add3A_142, %broadcast_in_dim3A_267] : memref<128x128xf32, #tpu.memory_space<vmem>>[vector<16xi32>, vector<16xi32>], vector<16xf32>,
      %gather3A_269 = tpu.vector_load_idx %arg13[%add3A_142, %broadcast_in_dim3A_267] : memref<128x128xf32, #tpu.memory_space<vmem>>[vector<16xi32>, vector<16xi32>], vector<16xf32>,
      %mul3A_270 = arith.mulf %gather3A_268, %gather3A_269 : vector<16xf32>
      %add3A_271 = arith.addf %add3A_247, %mul3A_270 : vector<16xf32>
      %broadcast_in_dim3A_272 = arith.constant 20 : i32
      %broadcast_in_dim3A_273 = vector.broadcast %broadcast_in_dim3A_272 : i32 to vector<16xi32>
      %gather3A_274 = tpu.vector_load_idx %arg11[%add3A_142, %broadcast_in_dim3A_273] : memref<128x128xf32, #tpu.memory_space<vmem>>[vector<16xi32>, vector<16xi32>], vector<16xf32>,
      %gather3A_275 = tpu.vector_load_idx %arg13[%add3A_142, %broadcast_in_dim3A_273] : memref<128x128xf32, #tpu.memory_space<vmem>>[vector<16xi32>, vector<16xi32>], vector<16xf32>,
      %mul3A_276 = arith.mulf %gather3A_274, %gather3A_275 : vector<16xf32>
      %add3A_277 = arith.addf %add3A_253, %mul3A_276 : vector<16xf32>
      %broadcast_in_dim3A_278 = arith.constant 21 : i32
      %broadcast_in_dim3A_279 = vector.broadcast %broadcast_in_dim3A_278 : i32 to vector<16xi32>
      %gather3A_280 = tpu.vector_load_idx %arg11[%add3A_142, %broadcast_in_dim3A_279] : memref<128x128xf32, #tpu.memory_space<vmem>>[vector<16xi32>, vector<16xi32>], vector<16xf32>,
      %gather3A_281 = tpu.vector_load_idx %arg13[%add3A_142, %broadcast_in_dim3A_279] : memref<128x128xf32, #tpu.memory_space<vmem>>[vector<16xi32>, vector<16xi32>], vector<16xf32>,
      %mul3A_282 = arith.mulf %gather3A_280, %gather3A_281 : vector<16xf32>
      %add3A_283 = arith.addf %add3A_259, %mul3A_282 : vector<16xf32>
      %broadcast_in_dim3A_284 = arith.constant 22 : i32
      %broadcast_in_dim3A_285 = vector.broadcast %broadcast_in_dim3A_284 : i32 to vector<16xi32>
      %gather3A_286 = tpu.vector_load_idx %arg11[%add3A_142, %broadcast_in_dim3A_285] : memref<128x128xf32, #tpu.memory_space<vmem>>[vector<16xi32>, vector<16xi32>], vector<16xf32>,
      %gather3A_287 = tpu.vector_load_idx %arg13[%add3A_142, %broadcast_in_dim3A_285] : memref<128x128xf32, #tpu.memory_space<vmem>>[vector<16xi32>, vector<16xi32>], vector<16xf32>,
      %mul3A_288 = arith.mulf %gather3A_286, %gather3A_287 : vector<16xf32>
      %add3A_289 = arith.addf %add3A_265, %mul3A_288 : vector<16xf32>
      %broadcast_in_dim3A_290 = arith.constant 23 : i32
      %broadcast_in_dim3A_291 = vector.broadcast %broadcast_in_dim3A_290 : i32 to vector<16xi32>
      %gather3A_292 = tpu.vector_load_idx %arg11[%add3A_142, %broadcast_in_dim3A_291] : memref<128x128xf32, #tpu.memory_space<vmem>>[vector<16xi32>, vector<16xi32>], vector<16xf32>,
      %gather3A_293 = tpu.vector_load_idx %arg13[%add3A_142, %broadcast_in_dim3A_291] : memref<128x128xf32, #tpu.memory_space<vmem>>[vector<16xi32>, vector<16xi32>], vector<16xf32>,
      %mul3A_294 = arith.mulf %gather3A_292, %gather3A_293 : vector<16xf32>
      %add3A_295 = arith.addf %add3A_271, %mul3A_294 : vector<16xf32>
      %broadcast_in_dim3A_296 = arith.constant 24 : i32
      %broadcast_in_dim3A_297 = vector.broadcast %broadcast_in_dim3A_296 : i32 to vector<16xi32>
      %gather3A_298 = tpu.vector_load_idx %arg11[%add3A_142, %broadcast_in_dim3A_297] : memref<128x128xf32, #tpu.memory_space<vmem>>[vector<16xi32>, vector<16xi32>], vector<16xf32>,
      %gather3A_299 = tpu.vector_load_idx %arg13[%add3A_142, %broadcast_in_dim3A_297] : memref<128x128xf32, #tpu.memory_space<vmem>>[vector<16xi32>, vector<16xi32>], vector<16xf32>,
      %mul3A_300 = arith.mulf %gather3A_298, %gather3A_299 : vector<16xf32>
      %add3A_301 = arith.addf %add3A_277, %mul3A_300 : vector<16xf32>
      %broadcast_in_dim3A_302 = arith.constant 25 : i32
      %broadcast_in_dim3A_303 = vector.broadcast %broadcast_in_dim3A_302 : i32 to vector<16xi32>
      %gather3A_304 = tpu.vector_load_idx %arg11[%add3A_142, %broadcast_in_dim3A_303] : memref<128x128xf32, #tpu.memory_space<vmem>>[vector<16xi32>, vector<16xi32>], vector<16xf32>,
      %gather3A_305 = tpu.vector_load_idx %arg13[%add3A_142, %broadcast_in_dim3A_303] : memref<128x128xf32, #tpu.memory_space<vmem>>[vector<16xi32>, vector<16xi32>], vector<16xf32>,
      %mul3A_306 = arith.mulf %gather3A_304, %gather3A_305 : vector<16xf32>
      %add3A_307 = arith.addf %add3A_283, %mul3A_306 : vector<16xf32>
      %broadcast_in_dim3A_308 = arith.constant 26 : i32
      %broadcast_in_dim3A_309 = vector.broadcast %broadcast_in_dim3A_308 : i32 to vector<16xi32>
      %gather3A_310 = tpu.vector_load_idx %arg11[%add3A_142, %broadcast_in_dim3A_309] : memref<128x128xf32, #tpu.memory_space<vmem>>[vector<16xi32>, vector<16xi32>], vector<16xf32>,
      %gather3A_311 = tpu.vector_load_idx %arg13[%add3A_142, %broadcast_in_dim3A_309] : memref<128x128xf32, #tpu.memory_space<vmem>>[vector<16xi32>, vector<16xi32>], vector<16xf32>,
      %mul3A_312 = arith.mulf %gather3A_310, %gather3A_311 : vector<16xf32>
      %add3A_313 = arith.addf %add3A_289, %mul3A_312 : vector<16xf32>
      %broadcast_in_dim3A_314 = arith.constant 27 : i32
      %broadcast_in_dim3A_315 = vector.broadcast %broadcast_in_dim3A_314 : i32 to vector<16xi32>
      %gather3A_316 = tpu.vector_load_idx %arg11[%add3A_142, %broadcast_in_dim3A_315] : memref<128x128xf32, #tpu.memory_space<vmem>>[vector<16xi32>, vector<16xi32>], vector<16xf32>,
      %gather3A_317 = tpu.vector_load_idx %arg13[%add3A_142, %broadcast_in_dim3A_315] : memref<128x128xf32, #tpu.memory_space<vmem>>[vector<16xi32>, vector<16xi32>], vector<16xf32>,
      %mul3A_318 = arith.mulf %gather3A_316, %gather3A_317 : vector<16xf32>
      %add3A_319 = arith.addf %add3A_295, %mul3A_318 : vector<16xf32>
      %broadcast_in_dim3A_320 = arith.constant 28 : i32
      %broadcast_in_dim3A_321 = vector.broadcast %broadcast_in_dim3A_320 : i32 to vector<16xi32>
      %gather3A_322 = tpu.vector_load_idx %arg11[%add3A_142, %broadcast_in_dim3A_321] : memref<128x128xf32, #tpu.memory_space<vmem>>[vector<16xi32>, vector<16xi32>], vector<16xf32>,
      %gather3A_323 = tpu.vector_load_idx %arg13[%add3A_142, %broadcast_in_dim3A_321] : memref<128x128xf32, #tpu.memory_space<vmem>>[vector<16xi32>, vector<16xi32>], vector<16xf32>,
      %mul3A_324 = arith.mulf %gather3A_322, %gather3A_323 : vector<16xf32>
      %add3A_325 = arith.addf %add3A_301, %mul3A_324 : vector<16xf32>
      %broadcast_in_dim3A_326 = arith.constant 29 : i32
      %broadcast_in_dim3A_327 = vector.broadcast %broadcast_in_dim3A_326 : i32 to vector<16xi32>
      %gather3A_328 = tpu.vector_load_idx %arg11[%add3A_142, %broadcast_in_dim3A_327] : memref<128x128xf32, #tpu.memory_space<vmem>>[vector<16xi32>, vector<16xi32>], vector<16xf32>,
      %gather3A_329 = tpu.vector_load_idx %arg13[%add3A_142, %broadcast_in_dim3A_327] : memref<128x128xf32, #tpu.memory_space<vmem>>[vector<16xi32>, vector<16xi32>], vector<16xf32>,
      %mul3A_330 = arith.mulf %gather3A_328, %gather3A_329 : vector<16xf32>
      %add3A_331 = arith.addf %add3A_307, %mul3A_330 : vector<16xf32>
      %broadcast_in_dim3A_332 = arith.constant 30 : i32
      %broadcast_in_dim3A_333 = vector.broadcast %broadcast_in_dim3A_332 : i32 to vector<16xi32>
      %gather3A_334 = tpu.vector_load_idx %arg11[%add3A_142, %broadcast_in_dim3A_333] : memref<128x128xf32, #tpu.memory_space<vmem>>[vector<16xi32>, vector<16xi32>], vector<16xf32>,
      %gather3A_335 = tpu.vector_load_idx %arg13[%add3A_142, %broadcast_in_dim3A_333] : memref<128x128xf32, #tpu.memory_space<vmem>>[vector<16xi32>, vector<16xi32>], vector<16xf32>,
      %mul3A_336 = arith.mulf %gather3A_334, %gather3A_335 : vector<16xf32>
      %add3A_337 = arith.addf %add3A_313, %mul3A_336 : vector<16xf32>
      %broadcast_in_dim3A_338 = arith.constant 31 : i32
      %broadcast_in_dim3A_339 = vector.broadcast %broadcast_in_dim3A_338 : i32 to vector<16xi32>
      %gather3A_340 = tpu.vector_load_idx %arg11[%add3A_142, %broadcast_in_dim3A_339] : memref<128x128xf32, #tpu.memory_space<vmem>>[vector<16xi32>, vector<16xi32>], vector<16xf32>,
      %gather3A_341 = tpu.vector_load_idx %arg13[%add3A_142, %broadcast_in_dim3A_339] : memref<128x128xf32, #tpu.memory_space<vmem>>[vector<16xi32>, vector<16xi32>], vector<16xf32>,
      %mul3A_342 = arith.mulf %gather3A_340, %gather3A_341 : vector<16xf32>
      %add3A_343 = arith.addf %add3A_319, %mul3A_342 : vector<16xf32>
      %broadcast_in_dim3A_344 = arith.constant 32 : i32
      %broadcast_in_dim3A_345 = vector.broadcast %broadcast_in_dim3A_344 : i32 to vector<16xi32>
      %gather3A_346 = tpu.vector_load_idx %arg11[%add3A_142, %broadcast_in_dim3A_345] : memref<128x128xf32, #tpu.memory_space<vmem>>[vector<16xi32>, vector<16xi32>], vector<16xf32>,
      %gather3A_347 = tpu.vector_load_idx %arg13[%add3A_142, %broadcast_in_dim3A_345] : memref<128x128xf32, #tpu.memory_space<vmem>>[vector<16xi32>, vector<16xi32>], vector<16xf32>,
      %mul3A_348 = arith.mulf %gather3A_346, %gather3A_347 : vector<16xf32>
      %add3A_349 = arith.addf %add3A_325, %mul3A_348 : vector<16xf32>
      %broadcast_in_dim3A_350 = arith.constant 33 : i32
      %broadcast_in_dim3A_351 = vector.broadcast %broadcast_in_dim3A_350 : i32 to vector<16xi32>
      %gather3A_352 = tpu.vector_load_idx %arg11[%add3A_142, %broadcast_in_dim3A_351] : memref<128x128xf32, #tpu.memory_space<vmem>>[vector<16xi32>, vector<16xi32>], vector<16xf32>,
      %gather3A_353 = tpu.vector_load_idx %arg13[%add3A_142, %broadcast_in_dim3A_351] : memref<128x128xf32, #tpu.memory_space<vmem>>[vector<16xi32>, vector<16xi32>], vector<16xf32>,
      %mul3A_354 = arith.mulf %gather3A_352, %gather3A_353 : vector<16xf32>
      %add3A_355 = arith.addf %add3A_331, %mul3A_354 : vector<16xf32>
      %broadcast_in_dim3A_356 = arith.constant 34 : i32
      %broadcast_in_dim3A_357 = vector.broadcast %broadcast_in_dim3A_356 : i32 to vector<16xi32>
      %gather3A_358 = tpu.vector_load_idx %arg11[%add3A_142, %broadcast_in_dim3A_357] : memref<128x128xf32, #tpu.memory_space<vmem>>[vector<16xi32>, vector<16xi32>], vector<16xf32>,
      %gather3A_359 = tpu.vector_load_idx %arg13[%add3A_142, %broadcast_in_dim3A_357] : memref<128x128xf32, #tpu.memory_space<vmem>>[vector<16xi32>, vector<16xi32>], vector<16xf32>,
      %mul3A_360 = arith.mulf %gather3A_358, %gather3A_359 : vector<16xf32>
      %add3A_361 = arith.addf %add3A_337, %mul3A_360 : vector<16xf32>
      %broadcast_in_dim3A_362 = arith.constant 35 : i32
      %broadcast_in_dim3A_363 = vector.broadcast %broadcast_in_dim3A_362 : i32 to vector<16xi32>
      %gather3A_364 = tpu.vector_load_idx %arg11[%add3A_142, %broadcast_in_dim3A_363] : memref<128x128xf32, #tpu.memory_space<vmem>>[vector<16xi32>, vector<16xi32>], vector<16xf32>,
      %gather3A_365 = tpu.vector_load_idx %arg13[%add3A_142, %broadcast_in_dim3A_363] : memref<128x128xf32, #tpu.memory_space<vmem>>[vector<16xi32>, vector<16xi32>], vector<16xf32>,
      %mul3A_366 = arith.mulf %gather3A_364, %gather3A_365 : vector<16xf32>
      %add3A_367 = arith.addf %add3A_343, %mul3A_366 : vector<16xf32>
      %broadcast_in_dim3A_368 = arith.constant 36 : i32
      %broadcast_in_dim3A_369 = vector.broadcast %broadcast_in_dim3A_368 : i32 to vector<16xi32>
      %gather3A_370 = tpu.vector_load_idx %arg11[%add3A_142, %broadcast_in_dim3A_369] : memref<128x128xf32, #tpu.memory_space<vmem>>[vector<16xi32>, vector<16xi32>], vector<16xf32>,
      %gather3A_371 = tpu.vector_load_idx %arg13[%add3A_142, %broadcast_in_dim3A_369] : memref<128x128xf32, #tpu.memory_space<vmem>>[vector<16xi32>, vector<16xi32>], vector<16xf32>,
      %mul3A_372 = arith.mulf %gather3A_370, %gather3A_371 : vector<16xf32>
      %add3A_373 = arith.addf %add3A_349, %mul3A_372 : vector<16xf32>
      %broadcast_in_dim3A_374 = arith.constant 37 : i32
      %broadcast_in_dim3A_375 = vector.broadcast %broadcast_in_dim3A_374 : i32 to vector<16xi32>
      %gather3A_376 = tpu.vector_load_idx %arg11[%add3A_142, %broadcast_in_dim3A_375] : memref<128x128xf32, #tpu.memory_space<vmem>>[vector<16xi32>, vector<16xi32>], vector<16xf32>,
      %gather3A_377 = tpu.vector_load_idx %arg13[%add3A_142, %broadcast_in_dim3A_375] : memref<128x128xf32, #tpu.memory_space<vmem>>[vector<16xi32>, vector<16xi32>], vector<16xf32>,
      %mul3A_378 = arith.mulf %gather3A_376, %gather3A_377 : vector<16xf32>
      %add3A_379 = arith.addf %add3A_355, %mul3A_378 : vector<16xf32>
      %broadcast_in_dim3A_380 = arith.constant 38 : i32
      %broadcast_in_dim3A_381 = vector.broadcast %broadcast_in_dim3A_380 : i32 to vector<16xi32>
      %gather3A_382 = tpu.vector_load_idx %arg11[%add3A_142, %broadcast_in_dim3A_381] : memref<128x128xf32, #tpu.memory_space<vmem>>[vector<16xi32>, vector<16xi32>], vector<16xf32>,
      %gather3A_383 = tpu.vector_load_idx %arg13[%add3A_142, %broadcast_in_dim3A_381] : memref<128x128xf32, #tpu.memory_space<vmem>>[vector<16xi32>, vector<16xi32>], vector<16xf32>,
      %mul3A_384 = arith.mulf %gather3A_382, %gather3A_383 : vector<16xf32>
      %add3A_385 = arith.addf %add3A_361, %mul3A_384 : vector<16xf32>
      %broadcast_in_dim3A_386 = arith.constant 39 : i32
      %broadcast_in_dim3A_387 = vector.broadcast %broadcast_in_dim3A_386 : i32 to vector<16xi32>
      %gather3A_388 = tpu.vector_load_idx %arg11[%add3A_142, %broadcast_in_dim3A_387] : memref<128x128xf32, #tpu.memory_space<vmem>>[vector<16xi32>, vector<16xi32>], vector<16xf32>,
      %gather3A_389 = tpu.vector_load_idx %arg13[%add3A_142, %broadcast_in_dim3A_387] : memref<128x128xf32, #tpu.memory_space<vmem>>[vector<16xi32>, vector<16xi32>], vector<16xf32>,
      %mul3A_390 = arith.mulf %gather3A_388, %gather3A_389 : vector<16xf32>
      %add3A_391 = arith.addf %add3A_367, %mul3A_390 : vector<16xf32>
      %broadcast_in_dim3A_392 = arith.constant 40 : i32
      %broadcast_in_dim3A_393 = vector.broadcast %broadcast_in_dim3A_392 : i32 to vector<16xi32>
      %gather3A_394 = tpu.vector_load_idx %arg11[%add3A_142, %broadcast_in_dim3A_393] : memref<128x128xf32, #tpu.memory_space<vmem>>[vector<16xi32>, vector<16xi32>], vector<16xf32>,
      %gather3A_395 = tpu.vector_load_idx %arg13[%add3A_142, %broadcast_in_dim3A_393] : memref<128x128xf32, #tpu.memory_space<vmem>>[vector<16xi32>, vector<16xi32>], vector<16xf32>,
      %mul3A_396 = arith.mulf %gather3A_394, %gather3A_395 : vector<16xf32>
      %add3A_397 = arith.addf %add3A_373, %mul3A_396 : vector<16xf32>
      %broadcast_in_dim3A_398 = arith.constant 41 : i32
      %broadcast_in_dim3A_399 = vector.broadcast %broadcast_in_dim3A_398 : i32 to vector<16xi32>
      %gather3A_400 = tpu.vector_load_idx %arg11[%add3A_142, %broadcast_in_dim3A_399] : memref<128x128xf32, #tpu.memory_space<vmem>>[vector<16xi32>, vector<16xi32>], vector<16xf32>,
      %gather3A_401 = tpu.vector_load_idx %arg13[%add3A_142, %broadcast_in_dim3A_399] : memref<128x128xf32, #tpu.memory_space<vmem>>[vector<16xi32>, vector<16xi32>], vector<16xf32>,
      %mul3A_402 = arith.mulf %gather3A_400, %gather3A_401 : vector<16xf32>
      %add3A_403 = arith.addf %add3A_379, %mul3A_402 : vector<16xf32>
      %broadcast_in_dim3A_404 = arith.constant 42 : i32
      %broadcast_in_dim3A_405 = vector.broadcast %broadcast_in_dim3A_404 : i32 to vector<16xi32>
      %gather3A_406 = tpu.vector_load_idx %arg11[%add3A_142, %broadcast_in_dim3A_405] : memref<128x128xf32, #tpu.memory_space<vmem>>[vector<16xi32>, vector<16xi32>], vector<16xf32>,
      %gather3A_407 = tpu.vector_load_idx %arg13[%add3A_142, %broadcast_in_dim3A_405] : memref<128x128xf32, #tpu.memory_space<vmem>>[vector<16xi32>, vector<16xi32>], vector<16xf32>,
      %mul3A_408 = arith.mulf %gather3A_406, %gather3A_407 : vector<16xf32>
      %add3A_409 = arith.addf %add3A_385, %mul3A_408 : vector<16xf32>
      %broadcast_in_dim3A_410 = arith.constant 43 : i32
      %broadcast_in_dim3A_411 = vector.broadcast %broadcast_in_dim3A_410 : i32 to vector<16xi32>
      %gather3A_412 = tpu.vector_load_idx %arg11[%add3A_142, %broadcast_in_dim3A_411] : memref<128x128xf32, #tpu.memory_space<vmem>>[vector<16xi32>, vector<16xi32>], vector<16xf32>,
      %gather3A_413 = tpu.vector_load_idx %arg13[%add3A_142, %broadcast_in_dim3A_411] : memref<128x128xf32, #tpu.memory_space<vmem>>[vector<16xi32>, vector<16xi32>], vector<16xf32>,
      %mul3A_414 = arith.mulf %gather3A_412, %gather3A_413 : vector<16xf32>
      %add3A_415 = arith.addf %add3A_391, %mul3A_414 : vector<16xf32>
      %broadcast_in_dim3A_416 = arith.constant 44 : i32
      %broadcast_in_dim3A_417 = vector.broadcast %broadcast_in_dim3A_416 : i32 to vector<16xi32>
      %gather3A_418 = tpu.vector_load_idx %arg11[%add3A_142, %broadcast_in_dim3A_417] : memref<128x128xf32, #tpu.memory_space<vmem>>[vector<16xi32>, vector<16xi32>], vector<16xf32>,
      %gather3A_419 = tpu.vector_load_idx %arg13[%add3A_142, %broadcast_in_dim3A_417] : memref<128x128xf32, #tpu.memory_space<vmem>>[vector<16xi32>, vector<16xi32>], vector<16xf32>,
      %mul3A_420 = arith.mulf %gather3A_418, %gather3A_419 : vector<16xf32>
      %add3A_421 = arith.addf %add3A_397, %mul3A_420 : vector<16xf32>
      %broadcast_in_dim3A_422 = arith.constant 45 : i32
      %broadcast_in_dim3A_423 = vector.broadcast %broadcast_in_dim3A_422 : i32 to vector<16xi32>
      %gather3A_424 = tpu.vector_load_idx %arg11[%add3A_142, %broadcast_in_dim3A_423] : memref<128x128xf32, #tpu.memory_space<vmem>>[vector<16xi32>, vector<16xi32>], vector<16xf32>,
      %gather3A_425 = tpu.vector_load_idx %arg13[%add3A_142, %broadcast_in_dim3A_423] : memref<128x128xf32, #tpu.memory_space<vmem>>[vector<16xi32>, vector<16xi32>], vector<16xf32>,
      %mul3A_426 = arith.mulf %gather3A_424, %gather3A_425 : vector<16xf32>
      %add3A_427 = arith.addf %add3A_403, %mul3A_426 : vector<16xf32>
      %broadcast_in_dim3A_428 = arith.constant 46 : i32
      %broadcast_in_dim3A_429 = vector.broadcast %broadcast_in_dim3A_428 : i32 to vector<16xi32>
      %gather3A_430 = tpu.vector_load_idx %arg11[%add3A_142, %broadcast_in_dim3A_429] : memref<128x128xf32, #tpu.memory_space<vmem>>[vector<16xi32>, vector<16xi32>], vector<16xf32>,
      %gather3A_431 = tpu.vector_load_idx %arg13[%add3A_142, %broadcast_in_dim3A_429] : memref<128x128xf32, #tpu.memory_space<vmem>>[vector<16xi32>, vector<16xi32>], vector<16xf32>,
      %mul3A_432 = arith.mulf %gather3A_430, %gather3A_431 : vector<16xf32>
      %add3A_433 = arith.addf %add3A_409, %mul3A_432 : vector<16xf32>
      %broadcast_in_dim3A_434 = arith.constant 47 : i32
      %broadcast_in_dim3A_435 = vector.broadcast %broadcast_in_dim3A_434 : i32 to vector<16xi32>
      %gather3A_436 = tpu.vector_load_idx %arg11[%add3A_142, %broadcast_in_dim3A_435] : memref<128x128xf32, #tpu.memory_space<vmem>>[vector<16xi32>, vector<16xi32>], vector<16xf32>,
      %gather3A_437 = tpu.vector_load_idx %arg13[%add3A_142, %broadcast_in_dim3A_435] : memref<128x128xf32, #tpu.memory_space<vmem>>[vector<16xi32>, vector<16xi32>], vector<16xf32>,
      %mul3A_438 = arith.mulf %gather3A_436, %gather3A_437 : vector<16xf32>
      %add3A_439 = arith.addf %add3A_415, %mul3A_438 : vector<16xf32>
      %broadcast_in_dim3A_440 = arith.constant 48 : i32
      %broadcast_in_dim3A_441 = vector.broadcast %broadcast_in_dim3A_440 : i32 to vector<16xi32>
      %gather3A_442 = tpu.vector_load_idx %arg11[%add3A_142, %broadcast_in_dim3A_441] : memref<128x128xf32, #tpu.memory_space<vmem>>[vector<16xi32>, vector<16xi32>], vector<16xf32>,
      %gather3A_443 = tpu.vector_load_idx %arg13[%add3A_142, %broadcast_in_dim3A_441] : memref<128x128xf32, #tpu.memory_space<vmem>>[vector<16xi32>, vector<16xi32>], vector<16xf32>,
      %mul3A_444 = arith.mulf %gather3A_442, %gather3A_443 : vector<16xf32>
      %add3A_445 = arith.addf %add3A_421, %mul3A_444 : vector<16xf32>
      %broadcast_in_dim3A_446 = arith.constant 49 : i32
      %broadcast_in_dim3A_447 = vector.broadcast %broadcast_in_dim3A_446 : i32 to vector<16xi32>
      %gather3A_448 = tpu.vector_load_idx %arg11[%add3A_142, %broadcast_in_dim3A_447] : memref<128x128xf32, #tpu.memory_space<vmem>>[vector<16xi32>, vector<16xi32>], vector<16xf32>,
      %gather3A_449 = tpu.vector_load_idx %arg13[%add3A_142, %broadcast_in_dim3A_447] : memref<128x128xf32, #tpu.memory_space<vmem>>[vector<16xi32>, vector<16xi32>], vector<16xf32>,
      %mul3A_450 = arith.mulf %gather3A_448, %gather3A_449 : vector<16xf32>
      %add3A_451 = arith.addf %add3A_427, %mul3A_450 : vector<16xf32>
      %broadcast_in_dim3A_452 = arith.constant 50 : i32
      %broadcast_in_dim3A_453 = vector.broadcast %broadcast_in_dim3A_452 : i32 to vector<16xi32>
      %gather3A_454 = tpu.vector_load_idx %arg11[%add3A_142, %broadcast_in_dim3A_453] : memref<128x128xf32, #tpu.memory_space<vmem>>[vector<16xi32>, vector<16xi32>], vector<16xf32>,
      %gather3A_455 = tpu.vector_load_idx %arg13[%add3A_142, %broadcast_in_dim3A_453] : memref<128x128xf32, #tpu.memory_space<vmem>>[vector<16xi32>, vector<16xi32>], vector<16xf32>,
      %mul3A_456 = arith.mulf %gather3A_454, %gather3A_455 : vector<16xf32>
      %add3A_457 = arith.addf %add3A_433, %mul3A_456 : vector<16xf32>
      %broadcast_in_dim3A_458 = arith.constant 51 : i32
      %broadcast_in_dim3A_459 = vector.broadcast %broadcast_in_dim3A_458 : i32 to vector<16xi32>
      %gather3A_460 = tpu.vector_load_idx %arg11[%add3A_142, %broadcast_in_dim3A_459] : memref<128x128xf32, #tpu.memory_space<vmem>>[vector<16xi32>, vector<16xi32>], vector<16xf32>,
      %gather3A_461 = tpu.vector_load_idx %arg13[%add3A_142, %broadcast_in_dim3A_459] : memref<128x128xf32, #tpu.memory_space<vmem>>[vector<16xi32>, vector<16xi32>], vector<16xf32>,
      %mul3A_462 = arith.mulf %gather3A_460, %gather3A_461 : vector<16xf32>
      %add3A_463 = arith.addf %add3A_439, %mul3A_462 : vector<16xf32>
      %broadcast_in_dim3A_464 = arith.constant 52 : i32
      %broadcast_in_dim3A_465 = vector.broadcast %broadcast_in_dim3A_464 : i32 to vector<16xi32>
      %gather3A_466 = tpu.vector_load_idx %arg11[%add3A_142, %broadcast_in_dim3A_465] : memref<128x128xf32, #tpu.memory_space<vmem>>[vector<16xi32>, vector<16xi32>], vector<16xf32>,
      %gather3A_467 = tpu.vector_load_idx %arg13[%add3A_142, %broadcast_in_dim3A_465] : memref<128x128xf32, #tpu.memory_space<vmem>>[vector<16xi32>, vector<16xi32>], vector<16xf32>,
      %mul3A_468 = arith.mulf %gather3A_466, %gather3A_467 : vector<16xf32>
      %add3A_469 = arith.addf %add3A_445, %mul3A_468 : vector<16xf32>
      %broadcast_in_dim3A_470 = arith.constant 53 : i32
      %broadcast_in_dim3A_471 = vector.broadcast %broadcast_in_dim3A_470 : i32 to vector<16xi32>
      %gather3A_472 = tpu.vector_load_idx %arg11[%add3A_142, %broadcast_in_dim3A_471] : memref<128x128xf32, #tpu.memory_space<vmem>>[vector<16xi32>, vector<16xi32>], vector<16xf32>,
      %gather3A_473 = tpu.vector_load_idx %arg13[%add3A_142, %broadcast_in_dim3A_471] : memref<128x128xf32, #tpu.memory_space<vmem>>[vector<16xi32>, vector<16xi32>], vector<16xf32>,
      %mul3A_474 = arith.mulf %gather3A_472, %gather3A_473 : vector<16xf32>
      %add3A_475 = arith.addf %add3A_451, %mul3A_474 : vector<16xf32>
      %broadcast_in_dim3A_476 = arith.constant 54 : i32
      %broadcast_in_dim3A_477 = vector.broadcast %broadcast_in_dim3A_476 : i32 to vector<16xi32>
      %gather3A_478 = tpu.vector_load_idx %arg11[%add3A_142, %broadcast_in_dim3A_477] : memref<128x128xf32, #tpu.memory_space<vmem>>[vector<16xi32>, vector<16xi32>], vector<16xf32>,
      %gather3A_479 = tpu.vector_load_idx %arg13[%add3A_142, %broadcast_in_dim3A_477] : memref<128x128xf32, #tpu.memory_space<vmem>>[vector<16xi32>, vector<16xi32>], vector<16xf32>,
      %mul3A_480 = arith.mulf %gather3A_478, %gather3A_479 : vector<16xf32>
      %add3A_481 = arith.addf %add3A_457, %mul3A_480 : vector<16xf32>
      %broadcast_in_dim3A_482 = arith.constant 55 : i32
      %broadcast_in_dim3A_483 = vector.broadcast %broadcast_in_dim3A_482 : i32 to vector<16xi32>
      %gather3A_484 = tpu.vector_load_idx %arg11[%add3A_142, %broadcast_in_dim3A_483] : memref<128x128xf32, #tpu.memory_space<vmem>>[vector<16xi32>, vector<16xi32>], vector<16xf32>,
      %gather3A_485 = tpu.vector_load_idx %arg13[%add3A_142, %broadcast_in_dim3A_483] : memref<128x128xf32, #tpu.memory_space<vmem>>[vector<16xi32>, vector<16xi32>], vector<16xf32>,
      %mul3A_486 = arith.mulf %gather3A_484, %gather3A_485 : vector<16xf32>
      %add3A_487 = arith.addf %add3A_463, %mul3A_486 : vector<16xf32>
      %broadcast_in_dim3A_488 = arith.constant 56 : i32
      %broadcast_in_dim3A_489 = vector.broadcast %broadcast_in_dim3A_488 : i32 to vector<16xi32>
      %gather3A_490 = tpu.vector_load_idx %arg11[%add3A_142, %broadcast_in_dim3A_489] : memref<128x128xf32, #tpu.memory_space<vmem>>[vector<16xi32>, vector<16xi32>], vector<16xf32>,
      %gather3A_491 = tpu.vector_load_idx %arg13[%add3A_142, %broadcast_in_dim3A_489] : memref<128x128xf32, #tpu.memory_space<vmem>>[vector<16xi32>, vector<16xi32>], vector<16xf32>,
      %mul3A_492 = arith.mulf %gather3A_490, %gather3A_491 : vector<16xf32>
      %add3A_493 = arith.addf %add3A_469, %mul3A_492 : vector<16xf32>
      %broadcast_in_dim3A_494 = arith.constant 57 : i32
      %broadcast_in_dim3A_495 = vector.broadcast %broadcast_in_dim3A_494 : i32 to vector<16xi32>
      %gather3A_496 = tpu.vector_load_idx %arg11[%add3A_142, %broadcast_in_dim3A_495] : memref<128x128xf32, #tpu.memory_space<vmem>>[vector<16xi32>, vector<16xi32>], vector<16xf32>,
      %gather3A_497 = tpu.vector_load_idx %arg13[%add3A_142, %broadcast_in_dim3A_495] : memref<128x128xf32, #tpu.memory_space<vmem>>[vector<16xi32>, vector<16xi32>], vector<16xf32>,
      %mul3A_498 = arith.mulf %gather3A_496, %gather3A_497 : vector<16xf32>
      %add3A_499 = arith.addf %add3A_475, %mul3A_498 : vector<16xf32>
      %broadcast_in_dim3A_500 = arith.constant 58 : i32
      %broadcast_in_dim3A_501 = vector.broadcast %broadcast_in_dim3A_500 : i32 to vector<16xi32>
      %gather3A_502 = tpu.vector_load_idx %arg11[%add3A_142, %broadcast_in_dim3A_501] : memref<128x128xf32, #tpu.memory_space<vmem>>[vector<16xi32>, vector<16xi32>], vector<16xf32>,
      %gather3A_503 = tpu.vector_load_idx %arg13[%add3A_142, %broadcast_in_dim3A_501] : memref<128x128xf32, #tpu.memory_space<vmem>>[vector<16xi32>, vector<16xi32>], vector<16xf32>,
      %mul3A_504 = arith.mulf %gather3A_502, %gather3A_503 : vector<16xf32>
      %add3A_505 = arith.addf %add3A_481, %mul3A_504 : vector<16xf32>
      %broadcast_in_dim3A_506 = arith.constant 59 : i32
      %broadcast_in_dim3A_507 = vector.broadcast %broadcast_in_dim3A_506 : i32 to vector<16xi32>
      %gather3A_508 = tpu.vector_load_idx %arg11[%add3A_142, %broadcast_in_dim3A_507] : memref<128x128xf32, #tpu.memory_space<vmem>>[vector<16xi32>, vector<16xi32>], vector<16xf32>,
      %gather3A_509 = tpu.vector_load_idx %arg13[%add3A_142, %broadcast_in_dim3A_507] : memref<128x128xf32, #tpu.memory_space<vmem>>[vector<16xi32>, vector<16xi32>], vector<16xf32>,
      %mul3A_510 = arith.mulf %gather3A_508, %gather3A_509 : vector<16xf32>
      %add3A_511 = arith.addf %add3A_487, %mul3A_510 : vector<16xf32>
      %broadcast_in_dim3A_512 = arith.constant 60 : i32
      %broadcast_in_dim3A_513 = vector.broadcast %broadcast_in_dim3A_512 : i32 to vector<16xi32>
      %gather3A_514 = tpu.vector_load_idx %arg11[%add3A_142, %broadcast_in_dim3A_513] : memref<128x128xf32, #tpu.memory_space<vmem>>[vector<16xi32>, vector<16xi32>], vector<16xf32>,
      %gather3A_515 = tpu.vector_load_idx %arg13[%add3A_142, %broadcast_in_dim3A_513] : memref<128x128xf32, #tpu.memory_space<vmem>>[vector<16xi32>, vector<16xi32>], vector<16xf32>,
      %mul3A_516 = arith.mulf %gather3A_514, %gather3A_515 : vector<16xf32>
      %add3A_517 = arith.addf %add3A_493, %mul3A_516 : vector<16xf32>
      %broadcast_in_dim3A_518 = arith.constant 61 : i32
      %broadcast_in_dim3A_519 = vector.broadcast %broadcast_in_dim3A_518 : i32 to vector<16xi32>
      %gather3A_520 = tpu.vector_load_idx %arg11[%add3A_142, %broadcast_in_dim3A_519] : memref<128x128xf32, #tpu.memory_space<vmem>>[vector<16xi32>, vector<16xi32>], vector<16xf32>,
      %gather3A_521 = tpu.vector_load_idx %arg13[%add3A_142, %broadcast_in_dim3A_519] : memref<128x128xf32, #tpu.memory_space<vmem>>[vector<16xi32>, vector<16xi32>], vector<16xf32>,
      %mul3A_522 = arith.mulf %gather3A_520, %gather3A_521 : vector<16xf32>
      %add3A_523 = arith.addf %add3A_499, %mul3A_522 : vector<16xf32>
      %broadcast_in_dim3A_524 = arith.constant 62 : i32
      %broadcast_in_dim3A_525 = vector.broadcast %broadcast_in_dim3A_524 : i32 to vector<16xi32>
      %gather3A_526 = tpu.vector_load_idx %arg11[%add3A_142, %broadcast_in_dim3A_525] : memref<128x128xf32, #tpu.memory_space<vmem>>[vector<16xi32>, vector<16xi32>], vector<16xf32>,
      %gather3A_527 = tpu.vector_load_idx %arg13[%add3A_142, %broadcast_in_dim3A_525] : memref<128x128xf32, #tpu.memory_space<vmem>>[vector<16xi32>, vector<16xi32>], vector<16xf32>,
      %mul3A_528 = arith.mulf %gather3A_526, %gather3A_527 : vector<16xf32>
      %add3A_529 = arith.addf %add3A_505, %mul3A_528 : vector<16xf32>
      %broadcast_in_dim3A_530 = arith.constant 63 : i32
      %broadcast_in_dim3A_531 = vector.broadcast %broadcast_in_dim3A_530 : i32 to vector<16xi32>
      %gather3A_532 = tpu.vector_load_idx %arg11[%add3A_142, %broadcast_in_dim3A_531] : memref<128x128xf32, #tpu.memory_space<vmem>>[vector<16xi32>, vector<16xi32>], vector<16xf32>,
      %gather3A_533 = tpu.vector_load_idx %arg13[%add3A_142, %broadcast_in_dim3A_531] : memref<128x128xf32, #tpu.memory_space<vmem>>[vector<16xi32>, vector<16xi32>], vector<16xf32>,
      %mul3A_534 = arith.mulf %gather3A_532, %gather3A_533 : vector<16xf32>
      %add3A_535 = arith.addf %add3A_511, %mul3A_534 : vector<16xf32>
      %add3A_536 = arith.addf %add3A_517, %add3A_523 : vector<16xf32>
      %add3A_537 = arith.addf %add3A_529, %add3A_535 : vector<16xf32>
      %add3A_538 = arith.addf %add3A_536, %add3A_537 : vector<16xf32>
      %add3A_539 = arith.constant 128 : i32
      %add3A_540 = arith.addi %add3A_539, %mul3A_140 : i32
      %swap3A = arith.index_cast %add3A_540 : i32 to index
      %swap3A_541 = tpu.vector_load %arg15[%swap3A] {strides = array<i32>} : memref<512xf32, #tpu.memory_space<vmem>>, vector<16xf32>,
      tpu.vector_store %arg15[%swap3A], %add3A_538 {strides = array<i32>} : memref<512xf32, #tpu.memory_space<vmem>>, vector<16xf32>,
    }
    %scan3A_81 = arith.constant 8 : i32
    %dma_start3A_82 = arith.constant 3 : i32
    %dma_start3A_83 = arith.constant 0 : i32
    %dma_start3A_84 = tpu.memref_slice %arg8[%dma_start3A_82, %dma_start3A_83] : memref<4x128xi32, #tpu.memory_space<vmem>> -> memref<1x128xi32, #tpu.memory_space<vmem>>
    %dma_start3A_85 = tpu.memref_squeeze %dma_start3A_84 : memref<1x128xi32, #tpu.memory_space<vmem>> -> memref<128xi32, #tpu.memory_space<vmem>>
    %dma_start3A_86 = arith.constant 0 : i32
    %dma_start3A_87 = arith.constant 0 : i32
    %dma_start3A_88 = tpu.memref_slice %arg4[%dma_start3A_86, %dma_start3A_87] : memref<106496x128xf32, #tpu.memory_space<hbm>> -> memref<106496x128xf32, #tpu.memory_space<hbm>>
    tpu.enqueue_indirect_dma source(%dma_start3A_88 : memref<106496x128xf32, #tpu.memory_space<hbm>>) target(%arg11 : memref<128x128xf32, #tpu.memory_space<vmem>>) offsets(%dma_start3A_85 : memref<128xi32, #tpu.memory_space<vmem>>) semaphore(%arg17 : memref<!tpu.dma_semaphore, #tpu.memory_space<semaphore_mem>>)
    %dma_start3A_89 = arith.constant 3 : i32
    %dma_start3A_90 = arith.constant 0 : i32
    %dma_start3A_91 = tpu.memref_slice %arg9[%dma_start3A_89, %dma_start3A_90] : memref<4x128xi32, #tpu.memory_space<vmem>> -> memref<1x128xi32, #tpu.memory_space<vmem>>
    %dma_start3A_92 = tpu.memref_squeeze %dma_start3A_91 : memref<1x128xi32, #tpu.memory_space<vmem>> -> memref<128xi32, #tpu.memory_space<vmem>>
    %dma_start3A_93 = arith.constant 0 : i32
    %dma_start3A_94 = arith.constant 0 : i32
    %dma_start3A_95 = tpu.memref_slice %arg5[%dma_start3A_93, %dma_start3A_94] : memref<106496x128xf32, #tpu.memory_space<hbm>> -> memref<106496x128xf32, #tpu.memory_space<hbm>>
    tpu.enqueue_indirect_dma source(%dma_start3A_95 : memref<106496x128xf32, #tpu.memory_space<hbm>>) target(%arg13 : memref<128x128xf32, #tpu.memory_space<vmem>>) offsets(%dma_start3A_92 : memref<128xi32, #tpu.memory_space<vmem>>) semaphore(%arg17 : memref<!tpu.dma_semaphore, #tpu.memory_space<semaphore_mem>>)
    %dma_wait3A_96 = arith.constant 2 : i32
    %dma_wait3A_97 = arith.constant 0 : i32
    %dma_wait3A_98 = tpu.memref_slice %arg8[%dma_wait3A_96, %dma_wait3A_97] : memref<4x128xi32, #tpu.memory_space<vmem>> -> memref<1x128xi32, #tpu.memory_space<vmem>>
    %dma_wait3A_99 = tpu.memref_squeeze %dma_wait3A_98 : memref<1x128xi32, #tpu.memory_space<vmem>> -> memref<128xi32, #tpu.memory_space<vmem>>
    %dma_wait3A_100 = arith.constant 0 : i32
    %dma_wait3A_101 = arith.constant 0 : i32
    %dma_wait3A_102 = tpu.memref_slice %arg4[%dma_wait3A_100, %dma_wait3A_101] : memref<106496x128xf32, #tpu.memory_space<hbm>> -> memref<106496x128xf32, #tpu.memory_space<hbm>>
    tpu.wait_indirect_dma semaphore(%arg16 : memref<!tpu.dma_semaphore, #tpu.memory_space<semaphore_mem>>) src(%dma_wait3A_102 : memref<106496x128xf32, #tpu.memory_space<hbm>>) dst(%arg10 : memref<128x128xf32, #tpu.memory_space<vmem>>)
    %dma_wait3A_103 = arith.constant 2 : i32
    %dma_wait3A_104 = arith.constant 0 : i32
    %dma_wait3A_105 = tpu.memref_slice %arg9[%dma_wait3A_103, %dma_wait3A_104] : memref<4x128xi32, #tpu.memory_space<vmem>> -> memref<1x128xi32, #tpu.memory_space<vmem>>
    %dma_wait3A_106 = tpu.memref_squeeze %dma_wait3A_105 : memref<1x128xi32, #tpu.memory_space<vmem>> -> memref<128xi32, #tpu.memory_space<vmem>>
    %dma_wait3A_107 = arith.constant 0 : i32
    %dma_wait3A_108 = arith.constant 0 : i32
    %dma_wait3A_109 = tpu.memref_slice %arg5[%dma_wait3A_107, %dma_wait3A_108] : memref<106496x128xf32, #tpu.memory_space<hbm>> -> memref<106496x128xf32, #tpu.memory_space<hbm>>
    tpu.wait_indirect_dma semaphore(%arg16 : memref<!tpu.dma_semaphore, #tpu.memory_space<semaphore_mem>>) src(%dma_wait3A_109 : memref<106496x128xf32, #tpu.memory_space<hbm>>) dst(%arg12 : memref<128x128xf32, #tpu.memory_space<vmem>>)
    %scan3A_110 = arith.constant 0 : i32
    %scan3A_111 = arith.constant 0 : i32
    %scan3A_112 = arith.constant 8 : i32
    %scan3A_113 = arith.addi %scan3A_111, %scan3A_112 : i32
    %scan3A_114 = arith.constant 1 : i32
    scf.for %scan3A_138 = %scan3A_111 to %scan3A_113 step %scan3A_114  : i32 {
      %mul3A_139 = arith.constant 16 : i32
      %mul3A_140 = arith.muli %scan3A_138, %mul3A_139 : i32
      %add3A_141 = vector.broadcast %mul3A_140 : i32 to vector<16xi32>
      %add3A_142 = arith.addi %add3A_141, %iota3A : vector<16xi32>
      %gather3A = tpu.vector_load_idx %arg10[%add3A_142, %broadcast_in_dim3A_29] : memref<128x128xf32, #tpu.memory_space<vmem>>[vector<16xi32>, vector<16xi32>], vector<16xf32>,
      %add3A_143 = arith.addf %get3A_28, %gather3A : vector<16xf32>
      %gather3A_144 = tpu.vector_load_idx %arg12[%add3A_142, %broadcast_in_dim3A_29] : memref<128x128xf32, #tpu.memory_space<vmem>>[vector<16xi32>, vector<16xi32>], vector<16xf32>,
      %add3A_145 = arith.addf %add3A_143, %gather3A_144 : vector<16xf32>
      %broadcast_in_dim3A_146 = arith.constant 0.000000e+00 : f32
      %broadcast_in_dim3A_147 = vector.broadcast %broadcast_in_dim3A_146 : f32 to vector<16xf32>
      %broadcast_in_dim3A_148 = arith.constant 0.000000e+00 : f32
      %broadcast_in_dim3A_149 = vector.broadcast %broadcast_in_dim3A_148 : f32 to vector<16xf32>
      %broadcast_in_dim3A_150 = arith.constant 0.000000e+00 : f32
      %broadcast_in_dim3A_151 = vector.broadcast %broadcast_in_dim3A_150 : f32 to vector<16xf32>
      %broadcast_in_dim3A_152 = arith.constant 0 : i32
      %broadcast_in_dim3A_153 = vector.broadcast %broadcast_in_dim3A_152 : i32 to vector<16xi32>
      %gather3A_154 = tpu.vector_load_idx %arg10[%add3A_142, %broadcast_in_dim3A_153] : memref<128x128xf32, #tpu.memory_space<vmem>>[vector<16xi32>, vector<16xi32>], vector<16xf32>,
      %gather3A_155 = tpu.vector_load_idx %arg12[%add3A_142, %broadcast_in_dim3A_153] : memref<128x128xf32, #tpu.memory_space<vmem>>[vector<16xi32>, vector<16xi32>], vector<16xf32>,
      %mul3A_156 = arith.mulf %gather3A_154, %gather3A_155 : vector<16xf32>
      %add3A_157 = arith.addf %add3A_145, %mul3A_156 : vector<16xf32>
      %broadcast_in_dim3A_158 = arith.constant 1 : i32
      %broadcast_in_dim3A_159 = vector.broadcast %broadcast_in_dim3A_158 : i32 to vector<16xi32>
      %gather3A_160 = tpu.vector_load_idx %arg10[%add3A_142, %broadcast_in_dim3A_159] : memref<128x128xf32, #tpu.memory_space<vmem>>[vector<16xi32>, vector<16xi32>], vector<16xf32>,
      %gather3A_161 = tpu.vector_load_idx %arg12[%add3A_142, %broadcast_in_dim3A_159] : memref<128x128xf32, #tpu.memory_space<vmem>>[vector<16xi32>, vector<16xi32>], vector<16xf32>,
      %mul3A_162 = arith.mulf %gather3A_160, %gather3A_161 : vector<16xf32>
      %add3A_163 = arith.addf %broadcast_in_dim3A_147, %mul3A_162 : vector<16xf32>
      %broadcast_in_dim3A_164 = arith.constant 2 : i32
      %broadcast_in_dim3A_165 = vector.broadcast %broadcast_in_dim3A_164 : i32 to vector<16xi32>
      %gather3A_166 = tpu.vector_load_idx %arg10[%add3A_142, %broadcast_in_dim3A_165] : memref<128x128xf32, #tpu.memory_space<vmem>>[vector<16xi32>, vector<16xi32>], vector<16xf32>,
      %gather3A_167 = tpu.vector_load_idx %arg12[%add3A_142, %broadcast_in_dim3A_165] : memref<128x128xf32, #tpu.memory_space<vmem>>[vector<16xi32>, vector<16xi32>], vector<16xf32>,
      %mul3A_168 = arith.mulf %gather3A_166, %gather3A_167 : vector<16xf32>
      %add3A_169 = arith.addf %broadcast_in_dim3A_149, %mul3A_168 : vector<16xf32>
      %broadcast_in_dim3A_170 = arith.constant 3 : i32
      %broadcast_in_dim3A_171 = vector.broadcast %broadcast_in_dim3A_170 : i32 to vector<16xi32>
      %gather3A_172 = tpu.vector_load_idx %arg10[%add3A_142, %broadcast_in_dim3A_171] : memref<128x128xf32, #tpu.memory_space<vmem>>[vector<16xi32>, vector<16xi32>], vector<16xf32>,
      %gather3A_173 = tpu.vector_load_idx %arg12[%add3A_142, %broadcast_in_dim3A_171] : memref<128x128xf32, #tpu.memory_space<vmem>>[vector<16xi32>, vector<16xi32>], vector<16xf32>,
      %mul3A_174 = arith.mulf %gather3A_172, %gather3A_173 : vector<16xf32>
      %add3A_175 = arith.addf %broadcast_in_dim3A_151, %mul3A_174 : vector<16xf32>
      %broadcast_in_dim3A_176 = arith.constant 4 : i32
      %broadcast_in_dim3A_177 = vector.broadcast %broadcast_in_dim3A_176 : i32 to vector<16xi32>
      %gather3A_178 = tpu.vector_load_idx %arg10[%add3A_142, %broadcast_in_dim3A_177] : memref<128x128xf32, #tpu.memory_space<vmem>>[vector<16xi32>, vector<16xi32>], vector<16xf32>,
      %gather3A_179 = tpu.vector_load_idx %arg12[%add3A_142, %broadcast_in_dim3A_177] : memref<128x128xf32, #tpu.memory_space<vmem>>[vector<16xi32>, vector<16xi32>], vector<16xf32>,
      %mul3A_180 = arith.mulf %gather3A_178, %gather3A_179 : vector<16xf32>
      %add3A_181 = arith.addf %add3A_157, %mul3A_180 : vector<16xf32>
      %broadcast_in_dim3A_182 = arith.constant 5 : i32
      %broadcast_in_dim3A_183 = vector.broadcast %broadcast_in_dim3A_182 : i32 to vector<16xi32>
      %gather3A_184 = tpu.vector_load_idx %arg10[%add3A_142, %broadcast_in_dim3A_183] : memref<128x128xf32, #tpu.memory_space<vmem>>[vector<16xi32>, vector<16xi32>], vector<16xf32>,
      %gather3A_185 = tpu.vector_load_idx %arg12[%add3A_142, %broadcast_in_dim3A_183] : memref<128x128xf32, #tpu.memory_space<vmem>>[vector<16xi32>, vector<16xi32>], vector<16xf32>,
      %mul3A_186 = arith.mulf %gather3A_184, %gather3A_185 : vector<16xf32>
      %add3A_187 = arith.addf %add3A_163, %mul3A_186 : vector<16xf32>
      %broadcast_in_dim3A_188 = arith.constant 6 : i32
      %broadcast_in_dim3A_189 = vector.broadcast %broadcast_in_dim3A_188 : i32 to vector<16xi32>
      %gather3A_190 = tpu.vector_load_idx %arg10[%add3A_142, %broadcast_in_dim3A_189] : memref<128x128xf32, #tpu.memory_space<vmem>>[vector<16xi32>, vector<16xi32>], vector<16xf32>,
      %gather3A_191 = tpu.vector_load_idx %arg12[%add3A_142, %broadcast_in_dim3A_189] : memref<128x128xf32, #tpu.memory_space<vmem>>[vector<16xi32>, vector<16xi32>], vector<16xf32>,
      %mul3A_192 = arith.mulf %gather3A_190, %gather3A_191 : vector<16xf32>
      %add3A_193 = arith.addf %add3A_169, %mul3A_192 : vector<16xf32>
      %broadcast_in_dim3A_194 = arith.constant 7 : i32
      %broadcast_in_dim3A_195 = vector.broadcast %broadcast_in_dim3A_194 : i32 to vector<16xi32>
      %gather3A_196 = tpu.vector_load_idx %arg10[%add3A_142, %broadcast_in_dim3A_195] : memref<128x128xf32, #tpu.memory_space<vmem>>[vector<16xi32>, vector<16xi32>], vector<16xf32>,
      %gather3A_197 = tpu.vector_load_idx %arg12[%add3A_142, %broadcast_in_dim3A_195] : memref<128x128xf32, #tpu.memory_space<vmem>>[vector<16xi32>, vector<16xi32>], vector<16xf32>,
      %mul3A_198 = arith.mulf %gather3A_196, %gather3A_197 : vector<16xf32>
      %add3A_199 = arith.addf %add3A_175, %mul3A_198 : vector<16xf32>
      %broadcast_in_dim3A_200 = arith.constant 8 : i32
      %broadcast_in_dim3A_201 = vector.broadcast %broadcast_in_dim3A_200 : i32 to vector<16xi32>
      %gather3A_202 = tpu.vector_load_idx %arg10[%add3A_142, %broadcast_in_dim3A_201] : memref<128x128xf32, #tpu.memory_space<vmem>>[vector<16xi32>, vector<16xi32>], vector<16xf32>,
      %gather3A_203 = tpu.vector_load_idx %arg12[%add3A_142, %broadcast_in_dim3A_201] : memref<128x128xf32, #tpu.memory_space<vmem>>[vector<16xi32>, vector<16xi32>], vector<16xf32>,
      %mul3A_204 = arith.mulf %gather3A_202, %gather3A_203 : vector<16xf32>
      %add3A_205 = arith.addf %add3A_181, %mul3A_204 : vector<16xf32>
      %broadcast_in_dim3A_206 = arith.constant 9 : i32
      %broadcast_in_dim3A_207 = vector.broadcast %broadcast_in_dim3A_206 : i32 to vector<16xi32>
      %gather3A_208 = tpu.vector_load_idx %arg10[%add3A_142, %broadcast_in_dim3A_207] : memref<128x128xf32, #tpu.memory_space<vmem>>[vector<16xi32>, vector<16xi32>], vector<16xf32>,
      %gather3A_209 = tpu.vector_load_idx %arg12[%add3A_142, %broadcast_in_dim3A_207] : memref<128x128xf32, #tpu.memory_space<vmem>>[vector<16xi32>, vector<16xi32>], vector<16xf32>,
      %mul3A_210 = arith.mulf %gather3A_208, %gather3A_209 : vector<16xf32>
      %add3A_211 = arith.addf %add3A_187, %mul3A_210 : vector<16xf32>
      %broadcast_in_dim3A_212 = arith.constant 10 : i32
      %broadcast_in_dim3A_213 = vector.broadcast %broadcast_in_dim3A_212 : i32 to vector<16xi32>
      %gather3A_214 = tpu.vector_load_idx %arg10[%add3A_142, %broadcast_in_dim3A_213] : memref<128x128xf32, #tpu.memory_space<vmem>>[vector<16xi32>, vector<16xi32>], vector<16xf32>,
      %gather3A_215 = tpu.vector_load_idx %arg12[%add3A_142, %broadcast_in_dim3A_213] : memref<128x128xf32, #tpu.memory_space<vmem>>[vector<16xi32>, vector<16xi32>], vector<16xf32>,
      %mul3A_216 = arith.mulf %gather3A_214, %gather3A_215 : vector<16xf32>
      %add3A_217 = arith.addf %add3A_193, %mul3A_216 : vector<16xf32>
      %broadcast_in_dim3A_218 = arith.constant 11 : i32
      %broadcast_in_dim3A_219 = vector.broadcast %broadcast_in_dim3A_218 : i32 to vector<16xi32>
      %gather3A_220 = tpu.vector_load_idx %arg10[%add3A_142, %broadcast_in_dim3A_219] : memref<128x128xf32, #tpu.memory_space<vmem>>[vector<16xi32>, vector<16xi32>], vector<16xf32>,
      %gather3A_221 = tpu.vector_load_idx %arg12[%add3A_142, %broadcast_in_dim3A_219] : memref<128x128xf32, #tpu.memory_space<vmem>>[vector<16xi32>, vector<16xi32>], vector<16xf32>,
      %mul3A_222 = arith.mulf %gather3A_220, %gather3A_221 : vector<16xf32>
      %add3A_223 = arith.addf %add3A_199, %mul3A_222 : vector<16xf32>
      %broadcast_in_dim3A_224 = arith.constant 12 : i32
      %broadcast_in_dim3A_225 = vector.broadcast %broadcast_in_dim3A_224 : i32 to vector<16xi32>
      %gather3A_226 = tpu.vector_load_idx %arg10[%add3A_142, %broadcast_in_dim3A_225] : memref<128x128xf32, #tpu.memory_space<vmem>>[vector<16xi32>, vector<16xi32>], vector<16xf32>,
      %gather3A_227 = tpu.vector_load_idx %arg12[%add3A_142, %broadcast_in_dim3A_225] : memref<128x128xf32, #tpu.memory_space<vmem>>[vector<16xi32>, vector<16xi32>], vector<16xf32>,
      %mul3A_228 = arith.mulf %gather3A_226, %gather3A_227 : vector<16xf32>
      %add3A_229 = arith.addf %add3A_205, %mul3A_228 : vector<16xf32>
      %broadcast_in_dim3A_230 = arith.constant 13 : i32
      %broadcast_in_dim3A_231 = vector.broadcast %broadcast_in_dim3A_230 : i32 to vector<16xi32>
      %gather3A_232 = tpu.vector_load_idx %arg10[%add3A_142, %broadcast_in_dim3A_231] : memref<128x128xf32, #tpu.memory_space<vmem>>[vector<16xi32>, vector<16xi32>], vector<16xf32>,
      %gather3A_233 = tpu.vector_load_idx %arg12[%add3A_142, %broadcast_in_dim3A_231] : memref<128x128xf32, #tpu.memory_space<vmem>>[vector<16xi32>, vector<16xi32>], vector<16xf32>,
      %mul3A_234 = arith.mulf %gather3A_232, %gather3A_233 : vector<16xf32>
      %add3A_235 = arith.addf %add3A_211, %mul3A_234 : vector<16xf32>
      %broadcast_in_dim3A_236 = arith.constant 14 : i32
      %broadcast_in_dim3A_237 = vector.broadcast %broadcast_in_dim3A_236 : i32 to vector<16xi32>
      %gather3A_238 = tpu.vector_load_idx %arg10[%add3A_142, %broadcast_in_dim3A_237] : memref<128x128xf32, #tpu.memory_space<vmem>>[vector<16xi32>, vector<16xi32>], vector<16xf32>,
      %gather3A_239 = tpu.vector_load_idx %arg12[%add3A_142, %broadcast_in_dim3A_237] : memref<128x128xf32, #tpu.memory_space<vmem>>[vector<16xi32>, vector<16xi32>], vector<16xf32>,
      %mul3A_240 = arith.mulf %gather3A_238, %gather3A_239 : vector<16xf32>
      %add3A_241 = arith.addf %add3A_217, %mul3A_240 : vector<16xf32>
      %broadcast_in_dim3A_242 = arith.constant 15 : i32
      %broadcast_in_dim3A_243 = vector.broadcast %broadcast_in_dim3A_242 : i32 to vector<16xi32>
      %gather3A_244 = tpu.vector_load_idx %arg10[%add3A_142, %broadcast_in_dim3A_243] : memref<128x128xf32, #tpu.memory_space<vmem>>[vector<16xi32>, vector<16xi32>], vector<16xf32>,
      %gather3A_245 = tpu.vector_load_idx %arg12[%add3A_142, %broadcast_in_dim3A_243] : memref<128x128xf32, #tpu.memory_space<vmem>>[vector<16xi32>, vector<16xi32>], vector<16xf32>,
      %mul3A_246 = arith.mulf %gather3A_244, %gather3A_245 : vector<16xf32>
      %add3A_247 = arith.addf %add3A_223, %mul3A_246 : vector<16xf32>
      %broadcast_in_dim3A_248 = arith.constant 16 : i32
      %broadcast_in_dim3A_249 = vector.broadcast %broadcast_in_dim3A_248 : i32 to vector<16xi32>
      %gather3A_250 = tpu.vector_load_idx %arg10[%add3A_142, %broadcast_in_dim3A_249] : memref<128x128xf32, #tpu.memory_space<vmem>>[vector<16xi32>, vector<16xi32>], vector<16xf32>,
      %gather3A_251 = tpu.vector_load_idx %arg12[%add3A_142, %broadcast_in_dim3A_249] : memref<128x128xf32, #tpu.memory_space<vmem>>[vector<16xi32>, vector<16xi32>], vector<16xf32>,
      %mul3A_252 = arith.mulf %gather3A_250, %gather3A_251 : vector<16xf32>
      %add3A_253 = arith.addf %add3A_229, %mul3A_252 : vector<16xf32>
      %broadcast_in_dim3A_254 = arith.constant 17 : i32
      %broadcast_in_dim3A_255 = vector.broadcast %broadcast_in_dim3A_254 : i32 to vector<16xi32>
      %gather3A_256 = tpu.vector_load_idx %arg10[%add3A_142, %broadcast_in_dim3A_255] : memref<128x128xf32, #tpu.memory_space<vmem>>[vector<16xi32>, vector<16xi32>], vector<16xf32>,
      %gather3A_257 = tpu.vector_load_idx %arg12[%add3A_142, %broadcast_in_dim3A_255] : memref<128x128xf32, #tpu.memory_space<vmem>>[vector<16xi32>, vector<16xi32>], vector<16xf32>,
      %mul3A_258 = arith.mulf %gather3A_256, %gather3A_257 : vector<16xf32>
      %add3A_259 = arith.addf %add3A_235, %mul3A_258 : vector<16xf32>
      %broadcast_in_dim3A_260 = arith.constant 18 : i32
      %broadcast_in_dim3A_261 = vector.broadcast %broadcast_in_dim3A_260 : i32 to vector<16xi32>
      %gather3A_262 = tpu.vector_load_idx %arg10[%add3A_142, %broadcast_in_dim3A_261] : memref<128x128xf32, #tpu.memory_space<vmem>>[vector<16xi32>, vector<16xi32>], vector<16xf32>,
      %gather3A_263 = tpu.vector_load_idx %arg12[%add3A_142, %broadcast_in_dim3A_261] : memref<128x128xf32, #tpu.memory_space<vmem>>[vector<16xi32>, vector<16xi32>], vector<16xf32>,
      %mul3A_264 = arith.mulf %gather3A_262, %gather3A_263 : vector<16xf32>
      %add3A_265 = arith.addf %add3A_241, %mul3A_264 : vector<16xf32>
      %broadcast_in_dim3A_266 = arith.constant 19 : i32
      %broadcast_in_dim3A_267 = vector.broadcast %broadcast_in_dim3A_266 : i32 to vector<16xi32>
      %gather3A_268 = tpu.vector_load_idx %arg10[%add3A_142, %broadcast_in_dim3A_267] : memref<128x128xf32, #tpu.memory_space<vmem>>[vector<16xi32>, vector<16xi32>], vector<16xf32>,
      %gather3A_269 = tpu.vector_load_idx %arg12[%add3A_142, %broadcast_in_dim3A_267] : memref<128x128xf32, #tpu.memory_space<vmem>>[vector<16xi32>, vector<16xi32>], vector<16xf32>,
      %mul3A_270 = arith.mulf %gather3A_268, %gather3A_269 : vector<16xf32>
      %add3A_271 = arith.addf %add3A_247, %mul3A_270 : vector<16xf32>
      %broadcast_in_dim3A_272 = arith.constant 20 : i32
      %broadcast_in_dim3A_273 = vector.broadcast %broadcast_in_dim3A_272 : i32 to vector<16xi32>
      %gather3A_274 = tpu.vector_load_idx %arg10[%add3A_142, %broadcast_in_dim3A_273] : memref<128x128xf32, #tpu.memory_space<vmem>>[vector<16xi32>, vector<16xi32>], vector<16xf32>,
      %gather3A_275 = tpu.vector_load_idx %arg12[%add3A_142, %broadcast_in_dim3A_273] : memref<128x128xf32, #tpu.memory_space<vmem>>[vector<16xi32>, vector<16xi32>], vector<16xf32>,
      %mul3A_276 = arith.mulf %gather3A_274, %gather3A_275 : vector<16xf32>
      %add3A_277 = arith.addf %add3A_253, %mul3A_276 : vector<16xf32>
      %broadcast_in_dim3A_278 = arith.constant 21 : i32
      %broadcast_in_dim3A_279 = vector.broadcast %broadcast_in_dim3A_278 : i32 to vector<16xi32>
      %gather3A_280 = tpu.vector_load_idx %arg10[%add3A_142, %broadcast_in_dim3A_279] : memref<128x128xf32, #tpu.memory_space<vmem>>[vector<16xi32>, vector<16xi32>], vector<16xf32>,
      %gather3A_281 = tpu.vector_load_idx %arg12[%add3A_142, %broadcast_in_dim3A_279] : memref<128x128xf32, #tpu.memory_space<vmem>>[vector<16xi32>, vector<16xi32>], vector<16xf32>,
      %mul3A_282 = arith.mulf %gather3A_280, %gather3A_281 : vector<16xf32>
      %add3A_283 = arith.addf %add3A_259, %mul3A_282 : vector<16xf32>
      %broadcast_in_dim3A_284 = arith.constant 22 : i32
      %broadcast_in_dim3A_285 = vector.broadcast %broadcast_in_dim3A_284 : i32 to vector<16xi32>
      %gather3A_286 = tpu.vector_load_idx %arg10[%add3A_142, %broadcast_in_dim3A_285] : memref<128x128xf32, #tpu.memory_space<vmem>>[vector<16xi32>, vector<16xi32>], vector<16xf32>,
      %gather3A_287 = tpu.vector_load_idx %arg12[%add3A_142, %broadcast_in_dim3A_285] : memref<128x128xf32, #tpu.memory_space<vmem>>[vector<16xi32>, vector<16xi32>], vector<16xf32>,
      %mul3A_288 = arith.mulf %gather3A_286, %gather3A_287 : vector<16xf32>
      %add3A_289 = arith.addf %add3A_265, %mul3A_288 : vector<16xf32>
      %broadcast_in_dim3A_290 = arith.constant 23 : i32
      %broadcast_in_dim3A_291 = vector.broadcast %broadcast_in_dim3A_290 : i32 to vector<16xi32>
      %gather3A_292 = tpu.vector_load_idx %arg10[%add3A_142, %broadcast_in_dim3A_291] : memref<128x128xf32, #tpu.memory_space<vmem>>[vector<16xi32>, vector<16xi32>], vector<16xf32>,
      %gather3A_293 = tpu.vector_load_idx %arg12[%add3A_142, %broadcast_in_dim3A_291] : memref<128x128xf32, #tpu.memory_space<vmem>>[vector<16xi32>, vector<16xi32>], vector<16xf32>,
      %mul3A_294 = arith.mulf %gather3A_292, %gather3A_293 : vector<16xf32>
      %add3A_295 = arith.addf %add3A_271, %mul3A_294 : vector<16xf32>
      %broadcast_in_dim3A_296 = arith.constant 24 : i32
      %broadcast_in_dim3A_297 = vector.broadcast %broadcast_in_dim3A_296 : i32 to vector<16xi32>
      %gather3A_298 = tpu.vector_load_idx %arg10[%add3A_142, %broadcast_in_dim3A_297] : memref<128x128xf32, #tpu.memory_space<vmem>>[vector<16xi32>, vector<16xi32>], vector<16xf32>,
      %gather3A_299 = tpu.vector_load_idx %arg12[%add3A_142, %broadcast_in_dim3A_297] : memref<128x128xf32, #tpu.memory_space<vmem>>[vector<16xi32>, vector<16xi32>], vector<16xf32>,
      %mul3A_300 = arith.mulf %gather3A_298, %gather3A_299 : vector<16xf32>
      %add3A_301 = arith.addf %add3A_277, %mul3A_300 : vector<16xf32>
      %broadcast_in_dim3A_302 = arith.constant 25 : i32
      %broadcast_in_dim3A_303 = vector.broadcast %broadcast_in_dim3A_302 : i32 to vector<16xi32>
      %gather3A_304 = tpu.vector_load_idx %arg10[%add3A_142, %broadcast_in_dim3A_303] : memref<128x128xf32, #tpu.memory_space<vmem>>[vector<16xi32>, vector<16xi32>], vector<16xf32>,
      %gather3A_305 = tpu.vector_load_idx %arg12[%add3A_142, %broadcast_in_dim3A_303] : memref<128x128xf32, #tpu.memory_space<vmem>>[vector<16xi32>, vector<16xi32>], vector<16xf32>,
      %mul3A_306 = arith.mulf %gather3A_304, %gather3A_305 : vector<16xf32>
      %add3A_307 = arith.addf %add3A_283, %mul3A_306 : vector<16xf32>
      %broadcast_in_dim3A_308 = arith.constant 26 : i32
      %broadcast_in_dim3A_309 = vector.broadcast %broadcast_in_dim3A_308 : i32 to vector<16xi32>
      %gather3A_310 = tpu.vector_load_idx %arg10[%add3A_142, %broadcast_in_dim3A_309] : memref<128x128xf32, #tpu.memory_space<vmem>>[vector<16xi32>, vector<16xi32>], vector<16xf32>,
      %gather3A_311 = tpu.vector_load_idx %arg12[%add3A_142, %broadcast_in_dim3A_309] : memref<128x128xf32, #tpu.memory_space<vmem>>[vector<16xi32>, vector<16xi32>], vector<16xf32>,
      %mul3A_312 = arith.mulf %gather3A_310, %gather3A_311 : vector<16xf32>
      %add3A_313 = arith.addf %add3A_289, %mul3A_312 : vector<16xf32>
      %broadcast_in_dim3A_314 = arith.constant 27 : i32
      %broadcast_in_dim3A_315 = vector.broadcast %broadcast_in_dim3A_314 : i32 to vector<16xi32>
      %gather3A_316 = tpu.vector_load_idx %arg10[%add3A_142, %broadcast_in_dim3A_315] : memref<128x128xf32, #tpu.memory_space<vmem>>[vector<16xi32>, vector<16xi32>], vector<16xf32>,
      %gather3A_317 = tpu.vector_load_idx %arg12[%add3A_142, %broadcast_in_dim3A_315] : memref<128x128xf32, #tpu.memory_space<vmem>>[vector<16xi32>, vector<16xi32>], vector<16xf32>,
      %mul3A_318 = arith.mulf %gather3A_316, %gather3A_317 : vector<16xf32>
      %add3A_319 = arith.addf %add3A_295, %mul3A_318 : vector<16xf32>
      %broadcast_in_dim3A_320 = arith.constant 28 : i32
      %broadcast_in_dim3A_321 = vector.broadcast %broadcast_in_dim3A_320 : i32 to vector<16xi32>
      %gather3A_322 = tpu.vector_load_idx %arg10[%add3A_142, %broadcast_in_dim3A_321] : memref<128x128xf32, #tpu.memory_space<vmem>>[vector<16xi32>, vector<16xi32>], vector<16xf32>,
      %gather3A_323 = tpu.vector_load_idx %arg12[%add3A_142, %broadcast_in_dim3A_321] : memref<128x128xf32, #tpu.memory_space<vmem>>[vector<16xi32>, vector<16xi32>], vector<16xf32>,
      %mul3A_324 = arith.mulf %gather3A_322, %gather3A_323 : vector<16xf32>
      %add3A_325 = arith.addf %add3A_301, %mul3A_324 : vector<16xf32>
      %broadcast_in_dim3A_326 = arith.constant 29 : i32
      %broadcast_in_dim3A_327 = vector.broadcast %broadcast_in_dim3A_326 : i32 to vector<16xi32>
      %gather3A_328 = tpu.vector_load_idx %arg10[%add3A_142, %broadcast_in_dim3A_327] : memref<128x128xf32, #tpu.memory_space<vmem>>[vector<16xi32>, vector<16xi32>], vector<16xf32>,
      %gather3A_329 = tpu.vector_load_idx %arg12[%add3A_142, %broadcast_in_dim3A_327] : memref<128x128xf32, #tpu.memory_space<vmem>>[vector<16xi32>, vector<16xi32>], vector<16xf32>,
      %mul3A_330 = arith.mulf %gather3A_328, %gather3A_329 : vector<16xf32>
      %add3A_331 = arith.addf %add3A_307, %mul3A_330 : vector<16xf32>
      %broadcast_in_dim3A_332 = arith.constant 30 : i32
      %broadcast_in_dim3A_333 = vector.broadcast %broadcast_in_dim3A_332 : i32 to vector<16xi32>
      %gather3A_334 = tpu.vector_load_idx %arg10[%add3A_142, %broadcast_in_dim3A_333] : memref<128x128xf32, #tpu.memory_space<vmem>>[vector<16xi32>, vector<16xi32>], vector<16xf32>,
      %gather3A_335 = tpu.vector_load_idx %arg12[%add3A_142, %broadcast_in_dim3A_333] : memref<128x128xf32, #tpu.memory_space<vmem>>[vector<16xi32>, vector<16xi32>], vector<16xf32>,
      %mul3A_336 = arith.mulf %gather3A_334, %gather3A_335 : vector<16xf32>
      %add3A_337 = arith.addf %add3A_313, %mul3A_336 : vector<16xf32>
      %broadcast_in_dim3A_338 = arith.constant 31 : i32
      %broadcast_in_dim3A_339 = vector.broadcast %broadcast_in_dim3A_338 : i32 to vector<16xi32>
      %gather3A_340 = tpu.vector_load_idx %arg10[%add3A_142, %broadcast_in_dim3A_339] : memref<128x128xf32, #tpu.memory_space<vmem>>[vector<16xi32>, vector<16xi32>], vector<16xf32>,
      %gather3A_341 = tpu.vector_load_idx %arg12[%add3A_142, %broadcast_in_dim3A_339] : memref<128x128xf32, #tpu.memory_space<vmem>>[vector<16xi32>, vector<16xi32>], vector<16xf32>,
      %mul3A_342 = arith.mulf %gather3A_340, %gather3A_341 : vector<16xf32>
      %add3A_343 = arith.addf %add3A_319, %mul3A_342 : vector<16xf32>
      %broadcast_in_dim3A_344 = arith.constant 32 : i32
      %broadcast_in_dim3A_345 = vector.broadcast %broadcast_in_dim3A_344 : i32 to vector<16xi32>
      %gather3A_346 = tpu.vector_load_idx %arg10[%add3A_142, %broadcast_in_dim3A_345] : memref<128x128xf32, #tpu.memory_space<vmem>>[vector<16xi32>, vector<16xi32>], vector<16xf32>,
      %gather3A_347 = tpu.vector_load_idx %arg12[%add3A_142, %broadcast_in_dim3A_345] : memref<128x128xf32, #tpu.memory_space<vmem>>[vector<16xi32>, vector<16xi32>], vector<16xf32>,
      %mul3A_348 = arith.mulf %gather3A_346, %gather3A_347 : vector<16xf32>
      %add3A_349 = arith.addf %add3A_325, %mul3A_348 : vector<16xf32>
      %broadcast_in_dim3A_350 = arith.constant 33 : i32
      %broadcast_in_dim3A_351 = vector.broadcast %broadcast_in_dim3A_350 : i32 to vector<16xi32>
      %gather3A_352 = tpu.vector_load_idx %arg10[%add3A_142, %broadcast_in_dim3A_351] : memref<128x128xf32, #tpu.memory_space<vmem>>[vector<16xi32>, vector<16xi32>], vector<16xf32>,
      %gather3A_353 = tpu.vector_load_idx %arg12[%add3A_142, %broadcast_in_dim3A_351] : memref<128x128xf32, #tpu.memory_space<vmem>>[vector<16xi32>, vector<16xi32>], vector<16xf32>,
      %mul3A_354 = arith.mulf %gather3A_352, %gather3A_353 : vector<16xf32>
      %add3A_355 = arith.addf %add3A_331, %mul3A_354 : vector<16xf32>
      %broadcast_in_dim3A_356 = arith.constant 34 : i32
      %broadcast_in_dim3A_357 = vector.broadcast %broadcast_in_dim3A_356 : i32 to vector<16xi32>
      %gather3A_358 = tpu.vector_load_idx %arg10[%add3A_142, %broadcast_in_dim3A_357] : memref<128x128xf32, #tpu.memory_space<vmem>>[vector<16xi32>, vector<16xi32>], vector<16xf32>,
      %gather3A_359 = tpu.vector_load_idx %arg12[%add3A_142, %broadcast_in_dim3A_357] : memref<128x128xf32, #tpu.memory_space<vmem>>[vector<16xi32>, vector<16xi32>], vector<16xf32>,
      %mul3A_360 = arith.mulf %gather3A_358, %gather3A_359 : vector<16xf32>
      %add3A_361 = arith.addf %add3A_337, %mul3A_360 : vector<16xf32>
      %broadcast_in_dim3A_362 = arith.constant 35 : i32
      %broadcast_in_dim3A_363 = vector.broadcast %broadcast_in_dim3A_362 : i32 to vector<16xi32>
      %gather3A_364 = tpu.vector_load_idx %arg10[%add3A_142, %broadcast_in_dim3A_363] : memref<128x128xf32, #tpu.memory_space<vmem>>[vector<16xi32>, vector<16xi32>], vector<16xf32>,
      %gather3A_365 = tpu.vector_load_idx %arg12[%add3A_142, %broadcast_in_dim3A_363] : memref<128x128xf32, #tpu.memory_space<vmem>>[vector<16xi32>, vector<16xi32>], vector<16xf32>,
      %mul3A_366 = arith.mulf %gather3A_364, %gather3A_365 : vector<16xf32>
      %add3A_367 = arith.addf %add3A_343, %mul3A_366 : vector<16xf32>
      %broadcast_in_dim3A_368 = arith.constant 36 : i32
      %broadcast_in_dim3A_369 = vector.broadcast %broadcast_in_dim3A_368 : i32 to vector<16xi32>
      %gather3A_370 = tpu.vector_load_idx %arg10[%add3A_142, %broadcast_in_dim3A_369] : memref<128x128xf32, #tpu.memory_space<vmem>>[vector<16xi32>, vector<16xi32>], vector<16xf32>,
      %gather3A_371 = tpu.vector_load_idx %arg12[%add3A_142, %broadcast_in_dim3A_369] : memref<128x128xf32, #tpu.memory_space<vmem>>[vector<16xi32>, vector<16xi32>], vector<16xf32>,
      %mul3A_372 = arith.mulf %gather3A_370, %gather3A_371 : vector<16xf32>
      %add3A_373 = arith.addf %add3A_349, %mul3A_372 : vector<16xf32>
      %broadcast_in_dim3A_374 = arith.constant 37 : i32
      %broadcast_in_dim3A_375 = vector.broadcast %broadcast_in_dim3A_374 : i32 to vector<16xi32>
      %gather3A_376 = tpu.vector_load_idx %arg10[%add3A_142, %broadcast_in_dim3A_375] : memref<128x128xf32, #tpu.memory_space<vmem>>[vector<16xi32>, vector<16xi32>], vector<16xf32>,
      %gather3A_377 = tpu.vector_load_idx %arg12[%add3A_142, %broadcast_in_dim3A_375] : memref<128x128xf32, #tpu.memory_space<vmem>>[vector<16xi32>, vector<16xi32>], vector<16xf32>,
      %mul3A_378 = arith.mulf %gather3A_376, %gather3A_377 : vector<16xf32>
      %add3A_379 = arith.addf %add3A_355, %mul3A_378 : vector<16xf32>
      %broadcast_in_dim3A_380 = arith.constant 38 : i32
      %broadcast_in_dim3A_381 = vector.broadcast %broadcast_in_dim3A_380 : i32 to vector<16xi32>
      %gather3A_382 = tpu.vector_load_idx %arg10[%add3A_142, %broadcast_in_dim3A_381] : memref<128x128xf32, #tpu.memory_space<vmem>>[vector<16xi32>, vector<16xi32>], vector<16xf32>,
      %gather3A_383 = tpu.vector_load_idx %arg12[%add3A_142, %broadcast_in_dim3A_381] : memref<128x128xf32, #tpu.memory_space<vmem>>[vector<16xi32>, vector<16xi32>], vector<16xf32>,
      %mul3A_384 = arith.mulf %gather3A_382, %gather3A_383 : vector<16xf32>
      %add3A_385 = arith.addf %add3A_361, %mul3A_384 : vector<16xf32>
      %broadcast_in_dim3A_386 = arith.constant 39 : i32
      %broadcast_in_dim3A_387 = vector.broadcast %broadcast_in_dim3A_386 : i32 to vector<16xi32>
      %gather3A_388 = tpu.vector_load_idx %arg10[%add3A_142, %broadcast_in_dim3A_387] : memref<128x128xf32, #tpu.memory_space<vmem>>[vector<16xi32>, vector<16xi32>], vector<16xf32>,
      %gather3A_389 = tpu.vector_load_idx %arg12[%add3A_142, %broadcast_in_dim3A_387] : memref<128x128xf32, #tpu.memory_space<vmem>>[vector<16xi32>, vector<16xi32>], vector<16xf32>,
      %mul3A_390 = arith.mulf %gather3A_388, %gather3A_389 : vector<16xf32>
      %add3A_391 = arith.addf %add3A_367, %mul3A_390 : vector<16xf32>
      %broadcast_in_dim3A_392 = arith.constant 40 : i32
      %broadcast_in_dim3A_393 = vector.broadcast %broadcast_in_dim3A_392 : i32 to vector<16xi32>
      %gather3A_394 = tpu.vector_load_idx %arg10[%add3A_142, %broadcast_in_dim3A_393] : memref<128x128xf32, #tpu.memory_space<vmem>>[vector<16xi32>, vector<16xi32>], vector<16xf32>,
      %gather3A_395 = tpu.vector_load_idx %arg12[%add3A_142, %broadcast_in_dim3A_393] : memref<128x128xf32, #tpu.memory_space<vmem>>[vector<16xi32>, vector<16xi32>], vector<16xf32>,
      %mul3A_396 = arith.mulf %gather3A_394, %gather3A_395 : vector<16xf32>
      %add3A_397 = arith.addf %add3A_373, %mul3A_396 : vector<16xf32>
      %broadcast_in_dim3A_398 = arith.constant 41 : i32
      %broadcast_in_dim3A_399 = vector.broadcast %broadcast_in_dim3A_398 : i32 to vector<16xi32>
      %gather3A_400 = tpu.vector_load_idx %arg10[%add3A_142, %broadcast_in_dim3A_399] : memref<128x128xf32, #tpu.memory_space<vmem>>[vector<16xi32>, vector<16xi32>], vector<16xf32>,
      %gather3A_401 = tpu.vector_load_idx %arg12[%add3A_142, %broadcast_in_dim3A_399] : memref<128x128xf32, #tpu.memory_space<vmem>>[vector<16xi32>, vector<16xi32>], vector<16xf32>,
      %mul3A_402 = arith.mulf %gather3A_400, %gather3A_401 : vector<16xf32>
      %add3A_403 = arith.addf %add3A_379, %mul3A_402 : vector<16xf32>
      %broadcast_in_dim3A_404 = arith.constant 42 : i32
      %broadcast_in_dim3A_405 = vector.broadcast %broadcast_in_dim3A_404 : i32 to vector<16xi32>
      %gather3A_406 = tpu.vector_load_idx %arg10[%add3A_142, %broadcast_in_dim3A_405] : memref<128x128xf32, #tpu.memory_space<vmem>>[vector<16xi32>, vector<16xi32>], vector<16xf32>,
      %gather3A_407 = tpu.vector_load_idx %arg12[%add3A_142, %broadcast_in_dim3A_405] : memref<128x128xf32, #tpu.memory_space<vmem>>[vector<16xi32>, vector<16xi32>], vector<16xf32>,
      %mul3A_408 = arith.mulf %gather3A_406, %gather3A_407 : vector<16xf32>
      %add3A_409 = arith.addf %add3A_385, %mul3A_408 : vector<16xf32>
      %broadcast_in_dim3A_410 = arith.constant 43 : i32
      %broadcast_in_dim3A_411 = vector.broadcast %broadcast_in_dim3A_410 : i32 to vector<16xi32>
      %gather3A_412 = tpu.vector_load_idx %arg10[%add3A_142, %broadcast_in_dim3A_411] : memref<128x128xf32, #tpu.memory_space<vmem>>[vector<16xi32>, vector<16xi32>], vector<16xf32>,
      %gather3A_413 = tpu.vector_load_idx %arg12[%add3A_142, %broadcast_in_dim3A_411] : memref<128x128xf32, #tpu.memory_space<vmem>>[vector<16xi32>, vector<16xi32>], vector<16xf32>,
      %mul3A_414 = arith.mulf %gather3A_412, %gather3A_413 : vector<16xf32>
      %add3A_415 = arith.addf %add3A_391, %mul3A_414 : vector<16xf32>
      %broadcast_in_dim3A_416 = arith.constant 44 : i32
      %broadcast_in_dim3A_417 = vector.broadcast %broadcast_in_dim3A_416 : i32 to vector<16xi32>
      %gather3A_418 = tpu.vector_load_idx %arg10[%add3A_142, %broadcast_in_dim3A_417] : memref<128x128xf32, #tpu.memory_space<vmem>>[vector<16xi32>, vector<16xi32>], vector<16xf32>,
      %gather3A_419 = tpu.vector_load_idx %arg12[%add3A_142, %broadcast_in_dim3A_417] : memref<128x128xf32, #tpu.memory_space<vmem>>[vector<16xi32>, vector<16xi32>], vector<16xf32>,
      %mul3A_420 = arith.mulf %gather3A_418, %gather3A_419 : vector<16xf32>
      %add3A_421 = arith.addf %add3A_397, %mul3A_420 : vector<16xf32>
      %broadcast_in_dim3A_422 = arith.constant 45 : i32
      %broadcast_in_dim3A_423 = vector.broadcast %broadcast_in_dim3A_422 : i32 to vector<16xi32>
      %gather3A_424 = tpu.vector_load_idx %arg10[%add3A_142, %broadcast_in_dim3A_423] : memref<128x128xf32, #tpu.memory_space<vmem>>[vector<16xi32>, vector<16xi32>], vector<16xf32>,
      %gather3A_425 = tpu.vector_load_idx %arg12[%add3A_142, %broadcast_in_dim3A_423] : memref<128x128xf32, #tpu.memory_space<vmem>>[vector<16xi32>, vector<16xi32>], vector<16xf32>,
      %mul3A_426 = arith.mulf %gather3A_424, %gather3A_425 : vector<16xf32>
      %add3A_427 = arith.addf %add3A_403, %mul3A_426 : vector<16xf32>
      %broadcast_in_dim3A_428 = arith.constant 46 : i32
      %broadcast_in_dim3A_429 = vector.broadcast %broadcast_in_dim3A_428 : i32 to vector<16xi32>
      %gather3A_430 = tpu.vector_load_idx %arg10[%add3A_142, %broadcast_in_dim3A_429] : memref<128x128xf32, #tpu.memory_space<vmem>>[vector<16xi32>, vector<16xi32>], vector<16xf32>,
      %gather3A_431 = tpu.vector_load_idx %arg12[%add3A_142, %broadcast_in_dim3A_429] : memref<128x128xf32, #tpu.memory_space<vmem>>[vector<16xi32>, vector<16xi32>], vector<16xf32>,
      %mul3A_432 = arith.mulf %gather3A_430, %gather3A_431 : vector<16xf32>
      %add3A_433 = arith.addf %add3A_409, %mul3A_432 : vector<16xf32>
      %broadcast_in_dim3A_434 = arith.constant 47 : i32
      %broadcast_in_dim3A_435 = vector.broadcast %broadcast_in_dim3A_434 : i32 to vector<16xi32>
      %gather3A_436 = tpu.vector_load_idx %arg10[%add3A_142, %broadcast_in_dim3A_435] : memref<128x128xf32, #tpu.memory_space<vmem>>[vector<16xi32>, vector<16xi32>], vector<16xf32>,
      %gather3A_437 = tpu.vector_load_idx %arg12[%add3A_142, %broadcast_in_dim3A_435] : memref<128x128xf32, #tpu.memory_space<vmem>>[vector<16xi32>, vector<16xi32>], vector<16xf32>,
      %mul3A_438 = arith.mulf %gather3A_436, %gather3A_437 : vector<16xf32>
      %add3A_439 = arith.addf %add3A_415, %mul3A_438 : vector<16xf32>
      %broadcast_in_dim3A_440 = arith.constant 48 : i32
      %broadcast_in_dim3A_441 = vector.broadcast %broadcast_in_dim3A_440 : i32 to vector<16xi32>
      %gather3A_442 = tpu.vector_load_idx %arg10[%add3A_142, %broadcast_in_dim3A_441] : memref<128x128xf32, #tpu.memory_space<vmem>>[vector<16xi32>, vector<16xi32>], vector<16xf32>,
      %gather3A_443 = tpu.vector_load_idx %arg12[%add3A_142, %broadcast_in_dim3A_441] : memref<128x128xf32, #tpu.memory_space<vmem>>[vector<16xi32>, vector<16xi32>], vector<16xf32>,
      %mul3A_444 = arith.mulf %gather3A_442, %gather3A_443 : vector<16xf32>
      %add3A_445 = arith.addf %add3A_421, %mul3A_444 : vector<16xf32>
      %broadcast_in_dim3A_446 = arith.constant 49 : i32
      %broadcast_in_dim3A_447 = vector.broadcast %broadcast_in_dim3A_446 : i32 to vector<16xi32>
      %gather3A_448 = tpu.vector_load_idx %arg10[%add3A_142, %broadcast_in_dim3A_447] : memref<128x128xf32, #tpu.memory_space<vmem>>[vector<16xi32>, vector<16xi32>], vector<16xf32>,
      %gather3A_449 = tpu.vector_load_idx %arg12[%add3A_142, %broadcast_in_dim3A_447] : memref<128x128xf32, #tpu.memory_space<vmem>>[vector<16xi32>, vector<16xi32>], vector<16xf32>,
      %mul3A_450 = arith.mulf %gather3A_448, %gather3A_449 : vector<16xf32>
      %add3A_451 = arith.addf %add3A_427, %mul3A_450 : vector<16xf32>
      %broadcast_in_dim3A_452 = arith.constant 50 : i32
      %broadcast_in_dim3A_453 = vector.broadcast %broadcast_in_dim3A_452 : i32 to vector<16xi32>
      %gather3A_454 = tpu.vector_load_idx %arg10[%add3A_142, %broadcast_in_dim3A_453] : memref<128x128xf32, #tpu.memory_space<vmem>>[vector<16xi32>, vector<16xi32>], vector<16xf32>,
      %gather3A_455 = tpu.vector_load_idx %arg12[%add3A_142, %broadcast_in_dim3A_453] : memref<128x128xf32, #tpu.memory_space<vmem>>[vector<16xi32>, vector<16xi32>], vector<16xf32>,
      %mul3A_456 = arith.mulf %gather3A_454, %gather3A_455 : vector<16xf32>
      %add3A_457 = arith.addf %add3A_433, %mul3A_456 : vector<16xf32>
      %broadcast_in_dim3A_458 = arith.constant 51 : i32
      %broadcast_in_dim3A_459 = vector.broadcast %broadcast_in_dim3A_458 : i32 to vector<16xi32>
      %gather3A_460 = tpu.vector_load_idx %arg10[%add3A_142, %broadcast_in_dim3A_459] : memref<128x128xf32, #tpu.memory_space<vmem>>[vector<16xi32>, vector<16xi32>], vector<16xf32>,
      %gather3A_461 = tpu.vector_load_idx %arg12[%add3A_142, %broadcast_in_dim3A_459] : memref<128x128xf32, #tpu.memory_space<vmem>>[vector<16xi32>, vector<16xi32>], vector<16xf32>,
      %mul3A_462 = arith.mulf %gather3A_460, %gather3A_461 : vector<16xf32>
      %add3A_463 = arith.addf %add3A_439, %mul3A_462 : vector<16xf32>
      %broadcast_in_dim3A_464 = arith.constant 52 : i32
      %broadcast_in_dim3A_465 = vector.broadcast %broadcast_in_dim3A_464 : i32 to vector<16xi32>
      %gather3A_466 = tpu.vector_load_idx %arg10[%add3A_142, %broadcast_in_dim3A_465] : memref<128x128xf32, #tpu.memory_space<vmem>>[vector<16xi32>, vector<16xi32>], vector<16xf32>,
      %gather3A_467 = tpu.vector_load_idx %arg12[%add3A_142, %broadcast_in_dim3A_465] : memref<128x128xf32, #tpu.memory_space<vmem>>[vector<16xi32>, vector<16xi32>], vector<16xf32>,
      %mul3A_468 = arith.mulf %gather3A_466, %gather3A_467 : vector<16xf32>
      %add3A_469 = arith.addf %add3A_445, %mul3A_468 : vector<16xf32>
      %broadcast_in_dim3A_470 = arith.constant 53 : i32
      %broadcast_in_dim3A_471 = vector.broadcast %broadcast_in_dim3A_470 : i32 to vector<16xi32>
      %gather3A_472 = tpu.vector_load_idx %arg10[%add3A_142, %broadcast_in_dim3A_471] : memref<128x128xf32, #tpu.memory_space<vmem>>[vector<16xi32>, vector<16xi32>], vector<16xf32>,
      %gather3A_473 = tpu.vector_load_idx %arg12[%add3A_142, %broadcast_in_dim3A_471] : memref<128x128xf32, #tpu.memory_space<vmem>>[vector<16xi32>, vector<16xi32>], vector<16xf32>,
      %mul3A_474 = arith.mulf %gather3A_472, %gather3A_473 : vector<16xf32>
      %add3A_475 = arith.addf %add3A_451, %mul3A_474 : vector<16xf32>
      %broadcast_in_dim3A_476 = arith.constant 54 : i32
      %broadcast_in_dim3A_477 = vector.broadcast %broadcast_in_dim3A_476 : i32 to vector<16xi32>
      %gather3A_478 = tpu.vector_load_idx %arg10[%add3A_142, %broadcast_in_dim3A_477] : memref<128x128xf32, #tpu.memory_space<vmem>>[vector<16xi32>, vector<16xi32>], vector<16xf32>,
      %gather3A_479 = tpu.vector_load_idx %arg12[%add3A_142, %broadcast_in_dim3A_477] : memref<128x128xf32, #tpu.memory_space<vmem>>[vector<16xi32>, vector<16xi32>], vector<16xf32>,
      %mul3A_480 = arith.mulf %gather3A_478, %gather3A_479 : vector<16xf32>
      %add3A_481 = arith.addf %add3A_457, %mul3A_480 : vector<16xf32>
      %broadcast_in_dim3A_482 = arith.constant 55 : i32
      %broadcast_in_dim3A_483 = vector.broadcast %broadcast_in_dim3A_482 : i32 to vector<16xi32>
      %gather3A_484 = tpu.vector_load_idx %arg10[%add3A_142, %broadcast_in_dim3A_483] : memref<128x128xf32, #tpu.memory_space<vmem>>[vector<16xi32>, vector<16xi32>], vector<16xf32>,
      %gather3A_485 = tpu.vector_load_idx %arg12[%add3A_142, %broadcast_in_dim3A_483] : memref<128x128xf32, #tpu.memory_space<vmem>>[vector<16xi32>, vector<16xi32>], vector<16xf32>,
      %mul3A_486 = arith.mulf %gather3A_484, %gather3A_485 : vector<16xf32>
      %add3A_487 = arith.addf %add3A_463, %mul3A_486 : vector<16xf32>
      %broadcast_in_dim3A_488 = arith.constant 56 : i32
      %broadcast_in_dim3A_489 = vector.broadcast %broadcast_in_dim3A_488 : i32 to vector<16xi32>
      %gather3A_490 = tpu.vector_load_idx %arg10[%add3A_142, %broadcast_in_dim3A_489] : memref<128x128xf32, #tpu.memory_space<vmem>>[vector<16xi32>, vector<16xi32>], vector<16xf32>,
      %gather3A_491 = tpu.vector_load_idx %arg12[%add3A_142, %broadcast_in_dim3A_489] : memref<128x128xf32, #tpu.memory_space<vmem>>[vector<16xi32>, vector<16xi32>], vector<16xf32>,
      %mul3A_492 = arith.mulf %gather3A_490, %gather3A_491 : vector<16xf32>
      %add3A_493 = arith.addf %add3A_469, %mul3A_492 : vector<16xf32>
      %broadcast_in_dim3A_494 = arith.constant 57 : i32
      %broadcast_in_dim3A_495 = vector.broadcast %broadcast_in_dim3A_494 : i32 to vector<16xi32>
      %gather3A_496 = tpu.vector_load_idx %arg10[%add3A_142, %broadcast_in_dim3A_495] : memref<128x128xf32, #tpu.memory_space<vmem>>[vector<16xi32>, vector<16xi32>], vector<16xf32>,
      %gather3A_497 = tpu.vector_load_idx %arg12[%add3A_142, %broadcast_in_dim3A_495] : memref<128x128xf32, #tpu.memory_space<vmem>>[vector<16xi32>, vector<16xi32>], vector<16xf32>,
      %mul3A_498 = arith.mulf %gather3A_496, %gather3A_497 : vector<16xf32>
      %add3A_499 = arith.addf %add3A_475, %mul3A_498 : vector<16xf32>
      %broadcast_in_dim3A_500 = arith.constant 58 : i32
      %broadcast_in_dim3A_501 = vector.broadcast %broadcast_in_dim3A_500 : i32 to vector<16xi32>
      %gather3A_502 = tpu.vector_load_idx %arg10[%add3A_142, %broadcast_in_dim3A_501] : memref<128x128xf32, #tpu.memory_space<vmem>>[vector<16xi32>, vector<16xi32>], vector<16xf32>,
      %gather3A_503 = tpu.vector_load_idx %arg12[%add3A_142, %broadcast_in_dim3A_501] : memref<128x128xf32, #tpu.memory_space<vmem>>[vector<16xi32>, vector<16xi32>], vector<16xf32>,
      %mul3A_504 = arith.mulf %gather3A_502, %gather3A_503 : vector<16xf32>
      %add3A_505 = arith.addf %add3A_481, %mul3A_504 : vector<16xf32>
      %broadcast_in_dim3A_506 = arith.constant 59 : i32
      %broadcast_in_dim3A_507 = vector.broadcast %broadcast_in_dim3A_506 : i32 to vector<16xi32>
      %gather3A_508 = tpu.vector_load_idx %arg10[%add3A_142, %broadcast_in_dim3A_507] : memref<128x128xf32, #tpu.memory_space<vmem>>[vector<16xi32>, vector<16xi32>], vector<16xf32>,
      %gather3A_509 = tpu.vector_load_idx %arg12[%add3A_142, %broadcast_in_dim3A_507] : memref<128x128xf32, #tpu.memory_space<vmem>>[vector<16xi32>, vector<16xi32>], vector<16xf32>,
      %mul3A_510 = arith.mulf %gather3A_508, %gather3A_509 : vector<16xf32>
      %add3A_511 = arith.addf %add3A_487, %mul3A_510 : vector<16xf32>
      %broadcast_in_dim3A_512 = arith.constant 60 : i32
      %broadcast_in_dim3A_513 = vector.broadcast %broadcast_in_dim3A_512 : i32 to vector<16xi32>
      %gather3A_514 = tpu.vector_load_idx %arg10[%add3A_142, %broadcast_in_dim3A_513] : memref<128x128xf32, #tpu.memory_space<vmem>>[vector<16xi32>, vector<16xi32>], vector<16xf32>,
      %gather3A_515 = tpu.vector_load_idx %arg12[%add3A_142, %broadcast_in_dim3A_513] : memref<128x128xf32, #tpu.memory_space<vmem>>[vector<16xi32>, vector<16xi32>], vector<16xf32>,
      %mul3A_516 = arith.mulf %gather3A_514, %gather3A_515 : vector<16xf32>
      %add3A_517 = arith.addf %add3A_493, %mul3A_516 : vector<16xf32>
      %broadcast_in_dim3A_518 = arith.constant 61 : i32
      %broadcast_in_dim3A_519 = vector.broadcast %broadcast_in_dim3A_518 : i32 to vector<16xi32>
      %gather3A_520 = tpu.vector_load_idx %arg10[%add3A_142, %broadcast_in_dim3A_519] : memref<128x128xf32, #tpu.memory_space<vmem>>[vector<16xi32>, vector<16xi32>], vector<16xf32>,
      %gather3A_521 = tpu.vector_load_idx %arg12[%add3A_142, %broadcast_in_dim3A_519] : memref<128x128xf32, #tpu.memory_space<vmem>>[vector<16xi32>, vector<16xi32>], vector<16xf32>,
      %mul3A_522 = arith.mulf %gather3A_520, %gather3A_521 : vector<16xf32>
      %add3A_523 = arith.addf %add3A_499, %mul3A_522 : vector<16xf32>
      %broadcast_in_dim3A_524 = arith.constant 62 : i32
      %broadcast_in_dim3A_525 = vector.broadcast %broadcast_in_dim3A_524 : i32 to vector<16xi32>
      %gather3A_526 = tpu.vector_load_idx %arg10[%add3A_142, %broadcast_in_dim3A_525] : memref<128x128xf32, #tpu.memory_space<vmem>>[vector<16xi32>, vector<16xi32>], vector<16xf32>,
      %gather3A_527 = tpu.vector_load_idx %arg12[%add3A_142, %broadcast_in_dim3A_525] : memref<128x128xf32, #tpu.memory_space<vmem>>[vector<16xi32>, vector<16xi32>], vector<16xf32>,
      %mul3A_528 = arith.mulf %gather3A_526, %gather3A_527 : vector<16xf32>
      %add3A_529 = arith.addf %add3A_505, %mul3A_528 : vector<16xf32>
      %broadcast_in_dim3A_530 = arith.constant 63 : i32
      %broadcast_in_dim3A_531 = vector.broadcast %broadcast_in_dim3A_530 : i32 to vector<16xi32>
      %gather3A_532 = tpu.vector_load_idx %arg10[%add3A_142, %broadcast_in_dim3A_531] : memref<128x128xf32, #tpu.memory_space<vmem>>[vector<16xi32>, vector<16xi32>], vector<16xf32>,
      %gather3A_533 = tpu.vector_load_idx %arg12[%add3A_142, %broadcast_in_dim3A_531] : memref<128x128xf32, #tpu.memory_space<vmem>>[vector<16xi32>, vector<16xi32>], vector<16xf32>,
      %mul3A_534 = arith.mulf %gather3A_532, %gather3A_533 : vector<16xf32>
      %add3A_535 = arith.addf %add3A_511, %mul3A_534 : vector<16xf32>
      %add3A_536 = arith.addf %add3A_517, %add3A_523 : vector<16xf32>
      %add3A_537 = arith.addf %add3A_529, %add3A_535 : vector<16xf32>
      %add3A_538 = arith.addf %add3A_536, %add3A_537 : vector<16xf32>
      %add3A_539 = arith.constant 256 : i32
      %add3A_540 = arith.addi %add3A_539, %mul3A_140 : i32
      %swap3A = arith.index_cast %add3A_540 : i32 to index
      %swap3A_541 = tpu.vector_load %arg15[%swap3A] {strides = array<i32>} : memref<512xf32, #tpu.memory_space<vmem>>, vector<16xf32>,
      tpu.vector_store %arg15[%swap3A], %add3A_538 {strides = array<i32>} : memref<512xf32, #tpu.memory_space<vmem>>, vector<16xf32>,
    }
    %scan3A_115 = arith.constant 8 : i32
    %dma_wait3A_116 = arith.constant 3 : i32
    %dma_wait3A_117 = arith.constant 0 : i32
    %dma_wait3A_118 = tpu.memref_slice %arg8[%dma_wait3A_116, %dma_wait3A_117] : memref<4x128xi32, #tpu.memory_space<vmem>> -> memref<1x128xi32, #tpu.memory_space<vmem>>
    %dma_wait3A_119 = tpu.memref_squeeze %dma_wait3A_118 : memref<1x128xi32, #tpu.memory_space<vmem>> -> memref<128xi32, #tpu.memory_space<vmem>>
    %dma_wait3A_120 = arith.constant 0 : i32
    %dma_wait3A_121 = arith.constant 0 : i32
    %dma_wait3A_122 = tpu.memref_slice %arg4[%dma_wait3A_120, %dma_wait3A_121] : memref<106496x128xf32, #tpu.memory_space<hbm>> -> memref<106496x128xf32, #tpu.memory_space<hbm>>
    tpu.wait_indirect_dma semaphore(%arg17 : memref<!tpu.dma_semaphore, #tpu.memory_space<semaphore_mem>>) src(%dma_wait3A_122 : memref<106496x128xf32, #tpu.memory_space<hbm>>) dst(%arg11 : memref<128x128xf32, #tpu.memory_space<vmem>>)
    %dma_wait3A_123 = arith.constant 3 : i32
    %dma_wait3A_124 = arith.constant 0 : i32
    %dma_wait3A_125 = tpu.memref_slice %arg9[%dma_wait3A_123, %dma_wait3A_124] : memref<4x128xi32, #tpu.memory_space<vmem>> -> memref<1x128xi32, #tpu.memory_space<vmem>>
    %dma_wait3A_126 = tpu.memref_squeeze %dma_wait3A_125 : memref<1x128xi32, #tpu.memory_space<vmem>> -> memref<128xi32, #tpu.memory_space<vmem>>
    %dma_wait3A_127 = arith.constant 0 : i32
    %dma_wait3A_128 = arith.constant 0 : i32
    %dma_wait3A_129 = tpu.memref_slice %arg5[%dma_wait3A_127, %dma_wait3A_128] : memref<106496x128xf32, #tpu.memory_space<hbm>> -> memref<106496x128xf32, #tpu.memory_space<hbm>>
    tpu.wait_indirect_dma semaphore(%arg17 : memref<!tpu.dma_semaphore, #tpu.memory_space<semaphore_mem>>) src(%dma_wait3A_129 : memref<106496x128xf32, #tpu.memory_space<hbm>>) dst(%arg13 : memref<128x128xf32, #tpu.memory_space<vmem>>)
    %scan3A_130 = arith.constant 0 : i32
    %scan3A_131 = arith.constant 0 : i32
    %scan3A_132 = arith.constant 8 : i32
    %scan3A_133 = arith.addi %scan3A_131, %scan3A_132 : i32
    %scan3A_134 = arith.constant 1 : i32
    scf.for %scan3A_138 = %scan3A_131 to %scan3A_133 step %scan3A_134  : i32 {
      %mul3A_139 = arith.constant 16 : i32
      %mul3A_140 = arith.muli %scan3A_138, %mul3A_139 : i32
      %add3A_141 = vector.broadcast %mul3A_140 : i32 to vector<16xi32>
      %add3A_142 = arith.addi %add3A_141, %iota3A : vector<16xi32>
      %gather3A = tpu.vector_load_idx %arg11[%add3A_142, %broadcast_in_dim3A_29] : memref<128x128xf32, #tpu.memory_space<vmem>>[vector<16xi32>, vector<16xi32>], vector<16xf32>,
      %add3A_143 = arith.addf %get3A_28, %gather3A : vector<16xf32>
      %gather3A_144 = tpu.vector_load_idx %arg13[%add3A_142, %broadcast_in_dim3A_29] : memref<128x128xf32, #tpu.memory_space<vmem>>[vector<16xi32>, vector<16xi32>], vector<16xf32>,
      %add3A_145 = arith.addf %add3A_143, %gather3A_144 : vector<16xf32>
      %broadcast_in_dim3A_146 = arith.constant 0.000000e+00 : f32
      %broadcast_in_dim3A_147 = vector.broadcast %broadcast_in_dim3A_146 : f32 to vector<16xf32>
      %broadcast_in_dim3A_148 = arith.constant 0.000000e+00 : f32
      %broadcast_in_dim3A_149 = vector.broadcast %broadcast_in_dim3A_148 : f32 to vector<16xf32>
      %broadcast_in_dim3A_150 = arith.constant 0.000000e+00 : f32
      %broadcast_in_dim3A_151 = vector.broadcast %broadcast_in_dim3A_150 : f32 to vector<16xf32>
      %broadcast_in_dim3A_152 = arith.constant 0 : i32
      %broadcast_in_dim3A_153 = vector.broadcast %broadcast_in_dim3A_152 : i32 to vector<16xi32>
      %gather3A_154 = tpu.vector_load_idx %arg11[%add3A_142, %broadcast_in_dim3A_153] : memref<128x128xf32, #tpu.memory_space<vmem>>[vector<16xi32>, vector<16xi32>], vector<16xf32>,
      %gather3A_155 = tpu.vector_load_idx %arg13[%add3A_142, %broadcast_in_dim3A_153] : memref<128x128xf32, #tpu.memory_space<vmem>>[vector<16xi32>, vector<16xi32>], vector<16xf32>,
      %mul3A_156 = arith.mulf %gather3A_154, %gather3A_155 : vector<16xf32>
      %add3A_157 = arith.addf %add3A_145, %mul3A_156 : vector<16xf32>
      %broadcast_in_dim3A_158 = arith.constant 1 : i32
      %broadcast_in_dim3A_159 = vector.broadcast %broadcast_in_dim3A_158 : i32 to vector<16xi32>
      %gather3A_160 = tpu.vector_load_idx %arg11[%add3A_142, %broadcast_in_dim3A_159] : memref<128x128xf32, #tpu.memory_space<vmem>>[vector<16xi32>, vector<16xi32>], vector<16xf32>,
      %gather3A_161 = tpu.vector_load_idx %arg13[%add3A_142, %broadcast_in_dim3A_159] : memref<128x128xf32, #tpu.memory_space<vmem>>[vector<16xi32>, vector<16xi32>], vector<16xf32>,
      %mul3A_162 = arith.mulf %gather3A_160, %gather3A_161 : vector<16xf32>
      %add3A_163 = arith.addf %broadcast_in_dim3A_147, %mul3A_162 : vector<16xf32>
      %broadcast_in_dim3A_164 = arith.constant 2 : i32
      %broadcast_in_dim3A_165 = vector.broadcast %broadcast_in_dim3A_164 : i32 to vector<16xi32>
      %gather3A_166 = tpu.vector_load_idx %arg11[%add3A_142, %broadcast_in_dim3A_165] : memref<128x128xf32, #tpu.memory_space<vmem>>[vector<16xi32>, vector<16xi32>], vector<16xf32>,
      %gather3A_167 = tpu.vector_load_idx %arg13[%add3A_142, %broadcast_in_dim3A_165] : memref<128x128xf32, #tpu.memory_space<vmem>>[vector<16xi32>, vector<16xi32>], vector<16xf32>,
      %mul3A_168 = arith.mulf %gather3A_166, %gather3A_167 : vector<16xf32>
      %add3A_169 = arith.addf %broadcast_in_dim3A_149, %mul3A_168 : vector<16xf32>
      %broadcast_in_dim3A_170 = arith.constant 3 : i32
      %broadcast_in_dim3A_171 = vector.broadcast %broadcast_in_dim3A_170 : i32 to vector<16xi32>
      %gather3A_172 = tpu.vector_load_idx %arg11[%add3A_142, %broadcast_in_dim3A_171] : memref<128x128xf32, #tpu.memory_space<vmem>>[vector<16xi32>, vector<16xi32>], vector<16xf32>,
      %gather3A_173 = tpu.vector_load_idx %arg13[%add3A_142, %broadcast_in_dim3A_171] : memref<128x128xf32, #tpu.memory_space<vmem>>[vector<16xi32>, vector<16xi32>], vector<16xf32>,
      %mul3A_174 = arith.mulf %gather3A_172, %gather3A_173 : vector<16xf32>
      %add3A_175 = arith.addf %broadcast_in_dim3A_151, %mul3A_174 : vector<16xf32>
      %broadcast_in_dim3A_176 = arith.constant 4 : i32
      %broadcast_in_dim3A_177 = vector.broadcast %broadcast_in_dim3A_176 : i32 to vector<16xi32>
      %gather3A_178 = tpu.vector_load_idx %arg11[%add3A_142, %broadcast_in_dim3A_177] : memref<128x128xf32, #tpu.memory_space<vmem>>[vector<16xi32>, vector<16xi32>], vector<16xf32>,
      %gather3A_179 = tpu.vector_load_idx %arg13[%add3A_142, %broadcast_in_dim3A_177] : memref<128x128xf32, #tpu.memory_space<vmem>>[vector<16xi32>, vector<16xi32>], vector<16xf32>,
      %mul3A_180 = arith.mulf %gather3A_178, %gather3A_179 : vector<16xf32>
      %add3A_181 = arith.addf %add3A_157, %mul3A_180 : vector<16xf32>
      %broadcast_in_dim3A_182 = arith.constant 5 : i32
      %broadcast_in_dim3A_183 = vector.broadcast %broadcast_in_dim3A_182 : i32 to vector<16xi32>
      %gather3A_184 = tpu.vector_load_idx %arg11[%add3A_142, %broadcast_in_dim3A_183] : memref<128x128xf32, #tpu.memory_space<vmem>>[vector<16xi32>, vector<16xi32>], vector<16xf32>,
      %gather3A_185 = tpu.vector_load_idx %arg13[%add3A_142, %broadcast_in_dim3A_183] : memref<128x128xf32, #tpu.memory_space<vmem>>[vector<16xi32>, vector<16xi32>], vector<16xf32>,
      %mul3A_186 = arith.mulf %gather3A_184, %gather3A_185 : vector<16xf32>
      %add3A_187 = arith.addf %add3A_163, %mul3A_186 : vector<16xf32>
      %broadcast_in_dim3A_188 = arith.constant 6 : i32
      %broadcast_in_dim3A_189 = vector.broadcast %broadcast_in_dim3A_188 : i32 to vector<16xi32>
      %gather3A_190 = tpu.vector_load_idx %arg11[%add3A_142, %broadcast_in_dim3A_189] : memref<128x128xf32, #tpu.memory_space<vmem>>[vector<16xi32>, vector<16xi32>], vector<16xf32>,
      %gather3A_191 = tpu.vector_load_idx %arg13[%add3A_142, %broadcast_in_dim3A_189] : memref<128x128xf32, #tpu.memory_space<vmem>>[vector<16xi32>, vector<16xi32>], vector<16xf32>,
      %mul3A_192 = arith.mulf %gather3A_190, %gather3A_191 : vector<16xf32>
      %add3A_193 = arith.addf %add3A_169, %mul3A_192 : vector<16xf32>
      %broadcast_in_dim3A_194 = arith.constant 7 : i32
      %broadcast_in_dim3A_195 = vector.broadcast %broadcast_in_dim3A_194 : i32 to vector<16xi32>
      %gather3A_196 = tpu.vector_load_idx %arg11[%add3A_142, %broadcast_in_dim3A_195] : memref<128x128xf32, #tpu.memory_space<vmem>>[vector<16xi32>, vector<16xi32>], vector<16xf32>,
      %gather3A_197 = tpu.vector_load_idx %arg13[%add3A_142, %broadcast_in_dim3A_195] : memref<128x128xf32, #tpu.memory_space<vmem>>[vector<16xi32>, vector<16xi32>], vector<16xf32>,
      %mul3A_198 = arith.mulf %gather3A_196, %gather3A_197 : vector<16xf32>
      %add3A_199 = arith.addf %add3A_175, %mul3A_198 : vector<16xf32>
      %broadcast_in_dim3A_200 = arith.constant 8 : i32
      %broadcast_in_dim3A_201 = vector.broadcast %broadcast_in_dim3A_200 : i32 to vector<16xi32>
      %gather3A_202 = tpu.vector_load_idx %arg11[%add3A_142, %broadcast_in_dim3A_201] : memref<128x128xf32, #tpu.memory_space<vmem>>[vector<16xi32>, vector<16xi32>], vector<16xf32>,
      %gather3A_203 = tpu.vector_load_idx %arg13[%add3A_142, %broadcast_in_dim3A_201] : memref<128x128xf32, #tpu.memory_space<vmem>>[vector<16xi32>, vector<16xi32>], vector<16xf32>,
      %mul3A_204 = arith.mulf %gather3A_202, %gather3A_203 : vector<16xf32>
      %add3A_205 = arith.addf %add3A_181, %mul3A_204 : vector<16xf32>
      %broadcast_in_dim3A_206 = arith.constant 9 : i32
      %broadcast_in_dim3A_207 = vector.broadcast %broadcast_in_dim3A_206 : i32 to vector<16xi32>
      %gather3A_208 = tpu.vector_load_idx %arg11[%add3A_142, %broadcast_in_dim3A_207] : memref<128x128xf32, #tpu.memory_space<vmem>>[vector<16xi32>, vector<16xi32>], vector<16xf32>,
      %gather3A_209 = tpu.vector_load_idx %arg13[%add3A_142, %broadcast_in_dim3A_207] : memref<128x128xf32, #tpu.memory_space<vmem>>[vector<16xi32>, vector<16xi32>], vector<16xf32>,
      %mul3A_210 = arith.mulf %gather3A_208, %gather3A_209 : vector<16xf32>
      %add3A_211 = arith.addf %add3A_187, %mul3A_210 : vector<16xf32>
      %broadcast_in_dim3A_212 = arith.constant 10 : i32
      %broadcast_in_dim3A_213 = vector.broadcast %broadcast_in_dim3A_212 : i32 to vector<16xi32>
      %gather3A_214 = tpu.vector_load_idx %arg11[%add3A_142, %broadcast_in_dim3A_213] : memref<128x128xf32, #tpu.memory_space<vmem>>[vector<16xi32>, vector<16xi32>], vector<16xf32>,
      %gather3A_215 = tpu.vector_load_idx %arg13[%add3A_142, %broadcast_in_dim3A_213] : memref<128x128xf32, #tpu.memory_space<vmem>>[vector<16xi32>, vector<16xi32>], vector<16xf32>,
      %mul3A_216 = arith.mulf %gather3A_214, %gather3A_215 : vector<16xf32>
      %add3A_217 = arith.addf %add3A_193, %mul3A_216 : vector<16xf32>
      %broadcast_in_dim3A_218 = arith.constant 11 : i32
      %broadcast_in_dim3A_219 = vector.broadcast %broadcast_in_dim3A_218 : i32 to vector<16xi32>
      %gather3A_220 = tpu.vector_load_idx %arg11[%add3A_142, %broadcast_in_dim3A_219] : memref<128x128xf32, #tpu.memory_space<vmem>>[vector<16xi32>, vector<16xi32>], vector<16xf32>,
      %gather3A_221 = tpu.vector_load_idx %arg13[%add3A_142, %broadcast_in_dim3A_219] : memref<128x128xf32, #tpu.memory_space<vmem>>[vector<16xi32>, vector<16xi32>], vector<16xf32>,
      %mul3A_222 = arith.mulf %gather3A_220, %gather3A_221 : vector<16xf32>
      %add3A_223 = arith.addf %add3A_199, %mul3A_222 : vector<16xf32>
      %broadcast_in_dim3A_224 = arith.constant 12 : i32
      %broadcast_in_dim3A_225 = vector.broadcast %broadcast_in_dim3A_224 : i32 to vector<16xi32>
      %gather3A_226 = tpu.vector_load_idx %arg11[%add3A_142, %broadcast_in_dim3A_225] : memref<128x128xf32, #tpu.memory_space<vmem>>[vector<16xi32>, vector<16xi32>], vector<16xf32>,
      %gather3A_227 = tpu.vector_load_idx %arg13[%add3A_142, %broadcast_in_dim3A_225] : memref<128x128xf32, #tpu.memory_space<vmem>>[vector<16xi32>, vector<16xi32>], vector<16xf32>,
      %mul3A_228 = arith.mulf %gather3A_226, %gather3A_227 : vector<16xf32>
      %add3A_229 = arith.addf %add3A_205, %mul3A_228 : vector<16xf32>
      %broadcast_in_dim3A_230 = arith.constant 13 : i32
      %broadcast_in_dim3A_231 = vector.broadcast %broadcast_in_dim3A_230 : i32 to vector<16xi32>
      %gather3A_232 = tpu.vector_load_idx %arg11[%add3A_142, %broadcast_in_dim3A_231] : memref<128x128xf32, #tpu.memory_space<vmem>>[vector<16xi32>, vector<16xi32>], vector<16xf32>,
      %gather3A_233 = tpu.vector_load_idx %arg13[%add3A_142, %broadcast_in_dim3A_231] : memref<128x128xf32, #tpu.memory_space<vmem>>[vector<16xi32>, vector<16xi32>], vector<16xf32>,
      %mul3A_234 = arith.mulf %gather3A_232, %gather3A_233 : vector<16xf32>
      %add3A_235 = arith.addf %add3A_211, %mul3A_234 : vector<16xf32>
      %broadcast_in_dim3A_236 = arith.constant 14 : i32
      %broadcast_in_dim3A_237 = vector.broadcast %broadcast_in_dim3A_236 : i32 to vector<16xi32>
      %gather3A_238 = tpu.vector_load_idx %arg11[%add3A_142, %broadcast_in_dim3A_237] : memref<128x128xf32, #tpu.memory_space<vmem>>[vector<16xi32>, vector<16xi32>], vector<16xf32>,
      %gather3A_239 = tpu.vector_load_idx %arg13[%add3A_142, %broadcast_in_dim3A_237] : memref<128x128xf32, #tpu.memory_space<vmem>>[vector<16xi32>, vector<16xi32>], vector<16xf32>,
      %mul3A_240 = arith.mulf %gather3A_238, %gather3A_239 : vector<16xf32>
      %add3A_241 = arith.addf %add3A_217, %mul3A_240 : vector<16xf32>
      %broadcast_in_dim3A_242 = arith.constant 15 : i32
      %broadcast_in_dim3A_243 = vector.broadcast %broadcast_in_dim3A_242 : i32 to vector<16xi32>
      %gather3A_244 = tpu.vector_load_idx %arg11[%add3A_142, %broadcast_in_dim3A_243] : memref<128x128xf32, #tpu.memory_space<vmem>>[vector<16xi32>, vector<16xi32>], vector<16xf32>,
      %gather3A_245 = tpu.vector_load_idx %arg13[%add3A_142, %broadcast_in_dim3A_243] : memref<128x128xf32, #tpu.memory_space<vmem>>[vector<16xi32>, vector<16xi32>], vector<16xf32>,
      %mul3A_246 = arith.mulf %gather3A_244, %gather3A_245 : vector<16xf32>
      %add3A_247 = arith.addf %add3A_223, %mul3A_246 : vector<16xf32>
      %broadcast_in_dim3A_248 = arith.constant 16 : i32
      %broadcast_in_dim3A_249 = vector.broadcast %broadcast_in_dim3A_248 : i32 to vector<16xi32>
      %gather3A_250 = tpu.vector_load_idx %arg11[%add3A_142, %broadcast_in_dim3A_249] : memref<128x128xf32, #tpu.memory_space<vmem>>[vector<16xi32>, vector<16xi32>], vector<16xf32>,
      %gather3A_251 = tpu.vector_load_idx %arg13[%add3A_142, %broadcast_in_dim3A_249] : memref<128x128xf32, #tpu.memory_space<vmem>>[vector<16xi32>, vector<16xi32>], vector<16xf32>,
      %mul3A_252 = arith.mulf %gather3A_250, %gather3A_251 : vector<16xf32>
      %add3A_253 = arith.addf %add3A_229, %mul3A_252 : vector<16xf32>
      %broadcast_in_dim3A_254 = arith.constant 17 : i32
      %broadcast_in_dim3A_255 = vector.broadcast %broadcast_in_dim3A_254 : i32 to vector<16xi32>
      %gather3A_256 = tpu.vector_load_idx %arg11[%add3A_142, %broadcast_in_dim3A_255] : memref<128x128xf32, #tpu.memory_space<vmem>>[vector<16xi32>, vector<16xi32>], vector<16xf32>,
      %gather3A_257 = tpu.vector_load_idx %arg13[%add3A_142, %broadcast_in_dim3A_255] : memref<128x128xf32, #tpu.memory_space<vmem>>[vector<16xi32>, vector<16xi32>], vector<16xf32>,
      %mul3A_258 = arith.mulf %gather3A_256, %gather3A_257 : vector<16xf32>
      %add3A_259 = arith.addf %add3A_235, %mul3A_258 : vector<16xf32>
      %broadcast_in_dim3A_260 = arith.constant 18 : i32
      %broadcast_in_dim3A_261 = vector.broadcast %broadcast_in_dim3A_260 : i32 to vector<16xi32>
      %gather3A_262 = tpu.vector_load_idx %arg11[%add3A_142, %broadcast_in_dim3A_261] : memref<128x128xf32, #tpu.memory_space<vmem>>[vector<16xi32>, vector<16xi32>], vector<16xf32>,
      %gather3A_263 = tpu.vector_load_idx %arg13[%add3A_142, %broadcast_in_dim3A_261] : memref<128x128xf32, #tpu.memory_space<vmem>>[vector<16xi32>, vector<16xi32>], vector<16xf32>,
      %mul3A_264 = arith.mulf %gather3A_262, %gather3A_263 : vector<16xf32>
      %add3A_265 = arith.addf %add3A_241, %mul3A_264 : vector<16xf32>
      %broadcast_in_dim3A_266 = arith.constant 19 : i32
      %broadcast_in_dim3A_267 = vector.broadcast %broadcast_in_dim3A_266 : i32 to vector<16xi32>
      %gather3A_268 = tpu.vector_load_idx %arg11[%add3A_142, %broadcast_in_dim3A_267] : memref<128x128xf32, #tpu.memory_space<vmem>>[vector<16xi32>, vector<16xi32>], vector<16xf32>,
      %gather3A_269 = tpu.vector_load_idx %arg13[%add3A_142, %broadcast_in_dim3A_267] : memref<128x128xf32, #tpu.memory_space<vmem>>[vector<16xi32>, vector<16xi32>], vector<16xf32>,
      %mul3A_270 = arith.mulf %gather3A_268, %gather3A_269 : vector<16xf32>
      %add3A_271 = arith.addf %add3A_247, %mul3A_270 : vector<16xf32>
      %broadcast_in_dim3A_272 = arith.constant 20 : i32
      %broadcast_in_dim3A_273 = vector.broadcast %broadcast_in_dim3A_272 : i32 to vector<16xi32>
      %gather3A_274 = tpu.vector_load_idx %arg11[%add3A_142, %broadcast_in_dim3A_273] : memref<128x128xf32, #tpu.memory_space<vmem>>[vector<16xi32>, vector<16xi32>], vector<16xf32>,
      %gather3A_275 = tpu.vector_load_idx %arg13[%add3A_142, %broadcast_in_dim3A_273] : memref<128x128xf32, #tpu.memory_space<vmem>>[vector<16xi32>, vector<16xi32>], vector<16xf32>,
      %mul3A_276 = arith.mulf %gather3A_274, %gather3A_275 : vector<16xf32>
      %add3A_277 = arith.addf %add3A_253, %mul3A_276 : vector<16xf32>
      %broadcast_in_dim3A_278 = arith.constant 21 : i32
      %broadcast_in_dim3A_279 = vector.broadcast %broadcast_in_dim3A_278 : i32 to vector<16xi32>
      %gather3A_280 = tpu.vector_load_idx %arg11[%add3A_142, %broadcast_in_dim3A_279] : memref<128x128xf32, #tpu.memory_space<vmem>>[vector<16xi32>, vector<16xi32>], vector<16xf32>,
      %gather3A_281 = tpu.vector_load_idx %arg13[%add3A_142, %broadcast_in_dim3A_279] : memref<128x128xf32, #tpu.memory_space<vmem>>[vector<16xi32>, vector<16xi32>], vector<16xf32>,
      %mul3A_282 = arith.mulf %gather3A_280, %gather3A_281 : vector<16xf32>
      %add3A_283 = arith.addf %add3A_259, %mul3A_282 : vector<16xf32>
      %broadcast_in_dim3A_284 = arith.constant 22 : i32
      %broadcast_in_dim3A_285 = vector.broadcast %broadcast_in_dim3A_284 : i32 to vector<16xi32>
      %gather3A_286 = tpu.vector_load_idx %arg11[%add3A_142, %broadcast_in_dim3A_285] : memref<128x128xf32, #tpu.memory_space<vmem>>[vector<16xi32>, vector<16xi32>], vector<16xf32>,
      %gather3A_287 = tpu.vector_load_idx %arg13[%add3A_142, %broadcast_in_dim3A_285] : memref<128x128xf32, #tpu.memory_space<vmem>>[vector<16xi32>, vector<16xi32>], vector<16xf32>,
      %mul3A_288 = arith.mulf %gather3A_286, %gather3A_287 : vector<16xf32>
      %add3A_289 = arith.addf %add3A_265, %mul3A_288 : vector<16xf32>
      %broadcast_in_dim3A_290 = arith.constant 23 : i32
      %broadcast_in_dim3A_291 = vector.broadcast %broadcast_in_dim3A_290 : i32 to vector<16xi32>
      %gather3A_292 = tpu.vector_load_idx %arg11[%add3A_142, %broadcast_in_dim3A_291] : memref<128x128xf32, #tpu.memory_space<vmem>>[vector<16xi32>, vector<16xi32>], vector<16xf32>,
      %gather3A_293 = tpu.vector_load_idx %arg13[%add3A_142, %broadcast_in_dim3A_291] : memref<128x128xf32, #tpu.memory_space<vmem>>[vector<16xi32>, vector<16xi32>], vector<16xf32>,
      %mul3A_294 = arith.mulf %gather3A_292, %gather3A_293 : vector<16xf32>
      %add3A_295 = arith.addf %add3A_271, %mul3A_294 : vector<16xf32>
      %broadcast_in_dim3A_296 = arith.constant 24 : i32
      %broadcast_in_dim3A_297 = vector.broadcast %broadcast_in_dim3A_296 : i32 to vector<16xi32>
      %gather3A_298 = tpu.vector_load_idx %arg11[%add3A_142, %broadcast_in_dim3A_297] : memref<128x128xf32, #tpu.memory_space<vmem>>[vector<16xi32>, vector<16xi32>], vector<16xf32>,
      %gather3A_299 = tpu.vector_load_idx %arg13[%add3A_142, %broadcast_in_dim3A_297] : memref<128x128xf32, #tpu.memory_space<vmem>>[vector<16xi32>, vector<16xi32>], vector<16xf32>,
      %mul3A_300 = arith.mulf %gather3A_298, %gather3A_299 : vector<16xf32>
      %add3A_301 = arith.addf %add3A_277, %mul3A_300 : vector<16xf32>
      %broadcast_in_dim3A_302 = arith.constant 25 : i32
      %broadcast_in_dim3A_303 = vector.broadcast %broadcast_in_dim3A_302 : i32 to vector<16xi32>
      %gather3A_304 = tpu.vector_load_idx %arg11[%add3A_142, %broadcast_in_dim3A_303] : memref<128x128xf32, #tpu.memory_space<vmem>>[vector<16xi32>, vector<16xi32>], vector<16xf32>,
      %gather3A_305 = tpu.vector_load_idx %arg13[%add3A_142, %broadcast_in_dim3A_303] : memref<128x128xf32, #tpu.memory_space<vmem>>[vector<16xi32>, vector<16xi32>], vector<16xf32>,
      %mul3A_306 = arith.mulf %gather3A_304, %gather3A_305 : vector<16xf32>
      %add3A_307 = arith.addf %add3A_283, %mul3A_306 : vector<16xf32>
      %broadcast_in_dim3A_308 = arith.constant 26 : i32
      %broadcast_in_dim3A_309 = vector.broadcast %broadcast_in_dim3A_308 : i32 to vector<16xi32>
      %gather3A_310 = tpu.vector_load_idx %arg11[%add3A_142, %broadcast_in_dim3A_309] : memref<128x128xf32, #tpu.memory_space<vmem>>[vector<16xi32>, vector<16xi32>], vector<16xf32>,
      %gather3A_311 = tpu.vector_load_idx %arg13[%add3A_142, %broadcast_in_dim3A_309] : memref<128x128xf32, #tpu.memory_space<vmem>>[vector<16xi32>, vector<16xi32>], vector<16xf32>,
      %mul3A_312 = arith.mulf %gather3A_310, %gather3A_311 : vector<16xf32>
      %add3A_313 = arith.addf %add3A_289, %mul3A_312 : vector<16xf32>
      %broadcast_in_dim3A_314 = arith.constant 27 : i32
      %broadcast_in_dim3A_315 = vector.broadcast %broadcast_in_dim3A_314 : i32 to vector<16xi32>
      %gather3A_316 = tpu.vector_load_idx %arg11[%add3A_142, %broadcast_in_dim3A_315] : memref<128x128xf32, #tpu.memory_space<vmem>>[vector<16xi32>, vector<16xi32>], vector<16xf32>,
      %gather3A_317 = tpu.vector_load_idx %arg13[%add3A_142, %broadcast_in_dim3A_315] : memref<128x128xf32, #tpu.memory_space<vmem>>[vector<16xi32>, vector<16xi32>], vector<16xf32>,
      %mul3A_318 = arith.mulf %gather3A_316, %gather3A_317 : vector<16xf32>
      %add3A_319 = arith.addf %add3A_295, %mul3A_318 : vector<16xf32>
      %broadcast_in_dim3A_320 = arith.constant 28 : i32
      %broadcast_in_dim3A_321 = vector.broadcast %broadcast_in_dim3A_320 : i32 to vector<16xi32>
      %gather3A_322 = tpu.vector_load_idx %arg11[%add3A_142, %broadcast_in_dim3A_321] : memref<128x128xf32, #tpu.memory_space<vmem>>[vector<16xi32>, vector<16xi32>], vector<16xf32>,
      %gather3A_323 = tpu.vector_load_idx %arg13[%add3A_142, %broadcast_in_dim3A_321] : memref<128x128xf32, #tpu.memory_space<vmem>>[vector<16xi32>, vector<16xi32>], vector<16xf32>,
      %mul3A_324 = arith.mulf %gather3A_322, %gather3A_323 : vector<16xf32>
      %add3A_325 = arith.addf %add3A_301, %mul3A_324 : vector<16xf32>
      %broadcast_in_dim3A_326 = arith.constant 29 : i32
      %broadcast_in_dim3A_327 = vector.broadcast %broadcast_in_dim3A_326 : i32 to vector<16xi32>
      %gather3A_328 = tpu.vector_load_idx %arg11[%add3A_142, %broadcast_in_dim3A_327] : memref<128x128xf32, #tpu.memory_space<vmem>>[vector<16xi32>, vector<16xi32>], vector<16xf32>,
      %gather3A_329 = tpu.vector_load_idx %arg13[%add3A_142, %broadcast_in_dim3A_327] : memref<128x128xf32, #tpu.memory_space<vmem>>[vector<16xi32>, vector<16xi32>], vector<16xf32>,
      %mul3A_330 = arith.mulf %gather3A_328, %gather3A_329 : vector<16xf32>
      %add3A_331 = arith.addf %add3A_307, %mul3A_330 : vector<16xf32>
      %broadcast_in_dim3A_332 = arith.constant 30 : i32
      %broadcast_in_dim3A_333 = vector.broadcast %broadcast_in_dim3A_332 : i32 to vector<16xi32>
      %gather3A_334 = tpu.vector_load_idx %arg11[%add3A_142, %broadcast_in_dim3A_333] : memref<128x128xf32, #tpu.memory_space<vmem>>[vector<16xi32>, vector<16xi32>], vector<16xf32>,
      %gather3A_335 = tpu.vector_load_idx %arg13[%add3A_142, %broadcast_in_dim3A_333] : memref<128x128xf32, #tpu.memory_space<vmem>>[vector<16xi32>, vector<16xi32>], vector<16xf32>,
      %mul3A_336 = arith.mulf %gather3A_334, %gather3A_335 : vector<16xf32>
      %add3A_337 = arith.addf %add3A_313, %mul3A_336 : vector<16xf32>
      %broadcast_in_dim3A_338 = arith.constant 31 : i32
      %broadcast_in_dim3A_339 = vector.broadcast %broadcast_in_dim3A_338 : i32 to vector<16xi32>
      %gather3A_340 = tpu.vector_load_idx %arg11[%add3A_142, %broadcast_in_dim3A_339] : memref<128x128xf32, #tpu.memory_space<vmem>>[vector<16xi32>, vector<16xi32>], vector<16xf32>,
      %gather3A_341 = tpu.vector_load_idx %arg13[%add3A_142, %broadcast_in_dim3A_339] : memref<128x128xf32, #tpu.memory_space<vmem>>[vector<16xi32>, vector<16xi32>], vector<16xf32>,
      %mul3A_342 = arith.mulf %gather3A_340, %gather3A_341 : vector<16xf32>
      %add3A_343 = arith.addf %add3A_319, %mul3A_342 : vector<16xf32>
      %broadcast_in_dim3A_344 = arith.constant 32 : i32
      %broadcast_in_dim3A_345 = vector.broadcast %broadcast_in_dim3A_344 : i32 to vector<16xi32>
      %gather3A_346 = tpu.vector_load_idx %arg11[%add3A_142, %broadcast_in_dim3A_345] : memref<128x128xf32, #tpu.memory_space<vmem>>[vector<16xi32>, vector<16xi32>], vector<16xf32>,
      %gather3A_347 = tpu.vector_load_idx %arg13[%add3A_142, %broadcast_in_dim3A_345] : memref<128x128xf32, #tpu.memory_space<vmem>>[vector<16xi32>, vector<16xi32>], vector<16xf32>,
      %mul3A_348 = arith.mulf %gather3A_346, %gather3A_347 : vector<16xf32>
      %add3A_349 = arith.addf %add3A_325, %mul3A_348 : vector<16xf32>
      %broadcast_in_dim3A_350 = arith.constant 33 : i32
      %broadcast_in_dim3A_351 = vector.broadcast %broadcast_in_dim3A_350 : i32 to vector<16xi32>
      %gather3A_352 = tpu.vector_load_idx %arg11[%add3A_142, %broadcast_in_dim3A_351] : memref<128x128xf32, #tpu.memory_space<vmem>>[vector<16xi32>, vector<16xi32>], vector<16xf32>,
      %gather3A_353 = tpu.vector_load_idx %arg13[%add3A_142, %broadcast_in_dim3A_351] : memref<128x128xf32, #tpu.memory_space<vmem>>[vector<16xi32>, vector<16xi32>], vector<16xf32>,
      %mul3A_354 = arith.mulf %gather3A_352, %gather3A_353 : vector<16xf32>
      %add3A_355 = arith.addf %add3A_331, %mul3A_354 : vector<16xf32>
      %broadcast_in_dim3A_356 = arith.constant 34 : i32
      %broadcast_in_dim3A_357 = vector.broadcast %broadcast_in_dim3A_356 : i32 to vector<16xi32>
      %gather3A_358 = tpu.vector_load_idx %arg11[%add3A_142, %broadcast_in_dim3A_357] : memref<128x128xf32, #tpu.memory_space<vmem>>[vector<16xi32>, vector<16xi32>], vector<16xf32>,
      %gather3A_359 = tpu.vector_load_idx %arg13[%add3A_142, %broadcast_in_dim3A_357] : memref<128x128xf32, #tpu.memory_space<vmem>>[vector<16xi32>, vector<16xi32>], vector<16xf32>,
      %mul3A_360 = arith.mulf %gather3A_358, %gather3A_359 : vector<16xf32>
      %add3A_361 = arith.addf %add3A_337, %mul3A_360 : vector<16xf32>
      %broadcast_in_dim3A_362 = arith.constant 35 : i32
      %broadcast_in_dim3A_363 = vector.broadcast %broadcast_in_dim3A_362 : i32 to vector<16xi32>
      %gather3A_364 = tpu.vector_load_idx %arg11[%add3A_142, %broadcast_in_dim3A_363] : memref<128x128xf32, #tpu.memory_space<vmem>>[vector<16xi32>, vector<16xi32>], vector<16xf32>,
      %gather3A_365 = tpu.vector_load_idx %arg13[%add3A_142, %broadcast_in_dim3A_363] : memref<128x128xf32, #tpu.memory_space<vmem>>[vector<16xi32>, vector<16xi32>], vector<16xf32>,
      %mul3A_366 = arith.mulf %gather3A_364, %gather3A_365 : vector<16xf32>
      %add3A_367 = arith.addf %add3A_343, %mul3A_366 : vector<16xf32>
      %broadcast_in_dim3A_368 = arith.constant 36 : i32
      %broadcast_in_dim3A_369 = vector.broadcast %broadcast_in_dim3A_368 : i32 to vector<16xi32>
      %gather3A_370 = tpu.vector_load_idx %arg11[%add3A_142, %broadcast_in_dim3A_369] : memref<128x128xf32, #tpu.memory_space<vmem>>[vector<16xi32>, vector<16xi32>], vector<16xf32>,
      %gather3A_371 = tpu.vector_load_idx %arg13[%add3A_142, %broadcast_in_dim3A_369] : memref<128x128xf32, #tpu.memory_space<vmem>>[vector<16xi32>, vector<16xi32>], vector<16xf32>,
      %mul3A_372 = arith.mulf %gather3A_370, %gather3A_371 : vector<16xf32>
      %add3A_373 = arith.addf %add3A_349, %mul3A_372 : vector<16xf32>
      %broadcast_in_dim3A_374 = arith.constant 37 : i32
      %broadcast_in_dim3A_375 = vector.broadcast %broadcast_in_dim3A_374 : i32 to vector<16xi32>
      %gather3A_376 = tpu.vector_load_idx %arg11[%add3A_142, %broadcast_in_dim3A_375] : memref<128x128xf32, #tpu.memory_space<vmem>>[vector<16xi32>, vector<16xi32>], vector<16xf32>,
      %gather3A_377 = tpu.vector_load_idx %arg13[%add3A_142, %broadcast_in_dim3A_375] : memref<128x128xf32, #tpu.memory_space<vmem>>[vector<16xi32>, vector<16xi32>], vector<16xf32>,
      %mul3A_378 = arith.mulf %gather3A_376, %gather3A_377 : vector<16xf32>
      %add3A_379 = arith.addf %add3A_355, %mul3A_378 : vector<16xf32>
      %broadcast_in_dim3A_380 = arith.constant 38 : i32
      %broadcast_in_dim3A_381 = vector.broadcast %broadcast_in_dim3A_380 : i32 to vector<16xi32>
      %gather3A_382 = tpu.vector_load_idx %arg11[%add3A_142, %broadcast_in_dim3A_381] : memref<128x128xf32, #tpu.memory_space<vmem>>[vector<16xi32>, vector<16xi32>], vector<16xf32>,
      %gather3A_383 = tpu.vector_load_idx %arg13[%add3A_142, %broadcast_in_dim3A_381] : memref<128x128xf32, #tpu.memory_space<vmem>>[vector<16xi32>, vector<16xi32>], vector<16xf32>,
      %mul3A_384 = arith.mulf %gather3A_382, %gather3A_383 : vector<16xf32>
      %add3A_385 = arith.addf %add3A_361, %mul3A_384 : vector<16xf32>
      %broadcast_in_dim3A_386 = arith.constant 39 : i32
      %broadcast_in_dim3A_387 = vector.broadcast %broadcast_in_dim3A_386 : i32 to vector<16xi32>
      %gather3A_388 = tpu.vector_load_idx %arg11[%add3A_142, %broadcast_in_dim3A_387] : memref<128x128xf32, #tpu.memory_space<vmem>>[vector<16xi32>, vector<16xi32>], vector<16xf32>,
      %gather3A_389 = tpu.vector_load_idx %arg13[%add3A_142, %broadcast_in_dim3A_387] : memref<128x128xf32, #tpu.memory_space<vmem>>[vector<16xi32>, vector<16xi32>], vector<16xf32>,
      %mul3A_390 = arith.mulf %gather3A_388, %gather3A_389 : vector<16xf32>
      %add3A_391 = arith.addf %add3A_367, %mul3A_390 : vector<16xf32>
      %broadcast_in_dim3A_392 = arith.constant 40 : i32
      %broadcast_in_dim3A_393 = vector.broadcast %broadcast_in_dim3A_392 : i32 to vector<16xi32>
      %gather3A_394 = tpu.vector_load_idx %arg11[%add3A_142, %broadcast_in_dim3A_393] : memref<128x128xf32, #tpu.memory_space<vmem>>[vector<16xi32>, vector<16xi32>], vector<16xf32>,
      %gather3A_395 = tpu.vector_load_idx %arg13[%add3A_142, %broadcast_in_dim3A_393] : memref<128x128xf32, #tpu.memory_space<vmem>>[vector<16xi32>, vector<16xi32>], vector<16xf32>,
      %mul3A_396 = arith.mulf %gather3A_394, %gather3A_395 : vector<16xf32>
      %add3A_397 = arith.addf %add3A_373, %mul3A_396 : vector<16xf32>
      %broadcast_in_dim3A_398 = arith.constant 41 : i32
      %broadcast_in_dim3A_399 = vector.broadcast %broadcast_in_dim3A_398 : i32 to vector<16xi32>
      %gather3A_400 = tpu.vector_load_idx %arg11[%add3A_142, %broadcast_in_dim3A_399] : memref<128x128xf32, #tpu.memory_space<vmem>>[vector<16xi32>, vector<16xi32>], vector<16xf32>,
      %gather3A_401 = tpu.vector_load_idx %arg13[%add3A_142, %broadcast_in_dim3A_399] : memref<128x128xf32, #tpu.memory_space<vmem>>[vector<16xi32>, vector<16xi32>], vector<16xf32>,
      %mul3A_402 = arith.mulf %gather3A_400, %gather3A_401 : vector<16xf32>
      %add3A_403 = arith.addf %add3A_379, %mul3A_402 : vector<16xf32>
      %broadcast_in_dim3A_404 = arith.constant 42 : i32
      %broadcast_in_dim3A_405 = vector.broadcast %broadcast_in_dim3A_404 : i32 to vector<16xi32>
      %gather3A_406 = tpu.vector_load_idx %arg11[%add3A_142, %broadcast_in_dim3A_405] : memref<128x128xf32, #tpu.memory_space<vmem>>[vector<16xi32>, vector<16xi32>], vector<16xf32>,
      %gather3A_407 = tpu.vector_load_idx %arg13[%add3A_142, %broadcast_in_dim3A_405] : memref<128x128xf32, #tpu.memory_space<vmem>>[vector<16xi32>, vector<16xi32>], vector<16xf32>,
      %mul3A_408 = arith.mulf %gather3A_406, %gather3A_407 : vector<16xf32>
      %add3A_409 = arith.addf %add3A_385, %mul3A_408 : vector<16xf32>
      %broadcast_in_dim3A_410 = arith.constant 43 : i32
      %broadcast_in_dim3A_411 = vector.broadcast %broadcast_in_dim3A_410 : i32 to vector<16xi32>
      %gather3A_412 = tpu.vector_load_idx %arg11[%add3A_142, %broadcast_in_dim3A_411] : memref<128x128xf32, #tpu.memory_space<vmem>>[vector<16xi32>, vector<16xi32>], vector<16xf32>,
      %gather3A_413 = tpu.vector_load_idx %arg13[%add3A_142, %broadcast_in_dim3A_411] : memref<128x128xf32, #tpu.memory_space<vmem>>[vector<16xi32>, vector<16xi32>], vector<16xf32>,
      %mul3A_414 = arith.mulf %gather3A_412, %gather3A_413 : vector<16xf32>
      %add3A_415 = arith.addf %add3A_391, %mul3A_414 : vector<16xf32>
      %broadcast_in_dim3A_416 = arith.constant 44 : i32
      %broadcast_in_dim3A_417 = vector.broadcast %broadcast_in_dim3A_416 : i32 to vector<16xi32>
      %gather3A_418 = tpu.vector_load_idx %arg11[%add3A_142, %broadcast_in_dim3A_417] : memref<128x128xf32, #tpu.memory_space<vmem>>[vector<16xi32>, vector<16xi32>], vector<16xf32>,
      %gather3A_419 = tpu.vector_load_idx %arg13[%add3A_142, %broadcast_in_dim3A_417] : memref<128x128xf32, #tpu.memory_space<vmem>>[vector<16xi32>, vector<16xi32>], vector<16xf32>,
      %mul3A_420 = arith.mulf %gather3A_418, %gather3A_419 : vector<16xf32>
      %add3A_421 = arith.addf %add3A_397, %mul3A_420 : vector<16xf32>
      %broadcast_in_dim3A_422 = arith.constant 45 : i32
      %broadcast_in_dim3A_423 = vector.broadcast %broadcast_in_dim3A_422 : i32 to vector<16xi32>
      %gather3A_424 = tpu.vector_load_idx %arg11[%add3A_142, %broadcast_in_dim3A_423] : memref<128x128xf32, #tpu.memory_space<vmem>>[vector<16xi32>, vector<16xi32>], vector<16xf32>,
      %gather3A_425 = tpu.vector_load_idx %arg13[%add3A_142, %broadcast_in_dim3A_423] : memref<128x128xf32, #tpu.memory_space<vmem>>[vector<16xi32>, vector<16xi32>], vector<16xf32>,
      %mul3A_426 = arith.mulf %gather3A_424, %gather3A_425 : vector<16xf32>
      %add3A_427 = arith.addf %add3A_403, %mul3A_426 : vector<16xf32>
      %broadcast_in_dim3A_428 = arith.constant 46 : i32
      %broadcast_in_dim3A_429 = vector.broadcast %broadcast_in_dim3A_428 : i32 to vector<16xi32>
      %gather3A_430 = tpu.vector_load_idx %arg11[%add3A_142, %broadcast_in_dim3A_429] : memref<128x128xf32, #tpu.memory_space<vmem>>[vector<16xi32>, vector<16xi32>], vector<16xf32>,
      %gather3A_431 = tpu.vector_load_idx %arg13[%add3A_142, %broadcast_in_dim3A_429] : memref<128x128xf32, #tpu.memory_space<vmem>>[vector<16xi32>, vector<16xi32>], vector<16xf32>,
      %mul3A_432 = arith.mulf %gather3A_430, %gather3A_431 : vector<16xf32>
      %add3A_433 = arith.addf %add3A_409, %mul3A_432 : vector<16xf32>
      %broadcast_in_dim3A_434 = arith.constant 47 : i32
      %broadcast_in_dim3A_435 = vector.broadcast %broadcast_in_dim3A_434 : i32 to vector<16xi32>
      %gather3A_436 = tpu.vector_load_idx %arg11[%add3A_142, %broadcast_in_dim3A_435] : memref<128x128xf32, #tpu.memory_space<vmem>>[vector<16xi32>, vector<16xi32>], vector<16xf32>,
      %gather3A_437 = tpu.vector_load_idx %arg13[%add3A_142, %broadcast_in_dim3A_435] : memref<128x128xf32, #tpu.memory_space<vmem>>[vector<16xi32>, vector<16xi32>], vector<16xf32>,
      %mul3A_438 = arith.mulf %gather3A_436, %gather3A_437 : vector<16xf32>
      %add3A_439 = arith.addf %add3A_415, %mul3A_438 : vector<16xf32>
      %broadcast_in_dim3A_440 = arith.constant 48 : i32
      %broadcast_in_dim3A_441 = vector.broadcast %broadcast_in_dim3A_440 : i32 to vector<16xi32>
      %gather3A_442 = tpu.vector_load_idx %arg11[%add3A_142, %broadcast_in_dim3A_441] : memref<128x128xf32, #tpu.memory_space<vmem>>[vector<16xi32>, vector<16xi32>], vector<16xf32>,
      %gather3A_443 = tpu.vector_load_idx %arg13[%add3A_142, %broadcast_in_dim3A_441] : memref<128x128xf32, #tpu.memory_space<vmem>>[vector<16xi32>, vector<16xi32>], vector<16xf32>,
      %mul3A_444 = arith.mulf %gather3A_442, %gather3A_443 : vector<16xf32>
      %add3A_445 = arith.addf %add3A_421, %mul3A_444 : vector<16xf32>
      %broadcast_in_dim3A_446 = arith.constant 49 : i32
      %broadcast_in_dim3A_447 = vector.broadcast %broadcast_in_dim3A_446 : i32 to vector<16xi32>
      %gather3A_448 = tpu.vector_load_idx %arg11[%add3A_142, %broadcast_in_dim3A_447] : memref<128x128xf32, #tpu.memory_space<vmem>>[vector<16xi32>, vector<16xi32>], vector<16xf32>,
      %gather3A_449 = tpu.vector_load_idx %arg13[%add3A_142, %broadcast_in_dim3A_447] : memref<128x128xf32, #tpu.memory_space<vmem>>[vector<16xi32>, vector<16xi32>], vector<16xf32>,
      %mul3A_450 = arith.mulf %gather3A_448, %gather3A_449 : vector<16xf32>
      %add3A_451 = arith.addf %add3A_427, %mul3A_450 : vector<16xf32>
      %broadcast_in_dim3A_452 = arith.constant 50 : i32
      %broadcast_in_dim3A_453 = vector.broadcast %broadcast_in_dim3A_452 : i32 to vector<16xi32>
      %gather3A_454 = tpu.vector_load_idx %arg11[%add3A_142, %broadcast_in_dim3A_453] : memref<128x128xf32, #tpu.memory_space<vmem>>[vector<16xi32>, vector<16xi32>], vector<16xf32>,
      %gather3A_455 = tpu.vector_load_idx %arg13[%add3A_142, %broadcast_in_dim3A_453] : memref<128x128xf32, #tpu.memory_space<vmem>>[vector<16xi32>, vector<16xi32>], vector<16xf32>,
      %mul3A_456 = arith.mulf %gather3A_454, %gather3A_455 : vector<16xf32>
      %add3A_457 = arith.addf %add3A_433, %mul3A_456 : vector<16xf32>
      %broadcast_in_dim3A_458 = arith.constant 51 : i32
      %broadcast_in_dim3A_459 = vector.broadcast %broadcast_in_dim3A_458 : i32 to vector<16xi32>
      %gather3A_460 = tpu.vector_load_idx %arg11[%add3A_142, %broadcast_in_dim3A_459] : memref<128x128xf32, #tpu.memory_space<vmem>>[vector<16xi32>, vector<16xi32>], vector<16xf32>,
      %gather3A_461 = tpu.vector_load_idx %arg13[%add3A_142, %broadcast_in_dim3A_459] : memref<128x128xf32, #tpu.memory_space<vmem>>[vector<16xi32>, vector<16xi32>], vector<16xf32>,
      %mul3A_462 = arith.mulf %gather3A_460, %gather3A_461 : vector<16xf32>
      %add3A_463 = arith.addf %add3A_439, %mul3A_462 : vector<16xf32>
      %broadcast_in_dim3A_464 = arith.constant 52 : i32
      %broadcast_in_dim3A_465 = vector.broadcast %broadcast_in_dim3A_464 : i32 to vector<16xi32>
      %gather3A_466 = tpu.vector_load_idx %arg11[%add3A_142, %broadcast_in_dim3A_465] : memref<128x128xf32, #tpu.memory_space<vmem>>[vector<16xi32>, vector<16xi32>], vector<16xf32>,
      %gather3A_467 = tpu.vector_load_idx %arg13[%add3A_142, %broadcast_in_dim3A_465] : memref<128x128xf32, #tpu.memory_space<vmem>>[vector<16xi32>, vector<16xi32>], vector<16xf32>,
      %mul3A_468 = arith.mulf %gather3A_466, %gather3A_467 : vector<16xf32>
      %add3A_469 = arith.addf %add3A_445, %mul3A_468 : vector<16xf32>
      %broadcast_in_dim3A_470 = arith.constant 53 : i32
      %broadcast_in_dim3A_471 = vector.broadcast %broadcast_in_dim3A_470 : i32 to vector<16xi32>
      %gather3A_472 = tpu.vector_load_idx %arg11[%add3A_142, %broadcast_in_dim3A_471] : memref<128x128xf32, #tpu.memory_space<vmem>>[vector<16xi32>, vector<16xi32>], vector<16xf32>,
      %gather3A_473 = tpu.vector_load_idx %arg13[%add3A_142, %broadcast_in_dim3A_471] : memref<128x128xf32, #tpu.memory_space<vmem>>[vector<16xi32>, vector<16xi32>], vector<16xf32>,
      %mul3A_474 = arith.mulf %gather3A_472, %gather3A_473 : vector<16xf32>
      %add3A_475 = arith.addf %add3A_451, %mul3A_474 : vector<16xf32>
      %broadcast_in_dim3A_476 = arith.constant 54 : i32
      %broadcast_in_dim3A_477 = vector.broadcast %broadcast_in_dim3A_476 : i32 to vector<16xi32>
      %gather3A_478 = tpu.vector_load_idx %arg11[%add3A_142, %broadcast_in_dim3A_477] : memref<128x128xf32, #tpu.memory_space<vmem>>[vector<16xi32>, vector<16xi32>], vector<16xf32>,
      %gather3A_479 = tpu.vector_load_idx %arg13[%add3A_142, %broadcast_in_dim3A_477] : memref<128x128xf32, #tpu.memory_space<vmem>>[vector<16xi32>, vector<16xi32>], vector<16xf32>,
      %mul3A_480 = arith.mulf %gather3A_478, %gather3A_479 : vector<16xf32>
      %add3A_481 = arith.addf %add3A_457, %mul3A_480 : vector<16xf32>
      %broadcast_in_dim3A_482 = arith.constant 55 : i32
      %broadcast_in_dim3A_483 = vector.broadcast %broadcast_in_dim3A_482 : i32 to vector<16xi32>
      %gather3A_484 = tpu.vector_load_idx %arg11[%add3A_142, %broadcast_in_dim3A_483] : memref<128x128xf32, #tpu.memory_space<vmem>>[vector<16xi32>, vector<16xi32>], vector<16xf32>,
      %gather3A_485 = tpu.vector_load_idx %arg13[%add3A_142, %broadcast_in_dim3A_483] : memref<128x128xf32, #tpu.memory_space<vmem>>[vector<16xi32>, vector<16xi32>], vector<16xf32>,
      %mul3A_486 = arith.mulf %gather3A_484, %gather3A_485 : vector<16xf32>
      %add3A_487 = arith.addf %add3A_463, %mul3A_486 : vector<16xf32>
      %broadcast_in_dim3A_488 = arith.constant 56 : i32
      %broadcast_in_dim3A_489 = vector.broadcast %broadcast_in_dim3A_488 : i32 to vector<16xi32>
      %gather3A_490 = tpu.vector_load_idx %arg11[%add3A_142, %broadcast_in_dim3A_489] : memref<128x128xf32, #tpu.memory_space<vmem>>[vector<16xi32>, vector<16xi32>], vector<16xf32>,
      %gather3A_491 = tpu.vector_load_idx %arg13[%add3A_142, %broadcast_in_dim3A_489] : memref<128x128xf32, #tpu.memory_space<vmem>>[vector<16xi32>, vector<16xi32>], vector<16xf32>,
      %mul3A_492 = arith.mulf %gather3A_490, %gather3A_491 : vector<16xf32>
      %add3A_493 = arith.addf %add3A_469, %mul3A_492 : vector<16xf32>
      %broadcast_in_dim3A_494 = arith.constant 57 : i32
      %broadcast_in_dim3A_495 = vector.broadcast %broadcast_in_dim3A_494 : i32 to vector<16xi32>
      %gather3A_496 = tpu.vector_load_idx %arg11[%add3A_142, %broadcast_in_dim3A_495] : memref<128x128xf32, #tpu.memory_space<vmem>>[vector<16xi32>, vector<16xi32>], vector<16xf32>,
      %gather3A_497 = tpu.vector_load_idx %arg13[%add3A_142, %broadcast_in_dim3A_495] : memref<128x128xf32, #tpu.memory_space<vmem>>[vector<16xi32>, vector<16xi32>], vector<16xf32>,
      %mul3A_498 = arith.mulf %gather3A_496, %gather3A_497 : vector<16xf32>
      %add3A_499 = arith.addf %add3A_475, %mul3A_498 : vector<16xf32>
      %broadcast_in_dim3A_500 = arith.constant 58 : i32
      %broadcast_in_dim3A_501 = vector.broadcast %broadcast_in_dim3A_500 : i32 to vector<16xi32>
      %gather3A_502 = tpu.vector_load_idx %arg11[%add3A_142, %broadcast_in_dim3A_501] : memref<128x128xf32, #tpu.memory_space<vmem>>[vector<16xi32>, vector<16xi32>], vector<16xf32>,
      %gather3A_503 = tpu.vector_load_idx %arg13[%add3A_142, %broadcast_in_dim3A_501] : memref<128x128xf32, #tpu.memory_space<vmem>>[vector<16xi32>, vector<16xi32>], vector<16xf32>,
      %mul3A_504 = arith.mulf %gather3A_502, %gather3A_503 : vector<16xf32>
      %add3A_505 = arith.addf %add3A_481, %mul3A_504 : vector<16xf32>
      %broadcast_in_dim3A_506 = arith.constant 59 : i32
      %broadcast_in_dim3A_507 = vector.broadcast %broadcast_in_dim3A_506 : i32 to vector<16xi32>
      %gather3A_508 = tpu.vector_load_idx %arg11[%add3A_142, %broadcast_in_dim3A_507] : memref<128x128xf32, #tpu.memory_space<vmem>>[vector<16xi32>, vector<16xi32>], vector<16xf32>,
      %gather3A_509 = tpu.vector_load_idx %arg13[%add3A_142, %broadcast_in_dim3A_507] : memref<128x128xf32, #tpu.memory_space<vmem>>[vector<16xi32>, vector<16xi32>], vector<16xf32>,
      %mul3A_510 = arith.mulf %gather3A_508, %gather3A_509 : vector<16xf32>
      %add3A_511 = arith.addf %add3A_487, %mul3A_510 : vector<16xf32>
      %broadcast_in_dim3A_512 = arith.constant 60 : i32
      %broadcast_in_dim3A_513 = vector.broadcast %broadcast_in_dim3A_512 : i32 to vector<16xi32>
      %gather3A_514 = tpu.vector_load_idx %arg11[%add3A_142, %broadcast_in_dim3A_513] : memref<128x128xf32, #tpu.memory_space<vmem>>[vector<16xi32>, vector<16xi32>], vector<16xf32>,
      %gather3A_515 = tpu.vector_load_idx %arg13[%add3A_142, %broadcast_in_dim3A_513] : memref<128x128xf32, #tpu.memory_space<vmem>>[vector<16xi32>, vector<16xi32>], vector<16xf32>,
      %mul3A_516 = arith.mulf %gather3A_514, %gather3A_515 : vector<16xf32>
      %add3A_517 = arith.addf %add3A_493, %mul3A_516 : vector<16xf32>
      %broadcast_in_dim3A_518 = arith.constant 61 : i32
      %broadcast_in_dim3A_519 = vector.broadcast %broadcast_in_dim3A_518 : i32 to vector<16xi32>
      %gather3A_520 = tpu.vector_load_idx %arg11[%add3A_142, %broadcast_in_dim3A_519] : memref<128x128xf32, #tpu.memory_space<vmem>>[vector<16xi32>, vector<16xi32>], vector<16xf32>,
      %gather3A_521 = tpu.vector_load_idx %arg13[%add3A_142, %broadcast_in_dim3A_519] : memref<128x128xf32, #tpu.memory_space<vmem>>[vector<16xi32>, vector<16xi32>], vector<16xf32>,
      %mul3A_522 = arith.mulf %gather3A_520, %gather3A_521 : vector<16xf32>
      %add3A_523 = arith.addf %add3A_499, %mul3A_522 : vector<16xf32>
      %broadcast_in_dim3A_524 = arith.constant 62 : i32
      %broadcast_in_dim3A_525 = vector.broadcast %broadcast_in_dim3A_524 : i32 to vector<16xi32>
      %gather3A_526 = tpu.vector_load_idx %arg11[%add3A_142, %broadcast_in_dim3A_525] : memref<128x128xf32, #tpu.memory_space<vmem>>[vector<16xi32>, vector<16xi32>], vector<16xf32>,
      %gather3A_527 = tpu.vector_load_idx %arg13[%add3A_142, %broadcast_in_dim3A_525] : memref<128x128xf32, #tpu.memory_space<vmem>>[vector<16xi32>, vector<16xi32>], vector<16xf32>,
      %mul3A_528 = arith.mulf %gather3A_526, %gather3A_527 : vector<16xf32>
      %add3A_529 = arith.addf %add3A_505, %mul3A_528 : vector<16xf32>
      %broadcast_in_dim3A_530 = arith.constant 63 : i32
      %broadcast_in_dim3A_531 = vector.broadcast %broadcast_in_dim3A_530 : i32 to vector<16xi32>
      %gather3A_532 = tpu.vector_load_idx %arg11[%add3A_142, %broadcast_in_dim3A_531] : memref<128x128xf32, #tpu.memory_space<vmem>>[vector<16xi32>, vector<16xi32>], vector<16xf32>,
      %gather3A_533 = tpu.vector_load_idx %arg13[%add3A_142, %broadcast_in_dim3A_531] : memref<128x128xf32, #tpu.memory_space<vmem>>[vector<16xi32>, vector<16xi32>], vector<16xf32>,
      %mul3A_534 = arith.mulf %gather3A_532, %gather3A_533 : vector<16xf32>
      %add3A_535 = arith.addf %add3A_511, %mul3A_534 : vector<16xf32>
      %add3A_536 = arith.addf %add3A_517, %add3A_523 : vector<16xf32>
      %add3A_537 = arith.addf %add3A_529, %add3A_535 : vector<16xf32>
      %add3A_538 = arith.addf %add3A_536, %add3A_537 : vector<16xf32>
      %add3A_539 = arith.constant 384 : i32
      %add3A_540 = arith.addi %add3A_539, %mul3A_140 : i32
      %swap3A = arith.index_cast %add3A_540 : i32 to index
      %swap3A_541 = tpu.vector_load %arg15[%swap3A] {strides = array<i32>} : memref<512xf32, #tpu.memory_space<vmem>>, vector<16xf32>,
      tpu.vector_store %arg15[%swap3A], %add3A_538 {strides = array<i32>} : memref<512xf32, #tpu.memory_space<vmem>>, vector<16xf32>,
    }
    %scan3A_135 = arith.constant 8 : i32
    %mul3A_136 = arith.constant 512 : i32
    %mul3A_137 = arith.muli %add3A, %mul3A_136 : i32
    "tpu.region"() ({
      %run_scoped3A = tpu.sem_alloc : memref<!tpu.dma_semaphore, #tpu.memory_space<semaphore_mem>>
      %dma_start3A_138 = tpu.memref_slice %arg7[%mul3A_137] : memref<16384xf32, #tpu.memory_space<hbm>> -> memref<512xf32, #tpu.memory_space<hbm>>
      %dma_start3A_139 = tpu.memref_slice %arg7[%mul3A_137] : memref<16384xf32, #tpu.memory_space<hbm>> -> memref<512xf32, #tpu.memory_space<hbm>>
      tpu.enqueue_dma source(%arg15 : memref<512xf32, #tpu.memory_space<vmem>>) target(%dma_start3A_139 : memref<512xf32, #tpu.memory_space<hbm>>) target_semaphore(%run_scoped3A : memref<!tpu.dma_semaphore, #tpu.memory_space<semaphore_mem>>)
      %dma_wait3A_140 = tpu.memref_slice %arg7[%mul3A_137] : memref<16384xf32, #tpu.memory_space<hbm>> -> memref<512xf32, #tpu.memory_space<hbm>>
      %dma_wait3A_141 = tpu.memref_slice %arg7[%mul3A_137] : memref<16384xf32, #tpu.memory_space<hbm>> -> memref<512xf32, #tpu.memory_space<hbm>>
      tpu.wait_dma2 semaphore(%run_scoped3A : memref<!tpu.dma_semaphore, #tpu.memory_space<semaphore_mem>>) src(%arg15 : memref<512xf32, #tpu.memory_space<vmem>>) dst(%dma_wait3A_141 : memref<512xf32, #tpu.memory_space<hbm>>)
      tpu.yield
    }) : () -> ()
    return
  }
}

module attributes {stable_mosaic.version = 14 : i64} {
  func.func @_prep_block(%arg0: i32, %arg1: memref<64x8192xf32, #tpu.memory_space<vmem>>, %arg2: memref<64x8192xf32, #tpu.memory_space<vmem>>, %arg3: memref<8192xf32, #tpu.memory_space<vmem>>, %arg4: memref<8192xf32, #tpu.memory_space<vmem>>, %arg5: memref<8192x128xf32, #tpu.memory_space<vmem>>, %arg6: memref<8192x128xf32, #tpu.memory_space<vmem>>) attributes {dimension_semantics = [#tpu.dimension_semantics<arbitrary>], iteration_bounds = array<i64: 13>, scalar_prefetch = 0 : i64, scratch_operands = 0 : i64, tpu.core_type = #tpu.core_type<tc>, window_params = [{transform_indices = @transform_0, window_bounds = array<i64: 64, 8192>}, {transform_indices = @transform_1, window_bounds = array<i64: 64, 8192>}, {transform_indices = @transform_2, window_bounds = array<i64: 8192>}, {transform_indices = @transform_3, window_bounds = array<i64: 8192>}, {transform_indices = @transform_4, window_bounds = array<i64: 8192, 128>}, {transform_indices = @transform_5, window_bounds = array<i64: 8192, 128>}]} {
    %iota3A = tpu.iota {dimensions = array<i32: 0>} : vector<64x64xi32>
    %iota3A_0 = tpu.iota {dimensions = array<i32: 1>} : vector<64x64xi32>
    %add3A = arith.constant 0 : i32
    %add3A_1 = vector.broadcast %add3A : i32 to vector<64x64xi32>
    %add3A_2 = arith.addi %iota3A, %add3A_1 : vector<64x64xi32>
    %eq3A = arith.cmpi eq, %add3A_2, %iota3A_0 : vector<64x64xi32>
    %convert_element_type3A = arith.extui %eq3A : vector<64x64xi1> to vector<64x64xi32>
    %convert_element_type3A_3 = arith.sitofp %convert_element_type3A : vector<64x64xi32> to vector<64x64xf32>
    %get3A = arith.constant 0 : index
    %get3A_4 = arith.constant 0 : index
    %get3A_5 = vector.load %arg1[%get3A, %get3A_4] : memref<64x8192xf32, #tpu.memory_space<vmem>>, vector<64x8192xf32>
    %dot_general3A = arith.constant dense<0.000000e+00> : vector<8192x64xf32>
    %dot_general3A_6 = tpu.matmul %get3A_5, %convert_element_type3A_3, %dot_general3A {dimension_numbers = #tpu.dot_dimension_numbers<[0], [0], [1], [1], [0, 1, 1, 1], [], []>, transpose_lhs_hint = true} : vector<64x8192xf32>, vector<64x64xf32>, vector<8192x64xf32> -> vector<8192x64xf32>
    %get3A_7 = arith.constant 0 : index
    %get3A_8 = vector.load %arg3[%get3A_7] : memref<8192xf32, #tpu.memory_space<vmem>>, vector<8192xf32>
    %reshape3A = vector.shape_cast %get3A_8 : vector<8192xf32> to vector<8192x1xf32>
    %broadcast_in_dim3A = arith.constant 0.000000e+00 : f32
    %broadcast_in_dim3A_9 = vector.broadcast %broadcast_in_dim3A : f32 to vector<8192x63xf32>
    %concatenate3A = tpu.concatenate %dot_general3A_6, %reshape3A, %broadcast_in_dim3A_9 in 1 : vector<8192x64xf32>, vector<8192x1xf32>, vector<8192x63xf32> -> vector<8192x128xf32>
    %swap3A = arith.constant 0 : index
    %swap3A_10 = arith.constant 0 : index
    %swap3A_11 = vector.load %arg5[%swap3A, %swap3A_10] : memref<8192x128xf32, #tpu.memory_space<vmem>>, vector<8192x128xf32>
    tpu.vector_store %arg5[%swap3A, %swap3A_10], %concatenate3A {strides = array<i32>} : memref<8192x128xf32, #tpu.memory_space<vmem>>, vector<8192x128xf32>,
    %get3A_12 = arith.constant 0 : index
    %get3A_13 = arith.constant 0 : index
    %get3A_14 = vector.load %arg2[%get3A_12, %get3A_13] : memref<64x8192xf32, #tpu.memory_space<vmem>>, vector<64x8192xf32>
    %dot_general3A_15 = arith.constant dense<0.000000e+00> : vector<8192x64xf32>
    %dot_general3A_16 = tpu.matmul %get3A_14, %convert_element_type3A_3, %dot_general3A_15 {dimension_numbers = #tpu.dot_dimension_numbers<[0], [0], [1], [1], [0, 1, 1, 1], [], []>, transpose_lhs_hint = true} : vector<64x8192xf32>, vector<64x64xf32>, vector<8192x64xf32> -> vector<8192x64xf32>
    %get3A_17 = arith.constant 0 : index
    %get3A_18 = vector.load %arg4[%get3A_17] : memref<8192xf32, #tpu.memory_space<vmem>>, vector<8192xf32>
    %reshape3A_19 = vector.shape_cast %get3A_18 : vector<8192xf32> to vector<8192x1xf32>
    %broadcast_in_dim3A_20 = arith.constant 0.000000e+00 : f32
    %broadcast_in_dim3A_21 = vector.broadcast %broadcast_in_dim3A_20 : f32 to vector<8192x63xf32>
    %concatenate3A_22 = tpu.concatenate %dot_general3A_16, %reshape3A_19, %broadcast_in_dim3A_21 in 1 : vector<8192x64xf32>, vector<8192x1xf32>, vector<8192x63xf32> -> vector<8192x128xf32>
    %swap3A_23 = arith.constant 0 : index
    %swap3A_24 = arith.constant 0 : index
    %swap3A_25 = vector.load %arg6[%swap3A_23, %swap3A_24] : memref<8192x128xf32, #tpu.memory_space<vmem>>, vector<8192x128xf32>
    tpu.vector_store %arg6[%swap3A_23, %swap3A_24], %concatenate3A_22 {strides = array<i32>} : memref<8192x128xf32, #tpu.memory_space<vmem>>, vector<8192x128xf32>,
    return
  }
  func.func @transform_0(%arg0: i32) -> (i32, i32) {
    %c0_i32 = arith.constant 0 : i32
    %c0_i32_0 = arith.constant 0 : i32
    return %c0_i32, %arg0 : i32, i32
  }
  func.func @transform_1(%arg0: i32) -> (i32, i32) {
    %c0_i32 = arith.constant 0 : i32
    %c0_i32_0 = arith.constant 0 : i32
    return %c0_i32, %arg0 : i32, i32
  }
  func.func @transform_2(%arg0: i32) -> i32 {
    %c0_i32 = arith.constant 0 : i32
    return %arg0 : i32
  }
  func.func @transform_3(%arg0: i32) -> i32 {
    %c0_i32 = arith.constant 0 : i32
    return %arg0 : i32
  }
  func.func @transform_4(%arg0: i32) -> (i32, i32) {
    %c0_i32 = arith.constant 0 : i32
    %c0_i32_0 = arith.constant 0 : i32
    return %arg0, %c0_i32 : i32, i32
  }
  func.func @transform_5(%arg0: i32) -> (i32, i32) {
    %c0_i32 = arith.constant 0 : i32
    %c0_i32_0 = arith.constant 0 : i32
    return %arg0, %c0_i32 : i32, i32
  }
}

</mosaic_0001>

<sc_bundles>
// kernel: kernel.4.cloned.1.call-start
scs
__scs_entry_jumppad:
0x0: {  	(pc) =	sbr.rel $0x88, $3  }
0x1: {  	(tag) =	ssettag $0x0;
	lr =	simm.s32 $0x1  }
0x2: {  	[smem:$0x3F9A] =	sst lr;
	_ =	strace $0xD0000000  }
0x3: {  	_ = 	snop  }
0x4: {  	_ = 	snop  }
0x5: {  	_ = 	snop  }
0x6: {  	_ = 	snop  }
0x7: {  	_ = 	snop  }
__scs_overlays_trampoline_lowered:
0x8: {  	[smem:$0x3FA9] =	sst s0  }
0x9: {  	[smem:$0x3FAA] =	sst s1  }
0xa: {  	[smem:$0x3FAB] =	sst s2  }
0xb: {  	[smem:$0x3FAC] =	sst s3  }
0xc: {  	[smem:$0x3FAD] =	sst s4  }
0xd: {  	[smem:$0x3FAE] =	sst s5  }
0xe: {  	[smem:$0x3FAF] =	sst s6  }
0xf: {  	[smem:$0x3FB0] =	sst s7  }
0x10: {  	[smem:$0x3FB1] =	sst s8  }
0x11: {  	[smem:$0x3FB2] =	sst s9;
	s0 =	simm.s32 @!p0 $0x0  }
0x12: {  	s1 =	sld [smem:$0x3F98];
	s0 =	simm.s32 @p0 $0x1  }
0x13: {  	[smem:$0x3FB3] =	sst s0;
	s0 =	simm.s32 @!p1 $0x0  }
0x14: {  	s2 =	sld [smem:$0x3F97];
	s0 =	simm.s32 @p1 $0x1  }
0x15: {  	[smem:$0x3FB4] =	sst s0;
	s0 =	simm.s32 @!p2 $0x0  }
0x16: {  	s3 =	sld [smem:$0x3FDB];
	s0 =	simm.s32 @p2 $0x1  }
0x17: {  	s4 =	simm.s32 $0x1BF5;
	[smem:$0x3FB6] =	sst s0  }
0x18: {  	s0 =	sld [smem:$0x3F99];
	_ =	swait.ge [sflag:s4], $0x0  }
0x19: {  	s7 =	sld [smem:$0x3F9A]  }
0x1a: {  	s8 =	sadd.s32 $0xFFFFE003, lr  }
0x1b: {  	s9 =	sadd.s32 $0xFFFFFEF7, lr;
	s5 =	simm.s32 $0xFFFFFFFF;
	p2 =	slt.u32 s8, $0xFFFFF086  }
0x1c: {  	p1 =	slt.u32 s9, $0xF7A;
	s5 =	simm.s32 @!p2 $0x0  }
0x1d: {  	s5 =	simm.s32 @p1 $0x1;
	p0 =	seq.s32 s7, s2  }
0x1e: {  	s7 =	smul.u32 @!p0 $0xF7A, s2;
	p2 =	seq.s32 @!p0 s5, $0x0  }
0x1f: {  	s9 =	smul.u32 $0xF7A, s1;
	s8 =	simm.s32 @!p0 $0x1BF5;
	p2 =	por !p2, p0  }
0x20: {  	[sflag:s8] =	ssyncset.s32 @!p0 $0xFFFFF086;
	s6 =	sadd.s32 @!p0 s3, s7;
	s7 =	simm.s32 @!p0 $0x108  }
0x21: {  	s3 =	sadd.s32 s3, s9;
	s6 =	sadd.s32 @!p0 $0x88, s6;
	s7 =	simm.s32 @p2 $0x1082  }
0x22: {  	[simem:s7], [sflag:s8] =	dma.local @!p0 [hbm:s6], $0xF7A  }
0x23: {  	s9 =	sor.u32 $0xD0000000, s2;
	s6 =	simm.s32 $0x108;
	_ =	swait.ge @!p0 [sflag:s8], $0x0  }
0x24: {  	s3 =	sadd.s32 $0x88, s3;
	s6 =	simm.s32 @!p1 $0x1082;
	[sflag:s4] =	ssyncset.s32 $0xFFFFF086  }
0x25: {  	[simem:s6], [sflag:s4] =	dma.local [hbm:s3], $0xF7A  }
0x26: {  	[smem:$0x3F9A] =	sst s1;
	(tag) =	ssettag s2;
	_ =	strace s9  }
0x27: {  	s1 =	sld [smem:$0x3FAA]  }
0x28: {  	s2 =	sld [smem:$0x3FAB]  }
0x29: {  	s4 =	sld [smem:$0x3FAD]  }
0x2a: {  	p0 =	seq.s32 s5, $0x0;
	s5 =	sld [smem:$0x3FAE]  }
0x2b: {  	s6 =	sld [smem:$0x3FAF]  }
0x2c: {  	s7 =	sld [smem:$0x3FB0]  }
0x2d: {  	s3 =	simm.s32 $0x108;
	s8 =	sld [smem:$0x3FB1]  }
0x2e: {  	s3 =	simm.s32 @!p0 $0x1082;
	s9 =	sld [smem:$0x3FB2]  }
0x2f: {  	lr =	sadd.s32 s0, s3;
	s0 =	sld [smem:$0x3FA9]  }
0x30: {  	s3 =	sld [smem:$0x3FAC]  }
0x31: {  	[smem:$0x3FB5] =	sst s10  }
0x32: {  	s10 =	sld [smem:$0x3FB3];
	_ =	sdelay $0x3  }
0x33: {  	p0 =	seq.s32 s10, $0x1;
	s10 =	sld [smem:$0x3FB5];
	_ =	sdelay $0x3  }
0x34: {  	[smem:$0x3FB5] =	sst s10  }
0x35: {  	s10 =	sld [smem:$0x3FB4];
	_ =	sdelay $0x3  }
0x36: {  	p1 =	seq.s32 s10, $0x1;
	s10 =	sld [smem:$0x3FB5];
	_ =	sdelay $0x3  }
0x37: {  	[smem:$0x3FB5] =	sst s10  }
0x38: {  	s10 =	sld [smem:$0x3FB6]  }
0x39: {  	_ = 	snop;
	(pc) =	sbr.ind lr, $3  }
0x3a: {  	_ = 	snop  }
0x3b: {  	_ = 	snop  }
0x3c: {  	p2 =	seq.s32 s10, $0x1;
	s10 =	sld [smem:$0x3FB5]  }
0x3d: {  	_ =	shalt  }
0x3e: {  	_ =	shalt  }
0x3f: {  	_ =	shalt  }
0x40: {  	_ =	shalt  }
0x41: {  	_ =	shalt  }
0x42: {  	_ =	shalt  }
0x43: {  	_ =	shalt  }
0x44: {  	_ =	shalt  }
0x45: {  	_ =	shalt  }
0x46: {  	_ =	shalt  }
0x47: {  	_ =	shalt  }
0x48: {  	_ =	shalt  }
0x49: {  	_ =	shalt  }
0x4a: {  	_ =	shalt  }
0x4b: {  	_ =	shalt  }
0x4c: {  	_ =	shalt  }
0x4d: {  	_ =	shalt  }
0x4e: {  	_ =	shalt  }
0x4f: {  	_ =	shalt  }
0x50: {  	_ =	shalt  }
0x51: {  	_ =	shalt  }
0x52: {  	_ =	shalt  }
0x53: {  	_ =	shalt  }
0x54: {  	_ =	shalt  }
0x55: {  	_ =	shalt  }
0x56: {  	_ =	shalt  }
0x57: {  	_ =	shalt  }
0x58: {  	_ =	shalt  }
0x59: {  	_ =	shalt  }
0x5a: {  	_ =	shalt  }
0x5b: {  	_ =	shalt  }
0x5c: {  	_ =	shalt  }
0x5d: {  	_ =	shalt  }
0x5e: {  	_ =	shalt  }
0x5f: {  	_ =	shalt  }
0x60: {  	_ =	shalt  }
0x61: {  	_ =	shalt  }
0x62: {  	_ =	shalt  }
0x63: {  	_ =	shalt  }
0x64: {  	_ =	shalt  }
0x65: {  	_ =	shalt  }
0x66: {  	_ =	shalt  }
0x67: {  	_ =	shalt  }
0x68: {  	_ =	shalt  }
0x69: {  	_ =	shalt  }
0x6a: {  	_ =	shalt  }
0x6b: {  	_ =	shalt  }
0x6c: {  	_ =	shalt  }
0x6d: {  	_ =	shalt  }
0x6e: {  	_ =	shalt  }
0x6f: {  	_ =	shalt  }
0x70: {  	_ =	shalt  }
0x71: {  	_ =	shalt  }
0x72: {  	_ =	shalt  }
0x73: {  	_ =	shalt  }
0x74: {  	_ =	shalt  }
0x75: {  	_ =	shalt  }
0x76: {  	_ =	shalt  }
0x77: {  	_ =	shalt  }
0x78: {  	_ =	shalt  }
0x79: {  	_ =	shalt  }
0x7a: {  	_ =	shalt  }
0x7b: {  	_ =	shalt  }
0x7c: {  	_ =	shalt  }
0x7d: {  	_ =	shalt  }
0x7e: {  	_ =	shalt  }
0x7f: {  	_ =	shalt  }
0x80: {  	_ =	shalt  }
0x81: {  	_ =	shalt  }
0x82: {  	_ =	shalt  }
0x83: {  	_ =	shalt  }
0x84: {  	_ =	shalt  }
0x85: {  	_ =	shalt  }
0x86: {  	_ =	shalt  }
0x87: {  	_ =	shalt  }
.Lfunc_end0:
.L_simem_size_0:
called_computation_lowered:
.L_overlay_start_0:
0x88: {  	s2 =	sld [smem:$0x3FD9]  }
0x89: {  	s3 =	sld [smem:$0x3FFE];
	_ =	sdelay $0x1  }
0x8a: {  	s1 =	srdreg.scid  }
0x8b: {  	s0 =	sand.u32 $0x1, s1  }
0x8c: {  	s17 =	sshll.u32 s0, $0xA;
	s2 =	sadd.s32 s3, s2  }
0x8d: {  	s2 =	sadd.s32 s2, s17  }
0x8e: {  	[smem:$0x3FC1] =	sst s2  }
0x8f: {  	_ = 	snop  }
0x90: {  	s2 =	sld [smem:$0x3FC9]  }
0x91: {  	s18 =	sld [smem:$0x3FC8]  }
0x92: {  	s4 =	sld [smem:$0x3FD0];
	(tm) =	ssettm $0x1  }
0x93: {  	s5 =	sld [smem:$0x3FFB];
	_ =	sdelay $0x3  }
0x94: {  	_ =	strace s5  }
0x95: {  	s5 =	sld [smem:$0x3FFC];
	_ =	sdelay $0x3  }
0x96: {  	_ =	strace s5  }
0x97: {  	s5 =	sld [smem:$0x3FFD];
	_ =	sdelay $0x3  }
0x98: {  	_ =	strace s5  }
0x99: {  	_ =	strace $0x8FFFFFFF  }
0x9a: {  	s19 =	sld [smem:$0x3FDB];
	_ =	sdelay $0x1  }
0x9b: {  	s6 =	simm.s32 $_scs_section_size  }
0x9c: {  	s7 =	simm.s32 $_size__tile_overlayer_lowered;
	s8 =	simm.s32 $_tile_overlayer_lowered  }
0x9d: {  	s22 =	simm.s32 $0x1BFF;
	s21 =	sshll.u32 s8, $0x1;
	s5 =	sadd.s32 s6, s19  }
0x9e: {  	s9 =	simm.s32 $0x0;
	s20 =	sshll.u32 s7, $0x1;
	s7 =	sadd.s32 s21, s5  }
0x9f: {  	[timem:s9], [sflag:s22] =	dma.local [hbm:s7], s20  }
0xa0: {  	_ =	swait.ge [sflag:s22], s20  }
0xa1: {  	s6 =	ssub.s32 $0x0, s20;
	[sflag:s22] =	ssyncset.done $0x0  }
0xa2: {  	[sflag:s22] =	ssyncadd.s32 s6;
	_ =	sdelay $0x1  }
0xa3: {  	s23 =	simm.s32 $0x1B8B  }
0xa4: {  	_ =	swait.ge [sflag:s23], $0x1  }
0xa5: {  	[sflag:s23] =	ssyncset.done $0x0  }
0xa6: {  	s25 =	simm.s32 $0x1B8E;
	s24 =	sld [smem:$0x3FFE];
	[sflag:s23] =	ssyncadd.s32 $0xFFFFFFFF  }
0xa7: {  	s26 =	simm.s32 $execute0_lowered;
	[smem:$0x3FD2] =	sst s25  }
0xa8: {  	s7 =	sshll.u32 s26, $0x1;
	_ =	strace $0x80000046;
	[dreg:$0x1] =	wrdreg $0xFFFFFFFF  }
0xa9: {  	s28 =	simm.s32 $_size_execute0_lowered;
	s5 =	sadd.s32 s5, s7;
	[dreg:$0x0] =	wrdreg $0x0  }
0xaa: {  	s7 =	sshll.u32 s28, $0x1;
	[dreg:$0x2] =	wrdreg s5  }
0xab: {  	[dreg:$0x3] =	wrdreg s7  }
0xac: {  	[dreg:$0x4] =	wrdreg $0xC0  }
0xad: {  	_ =	task [dreg:s9], $0x5FFFF  }
0xae: {  	[dreg:$0x1] =	wrdreg $0xFFFFFFFF  }
0xaf: {  	[dreg:$0x0] =	wrdreg $0x60  }
0xb0: {  	[dreg:$0x2] =	wrdreg s2  }
0xb1: {  	[dreg:$0x3] =	wrdreg s18  }
0xb2: {  	[dreg:$0x4] =	wrdreg s24  }
0xb3: {  	[dreg:$0x5] =	wrdreg s4  }
0xb4: {  	[dreg:$0x6] =	wrdreg $0x9  }
0xb5: {  	_ =	task.clear_ibuf [dreg:s9], $0x7FFFF;
	_ =	strace $0x90000046  }
0xb6: {  	s29 =	simm.s32 $0x9;
	_ =	strace $0x80000048  }
0xb7: {  	_ =	swait.ge [sflag:s29], $0x1  }
0xb8: {  	[sflag:s29] =	ssyncadd.s32 $0xFFFFFFFF  }
0xb9: {  	_ =	strace $0x90000048  }
0xba: {  	_ =	sfence  }
0xbb: {  	s30 =	sld [smem:$0x0];
	_ =	sdelay $0x2  }
0xbc: {  	s31 =	sshll.u32 s1, $0xD;
	s1 =	sshrl.u32 s1, $0x2  }
0xbd: {  	s3 =	sand.u32 $0x4000, s31;
	s1 =	sadd.s32 s1, s30  }
0xbe: {  	s0 =	sor.u32 s3, s0;
	s1 =	sshll.u32 s1, $0x11  }
0xbf: {  	s0 =	sor.u32 s1, s0  }
0xc0: {  	s0 =	sadd.s32 $0x8F2B, s0  }
0xc1: {  	[sflag:s0] =	ssyncadd.remote.s32 $0x1  }
0xc2: {  	_ =	sfence.sel $0xFFFF  }
0xc3: {  	[dreg:$0x0] =	wrdreg $0xFFFFFFFF;
	(pc) =	sbr.abs _section_cstart, $3  }
0xc4: {  	[dreg:$0x1] =	wrdreg $0xFFFFFFFF  }
0xc5: {  	_ =	task.clear_ibuf [dreg:s9], $0x2FFFF;
	_ =	strace $0x9FFFFFFF  }
0xc6: {  	(tm) =	ssettm $0x7FFFFFFF  }
0xc7: {  	_ =	shalt  }
tec
execute0_lowered:
.L_overlay_start_1:
0x0: {  	(tag) =	ssettag $0x1  }
0x1: {  	s6 =	rddreg [dreg:$0x0]  }
0x2: {  	s7 =	rddreg [dreg:$0x1]  }
0x3: {  	s1 =	rddreg [dreg:$0x2]  }
0x4: {  	s8 =	rddreg [dreg:$0x3]  }
0x5: {  	s0 =	rddreg [dreg:$0x4];
	s2 =	simm.s32 $0x0;
	s3 =	srdreg.scid  }
0x6: {  	s13 =	simm.s32 $0x80;
	s14 =	simm.s32 $0x400;
	s15 =	simm.s32 $0x8400  }
0x7: {  	s16 =	simm.s32 $0x4400;
	s17 =	simm.s32 $0x280;
	s18 =	simm.s32 $0xC400  }
0x8: {  	s19 =	simm.s32 $0x1;
	s20 =	simm.s32 $0x100;
	s21 =	simm.s32 $0x300  }
0x9: {  	s22 =	simm.s32 $0x2;
	s23 =	simm.s32 $0x180;
	s24 =	simm.s32 $0x380  }
0xa: {  	s25 =	simm.s32 $0x10480;
	s26 =	simm.s32 $0x0;
	[smem:$0x7FF] =	sst s2  }
0xb: {  	s5 =	sand.u32 $0x1, s3;
	s4 =	sadd.s32 $0x1A0000, s1;
	s3 =	stileid.u32  }
0xc: {  	_ =	strace $0x80000047;
	s9 =	ssub.s32 $0x2, s5;
	s11 =	sshll.u32 s3, $0x7  }
0xd: {  	v0 =	vlaneseq.u32;
	s12 =	sshll.u32 s5, $0x6;
	s5 =	sadd.s32 $0x340000, s1;
	s10 =	sshrl.u32 s9, $0x1  }
0xe: {  	v1 =	vmul.u32 $0x80, v0;
	s31 =	sor.u32 s12, s11;
	s11 =	simm.s32 $0x200;
	s12 =	simm.s32 $0x10400  }
0xf: {  	s9 =	ssub.s32 s9, s10;
	s6 =	sadd.s32 s6, s31;
	s7 =	sadd.s32 s7, s31  }
0x10: {  	[tilespmem:$0x1FFF0] =	vst v1;
	s8 =	sadd.s32 s8, s31;
	s10 =	simm.s32 $0x3;
	s9 =	smax.u32 s9, $0x1  }
.LBB2_1:
0x11: {  	[tilespmem:s2], [sflag:$0x3] =	stream.linear.gather [hbm4b:s6+s2], $0x200, $0x38;
	[tilespmem:$0x10680] =	vst v63  }
0x12: {  	_ =	swait.ge [sflag:s10], $0x200  }
0x13: {  	[sflag:s10] =	ssyncset.done $0x0  }
0x14: {  	[sflag:s10] =	ssyncadd.s32 $0xFFFFFE00  }
0x15: {  	[tilespmem:s11], [sflag:$0x3] =	stream.linear.gather [hbm4b:s7+s2], $0x200, $0x38;
	[tilespmem:$0x10680] =	vst v63  }
0x16: {  	_ =	swait.ge [sflag:s10], $0x200  }
0x17: {  	[sflag:s10] =	ssyncset.done $0x0  }
0x18: {  	[sflag:s10] =	ssyncadd.s32 $0xFFFFFE00  }
0x19: {  	[tilespmem:s12], [sflag:$0x3] =	stream.linear.gather [hbm4b:s5+s2], $0x80, $0x38;
	[tilespmem:$0x10680] =	vst v63  }
0x1a: {  	_ =	swait.ge [sflag:s10], $0x80  }
0x1b: {  	[sflag:s10] =	ssyncset.done $0x0  }
0x1c: {  	[sflag:s10] =	ssyncadd.s32 $0xFFFFFF80  }
0x1d: {  	[tilespmem:s14], [sflag:$0x1] =	stream.indirect.gather [hbm4b:s1+s13], $0x80, s2, s13, $0xb8;
	[tilespmem:$0x10680] =	vst v63  }
0x1e: {  	_ = 	snop  }
0x1f: {  	[tilespmem:s15], [sflag:$0x1] =	stream.indirect.gather [hbm4b:s4+s13], $0x80, s11, s13, $0xb8;
	[tilespmem:$0x10680] =	vst v63  }
0x20: {  	_ = 	snop  }
0x21: {  	[tilespmem:s16], [sflag:$0x2] =	stream.indirect.gather [hbm4b:s1+s13], $0x80, s13, s13, $0xb8;
	[tilespmem:$0x10680] =	vst v63  }
0x22: {  	v0 =	vmov s2  }
0x23: {  	v0 =	vshll.u32 v0, $0x7;
	[tilespmem:s18], [sflag:$0x2] =	stream.indirect.gather [hbm4b:s4+s13], $0x80, s17, s13, $0xb8;
	[tilespmem:$0x10680] =	vst v63  }
0x24: {  	v10 =	vor.u32 v1, v0;
	v24 =	vld [tilespmem:$0x10400];
	_ =	swait.ge [sflag:s19], $0x4000  }
0x25: {  	v0 =	vor.u32 $0x3C, v10;
	[sflag:s19] =	ssyncset.done $0x0  }
0x26: {  	[sflag:s19] =	ssyncadd.s32 $0xFFFFC000  }
0x27: {  	_ =	swait.ge [sflag:s19], $0x4000  }
0x28: {  	[sflag:s19] =	ssyncset.done $0x0  }
0x29: {  	[sflag:s19] =	ssyncadd.s32 $0xFFFFC000  }
0x2a: {  	v3 =	vor.u32 $0x3E, v10;
	v11 =	vld.idx.msk [tilespmem:v0+s14+$0x0], $0xffff  }
0x2b: {  	v1 =	vor.u32 $0x3D, v10;
	v0 =	vld.idx.msk [tilespmem:v0+s15+$0x0], $0xffff;
	_ =	sdelay $0x3  }
0x2c: {  	v4 =	vor.u32 $0x38, v10;
	v2 =	vld.idx.msk [tilespmem:v3+s15+$0x0], $0xffff  }
0x2d: {  	[tilespmem:$0x1FBE0] =	vst v0;
	v0 =	vld.idx.msk [tilespmem:v1+s14+$0x0], $0xffff  }
0x2e: {  	v1 =	vld.idx.msk [tilespmem:v1+s15+$0x0], $0xffff;
	_ =	sdelay $0x2  }
0x2f: {  	[tilespmem:$0x1FDB0] =	vst v2;
	v2 =	vld.idx.msk [tilespmem:v4+s14+$0x0], $0xffff;
	_ =	sdelay $0x1  }
0x30: {  	[tilespmem:$0x1FC00] =	vst v1;
	v1 =	vld.idx.msk [tilespmem:v3+s14+$0x0], $0xffff;
	_ =	sdelay $0x1  }
0x31: {  	[tilespmem:$0x1FBF0] =	vst v0  }
0x32: {  	v0 =	vor.u32 $0x39, v10;
	[tilespmem:$0x1FC10] =	vst v2;
	v2 =	vld.idx.msk [tilespmem:v4+s15+$0x0], $0xffff;
	_ =	sdelay $0x1  }
0x33: {  	[tilespmem:$0x1FDA0] =	vst v1;
	v1 =	vor.u32 $0x3A, v10;
	_ =	sdelay $0x2  }
0x34: {  	[tilespmem:$0x1FC20] =	vst v2;
	v2 =	vld.idx.msk [tilespmem:v0+s14+$0x0], $0xffff  }
0x35: {  	v26 =	vld.idx.msk [tilespmem:v0+s15+$0x0], $0xffff  }
0x36: {  	v0 =	vld.idx.msk [tilespmem:v1+s14+$0x0], $0xffff;
	_ =	sdelay $0x1  }
0x37: {  	v1 =	vld.idx.msk [tilespmem:v1+s15+$0x0], $0xffff;
	_ =	sdelay $0x2  }
0x38: {  	[tilespmem:$0x1FD70] =	vst v0;
	v0 =	vor.u32 $0x36, v10;
	_ =	sdelay $0x1  }
0x39: {  	[tilespmem:$0x1FD80] =	vst v1;
	v1 =	vor.u32 $0x30, v10;
	_ =	sdelay $0x2  }
0x3a: {  	[tilespmem:$0x1FC30] =	vst v2;
	v2 =	vld.idx.msk [tilespmem:v0+s14+$0x0], $0xffff  }
0x3b: {  	v0 =	vld.idx.msk [tilespmem:v0+s15+$0x0], $0xffff  }
0x3c: {  	v33 =	vld.idx.msk [tilespmem:v1+s14+$0x0], $0xffff  }
0x3d: {  	v34 =	vld.idx.msk [tilespmem:v1+s15+$0x0], $0xffff;
	v1 =	vor.u32 $0x2D, v10;
	_ =	sdelay $0x1  }
0x3e: {  	v12 =	vor.u32 $0x2E, v10;
	_ =	sdelay $0x1  }
0x3f: {  	[tilespmem:$0x1FD50] =	vst v0;
	v0 =	vor.u32 $0x2C, v10  }
0x40: {  	v39 =	vld.idx.msk [tilespmem:v1+s14+$0x0], $0xffff  }
0x41: {  	v40 =	vld.idx.msk [tilespmem:v1+s15+$0x0], $0xffff  }
0x42: {  	v1 =	vld.idx.msk [tilespmem:v12+s14+$0x0], $0xffff;
	_ =	sdelay $0x1  }
0x43: {  	v37 =	vld.idx.msk [tilespmem:v0+s14+$0x0], $0xffff  }
0x44: {  	v38 =	vld.idx.msk [tilespmem:v0+s15+$0x0], $0xffff;
	v0 =	vor.u32 $0x29, v10;
	_ =	sdelay $0x1  }
0x45: {  	[tilespmem:$0x1FD00] =	vst v1;
	v1 =	vor.u32 $0x2A, v10;
	_ =	sdelay $0x2  }
0x46: {  	v43 =	vld.idx.msk [tilespmem:v0+s14+$0x0], $0xffff  }
0x47: {  	v44 =	vld.idx.msk [tilespmem:v0+s15+$0x0], $0xffff  }
0x48: {  	v0 =	vld.idx.msk [tilespmem:v1+s14+$0x0], $0xffff;
	_ =	sdelay $0x4  }
0x49: {  	v16 =	vor.u32 $0x26, v10;
	[tilespmem:$0x1FCE0] =	vst v0;
	v0 =	vld.idx.msk [tilespmem:v1+s15+$0x0], $0xffff  }
0x4a: {  	v6 =	vor.u32 $0x34, v10;
	_ =	sdelay $0x1  }
0x4b: {  	v7 =	vor.u32 $0x35, v10;
	_ =	sdelay $0x1  }
0x4c: {  	[tilespmem:$0x1FCF0] =	vst v0;
	v0 =	vld.idx.msk [tilespmem:v16+s14+$0x0], $0xffff  }
0x4d: {  	v8 =	vor.u32 $0x31, v10;
	v29 =	vld.idx.msk [tilespmem:v6+s14+$0x0], $0xffff  }
0x4e: {  	v30 =	vld.idx.msk [tilespmem:v6+s15+$0x0], $0xffff  }
0x4f: {  	v13 =	vor.u32 $0x28, v10;
	v31 =	vld.idx.msk [tilespmem:v7+s14+$0x0], $0xffff  }
0x50: {  	v32 =	vld.idx.msk [tilespmem:v7+s15+$0x0], $0xffff  }
0x51: {  	v23 =	vor.u32 $0x22, v10;
	[tilespmem:$0x1FCC0] =	vst v0;
	v0 =	vld.idx.msk [tilespmem:v16+s15+$0x0], $0xffff  }
0x52: {  	v14 =	vor.u32 $0x24, v10;
	v35 =	vld.idx.msk [tilespmem:v8+s14+$0x0], $0xffff  }
0x53: {  	v36 =	vld.idx.msk [tilespmem:v8+s15+$0x0], $0xffff  }
0x54: {  	v18 =	vor.u32 $0x20, v10;
	v41 =	vld.idx.msk [tilespmem:v13+s14+$0x0], $0xffff  }
0x55: {  	v42 =	vld.idx.msk [tilespmem:v13+s15+$0x0], $0xffff  }
0x56: {  	[tilespmem:$0x1FCD0] =	vst v0;
	v0 =	vld.idx.msk [tilespmem:v23+s14+$0x0], $0xffff  }
0x57: {  	v21 =	vor.u32 $0x21, v10;
	v45 =	vld.idx.msk [tilespmem:v14+s14+$0x0], $0xffff  }
0x58: {  	v46 =	vld.idx.msk [tilespmem:v14+s15+$0x0], $0xffff  }
0x59: {  	v27 =	vor.u32 $0x1C, v10;
	v49 =	vld.idx.msk [tilespmem:v18+s14+$0x0], $0xffff  }
0x5a: {  	v9 =	vor.u32 $0x32, v10;
	v50 =	vld.idx.msk [tilespmem:v18+s15+$0x0], $0xffff  }
0x5b: {  	v53 =	vor.u32 $0x1E, v10;
	[tilespmem:$0x1FCA0] =	vst v0;
	v0 =	vld.idx.msk [tilespmem:v23+s15+$0x0], $0xffff  }
0x5c: {  	v51 =	vld.idx.msk [tilespmem:v21+s14+$0x0], $0xffff  }
0x5d: {  	v28 =	vor.u32 $0x1D, v10;
	v52 =	vld.idx.msk [tilespmem:v21+s15+$0x0], $0xffff  }
0x5e: {  	v54 =	vld.idx.msk [tilespmem:v27+s14+$0x0], $0xffff  }
0x5f: {  	[tilespmem:$0x1FD40] =	vst v2;
	v2 =	vld.idx.msk [tilespmem:v9+s14+$0x0], $0xffff  }
0x60: {  	[tilespmem:$0x1FCB0] =	vst v0;
	v0 =	vld.idx.msk [tilespmem:v53+s14+$0x0], $0xffff  }
0x61: {  	v63 =	vor.u32 $0x10, v10;
	v56 =	vld.idx.msk [tilespmem:v27+s15+$0x0], $0xffff  }
0x62: {  	v57 =	vld.idx.msk [tilespmem:v28+s14+$0x0], $0xffff  }
0x63: {  	v13 =	vor.u32 $0x25, v10;
	v58 =	vld.idx.msk [tilespmem:v28+s15+$0x0], $0xffff  }
0x64: {  	[tilespmem:$0x1FD20] =	vst v2;
	v2 =	vld.idx.msk [tilespmem:v9+s15+$0x0], $0xffff  }
0x65: {  	v28 =	vor.u32 $0x1A, v10;
	[tilespmem:$0x1FC80] =	vst v0;
	v0 =	vld.idx.msk [tilespmem:v53+s15+$0x0], $0xffff  }
0x66: {  	v19 =	vld.idx.msk [tilespmem:v63+s14+$0x0], $0xffff  }
0x67: {  	v27 =	vor.u32 $0x19, v10;
	v63 =	vld.idx.msk [tilespmem:v63+s15+$0x0], $0xffff  }
0x68: {  	v47 =	vld.idx.msk [tilespmem:v13+s14+$0x0], $0xffff  }
0x69: {  	[tilespmem:$0x1FD30] =	vst v2;
	v2 =	vld.idx.msk [tilespmem:v12+s15+$0x0], $0xffff  }
0x6a: {  	[tilespmem:$0x1FC90] =	vst v0;
	v0 =	vld.idx.msk [tilespmem:v28+s14+$0x0], $0xffff  }
0x6b: {  	v48 =	vld.idx.msk [tilespmem:v13+s15+$0x0], $0xffff  }
0x6c: {  	v60 =	vld.idx.msk [tilespmem:v27+s14+$0x0], $0xffff  }
0x6d: {  	v62 =	vld.idx.msk [tilespmem:v27+s15+$0x0], $0xffff;
	v1 =	vor.u32 $0x12, v10  }
0x6e: {  	v19 =	vmul.f32 v63, v19;
	v63 =	vld.idx.msk [tilespmem:v10+s15+$0x0], $0xffff;
	[tilespmem:$0x1FD10] =	vst v2  }
0x6f: {  	v2 =	vor.u32 $0xC, v10;
	[tilespmem:$0x1FC60] =	vst v0;
	v0 =	vld.idx.msk [tilespmem:v28+s15+$0x0], $0xffff  }
0x70: {  	v28 =	vld [tilespmem:$0x1FBE0]  }
0x71: {  	v25 =	vld [tilespmem:$0x1FC20]  }
0x72: {  	v3 =	vld.idx.msk [tilespmem:v1+s14+$0x0], $0xffff  }
0x73: {  	v27 =	vld.idx.msk [tilespmem:v1+s15+$0x0], $0xffff;
	v1 =	vor.u32 $0x8, v10  }
0x74: {  	v15 =	vld.idx.msk [tilespmem:v2+s15+$0x0], $0xffff;
	[tilespmem:$0x1FC70] =	vst v0;
	v0 =	vor.u32 $0x11, v10  }
0x75: {  	v16 =	vld.idx.msk [tilespmem:v2+s14+$0x0], $0xffff;
	v11 =	vmul.f32 v28, v11  }
0x76: {  	v2 =	vor.u32 $0x9, v10;
	v28 =	vld [tilespmem:$0x1FC00]  }
0x77: {  	[tilespmem:$0x1FDE0] =	vst v11;
	v11 =	vld [tilespmem:$0x1FBF0]  }
0x78: {  	v13 =	vld.idx.msk [tilespmem:v1+s14+$0x0], $0xffff  }
0x79: {  	v18 =	vld.idx.msk [tilespmem:v0+s14+$0x0], $0xffff  }
0x7a: {  	v17 =	vld.idx.msk [tilespmem:v0+s15+$0x0], $0xffff;
	v0 =	vor.u32 $0xD, v10  }
0x7b: {  	v8 =	vld.idx.msk [tilespmem:v2+s14+$0x0], $0xffff  }
0x7c: {  	v11 =	vmul.f32 v28, v11;
	v28 =	vld [tilespmem:$0x1FC10]  }
0x7d: {  	v7 =	vld.idx.msk [tilespmem:v2+s15+$0x0], $0xffff;
	v2 =	vor.u32 $0x5, v10  }
0x7e: {  	v9 =	vld.idx.msk [tilespmem:v1+s15+$0x0], $0xffff  }
0x7f: {  	v1 =	vor.u32 $0x4, v10;
	v14 =	vld.idx.msk [tilespmem:v0+s14+$0x0], $0xffff  }
0x80: {  	v12 =	vld.idx.msk [tilespmem:v0+s15+$0x0], $0xffff  }
0x81: {  	v0 =	vor.u32 $0xA, v10;
	v28 =	vmul.f32 v25, v28;
	v25 =	vld [tilespmem:$0x1FC30]  }
0x82: {  	v4 =	vld.idx.msk [tilespmem:v2+s14+$0x0], $0xffff  }
0x83: {  	[tilespmem:$0x1FC50] =	vst v3;
	v3 =	vld.idx.msk [tilespmem:v2+s15+$0x0], $0xffff;
	v2 =	vor.u32 $0x2, v10  }
0x84: {  	v35 =	vmul.f32 v36, v35;
	v36 =	vor.u32 $0x3, v10;
	v6 =	vld.idx.msk [tilespmem:v1+s14+$0x0], $0xffff  }
0x85: {  	v5 =	vld.idx.msk [tilespmem:v1+s15+$0x0], $0xffff  }
0x86: {  	[tilespmem:$0x1FDC0] =	vst v28;
	v23 =	vld.idx.msk [tilespmem:v0+s14+$0x0], $0xffff;
	v28 =	vmul.f32 v26, v25;
	v26 =	vmul.f32 v30, v29  }
0x87: {  	v22 =	vld.idx.msk [tilespmem:v0+s15+$0x0], $0xffff;
	v0 =	vor.u32 $0x6, v10;
	v29 =	vmul.f32 v38, v37  }
0x88: {  	v1 =	vor.u32 $0x1, v10;
	v37 =	vld.idx.msk [tilespmem:v2+s14+$0x0], $0xffff;
	[tilespmem:$0x1FD90] =	vst v26;
	v26 =	vmul.f32 v32, v31;
	v31 =	vmul.f32 v42, v41  }
0x89: {  	v41 =	vmul.f32 v52, v51;
	v52 =	vmul.f32 v56, v54;
	v56 =	vld.idx.msk [tilespmem:v36+s14+$0x0], $0xffff  }
0x8a: {  	v25 =	vor.u32 $0x40, v10;
	v36 =	vld.idx.msk [tilespmem:v36+s15+$0x0], $0xffff  }
0x8b: {  	v54 =	vmul.f32 v58, v57;
	v58 =	vmul.f32 v62, v60;
	v62 =	vld.idx.msk [tilespmem:v10+s14+$0x0], $0xffff  }
0x8c: {  	[tilespmem:$0x1FDD0] =	vst v11;
	v11 =	vld.idx.msk [tilespmem:v0+s14+$0x0], $0xffff  }
0x8d: {  	v42 =	vor.u32 $0x7, v10;
	[tilespmem:$0x1FD60] =	vst v26;
	v26 =	vld.idx.msk [tilespmem:v1+s14+$0x0], $0xffff  }
0x8e: {  	v1 =	vld.idx.msk [tilespmem:v1+s15+$0x0], $0xffff  }
0x8f: {  	v30 =	vmul.f32 v40, v39;
	v39 =	vld.idx.msk [tilespmem:v25+s15+$0x0], $0xffff  }
0x90: {  	v60 =	vor.u32 $0xB, v10;
	v25 =	vld.idx.msk [tilespmem:v25+s14+$0x0], $0xffff  }
0x91: {  	v17 =	vmul.f32 v17, v18;
	v18 =	vor.u32 $0xE, v10;
	v0 =	vld.idx.msk [tilespmem:v0+s15+$0x0], $0xffff  }
0x92: {  	v12 =	vmul.f32 v12, v14;
	v14 =	vld.idx.msk [tilespmem:v42+s14+$0x0], $0xffff  }
0x93: {  	v9 =	vmul.f32 v9, v13;
	v13 =	vor.u32 $0xF, v10;
	v7 =	vmul.f32 v7, v8;
	v8 =	vld.idx.msk [tilespmem:v42+s15+$0x0], $0xffff  }
0x94: {  	v5 =	vmul.f32 v5, v6;
	v2 =	vld.idx.msk [tilespmem:v2+s15+$0x0], $0xffff;
	v1 =	vmul.f32 v1, v26  }
0x95: {  	v3 =	vmul.f32 v3, v4;
	v6 =	vld.idx.msk [tilespmem:v60+s14+$0x0], $0xffff;
	v36 =	vmul.f32 v36, v56;
	v4 =	vadd.f32 v25, v24  }
0x96: {  	v42 =	vld.idx.msk [tilespmem:v18+s14+$0x0], $0xffff;
	v0 =	vmul.f32 v0, v11;
	v25 =	vor.u32 $0x13, v10;
	v1 =	vadd.f32 $0.0e+00, v1  }
0x97: {  	v11 =	vld.idx.msk [tilespmem:v18+s15+$0x0], $0xffff;
	v18 =	vor.u32 $0x16, v10;
	v26 =	vmul.f32 v63, v62;
	v4 =	vadd.f32 v39, v4  }
0x98: {  	v8 =	vmul.f32 v8, v14;
	v14 =	vld.idx.msk [tilespmem:v13+s14+$0x0], $0xffff;
	v1 =	vadd.f32 v3, v1  }
0x99: {  	v3 =	vld.idx.msk [tilespmem:v13+s15+$0x0], $0xffff;
	v13 =	vadd.f32 $0.0e+00, v36;
	v4 =	vadd.f32 v26, v4  }
0x9a: {  	v15 =	vmul.f32 v15, v16;
	v2 =	vmul.f32 v2, v37;
	v16 =	vld.idx.msk [tilespmem:v60+s15+$0x0], $0xffff  }
0x9b: {  	v26 =	vor.u32 $0x17, v10;
	v8 =	vadd.f32 v8, v13;
	v13 =	vld.idx.msk [tilespmem:v25+s15+$0x0], $0xffff;
	v4 =	vadd.f32 v5, v4  }
0x9c: {  	v1 =	vadd.f32 v7, v1;
	v7 =	vld.idx.msk [tilespmem:v18+s14+$0x0], $0xffff  }
0x9d: {  	v2 =	vadd.f32 $0.0e+00, v2;
	v4 =	vadd.f32 v9, v4;
	v9 =	vld.idx.msk [tilespmem:v18+s15+$0x0], $0xffff  }
0x9e: {  	v18 =	vld [tilespmem:$0x1FC50]  }
0x9f: {  	v0 =	vadd.f32 v0, v2;
	v2 =	vmul.f32 v22, v23;
	v5 =	vld.idx.msk [tilespmem:v25+s14+$0x0], $0xffff  }
0xa0: {  	v6 =	vmul.f32 v16, v6;
	v1 =	vadd.f32 v12, v1;
	v12 =	vld.idx.msk [tilespmem:v26+s14+$0x0], $0xffff  }
0xa1: {  	v0 =	vadd.f32 v2, v0;
	v2 =	vmul.f32 v11, v42;
	v3 =	vmul.f32 v3, v14;
	v14 =	vld.idx.msk [tilespmem:v26+s15+$0x0], $0xffff  }
0xa2: {  	v6 =	vadd.f32 v6, v8  }
0xa3: {  	v0 =	vadd.f32 v2, v0;
	v18 =	vmul.f32 v27, v18  }
0xa4: {  	v16 =	vor.u32 $0x1B, v10;
	v3 =	vadd.f32 v3, v6;
	v5 =	vmul.f32 v13, v5  }
0xa5: {  	v7 =	vmul.f32 v9, v7;
	v0 =	vadd.f32 v18, v0  }
0xa6: {  	v3 =	vadd.f32 v5, v3;
	v5 =	vmul.f32 v14, v12;
	v12 =	vld [tilespmem:$0x1FC70]  }
0xa7: {  	v8 =	vor.u32 $0x1F, v10;
	v0 =	vadd.f32 v7, v0;
	v7 =	vld [tilespmem:$0x1FC60];
	_ =	sdelay $0x1  }
0xa8: {  	v55 =	vor.u32 $0x18, v10;
	v4 =	vadd.f32 v15, v4;
	v15 =	vld.idx.msk [tilespmem:v16+s14+$0x0], $0xffff  }
0xa9: {  	v59 =	vor.u32 $0x14, v10;
	v61 =	vor.u32 $0x15, v10;
	v22 =	vor.u32 $0x3F, v10;
	v16 =	vld.idx.msk [tilespmem:v16+s15+$0x0], $0xffff  }
0xaa: {  	v11 =	vor.u32 $0x3B, v10;
	v2 =	vor.u32 $0x23, v10;
	v1 =	vadd.f32 v17, v1;
	v14 =	vld [tilespmem:$0x1FC90]  }
0xab: {  	v17 =	vor.u32 $0x33, v10;
	v6 =	vor.u32 $0x37, v10;
	v18 =	vld.idx.msk [tilespmem:v8+s14+$0x0], $0xffff;
	v7 =	vmul.f32 v12, v7  }
0xac: {  	v13 =	vor.u32 $0x27, v10;
	v9 =	vor.u32 $0x2F, v10;
	v10 =	vor.u32 $0x2B, v10;
	v8 =	vld.idx.msk [tilespmem:v8+s15+$0x0], $0xffff  }
0xad: {  	v0 =	vadd.f32 v7, v0;
	v7 =	vld [tilespmem:$0x1FC80];
	_ =	sdelay $0x1  }
0xae: {  	v3 =	vadd.f32 v5, v3;
	v5 =	vmul.f32 v16, v15;
	_ =	sdelay $0x1  }
0xaf: {  	v3 =	vadd.f32 v5, v3;
	v5 =	vmul.f32 v8, v18;
	v8 =	vld.idx.msk [tilespmem:v10+s15+$0x0], $0xffff  }
0xb0: {  	v7 =	vmul.f32 v14, v7;
	v14 =	vld.idx.msk [tilespmem:v10+s14+$0x0], $0xffff  }
0xb1: {  	v10 =	vld [tilespmem:$0x1FCB0]  }
0xb2: {  	v0 =	vadd.f32 v7, v0;
	v7 =	vld [tilespmem:$0x1FCA0]  }
0xb3: {  	v4 =	vadd.f32 v19, v4;
	v19 =	vld.idx.msk [tilespmem:v2+s14+$0x0], $0xffff  }
0xb4: {  	v2 =	vld.idx.msk [tilespmem:v2+s15+$0x0], $0xffff  }
0xb5: {  	v12 =	vld.idx.msk [tilespmem:v13+s14+$0x0], $0xffff  }
0xb6: {  	v3 =	vadd.f32 v5, v3;
	v5 =	vld.idx.msk [tilespmem:v9+s15+$0x0], $0xffff  }
0xb7: {  	v7 =	vmul.f32 v10, v7;
	v10 =	vld.idx.msk [tilespmem:v9+s14+$0x0], $0xffff  }
0xb8: {  	v9 =	vld [tilespmem:$0x1FCD0]  }
0xb9: {  	v0 =	vadd.f32 v7, v0;
	v7 =	vld [tilespmem:$0x1FCC0]  }
0xba: {  	v13 =	vld.idx.msk [tilespmem:v13+s15+$0x0], $0xffff;
	_ =	sdelay $0x2  }
0xbb: {  	v2 =	vmul.f32 v2, v19  }
0xbc: {  	v7 =	vmul.f32 v9, v7  }
0xbd: {  	v2 =	vadd.f32 v2, v3;
	v3 =	vmul.f32 v13, v12;
	v13 =	vld [tilespmem:$0x1FCF0]  }
0xbe: {  	v0 =	vadd.f32 v7, v0;
	v7 =	vld [tilespmem:$0x1FCE0];
	_ =	sdelay $0x2  }
0xbf: {  	v20 =	vld.idx.msk [tilespmem:v61+s14+$0x0], $0xffff  }
0xc0: {  	v61 =	vld.idx.msk [tilespmem:v61+s15+$0x0], $0xffff  }
0xc1: {  	v7 =	vmul.f32 v13, v7  }
0xc2: {  	v2 =	vadd.f32 v3, v2;
	v3 =	vmul.f32 v8, v14;
	v8 =	vld [tilespmem:$0x1FD10]  }
0xc3: {  	v0 =	vadd.f32 v7, v0;
	v7 =	vld [tilespmem:$0x1FD00]  }
0xc4: {  	v21 =	vld.idx.msk [tilespmem:v59+s14+$0x0], $0xffff  }
0xc5: {  	v59 =	vld.idx.msk [tilespmem:v59+s15+$0x0], $0xffff;
	v20 =	vmul.f32 v61, v20  }
0xc6: {  	v53 =	vld.idx.msk [tilespmem:v55+s14+$0x0], $0xffff  }
0xc7: {  	v55 =	vld.idx.msk [tilespmem:v55+s15+$0x0], $0xffff;
	v1 =	vadd.f32 v20, v1  }
0xc8: {  	v12 =	vld.idx.msk [tilespmem:v17+s15+$0x0], $0xffff;
	v7 =	vmul.f32 v8, v7  }
0xc9: {  	v1 =	vadd.f32 v58, v1;
	v2 =	vadd.f32 v3, v2;
	v3 =	vmul.f32 v5, v10;
	v10 =	vld [tilespmem:$0x1FD30]  }
0xca: {  	v0 =	vadd.f32 v7, v0;
	v7 =	vld [tilespmem:$0x1FD20]  }
0xcb: {  	v1 =	vadd.f32 v54, v1;
	v9 =	vld.idx.msk [tilespmem:v17+s14+$0x0], $0xffff  }
0xcc: {  	v13 =	vld.idx.msk [tilespmem:v6+s14+$0x0], $0xffff  }
0xcd: {  	v38 =	vmul.f32 v48, v47;
	v1 =	vadd.f32 v41, v1;
	v6 =	vld.idx.msk [tilespmem:v6+s15+$0x0], $0xffff  }
0xce: {  	v5 =	vld.idx.msk [tilespmem:v11+s15+$0x0], $0xffff  }
0xcf: {  	v32 =	vmul.f32 v44, v43;
	v1 =	vadd.f32 v38, v1;
	v8 =	vld.idx.msk [tilespmem:v11+s14+$0x0], $0xffff;
	v7 =	vmul.f32 v10, v7  }
0xd0: {  	v2 =	vadd.f32 v3, v2;
	v3 =	vmul.f32 v12, v9;
	v11 =	vld [tilespmem:$0x1FD50]  }
0xd1: {  	v1 =	vadd.f32 v32, v1;
	v0 =	vadd.f32 v7, v0;
	v7 =	vld [tilespmem:$0x1FD40]  }
0xd2: {  	v2 =	vadd.f32 v3, v2;
	v3 =	vmul.f32 v6, v13;
	v6 =	vld [tilespmem:$0x1FD60]  }
0xd3: {  	v1 =	vadd.f32 v30, v1;
	_ =	sdelay $0x1  }
0xd4: {  	v21 =	vmul.f32 v59, v21;
	v1 =	vadd.f32 v35, v1  }
0xd5: {  	v7 =	vmul.f32 v11, v7  }
0xd6: {  	v57 =	vmul.f32 v55, v53;
	v4 =	vadd.f32 v21, v4;
	v1 =	vadd.f32 v6, v1;
	v6 =	vld [tilespmem:$0x1FD70]  }
0xd7: {  	v0 =	vadd.f32 v7, v0;
	v7 =	vld [tilespmem:$0x1FD80]  }
0xd8: {  	v4 =	vadd.f32 v57, v4;
	_ =	sdelay $0x1  }
0xd9: {  	v40 =	vmul.f32 v50, v49;
	v4 =	vadd.f32 v52, v4  }
0xda: {  	v34 =	vmul.f32 v34, v33  }
0xdb: {  	v33 =	vmul.f32 v46, v45;
	v4 =	vadd.f32 v40, v4;
	v6 =	vmul.f32 v7, v6  }
0xdc: {  	v2 =	vadd.f32 v3, v2;
	v3 =	vmul.f32 v5, v8;
	v5 =	vld [tilespmem:$0x1FDA0]  }
0xdd: {  	v4 =	vadd.f32 v33, v4;
	v0 =	vadd.f32 v6, v0;
	v6 =	vld [tilespmem:$0x1FDB0];
	_ =	sdelay $0x1  }
0xde: {  	v4 =	vadd.f32 v31, v4;
	v9 =	vld.idx.msk [tilespmem:v22+s15+$0x0], $0xffff  }
0xdf: {  	v7 =	vld [tilespmem:$0x1FD90]  }
0xe0: {  	v4 =	vadd.f32 v29, v4;
	v10 =	vld.idx.msk [tilespmem:v22+s14+$0x0], $0xffff  }
0xe1: {  	v5 =	vmul.f32 v6, v5;
	v6 =	vld [tilespmem:$0x1FDC0]  }
0xe2: {  	v4 =	vadd.f32 v34, v4;
	_ =	sdelay $0x1  }
0xe3: {  	v4 =	vadd.f32 v7, v4  }
0xe4: {  	s28 =	simm.s32 $0x10;
	v2 =	vadd.f32 v3, v2  }
0xe5: {  	v3 =	vmul.f32 v9, v10;
	v7 =	vld [tilespmem:$0x1FDD0];
	v4 =	vadd.f32 v6, v4;
	v6 =	vmov s28  }
0xe6: {  	v0 =	vadd.f32 v5, v0;
	v5 =	vshll.u32 v6, $0x7;
	v6 =	vld [tilespmem:$0x1FDE0]  }
0xe7: {  	v2 =	vadd.f32 v3, v2;
	v3 =	vld [tilespmem:$0x1FFF0];
	_ =	sdelay $0x1  }
0xe8: {  	v1 =	vadd.f32 v28, v1;
	_ =	sdelay $0x1  }
0xe9: {  	v1 =	vadd.f32 v7, v1;
	v4 =	vadd.f32 v6, v4  }
0xea: {  	v12 =	vor.u32 v3, v5  }
0xeb: {  	v0 =	vadd.f32 v2, v0;
	v2 =	vor.u32 $0x3D, v12;
	v1 =	vadd.f32 v1, v4;
	_ =	sdelay $0x1  }
0xec: {  	v0 =	vadd.f32 v0, v1;
	v1 =	vor.u32 $0x3E, v12;
	_ =	sdelay $0x1  }
0xed: {  	v3 =	vor.u32 $0x3C, v12;
	[tilespmem:s25+$0x0] =	vst v0  }
0xee: {  	v26 =	vld.idx.msk [tilespmem:v2+s14+$0x0], $0xffff  }
0xef: {  	v29 =	vld.idx.msk [tilespmem:v2+s15+$0x0], $0xffff  }
0xf0: {  	v2 =	vld.idx.msk [tilespmem:v1+s14+$0x0], $0xffff  }
0xf1: {  	v0 =	vor.u32 $0x38, v12  }
0xf2: {  	[tilespmem:$0x1FC40] =	vst v24;
	v24 =	vld.idx.msk [tilespmem:v3+s14+$0x0], $0xffff  }
0xf3: {  	v25 =	vld.idx.msk [tilespmem:v3+s15+$0x0], $0xffff;
	v3 =	vor.u32 $0x39, v12;
	_ =	sdelay $0x1  }
0xf4: {  	v1 =	vld.idx.msk [tilespmem:v1+s15+$0x0], $0xffff;
	[tilespmem:$0x1FDF0] =	vst v2;
	v2 =	vor.u32 $0x3A, v12  }
0xf5: {  	v39 =	vld.idx.msk [tilespmem:v0+s14+$0x0], $0xffff  }
0xf6: {  	v41 =	vld.idx.msk [tilespmem:v0+s15+$0x0], $0xffff  }
0xf7: {  	v43 =	vld.idx.msk [tilespmem:v3+s14+$0x0], $0xffff  }
0xf8: {  	v28 =	vld.idx.msk [tilespmem:v3+s15+$0x0], $0xffff  }
0xf9: {  	v0 =	vor.u32 $0x35, v12;
	v3 =	vld.idx.msk [tilespmem:v2+s14+$0x0], $0xffff;
	_ =	sdelay $0x1  }
0xfa: {  	[tilespmem:$0x1FE00] =	vst v1;
	v1 =	vor.u32 $0x34, v12;
	_ =	sdelay $0x2  }
0xfb: {  	v32 =	vld.idx.msk [tilespmem:v0+s15+$0x0], $0xffff;
	[tilespmem:$0x1FE10] =	vst v3;
	v3 =	vor.u32 $0x36, v12  }
0xfc: {  	v2 =	vld.idx.msk [tilespmem:v2+s15+$0x0], $0xffff  }
0xfd: {  	v45 =	vld.idx.msk [tilespmem:v1+s14+$0x0], $0xffff  }
0xfe: {  	v40 =	vld.idx.msk [tilespmem:v1+s15+$0x0], $0xffff  }
0xff: {  	v1 =	vld.idx.msk [tilespmem:v0+s14+$0x0], $0xffff  }
0x100: {  	v0 =	vld.idx.msk [tilespmem:v3+s14+$0x0], $0xffff  }
0x101: {  	[tilespmem:$0x1FE20] =	vst v2;
	v2 =	vor.u32 $0x30, v12;
	v3 =	vld.idx.msk [tilespmem:v3+s15+$0x0], $0xffff;
	_ =	sdelay $0x4  }
0x102: {  	[tilespmem:$0x1FE50] =	vst v3;
	v3 =	vld.idx.msk [tilespmem:v2+s14+$0x0], $0xffff  }
0x103: {  	[tilespmem:$0x1FE30] =	vst v1;
	v1 =	vor.u32 $0x31, v12;
	v2 =	vld.idx.msk [tilespmem:v2+s15+$0x0], $0xffff;
	_ =	sdelay $0x4  }
0x104: {  	[tilespmem:$0x1FE70] =	vst v2;
	v2 =	vld.idx.msk [tilespmem:v1+s14+$0x0], $0xffff  }
0x105: {  	[tilespmem:$0x1FE40] =	vst v0;
	v0 =	vor.u32 $0x32, v12;
	v1 =	vld.idx.msk [tilespmem:v1+s15+$0x0], $0xffff;
	_ =	sdelay $0x4  }
0x106: {  	[tilespmem:$0x1FE90] =	vst v1;
	v1 =	vld.idx.msk [tilespmem:v0+s14+$0x0], $0xffff  }
0x107: {  	[tilespmem:$0x1FE60] =	vst v3;
	v3 =	vor.u32 $0x2C, v12;
	v0 =	vld.idx.msk [tilespmem:v0+s15+$0x0], $0xffff;
	_ =	sdelay $0x1  }
0x108: {  	[tilespmem:$0x1FE80] =	vst v2;
	v2 =	vor.u32 $0x2D, v12;
	_ =	sdelay $0x1  }
0x109: {  	[tilespmem:$0x1FEA0] =	vst v1;
	v1 =	vor.u32 $0x2E, v12  }
0x10a: {  	[tilespmem:$0x1FEB0] =	vst v0;
	v0 =	vld.idx.msk [tilespmem:v3+s14+$0x0], $0xffff  }
0x10b: {  	v3 =	vld.idx.msk [tilespmem:v3+s15+$0x0], $0xffff  }
0x10c: {  	v42 =	vld.idx.msk [tilespmem:v2+s14+$0x0], $0xffff  }
0x10d: {  	v46 =	vld.idx.msk [tilespmem:v2+s15+$0x0], $0xffff  }
0x10e: {  	v2 =	vld.idx.msk [tilespmem:v1+s14+$0x0], $0xffff;
	_ =	sdelay $0x2  }
0x10f: {  	[tilespmem:$0x1FED0] =	vst v3;
	v3 =	vor.u32 $0x29, v12;
	_ =	sdelay $0x1  }
0x110: {  	[tilespmem:$0x1FEE0] =	vst v2;
	v2 =	vor.u32 $0x2A, v12  }
0x111: {  	v1 =	vld.idx.msk [tilespmem:v1+s15+$0x0], $0xffff  }
0x112: {  	[tilespmem:$0x1FEC0] =	vst v0;
	v0 =	vor.u32 $0x28, v12  }
0x113: {  	v50 =	vld.idx.msk [tilespmem:v3+s14+$0x0], $0xffff  }
0x114: {  	v51 =	vld.idx.msk [tilespmem:v3+s15+$0x0], $0xffff  }
0x115: {  	v3 =	vld.idx.msk [tilespmem:v2+s14+$0x0], $0xffff  }
0x116: {  	[tilespmem:$0x1FEF0] =	vst v1;
	v1 =	vor.u32 $0x24, v12  }
0x117: {  	v47 =	vld.idx.msk [tilespmem:v0+s14+$0x0], $0xffff  }
0x118: {  	v49 =	vld.idx.msk [tilespmem:v0+s15+$0x0], $0xffff;
	v0 =	vor.u32 $0x25, v12;
	_ =	sdelay $0x1  }
0x119: {  	v2 =	vld.idx.msk [tilespmem:v2+s15+$0x0], $0xffff;
	[tilespmem:$0x1FF00] =	vst v3;
	v3 =	vor.u32 $0x26, v12  }
0x11a: {  	v52 =	vld.idx.msk [tilespmem:v1+s14+$0x0], $0xffff  }
0x11b: {  	v55 =	vld.idx.msk [tilespmem:v1+s15+$0x0], $0xffff  }
0x11c: {  	v53 =	vld.idx.msk [tilespmem:v0+s14+$0x0], $0xffff  }
0x11d: {  	v54 =	vld.idx.msk [tilespmem:v0+s15+$0x0], $0xffff  }
0x11e: {  	v1 =	vor.u32 $0x21, v12;
	v0 =	vld.idx.msk [tilespmem:v3+s14+$0x0], $0xffff;
	_ =	sdelay $0x1  }
0x11f: {  	[tilespmem:$0x1FF10] =	vst v2;
	v2 =	vor.u32 $0x20, v12;
	_ =	sdelay $0x2  }
0x120: {  	v58 =	vld.idx.msk [tilespmem:v1+s14+$0x0], $0xffff;
	[tilespmem:$0x1FF20] =	vst v0;
	v0 =	vor.u32 $0x22, v12  }
0x121: {  	v60 =	vld.idx.msk [tilespmem:v1+s15+$0x0], $0xffff  }
0x122: {  	v56 =	vld.idx.msk [tilespmem:v2+s14+$0x0], $0xffff  }
0x123: {  	v57 =	vld.idx.msk [tilespmem:v2+s15+$0x0], $0xffff;
	v2 =	vor.u32 $0x1D, v12  }
0x124: {  	v3 =	vld.idx.msk [tilespmem:v3+s15+$0x0], $0xffff  }
0x125: {  	v1 =	vld.idx.msk [tilespmem:v0+s14+$0x0], $0xffff  }
0x126: {  	v4 =	vor.u32 $0x1E, v12;
	_ =	sdelay $0x1  }
0x127: {  	v63 =	vld.idx.msk [tilespmem:v2+s14+$0x0], $0xffff  }
0x128: {  	[tilespmem:$0x1FF30] =	vst v3;
	v3 =	vor.u32 $0x1C, v12;
	v0 =	vld.idx.msk [tilespmem:v0+s15+$0x0], $0xffff  }
0x129: {  	[tilespmem:$0x1FF40] =	vst v1;
	v1 =	vld.idx.msk [tilespmem:v2+s15+$0x0], $0xffff  }
0x12a: {  	v2 =	vld.idx.msk [tilespmem:v4+s14+$0x0], $0xffff;
	_ =	sdelay $0x2  }
0x12b: {  	v5 =	vor.u32 $0x18, v12;
	v62 =	vld.idx.msk [tilespmem:v3+s14+$0x0], $0xffff  }
0x12c: {  	[tilespmem:$0x1FF50] =	vst v0;
	v0 =	vld.idx.msk [tilespmem:v3+s15+$0x0], $0xffff;
	v3 =	vor.u32 $0x19, v12  }
0x12d: {  	[tilespmem:$0x1FF60] =	vst v2;
	v2 =	vld.idx.msk [tilespmem:v4+s15+$0x0], $0xffff;
	_ =	sdelay $0x1  }
0x12e: {  	v6 =	vor.u32 $0x1A, v12  }
0x12f: {  	v4 =	vld.idx.msk [tilespmem:v5+s15+$0x0], $0xffff  }
0x130: {  	v7 =	vld.idx.msk [tilespmem:v3+s15+$0x0], $0xffff  }
0x131: {  	[tilespmem:$0x1FF70] =	vst v2;
	v2 =	vld.idx.msk [tilespmem:v5+s14+$0x0], $0xffff  }
0x132: {  	v5 =	vld.idx.msk [tilespmem:v3+s14+$0x0], $0xffff  }
0x133: {  	v3 =	vld.idx.msk [tilespmem:v6+s14+$0x0], $0xffff;
	_ =	sdelay $0x3  }
0x134: {  	v9 =	vor.u32 $0x14, v12  }
0x135: {  	[tilespmem:$0x1FF80] =	vst v3;
	v3 =	vld.idx.msk [tilespmem:v6+s15+$0x0], $0xffff  }
0x136: {  	v11 =	vor.u32 $0x15, v12;
	_ =	sdelay $0x1  }
0x137: {  	v22 =	vor.u32 $0x8, v12  }
0x138: {  	v8 =	vld.idx.msk [tilespmem:v9+s14+$0x0], $0xffff  }
0x139: {  	v9 =	vld.idx.msk [tilespmem:v9+s15+$0x0], $0xffff;
	[tilespmem:$0x1FF90] =	vst v3;
	v3 =	vor.u32 $0x16, v12  }
0x13a: {  	v31 =	vor.u32 $0x4, v12;
	v10 =	vld.idx.msk [tilespmem:v11+s14+$0x0], $0xffff  }
0x13b: {  	v13 =	vld.idx.msk [tilespmem:v11+s15+$0x0], $0xffff  }
0x13c: {  	v34 =	vor.u32 $0x5, v12;
	v21 =	vld.idx.msk [tilespmem:v22+s14+$0x0], $0xffff  }
0x13d: {  	v22 =	vld.idx.msk [tilespmem:v22+s15+$0x0], $0xffff  }
0x13e: {  	v14 =	vld.idx.msk [tilespmem:v3+s14+$0x0], $0xffff  }
0x13f: {  	v11 =	vor.u32 $0x11, v12;
	v30 =	vld.idx.msk [tilespmem:v31+s14+$0x0], $0xffff  }
0x140: {  	v44 =	vor.u32 $0x6, v12;
	v33 =	vld.idx.msk [tilespmem:v31+s15+$0x0], $0xffff  }
0x141: {  	v31 =	vld.idx.msk [tilespmem:v34+s14+$0x0], $0xffff  }
0x142: {  	v24 =	vmul.f32 v25, v24;
	v3 =	vld.idx.msk [tilespmem:v3+s15+$0x0], $0xffff  }
0x143: {  	v34 =	vld.idx.msk [tilespmem:v34+s15+$0x0], $0xffff;
	[tilespmem:$0x1FFA0] =	vst v14;
	v14 =	vor.u32 $0x12, v12  }
0x144: {  	v17 =	vld.idx.msk [tilespmem:v11+s14+$0x0], $0xffff;
	[tilespmem:$0x1FFD0] =	vst v24;
	v24 =	vmul.f32 v29, v26  }
0x145: {  	v29 =	vld.idx.msk [tilespmem:v44+s15+$0x0], $0xffff;
	v6 =	vor.u32 $0x10, v12  }
0x146: {  	[tilespmem:$0x1FFE0] =	vst v24;
	v24 =	vld.idx.msk [tilespmem:v44+s14+$0x0], $0xffff  }
0x147: {  	[tilespmem:$0x1FFB0] =	vst v3;
	v3 =	vld.idx.msk [tilespmem:v11+s15+$0x0], $0xffff;
	v11 =	vor.u32 $0xD, v12  }
0x148: {  	v18 =	vld.idx.msk [tilespmem:v14+s14+$0x0], $0xffff  }
0x149: {  	v48 =	vld.idx.msk [tilespmem:v14+s15+$0x0], $0xffff;
	v14 =	vor.u32 $0xE, v12  }
0x14a: {  	v15 =	vld.idx.msk [tilespmem:v6+s14+$0x0], $0xffff  }
0x14b: {  	v16 =	vld.idx.msk [tilespmem:v6+s15+$0x0], $0xffff;
	v6 =	vor.u32 $0xC, v12  }
0x14c: {  	v19 =	vld.idx.msk [tilespmem:v11+s14+$0x0], $0xffff  }
0x14d: {  	v20 =	vld.idx.msk [tilespmem:v11+s15+$0x0], $0xffff;
	v11 =	vor.u32 $0x9, v12  }
0x14e: {  	v59 =	vld.idx.msk [tilespmem:v14+s14+$0x0], $0xffff  }
0x14f: {  	v61 =	vld.idx.msk [tilespmem:v14+s15+$0x0], $0xffff;
	v14 =	vor.u32 $0xA, v12  }
0x150: {  	[tilespmem:$0x1FFC0] =	vst v18;
	v18 =	vld.idx.msk [tilespmem:v6+s14+$0x0], $0xffff  }
0x151: {  	v6 =	vld.idx.msk [tilespmem:v6+s15+$0x0], $0xffff  }
0x152: {  	v23 =	vld.idx.msk [tilespmem:v11+s14+$0x0], $0xffff  }
0x153: {  	v27 =	vld.idx.msk [tilespmem:v11+s15+$0x0], $0xffff  }
0x154: {  	v35 =	vor.u32 $0x40, v12;
	v37 =	vor.u32 $0x1, v12;
	v11 =	vld.idx.msk [tilespmem:v14+s14+$0x0], $0xffff  }
0x155: {  	s29 =	simm.s32 $0x20;
	s28 =	simm.s32 $0x10480;
	v36 =	vor.u32 $0x37, v12;
	v26 =	vor.u32 $0x3B, v12;
	v44 =	vor.u32 $0x3F, v12;
	v14 =	vld.idx.msk [tilespmem:v14+s15+$0x0], $0xffff  }
.LBB2_2:
0x156: {  	[tilespmem:$0x1FB30] =	vst v44;
	v44 =	vmul.f32 v40, v45;
	v45 =	vld [tilespmem:$0x1FE30];
	_ =	sdelay $0x3  }
0x157: {  	[tilespmem:$0x1FB80] =	vst v44;
	v44 =	vld [tilespmem:$0x1FE60]  }
0x158: {  	v32 =	vmul.f32 v32, v45;
	v45 =	vld [tilespmem:$0x1FE70];
	_ =	sdelay $0x4  }
0x159: {  	v40 =	vmul.f32 v45, v44;
	v44 =	vld [tilespmem:$0x1FE80]  }
0x15a: {  	v45 =	vld [tilespmem:$0x1FE90];
	_ =	sdelay $0x3  }
0x15b: {  	v38 =	vld.idx.msk [tilespmem:v35+s15+$0x0], $0xffff  }
0x15c: {  	v28 =	vmul.f32 v28, v43;
	v43 =	vld.idx.msk [tilespmem:v12+s14+$0x0], $0xffff;
	[tilespmem:$0x1FB60] =	vst v40;
	v40 =	vmul.f32 v45, v44  }
0x15d: {  	v25 =	vor.u32 $0x2, v12;
	v44 =	vmov v42;
	v42 =	vld [tilespmem:$0x1FED0]  }
0x15e: {  	v39 =	vmul.f32 v41, v39;
	[tilespmem:$0x1FB50] =	vst v40;
	v40 =	vld [tilespmem:$0x1FEC0]  }
0x15f: {  	v41 =	vld.idx.msk [tilespmem:v37+s14+$0x0], $0xffff  }
0x160: {  	v3 =	vmul.f32 v3, v17;
	[tilespmem:$0x1FBA0] =	vst v39;
	v39 =	vld.idx.msk [tilespmem:v12+s15+$0x0], $0xffff  }
0x161: {  	v17 =	vmul.f32 v20, v19;
	v20 =	vmul.f32 v27, v23;
	v23 =	vld [tilespmem:$0x1FC40];
	v45 =	vor.u32 $0x3, v12  }
0x162: {  	v46 =	vmul.f32 v46, v44;
	v44 =	vmul.f32 v49, v47;
	v49 =	vld.idx.msk [tilespmem:v25+s14+$0x0], $0xffff  }
0x163: {  	v40 =	vmul.f32 v42, v40;
	v42 =	vld.idx.msk [tilespmem:v37+s15+$0x0], $0xffff;
	v37 =	vmul.f32 v51, v50;
	v50 =	vor.u32 $0x7, v12  }
0x164: {  	v47 =	vmul.f32 v54, v53;
	v54 =	vld.idx.msk [tilespmem:v25+s15+$0x0], $0xffff  }
0x165: {  	v25 =	vmul.f32 v60, v58;
	v60 =	vor.u32 $0xB, v12;
	[tilespmem:$0x1FB20] =	vst v46;
	v46 =	vmul.f32 v55, v52;
	v55 =	vld.idx.msk [tilespmem:v35+s14+$0x0], $0xffff  }
0x166: {  	v52 =	vld.idx.msk [tilespmem:v45+s14+$0x0], $0xffff  }
0x167: {  	v2 =	vmul.f32 v4, v2;
	v4 =	vmul.f32 v7, v5;
	v53 =	vor.u32 $0xF, v12;
	v7 =	vld.idx.msk [tilespmem:v45+s15+$0x0], $0xffff  }
0x168: {  	v8 =	vmul.f32 v9, v8;
	v9 =	vmul.f32 v13, v10;
	v10 =	vld.idx.msk [tilespmem:v50+s14+$0x0], $0xffff  }
0x169: {  	v13 =	vmul.f32 v16, v15;
	v6 =	vmul.f32 v6, v18;
	v18 =	vor.u32 $0x13, v12;
	v16 =	vld.idx.msk [tilespmem:v50+s15+$0x0], $0xffff  }
0x16a: {  	v19 =	vmul.f32 v22, v21;
	v27 =	vmul.f32 v33, v30;
	v21 =	vld.idx.msk [tilespmem:v60+s14+$0x0], $0xffff  }
0x16b: {  	v30 =	vmul.f32 v34, v31;
	v31 =	vld.idx.msk [tilespmem:v60+s15+$0x0], $0xffff;
	v23 =	vadd.f32 v55, v23;
	v55 =	vmul.f32 v42, v41  }
0x16c: {  	v60 =	vld.idx.msk [tilespmem:v53+s14+$0x0], $0xffff;
	v7 =	vmul.f32 v7, v52  }
0x16d: {  	v0 =	vmul.f32 v0, v62;
	v1 =	vmul.f32 v1, v63;
	v63 =	vld.idx.msk [tilespmem:v53+s15+$0x0], $0xffff;
	v33 =	vadd.f32 $0.0e+00, v55  }
0x16e: {  	v24 =	vmul.f32 v29, v24;
	v29 =	vld.idx.msk [tilespmem:v18+s14+$0x0], $0xffff;
	v7 =	vadd.f32 $0.0e+00, v7;
	v10 =	vmul.f32 v16, v10  }
0x16f: {  	[tilespmem:$0x1FB40] =	vst v40;
	v40 =	vmul.f32 v57, v56;
	v16 =	vld.idx.msk [tilespmem:v18+s15+$0x0], $0xffff;
	v18 =	vadd.f32 v30, v33  }
0x170: {  	v57 =	vmul.f32 v54, v49;
	v7 =	vadd.f32 v10, v7;
	v10 =	vmul.f32 v31, v21  }
0x171: {  	v62 =	vmul.f32 v39, v43;
	v23 =	vadd.f32 v38, v23;
	v18 =	vadd.f32 v20, v18  }
0x172: {  	v34 =	vadd.f32 $0.0e+00, v57;
	v7 =	vadd.f32 v10, v7;
	v10 =	vmul.f32 v63, v60  }
0x173: {  	v11 =	vmul.f32 v14, v11;
	v23 =	vadd.f32 v62, v23;
	v17 =	vadd.f32 v17, v18;
	v18 =	vld [tilespmem:$0x1FFC0]  }
0x174: {  	v24 =	vadd.f32 v24, v34;
	v7 =	vadd.f32 v10, v7;
	v10 =	vmul.f32 v16, v29;
	v16 =	vld [tilespmem:$0x1FFA0]  }
0x175: {  	v23 =	vadd.f32 v27, v23;
	v3 =	vadd.f32 v3, v17;
	v17 =	vld [tilespmem:$0x1FFB0]  }
0x176: {  	v11 =	vadd.f32 v11, v24;
	v20 =	vmul.f32 v61, v59  }
0x177: {  	v19 =	vadd.f32 v19, v23  }
0x178: {  	v11 =	vadd.f32 v20, v11;
	v18 =	vmul.f32 v48, v18  }
0x179: {  	v6 =	vadd.f32 v6, v19  }
0x17a: {  	v11 =	vadd.f32 v18, v11;
	v16 =	vmul.f32 v17, v16  }
0x17b: {  	v6 =	vadd.f32 v13, v6;
	v13 =	vld [tilespmem:$0x1FF90]  }
0x17c: {  	v3 =	vadd.f32 v9, v3;
	v9 =	vadd.f32 v16, v11;
	v11 =	vld [tilespmem:$0x1FF80];
	_ =	sdelay $0x3  }
0x17d: {  	v5 =	vor.u32 $0x23, v12;
	[tilespmem:$0x1FB90] =	vst v28;
	v28 =	vor.u32 $0x33, v12;
	v22 =	vor.u32 $0x17, v12  }
0x17e: {  	v15 =	vor.u32 $0x1F, v12;
	[tilespmem:$0x1FB70] =	vst v32;
	v32 =	vor.u32 $0x2F, v12;
	v11 =	vmul.f32 v13, v11  }
0x17f: {  	v51 =	vor.u32 $0x2B, v12;
	v56 =	vor.u32 $0x27, v12;
	v12 =	vor.u32 $0x1B, v12  }
0x180: {  	v3 =	vadd.f32 v4, v3;
	v4 =	vadd.f32 v11, v9;
	v9 =	vld [tilespmem:$0x1FF60]  }
0x181: {  	v11 =	vld [tilespmem:$0x1FF70]  }
0x182: {  	v14 =	vld.idx.msk [tilespmem:v22+s14+$0x0], $0xffff  }
0x183: {  	v21 =	vld.idx.msk [tilespmem:v22+s15+$0x0], $0xffff  }
0x184: {  	v22 =	vld.idx.msk [tilespmem:v12+s14+$0x0], $0xffff  }
0x185: {  	v12 =	vld.idx.msk [tilespmem:v12+s15+$0x0], $0xffff  }
0x186: {  	v20 =	vld.idx.msk [tilespmem:v15+s14+$0x0], $0xffff;
	v9 =	vmul.f32 v11, v9  }
0x187: {  	v15 =	vld.idx.msk [tilespmem:v15+s15+$0x0], $0xffff  }
0x188: {  	v1 =	vadd.f32 v1, v3;
	v3 =	vadd.f32 v9, v4;
	v4 =	vld [tilespmem:$0x1FF40]  }
0x189: {  	v7 =	vadd.f32 v10, v7;
	v10 =	vmul.f32 v21, v14;
	v9 =	vld [tilespmem:$0x1FF50];
	_ =	sdelay $0x1  }
0x18a: {  	v6 =	vadd.f32 v8, v6;
	v8 =	vmul.f32 v12, v22;
	v7 =	vadd.f32 v10, v7;
	_ =	sdelay $0x1  }
0x18b: {  	v2 =	vadd.f32 v2, v6;
	v6 =	vadd.f32 v8, v7;
	v7 =	vmul.f32 v15, v20  }
0x18c: {  	v4 =	vmul.f32 v9, v4  }
0x18d: {  	v0 =	vadd.f32 v0, v2;
	v2 =	vadd.f32 v7, v6;
	v7 =	vld [tilespmem:$0x1FF30]  }
0x18e: {  	v3 =	vadd.f32 v4, v3;
	v4 =	vld [tilespmem:$0x1FF20]  }
0x18f: {  	v12 =	vld [tilespmem:$0x1FF10]  }
0x190: {  	v10 =	vld.idx.msk [tilespmem:v56+s15+$0x0], $0xffff  }
0x191: {  	v17 =	vld.idx.msk [tilespmem:v5+s14+$0x0], $0xffff  }
0x192: {  	v5 =	vld.idx.msk [tilespmem:v5+s15+$0x0], $0xffff  }
0x193: {  	v8 =	vld.idx.msk [tilespmem:v51+s15+$0x0], $0xffff;
	v4 =	vmul.f32 v7, v4  }
0x194: {  	v13 =	vld.idx.msk [tilespmem:v56+s14+$0x0], $0xffff  }
0x195: {  	v3 =	vadd.f32 v4, v3;
	v4 =	vld [tilespmem:$0x1FF00]  }
0x196: {  	v11 =	vld.idx.msk [tilespmem:v51+s14+$0x0], $0xffff  }
0x197: {  	v6 =	vld.idx.msk [tilespmem:v32+s15+$0x0], $0xffff;
	v5 =	vmul.f32 v5, v17  }
0x198: {  	v9 =	vld.idx.msk [tilespmem:v32+s14+$0x0], $0xffff  }
0x199: {  	v2 =	vadd.f32 v5, v2;
	v5 =	vmul.f32 v10, v13  }
0x19a: {  	v4 =	vmul.f32 v12, v4  }
0x19b: {  	v2 =	vadd.f32 v5, v2;
	v5 =	vmul.f32 v8, v11;
	v11 =	vld [tilespmem:$0x1FEF0]  }
0x19c: {  	v1 =	vadd.f32 v25, v1;
	v3 =	vadd.f32 v4, v3;
	v4 =	vld [tilespmem:$0x1FEE0]  }
0x19d: {  	v2 =	vadd.f32 v5, v2;
	v5 =	vmul.f32 v6, v9;
	v9 =	vld [tilespmem:$0x1FB20]  }
0x19e: {  	v1 =	vadd.f32 v47, v1;
	v10 =	vld.idx.msk [tilespmem:v28+s15+$0x0], $0xffff  }
0x19f: {  	v7 =	vld.idx.msk [tilespmem:v28+s14+$0x0], $0xffff  }
0x1a0: {  	v1 =	vadd.f32 v37, v1  }
0x1a1: {  	v4 =	vmul.f32 v11, v4  }
0x1a2: {  	v1 =	vadd.f32 v9, v1;
	v9 =	vld [tilespmem:$0x1FEB0]  }
0x1a3: {  	v3 =	vadd.f32 v4, v3;
	v4 =	vld [tilespmem:$0x1FEA0]  }
0x1a4: {  	v2 =	vadd.f32 v5, v2;
	v5 =	vmul.f32 v10, v7;
	v10 =	vld [tilespmem:$0x1FB50]  }
0x1a5: {  	v8 =	vld.idx.msk [tilespmem:v36+s15+$0x0], $0xffff  }
0x1a6: {  	v12 =	vld.idx.msk [tilespmem:v36+s14+$0x0], $0xffff;
	_ =	sdelay $0x1  }
0x1a7: {  	v4 =	vmul.f32 v9, v4  }
0x1a8: {  	v1 =	vadd.f32 v10, v1;
	v10 =	vld [tilespmem:$0x1FE50]  }
0x1a9: {  	v3 =	vadd.f32 v4, v3;
	v4 =	vld [tilespmem:$0x1FE40]  }
0x1aa: {  	v2 =	vadd.f32 v5, v2;
	v5 =	vmul.f32 v8, v12;
	v8 =	vld [tilespmem:$0x1FB70]  }
0x1ab: {  	v6 =	vld.idx.msk [tilespmem:v26+s15+$0x0], $0xffff  }
0x1ac: {  	v11 =	vld.idx.msk [tilespmem:v26+s14+$0x0], $0xffff;
	_ =	sdelay $0x1  }
0x1ad: {  	v14 =	vld [tilespmem:$0x1FB30];
	v4 =	vmul.f32 v10, v4  }
0x1ae: {  	v1 =	vadd.f32 v8, v1;
	v8 =	vld [tilespmem:$0x1FE20]  }
0x1af: {  	v3 =	vadd.f32 v4, v3;
	v4 =	vld [tilespmem:$0x1FE10]  }
0x1b0: {  	v2 =	vadd.f32 v5, v2;
	v5 =	vmul.f32 v6, v11;
	v6 =	vld [tilespmem:$0x1FB90];
	_ =	sdelay $0x3  }
0x1b1: {  	v0 =	vadd.f32 v40, v0;
	v13 =	vld [tilespmem:$0x1FB40];
	v4 =	vmul.f32 v8, v4  }
0x1b2: {  	v1 =	vadd.f32 v6, v1;
	v6 =	vld [tilespmem:$0x1FE00]  }
0x1b3: {  	v0 =	vadd.f32 v46, v0;
	v3 =	vadd.f32 v4, v3;
	v4 =	vld [tilespmem:$0x1FDF0]  }
0x1b4: {  	v10 =	vld [tilespmem:$0x1FB60]  }
0x1b5: {  	v0 =	vadd.f32 v44, v0;
	v7 =	vld.idx.msk [tilespmem:v14+s15+$0x0], $0xffff  }
0x1b6: {  	v8 =	vld [tilespmem:$0x1FB80]  }
0x1b7: {  	v0 =	vadd.f32 v13, v0;
	v9 =	vld.idx.msk [tilespmem:v14+s14+$0x0], $0xffff  }
0x1b8: {  	v4 =	vmul.f32 v6, v4;
	v6 =	vld [tilespmem:$0x1FBA0]  }
0x1b9: {  	v0 =	vadd.f32 v10, v0;
	_ =	sdelay $0x1  }
0x1ba: {  	v0 =	vadd.f32 v8, v0  }
0x1bb: {  	v2 =	vadd.f32 v5, v2  }
0x1bc: {  	v5 =	vmul.f32 v7, v9;
	v7 =	vld [tilespmem:$0x1FFE0];
	v0 =	vadd.f32 v6, v0;
	v6 =	vmov s29  }
0x1bd: {  	v3 =	vadd.f32 v4, v3;
	v4 =	vshll.u32 v6, $0x7;
	v6 =	vld [tilespmem:$0x1FFD0]  }
0x1be: {  	v2 =	vadd.f32 v5, v2;
	v5 =	vld [tilespmem:$0x1FFF0];
	_ =	sdelay $0x3  }
0x1bf: {  	v1 =	vadd.f32 v7, v1;
	v0 =	vadd.f32 v6, v0  }
0x1c0: {  	v12 =	vor.u32 v5, v4  }
0x1c1: {  	v4 =	vor.u32 $0x3C, v12;
	v0 =	vadd.f32 v1, v0;
	v1 =	vadd.f32 v2, v3;
	_ =	sdelay $0x1  }
0x1c2: {  	v0 =	vadd.f32 v1, v0  }
0x1c3: {  	s28 =	sadd.s32 $0x10, s28  }
0x1c4: {  	[tilespmem:s28+$0x0] =	vst v0  }
0x1c5: {  	v2 =	vor.u32 $0x3D, v12;
	v3 =	vld.idx.msk [tilespmem:v4+s15+$0x0], $0xffff;
	_ =	sdelay $0x4  }
0x1c6: {  	[tilespmem:$0x1FBB0] =	vst v3;
	v3 =	vld.idx.msk [tilespmem:v2+s14+$0x0], $0xffff  }
0x1c7: {  	v1 =	vor.u32 $0x3E, v12;
	v2 =	vld.idx.msk [tilespmem:v2+s15+$0x0], $0xffff;
	_ =	sdelay $0x4  }
0x1c8: {  	v0 =	vor.u32 $0x38, v12;
	[tilespmem:$0x1FBD0] =	vst v2;
	v2 =	vld.idx.msk [tilespmem:v1+s14+$0x0], $0xffff;
	_ =	sdelay $0x2  }
0x1c9: {  	[tilespmem:$0x1FBC0] =	vst v3;
	v3 =	vor.u32 $0x39, v12;
	_ =	sdelay $0x1  }
0x1ca: {  	v39 =	vld.idx.msk [tilespmem:v0+s14+$0x0], $0xffff;
	[tilespmem:$0x1FDF0] =	vst v2;
	v2 =	vor.u32 $0x3A, v12  }
0x1cb: {  	v41 =	vld.idx.msk [tilespmem:v0+s15+$0x0], $0xffff  }
0x1cc: {  	v1 =	vld.idx.msk [tilespmem:v1+s15+$0x0], $0xffff  }
0x1cd: {  	v43 =	vld.idx.msk [tilespmem:v3+s14+$0x0], $0xffff  }
0x1ce: {  	v28 =	vld.idx.msk [tilespmem:v3+s15+$0x0], $0xffff  }
0x1cf: {  	v0 =	vor.u32 $0x35, v12;
	v3 =	vld.idx.msk [tilespmem:v2+s14+$0x0], $0xffff;
	_ =	sdelay $0x1  }
0x1d0: {  	[tilespmem:$0x1FE00] =	vst v1;
	v1 =	vor.u32 $0x34, v12;
	_ =	sdelay $0x2  }
0x1d1: {  	v32 =	vld.idx.msk [tilespmem:v0+s15+$0x0], $0xffff;
	[tilespmem:$0x1FE10] =	vst v3;
	v3 =	vor.u32 $0x36, v12  }
0x1d2: {  	v2 =	vld.idx.msk [tilespmem:v2+s15+$0x0], $0xffff  }
0x1d3: {  	v45 =	vld.idx.msk [tilespmem:v1+s14+$0x0], $0xffff  }
0x1d4: {  	v40 =	vld.idx.msk [tilespmem:v1+s15+$0x0], $0xffff  }
0x1d5: {  	v1 =	vld.idx.msk [tilespmem:v0+s14+$0x0], $0xffff  }
0x1d6: {  	v0 =	vld.idx.msk [tilespmem:v3+s14+$0x0], $0xffff  }
0x1d7: {  	[tilespmem:$0x1FE20] =	vst v2;
	v2 =	vor.u32 $0x30, v12;
	v3 =	vld.idx.msk [tilespmem:v3+s15+$0x0], $0xffff;
	_ =	sdelay $0x4  }
0x1d8: {  	[tilespmem:$0x1FE50] =	vst v3;
	v3 =	vld.idx.msk [tilespmem:v2+s14+$0x0], $0xffff  }
0x1d9: {  	[tilespmem:$0x1FE30] =	vst v1;
	v1 =	vor.u32 $0x31, v12;
	v2 =	vld.idx.msk [tilespmem:v2+s15+$0x0], $0xffff;
	_ =	sdelay $0x4  }
0x1da: {  	[tilespmem:$0x1FE70] =	vst v2;
	v2 =	vld.idx.msk [tilespmem:v1+s14+$0x0], $0xffff  }
0x1db: {  	[tilespmem:$0x1FE40] =	vst v0;
	v0 =	vor.u32 $0x32, v12;
	v1 =	vld.idx.msk [tilespmem:v1+s15+$0x0], $0xffff;
	_ =	sdelay $0x4  }
0x1dc: {  	[tilespmem:$0x1FE90] =	vst v1;
	v1 =	vld.idx.msk [tilespmem:v0+s14+$0x0], $0xffff  }
0x1dd: {  	[tilespmem:$0x1FE60] =	vst v3;
	v3 =	vor.u32 $0x2C, v12;
	v0 =	vld.idx.msk [tilespmem:v0+s15+$0x0], $0xffff;
	_ =	sdelay $0x1  }
0x1de: {  	[tilespmem:$0x1FE80] =	vst v2;
	v2 =	vor.u32 $0x2D, v12;
	_ =	sdelay $0x1  }
0x1df: {  	[tilespmem:$0x1FEA0] =	vst v1;
	v1 =	vor.u32 $0x2E, v12  }
0x1e0: {  	[tilespmem:$0x1FEB0] =	vst v0;
	v0 =	vld.idx.msk [tilespmem:v3+s14+$0x0], $0xffff  }
0x1e1: {  	v3 =	vld.idx.msk [tilespmem:v3+s15+$0x0], $0xffff  }
0x1e2: {  	v42 =	vld.idx.msk [tilespmem:v2+s14+$0x0], $0xffff  }
0x1e3: {  	v46 =	vld.idx.msk [tilespmem:v2+s15+$0x0], $0xffff  }
0x1e4: {  	v2 =	vld.idx.msk [tilespmem:v1+s14+$0x0], $0xffff;
	_ =	sdelay $0x2  }
0x1e5: {  	[tilespmem:$0x1FED0] =	vst v3;
	v3 =	vor.u32 $0x29, v12;
	_ =	sdelay $0x1  }
0x1e6: {  	[tilespmem:$0x1FEE0] =	vst v2;
	v2 =	vor.u32 $0x2A, v12  }
0x1e7: {  	v1 =	vld.idx.msk [tilespmem:v1+s15+$0x0], $0xffff  }
0x1e8: {  	[tilespmem:$0x1FEC0] =	vst v0;
	v0 =	vor.u32 $0x28, v12  }
0x1e9: {  	v50 =	vld.idx.msk [tilespmem:v3+s14+$0x0], $0xffff  }
0x1ea: {  	v51 =	vld.idx.msk [tilespmem:v3+s15+$0x0], $0xffff  }
0x1eb: {  	v3 =	vld.idx.msk [tilespmem:v2+s14+$0x0], $0xffff  }
0x1ec: {  	[tilespmem:$0x1FEF0] =	vst v1;
	v1 =	vor.u32 $0x24, v12  }
0x1ed: {  	v47 =	vld.idx.msk [tilespmem:v0+s14+$0x0], $0xffff  }
0x1ee: {  	v49 =	vld.idx.msk [tilespmem:v0+s15+$0x0], $0xffff;
	v0 =	vor.u32 $0x25, v12;
	_ =	sdelay $0x1  }
0x1ef: {  	v2 =	vld.idx.msk [tilespmem:v2+s15+$0x0], $0xffff;
	[tilespmem:$0x1FF00] =	vst v3;
	v3 =	vor.u32 $0x26, v12  }
0x1f0: {  	v52 =	vld.idx.msk [tilespmem:v1+s14+$0x0], $0xffff  }
0x1f1: {  	v55 =	vld.idx.msk [tilespmem:v1+s15+$0x0], $0xffff  }
0x1f2: {  	v53 =	vld.idx.msk [tilespmem:v0+s14+$0x0], $0xffff  }
0x1f3: {  	v54 =	vld.idx.msk [tilespmem:v0+s15+$0x0], $0xffff  }
0x1f4: {  	v1 =	vor.u32 $0x21, v12;
	v0 =	vld.idx.msk [tilespmem:v3+s14+$0x0], $0xffff;
	_ =	sdelay $0x1  }
0x1f5: {  	[tilespmem:$0x1FF10] =	vst v2;
	v2 =	vor.u32 $0x20, v12;
	_ =	sdelay $0x2  }
0x1f6: {  	v58 =	vld.idx.msk [tilespmem:v1+s14+$0x0], $0xffff;
	[tilespmem:$0x1FF20] =	vst v0;
	v0 =	vor.u32 $0x22, v12  }
0x1f7: {  	v60 =	vld.idx.msk [tilespmem:v1+s15+$0x0], $0xffff  }
0x1f8: {  	v56 =	vld.idx.msk [tilespmem:v2+s14+$0x0], $0xffff  }
0x1f9: {  	v57 =	vld.idx.msk [tilespmem:v2+s15+$0x0], $0xffff;
	v2 =	vor.u32 $0x1D, v12  }
0x1fa: {  	v3 =	vld.idx.msk [tilespmem:v3+s15+$0x0], $0xffff  }
0x1fb: {  	v1 =	vld.idx.msk [tilespmem:v0+s14+$0x0], $0xffff  }
0x1fc: {  	v38 =	vld.idx.msk [tilespmem:v4+s14+$0x0], $0xffff;
	v4 =	vor.u32 $0x1E, v12;
	_ =	sdelay $0x1  }
0x1fd: {  	v63 =	vld.idx.msk [tilespmem:v2+s14+$0x0], $0xffff  }
0x1fe: {  	[tilespmem:$0x1FF30] =	vst v3;
	v3 =	vor.u32 $0x1C, v12;
	v0 =	vld.idx.msk [tilespmem:v0+s15+$0x0], $0xffff  }
0x1ff: {  	[tilespmem:$0x1FF40] =	vst v1;
	v1 =	vld.idx.msk [tilespmem:v2+s15+$0x0], $0xffff  }
0x200: {  	v2 =	vld.idx.msk [tilespmem:v4+s14+$0x0], $0xffff;
	_ =	sdelay $0x2  }
0x201: {  	v5 =	vor.u32 $0x18, v12;
	v62 =	vld.idx.msk [tilespmem:v3+s14+$0x0], $0xffff  }
0x202: {  	[tilespmem:$0x1FF50] =	vst v0;
	v0 =	vld.idx.msk [tilespmem:v3+s15+$0x0], $0xffff;
	v3 =	vor.u32 $0x19, v12  }
0x203: {  	[tilespmem:$0x1FF60] =	vst v2;
	v2 =	vld.idx.msk [tilespmem:v4+s15+$0x0], $0xffff;
	_ =	sdelay $0x1  }
0x204: {  	v6 =	vor.u32 $0x1A, v12  }
0x205: {  	v4 =	vld.idx.msk [tilespmem:v5+s15+$0x0], $0xffff  }
0x206: {  	v7 =	vld.idx.msk [tilespmem:v3+s15+$0x0], $0xffff  }
0x207: {  	[tilespmem:$0x1FF70] =	vst v2;
	v2 =	vld.idx.msk [tilespmem:v5+s14+$0x0], $0xffff  }
0x208: {  	v5 =	vld.idx.msk [tilespmem:v3+s14+$0x0], $0xffff  }
0x209: {  	v3 =	vld.idx.msk [tilespmem:v6+s14+$0x0], $0xffff;
	_ =	sdelay $0x2  }
0x20a: {  	v11 =	vor.u32 $0x15, v12;
	_ =	sdelay $0x1  }
0x20b: {  	[tilespmem:$0x1FF80] =	vst v3;
	v3 =	vor.u32 $0x16, v12;
	_ =	sdelay $0x1  }
0x20c: {  	v6 =	vld.idx.msk [tilespmem:v6+s15+$0x0], $0xffff  }
0x20d: {  	v10 =	vld.idx.msk [tilespmem:v11+s14+$0x0], $0xffff  }
0x20e: {  	v13 =	vld.idx.msk [tilespmem:v11+s15+$0x0], $0xffff  }
0x20f: {  	v9 =	vor.u32 $0x14, v12;
	v11 =	vld.idx.msk [tilespmem:v3+s14+$0x0], $0xffff  }
0x210: {  	v14 =	vor.u32 $0x11, v12  }
0x211: {  	[tilespmem:$0x1FF90] =	vst v6;
	v6 =	vor.u32 $0x10, v12  }
0x212: {  	v3 =	vld.idx.msk [tilespmem:v3+s15+$0x0], $0xffff;
	_ =	sdelay $0x1  }
0x213: {  	v8 =	vld.idx.msk [tilespmem:v9+s14+$0x0], $0xffff;
	[tilespmem:$0x1FFA0] =	vst v11;
	v11 =	vor.u32 $0x12, v12  }
0x214: {  	v17 =	vld.idx.msk [tilespmem:v14+s14+$0x0], $0xffff  }
0x215: {  	v15 =	vld.idx.msk [tilespmem:v6+s14+$0x0], $0xffff  }
0x216: {  	[tilespmem:$0x1FFB0] =	vst v3;
	v3 =	vld.idx.msk [tilespmem:v14+s15+$0x0], $0xffff;
	v14 =	vor.u32 $0xE, v12  }
0x217: {  	v16 =	vld.idx.msk [tilespmem:v6+s15+$0x0], $0xffff  }
0x218: {  	v25 =	vor.u32 $0xA, v12;
	v6 =	vld.idx.msk [tilespmem:v11+s14+$0x0], $0xffff  }
0x219: {  	v48 =	vld.idx.msk [tilespmem:v11+s15+$0x0], $0xffff;
	v11 =	vor.u32 $0x8, v12  }
0x21a: {  	v9 =	vld.idx.msk [tilespmem:v9+s15+$0x0], $0xffff  }
0x21b: {  	v59 =	vld.idx.msk [tilespmem:v14+s14+$0x0], $0xffff  }
0x21c: {  	v61 =	vld.idx.msk [tilespmem:v14+s15+$0x0], $0xffff  }
0x21d: {  	v19 =	vor.u32 $0xC, v12;
	v14 =	vld.idx.msk [tilespmem:v25+s15+$0x0], $0xffff  }
0x21e: {  	v24 =	vor.u32 $0x9, v12;
	v21 =	vld.idx.msk [tilespmem:v11+s14+$0x0], $0xffff  }
0x21f: {  	v22 =	vld.idx.msk [tilespmem:v11+s15+$0x0], $0xffff  }
0x220: {  	v26 =	vor.u32 $0x4, v12;
	v11 =	vld.idx.msk [tilespmem:v25+s14+$0x0], $0xffff  }
0x221: {  	v25 =	vld [tilespmem:$0x1FBB0]  }
0x222: {  	v18 =	vld.idx.msk [tilespmem:v19+s14+$0x0], $0xffff  }
0x223: {  	v23 =	vld.idx.msk [tilespmem:v24+s14+$0x0], $0xffff  }
0x224: {  	v29 =	vor.u32 $0x5, v12;
	v27 =	vld.idx.msk [tilespmem:v24+s15+$0x0], $0xffff  }
0x225: {  	v30 =	vld.idx.msk [tilespmem:v26+s14+$0x0], $0xffff  }
0x226: {  	v36 =	vor.u32 $0x6, v12;
	v33 =	vld.idx.msk [tilespmem:v26+s15+$0x0], $0xffff;
	v38 =	vmul.f32 v25, v38  }
0x227: {  	v25 =	vld [tilespmem:$0x1FBC0]  }
0x228: {  	[tilespmem:$0x1FFD0] =	vst v38;
	v38 =	vld [tilespmem:$0x1FBD0]  }
0x229: {  	v20 =	vor.u32 $0xD, v12;
	v31 =	vld.idx.msk [tilespmem:v29+s14+$0x0], $0xffff  }
0x22a: {  	p0 =	sne.s32 s29, $0x70;
	v34 =	vld.idx.msk [tilespmem:v29+s15+$0x0], $0xffff  }
.Ltmp0:
0x22b: {  	v24 =	vld.idx.msk [tilespmem:v36+s14+$0x0], $0xffff;
	(pc) =	sbr.rel @p0 .LBB2_2-.Ltmp0, $4  }
0x22c: {  	v29 =	vld.idx.msk [tilespmem:v36+s15+$0x0], $0xffff  }
0x22d: {  	[tilespmem:$0x1FFC0] =	vst v6;
	v6 =	vld.idx.msk [tilespmem:v19+s15+$0x0], $0xffff;
	v38 =	vmul.f32 v38, v25  }
0x22e: {  	v35 =	vor.u32 $0x40, v12;
	v37 =	vor.u32 $0x1, v12;
	v19 =	vld.idx.msk [tilespmem:v20+s14+$0x0], $0xffff  }
0x22f: {  	s29 =	sadd.s32 $0x10, s29;
	v44 =	vor.u32 $0x3F, v12;
	v26 =	vor.u32 $0x3B, v12;
	v36 =	vor.u32 $0x37, v12;
	v20 =	vld.idx.msk [tilespmem:v20+s15+$0x0], $0xffff;
	[tilespmem:$0x1FFE0] =	vst v38  }
0x230: {  	v25 =	vmul.f32 v41, v39;
	_ =	sdelay $0x1  }
0x231: {  	[tilespmem:$0x1F720] =	vst v25;
	v25 =	vmul.f32 v28, v43  }
0x232: {  	v38 =	vmov v45  }
0x233: {  	[tilespmem:$0x1F710] =	vst v25;
	v25 =	vmul.f32 v40, v38;
	_ =	sdelay $0x1  }
0x234: {  	[tilespmem:$0x1F700] =	vst v25;
	v25 =	vld [tilespmem:$0x1FE30];
	_ =	sdelay $0x4  }
0x235: {  	v25 =	vmul.f32 v32, v25  }
0x236: {  	v28 =	vld [tilespmem:$0x1FE70]  }
0x237: {  	[tilespmem:$0x1F6F0] =	vst v25;
	v25 =	vld [tilespmem:$0x1FE60];
	_ =	sdelay $0x3  }
0x238: {  	v40 =	vld [tilespmem:$0x1FE90]  }
0x239: {  	v32 =	vmul.f32 v28, v25;
	v25 =	vld [tilespmem:$0x1FE80];
	_ =	sdelay $0x2  }
0x23a: {  	v45 =	vor.u32 $0x2, v12;
	v41 =	vld [tilespmem:$0x1FED0]  }
0x23b: {  	v2 =	vmul.f32 v4, v2;
	v4 =	vld.idx.msk [tilespmem:v12+s14+$0x0], $0xffff  }
0x23c: {  	v5 =	vmul.f32 v7, v5;
	v43 =	vmul.f32 v40, v25;
	v25 =	vld [tilespmem:$0x1FEC0]  }
0x23d: {  	v7 =	vmul.f32 v9, v8;
	v8 =	vld.idx.msk [tilespmem:v12+s15+$0x0], $0xffff;
	v6 =	vmul.f32 v6, v18  }
0x23e: {  	v18 =	vmul.f32 v22, v21;
	v21 =	vmul.f32 v27, v23;
	v27 =	vld [tilespmem:$0x1FC40]  }
0x23f: {  	v38 =	vmul.f32 v46, v42;
	v42 =	vld.idx.msk [tilespmem:v45+s14+$0x0], $0xffff  }
0x240: {  	v45 =	vld.idx.msk [tilespmem:v45+s15+$0x0], $0xffff;
	v40 =	vmul.f32 v49, v47;
	v47 =	vor.u32 $0x3, v12  }
0x241: {  	v28 =	vld.idx.msk [tilespmem:v37+s14+$0x0], $0xffff;
	v39 =	vmul.f32 v41, v25  }
0x242: {  	v37 =	vld.idx.msk [tilespmem:v37+s15+$0x0], $0xffff;
	v41 =	vmul.f32 v51, v50;
	v50 =	vmul.f32 v57, v56;
	v57 =	vor.u32 $0x7, v12  }
0x243: {  	v51 =	vld.idx.msk [tilespmem:v35+s15+$0x0], $0xffff  }
0x244: {  	v56 =	vld.idx.msk [tilespmem:v35+s14+$0x0], $0xffff  }
0x245: {  	v9 =	vor.u32 $0xB, v12;
	v10 =	vmul.f32 v13, v10;
	v13 =	vmul.f32 v16, v15;
	v15 =	vld.idx.msk [tilespmem:v47+s14+$0x0], $0xffff  }
0x246: {  	v3 =	vmul.f32 v3, v17;
	v16 =	vld.idx.msk [tilespmem:v47+s15+$0x0], $0xffff  }
0x247: {  	v11 =	vmul.f32 v14, v11;
	v17 =	vmul.f32 v20, v19;
	v20 =	vld.idx.msk [tilespmem:v57+s14+$0x0], $0xffff  }
0x248: {  	v22 =	vmul.f32 v33, v30;
	v30 =	vmul.f32 v34, v31;
	v23 =	vld.idx.msk [tilespmem:v57+s15+$0x0], $0xffff  }
0x249: {  	v31 =	vor.u32 $0x13, v12;
	v46 =	vmul.f32 v60, v58;
	v28 =	vmul.f32 v37, v28  }
0x24a: {  	v19 =	vor.u32 $0xF, v12;
	v58 =	vld.idx.msk [tilespmem:v9+s14+$0x0], $0xffff;
	v60 =	vmul.f32 v45, v42;
	v27 =	vadd.f32 v56, v27  }
0x24b: {  	v4 =	vmul.f32 v8, v4;
	v8 =	vld.idx.msk [tilespmem:v9+s15+$0x0], $0xffff;
	v9 =	vmul.f32 v16, v15;
	v16 =	vadd.f32 $0.0e+00, v28  }
0x24c: {  	v15 =	vmul.f32 v29, v24;
	v24 =	vadd.f32 $0.0e+00, v60;
	v27 =	vadd.f32 v51, v27  }
0x24d: {  	v16 =	vadd.f32 v30, v16;
	v9 =	vadd.f32 $0.0e+00, v9;
	v20 =	vmul.f32 v23, v20  }
0x24e: {  	v15 =	vadd.f32 v15, v24;
	v4 =	vadd.f32 v4, v27;
	v27 =	vor.u32 $0x17, v12;
	v23 =	vld.idx.msk [tilespmem:v31+s14+$0x0], $0xffff  }
0x24f: {  	v9 =	vadd.f32 v20, v9;
	v20 =	vld.idx.msk [tilespmem:v31+s15+$0x0], $0xffff  }
0x250: {  	v28 =	vld.idx.msk [tilespmem:v19+s14+$0x0], $0xffff;
	v16 =	vadd.f32 v21, v16;
	v11 =	vadd.f32 v11, v15;
	v21 =	vmul.f32 v61, v59  }
0x251: {  	v8 =	vmul.f32 v8, v58;
	v24 =	vld [tilespmem:$0x1FFB0]  }
0x252: {  	v11 =	vadd.f32 v21, v11;
	v21 =	vld [tilespmem:$0x1FFC0]  }
0x253: {  	v8 =	vadd.f32 v8, v9;
	v9 =	vld.idx.msk [tilespmem:v27+s14+$0x0], $0xffff  }
0x254: {  	v20 =	vmul.f32 v20, v23;
	v23 =	vld [tilespmem:$0x1FFA0]  }
0x255: {  	v16 =	vadd.f32 v17, v16;
	v17 =	vld.idx.msk [tilespmem:v27+s15+$0x0], $0xffff  }
0x256: {  	v19 =	vld.idx.msk [tilespmem:v19+s15+$0x0], $0xffff  }
0x257: {  	v21 =	vmul.f32 v48, v21  }
0x258: {  	v4 =	vadd.f32 v22, v4  }
0x259: {  	v3 =	vadd.f32 v3, v16;
	v11 =	vadd.f32 v21, v11;
	v23 =	vmul.f32 v24, v23  }
0x25a: {  	v4 =	vadd.f32 v18, v4;
	v9 =	vmul.f32 v17, v9;
	v17 =	vld [tilespmem:$0x1FF90]  }
0x25b: {  	v18 =	vmul.f32 v19, v28;
	v3 =	vadd.f32 v10, v3;
	v10 =	vadd.f32 v23, v11;
	v11 =	vld [tilespmem:$0x1FF80];
	_ =	sdelay $0x1  }
0x25c: {  	v4 =	vadd.f32 v6, v4;
	v8 =	vadd.f32 v18, v8;
	_ =	sdelay $0x1  }
0x25d: {  	v4 =	vadd.f32 v13, v4;
	v8 =	vadd.f32 v20, v8  }
0x25e: {  	v11 =	vmul.f32 v17, v11  }
0x25f: {  	v4 =	vadd.f32 v7, v4;
	v7 =	vadd.f32 v9, v8;
	v9 =	vld [tilespmem:$0x1FF60]  }
0x260: {  	v3 =	vadd.f32 v5, v3;
	v5 =	vadd.f32 v11, v10;
	v10 =	vld [tilespmem:$0x1FF70];
	_ =	sdelay $0x3  }
0x261: {  	v15 =	vor.u32 $0x1F, v12  }
0x262: {  	v1 =	vmul.f32 v1, v63;
	v14 =	vor.u32 $0x1B, v12;
	v9 =	vmul.f32 v10, v9;
	_ =	sdelay $0x1  }
0x263: {  	v1 =	vadd.f32 v1, v3;
	v3 =	vadd.f32 v9, v5;
	v5 =	vld [tilespmem:$0x1FF40]  }
0x264: {  	v19 =	vor.u32 $0x23, v12;
	v9 =	vld [tilespmem:$0x1FF50]  }
0x265: {  	v16 =	vld.idx.msk [tilespmem:v15+s14+$0x0], $0xffff  }
0x266: {  	v6 =	vld.idx.msk [tilespmem:v14+s14+$0x0], $0xffff  }
0x267: {  	v14 =	vld.idx.msk [tilespmem:v14+s15+$0x0], $0xffff;
	v18 =	vor.u32 $0x27, v12  }
0x268: {  	v22 =	vor.u32 $0x33, v12;
	v15 =	vld.idx.msk [tilespmem:v15+s15+$0x0], $0xffff  }
0x269: {  	v21 =	vor.u32 $0x2F, v12;
	v12 =	vor.u32 $0x2B, v12;
	v13 =	vld.idx.msk [tilespmem:v19+s15+$0x0], $0xffff;
	v5 =	vmul.f32 v9, v5  }
0x26a: {  	v11 =	vld [tilespmem:$0x1FF30]  }
0x26b: {  	v3 =	vadd.f32 v5, v3;
	v5 =	vld [tilespmem:$0x1FF20]  }
0x26c: {  	v6 =	vmul.f32 v14, v6;
	v8 =	vld.idx.msk [tilespmem:v18+s15+$0x0], $0xffff  }
0x26d: {  	v24 =	vld.idx.msk [tilespmem:v19+s14+$0x0], $0xffff  }
0x26e: {  	v2 =	vadd.f32 v2, v4;
	v4 =	vadd.f32 v6, v7;
	v7 =	vld.idx.msk [tilespmem:v12+s15+$0x0], $0xffff  }
0x26f: {  	v17 =	vld.idx.msk [tilespmem:v18+s14+$0x0], $0xffff  }
0x270: {  	v10 =	vld.idx.msk [tilespmem:v12+s14+$0x0], $0xffff;
	v5 =	vmul.f32 v11, v5  }
0x271: {  	v12 =	vld [tilespmem:$0x1FF10]  }
0x272: {  	v0 =	vmul.f32 v0, v62;
	v6 =	vmul.f32 v15, v16;
	v3 =	vadd.f32 v5, v3;
	v5 =	vld [tilespmem:$0x1FF00];
	_ =	sdelay $0x1  }
0x273: {  	v0 =	vadd.f32 v0, v2;
	v2 =	vadd.f32 v6, v4;
	v4 =	vmul.f32 v13, v24;
	_ =	sdelay $0x1  }
0x274: {  	v2 =	vadd.f32 v4, v2;
	v4 =	vmul.f32 v8, v17  }
0x275: {  	v6 =	vld.idx.msk [tilespmem:v21+s15+$0x0], $0xffff;
	v5 =	vmul.f32 v12, v5  }
0x276: {  	v2 =	vadd.f32 v4, v2;
	v4 =	vmul.f32 v7, v10;
	v10 =	vld [tilespmem:$0x1FEF0]  }
0x277: {  	v3 =	vadd.f32 v5, v3;
	v5 =	vld [tilespmem:$0x1FEE0]  }
0x278: {  	v9 =	vld.idx.msk [tilespmem:v21+s14+$0x0], $0xffff;
	_ =	sdelay $0x3  }
0x279: {  	v8 =	vld.idx.msk [tilespmem:v22+s15+$0x0], $0xffff;
	v5 =	vmul.f32 v10, v5  }
0x27a: {  	v2 =	vadd.f32 v4, v2;
	v4 =	vmul.f32 v6, v9;
	v9 =	vld [tilespmem:$0x1FEB0]  }
0x27b: {  	v3 =	vadd.f32 v5, v3;
	v5 =	vld [tilespmem:$0x1FEA0]  }
0x27c: {  	v11 =	vld.idx.msk [tilespmem:v22+s14+$0x0], $0xffff  }
0x27d: {  	v7 =	vld.idx.msk [tilespmem:v36+s15+$0x0], $0xffff  }
0x27e: {  	v49 =	vmul.f32 v54, v53;
	v1 =	vadd.f32 v46, v1;
	v12 =	vld.idx.msk [tilespmem:v36+s14+$0x0], $0xffff;
	_ =	sdelay $0x1  }
0x27f: {  	v1 =	vadd.f32 v49, v1;
	v5 =	vmul.f32 v9, v5  }
0x280: {  	v2 =	vadd.f32 v4, v2;
	v4 =	vmul.f32 v8, v11;
	v11 =	vld [tilespmem:$0x1FE50]  }
0x281: {  	v1 =	vadd.f32 v41, v1;
	v3 =	vadd.f32 v5, v3;
	v5 =	vld [tilespmem:$0x1FE40]  }
0x282: {  	v2 =	vadd.f32 v4, v2;
	v4 =	vmul.f32 v7, v12;
	v7 =	vld [tilespmem:$0x1F6F0]  }
0x283: {  	v1 =	vadd.f32 v38, v1;
	v6 =	vld.idx.msk [tilespmem:v26+s15+$0x0], $0xffff  }
0x284: {  	v10 =	vld.idx.msk [tilespmem:v26+s14+$0x0], $0xffff  }
0x285: {  	v1 =	vadd.f32 v43, v1  }
0x286: {  	v5 =	vmul.f32 v11, v5  }
0x287: {  	v1 =	vadd.f32 v7, v1;
	v7 =	vld [tilespmem:$0x1FE20]  }
0x288: {  	v3 =	vadd.f32 v5, v3;
	v5 =	vld [tilespmem:$0x1FE10]  }
0x289: {  	v2 =	vadd.f32 v4, v2;
	v4 =	vmul.f32 v6, v10;
	v6 =	vld [tilespmem:$0x1F710];
	_ =	sdelay $0x3  }
0x28a: {  	v25 =	vmul.f32 v55, v52;
	v0 =	vadd.f32 v50, v0;
	v5 =	vmul.f32 v7, v5  }
0x28b: {  	v1 =	vadd.f32 v6, v1;
	v6 =	vld [tilespmem:$0x1FE00]  }
0x28c: {  	v0 =	vadd.f32 v25, v0;
	v3 =	vadd.f32 v5, v3;
	v5 =	vld [tilespmem:$0x1FDF0];
	_ =	sdelay $0x1  }
0x28d: {  	v0 =	vadd.f32 v40, v0  }
0x28e: {  	v7 =	vld [tilespmem:$0x1F700]  }
0x28f: {  	v0 =	vadd.f32 v39, v0  }
0x290: {  	v5 =	vmul.f32 v6, v5;
	v6 =	vld [tilespmem:$0x1F720]  }
0x291: {  	v0 =	vadd.f32 v32, v0;
	v8 =	vld.idx.msk [tilespmem:v44+s15+$0x0], $0xffff  }
0x292: {  	v9 =	vld.idx.msk [tilespmem:v44+s14+$0x0], $0xffff  }
0x293: {  	v0 =	vadd.f32 v7, v0  }
0x294: {  	v3 =	vadd.f32 v5, v3;
	v5 =	vld [tilespmem:$0x1FFD0]  }
0x295: {  	v0 =	vadd.f32 v6, v0;
	v6 =	vld [tilespmem:$0x1FFE0];
	_ =	sdelay $0x1  }
0x296: {  	v2 =	vadd.f32 v4, v2;
	v4 =	vmul.f32 v8, v9;
	_ =	sdelay $0x1  }
0x297: {  	v2 =	vadd.f32 v4, v2  }
0x298: {  	v0 =	vadd.f32 v5, v0;
	v1 =	vadd.f32 v6, v1;
	_ =	sdelay $0x1  }
0x299: {  	v0 =	vadd.f32 v1, v0;
	v1 =	vadd.f32 v2, v3;
	_ =	sdelay $0x1  }
0x29a: {  	v0 =	vadd.f32 v1, v0  }
0x29b: {  	s28 =	sadd.s32 $0x10, s28  }
0x29c: {  	[tilespmem:s28+$0x0] =	vst v0  }
0x29d: {  	[tilespmem:s14], [sflag:$0x1] =	stream.indirect.gather [hbm4b:s1+s13], $0x80, s20, s13, $0xb8;
	[tilespmem:$0x10680] =	vst v63  }
0x29e: {  	_ = 	snop  }
0x29f: {  	[tilespmem:s15], [sflag:$0x1] =	stream.indirect.gather [hbm4b:s4+s13], $0x80, s21, s13, $0xb8;
	[tilespmem:$0x10680] =	vst v63  }
0x2a0: {  	_ =	swait.ge [sflag:s22], $0x4000  }
0x2a1: {  	v1 =	vld [tilespmem:$0x1FFF0];
	_ =	sdelay $0x1  }
0x2a2: {  	s28 =	simm.s32 $0x0  }
0x2a3: {  	v0 =	vmov s28  }
0x2a4: {  	v0 =	vshll.u32 v0, $0x7  }
0x2a5: {  	v10 =	vor.u32 v1, v0  }
0x2a6: {  	[sflag:s22] =	ssyncset.done $0x0;
	v0 =	vor.u32 $0x3C, v10  }
0x2a7: {  	[sflag:s22] =	ssyncadd.s32 $0xFFFFC000  }
0x2a8: {  	_ =	swait.ge [sflag:s22], $0x4000  }
0x2a9: {  	[sflag:s22] =	ssyncset.done $0x0  }
0x2aa: {  	[sflag:s22] =	ssyncadd.s32 $0xFFFFC000  }
0x2ab: {  	v2 =	vld.idx.msk [tilespmem:v0+s16+$0x0], $0xffff  }
0x2ac: {  	v1 =	vor.u32 $0x3D, v10;
	v0 =	vld.idx.msk [tilespmem:v0+s18+$0x0], $0xffff;
	_ =	sdelay $0x4  }
0x2ad: {  	[tilespmem:$0x1F740] =	vst v0;
	v0 =	vld.idx.msk [tilespmem:v1+s16+$0x0], $0xffff  }
0x2ae: {  	v3 =	vor.u32 $0x3E, v10;
	v1 =	vld.idx.msk [tilespmem:v1+s18+$0x0], $0xffff;
	_ =	sdelay $0x4  }
0x2af: {  	[tilespmem:$0x1F760] =	vst v1;
	v1 =	vld.idx.msk [tilespmem:v3+s16+$0x0], $0xffff;
	_ =	sdelay $0x2  }
0x2b0: {  	[tilespmem:$0x1F750] =	vst v0;
	v0 =	vor.u32 $0x39, v10;
	_ =	sdelay $0x1  }
0x2b1: {  	[tilespmem:$0x1F8D0] =	vst v1;
	v1 =	vor.u32 $0x3A, v10;
	_ =	sdelay $0x1  }
0x2b2: {  	[tilespmem:$0x1F730] =	vst v2;
	v2 =	vld.idx.msk [tilespmem:v3+s18+$0x0], $0xffff  }
0x2b3: {  	v25 =	vld.idx.msk [tilespmem:v0+s16+$0x0], $0xffff  }
0x2b4: {  	v26 =	vld.idx.msk [tilespmem:v0+s18+$0x0], $0xffff  }
0x2b5: {  	v4 =	vor.u32 $0x38, v10;
	v0 =	vld.idx.msk [tilespmem:v1+s16+$0x0], $0xffff;
	_ =	sdelay $0x1  }
0x2b6: {  	v1 =	vld.idx.msk [tilespmem:v1+s18+$0x0], $0xffff;
	_ =	sdelay $0x1  }
0x2b7: {  	[tilespmem:$0x1F8E0] =	vst v2  }
0x2b8: {  	v2 =	vld.idx.msk [tilespmem:v4+s16+$0x0], $0xffff;
	[tilespmem:$0x1F890] =	vst v0;
	v0 =	vor.u32 $0x36, v10;
	_ =	sdelay $0x1  }
0x2b9: {  	[tilespmem:$0x1F8A0] =	vst v1;
	v1 =	vor.u32 $0x30, v10;
	_ =	sdelay $0x2  }
0x2ba: {  	[tilespmem:$0x1F770] =	vst v2;
	v2 =	vld.idx.msk [tilespmem:v0+s16+$0x0], $0xffff  }
0x2bb: {  	v0 =	vld.idx.msk [tilespmem:v0+s18+$0x0], $0xffff  }
0x2bc: {  	v33 =	vld.idx.msk [tilespmem:v1+s16+$0x0], $0xffff  }
0x2bd: {  	v34 =	vld.idx.msk [tilespmem:v1+s18+$0x0], $0xffff;
	v1 =	vor.u32 $0x2D, v10;
	_ =	sdelay $0x1  }
0x2be: {  	v12 =	vor.u32 $0x2E, v10;
	_ =	sdelay $0x1  }
0x2bf: {  	[tilespmem:$0x1F880] =	vst v0;
	v0 =	vor.u32 $0x2C, v10  }
0x2c0: {  	v39 =	vld.idx.msk [tilespmem:v1+s16+$0x0], $0xffff  }
0x2c1: {  	v40 =	vld.idx.msk [tilespmem:v1+s18+$0x0], $0xffff  }
0x2c2: {  	v1 =	vld.idx.msk [tilespmem:v12+s16+$0x0], $0xffff;
	_ =	sdelay $0x1  }
0x2c3: {  	v37 =	vld.idx.msk [tilespmem:v0+s16+$0x0], $0xffff  }
0x2c4: {  	v38 =	vld.idx.msk [tilespmem:v0+s18+$0x0], $0xffff;
	v0 =	vor.u32 $0x29, v10;
	_ =	sdelay $0x1  }
0x2c5: {  	[tilespmem:$0x1F830] =	vst v1;
	v1 =	vor.u32 $0x2A, v10;
	_ =	sdelay $0x1  }
0x2c6: {  	v6 =	vor.u32 $0x34, v10  }
0x2c7: {  	v43 =	vld.idx.msk [tilespmem:v0+s16+$0x0], $0xffff  }
0x2c8: {  	v7 =	vor.u32 $0x35, v10;
	v44 =	vld.idx.msk [tilespmem:v0+s18+$0x0], $0xffff  }
0x2c9: {  	v0 =	vld.idx.msk [tilespmem:v1+s16+$0x0], $0xffff  }
0x2ca: {  	v24 =	vld.idx.msk [tilespmem:v4+s18+$0x0], $0xffff  }
0x2cb: {  	v8 =	vor.u32 $0x31, v10;
	v29 =	vld.idx.msk [tilespmem:v6+s16+$0x0], $0xffff  }
0x2cc: {  	v30 =	vld.idx.msk [tilespmem:v6+s18+$0x0], $0xffff  }
0x2cd: {  	v13 =	vor.u32 $0x28, v10;
	v31 =	vld.idx.msk [tilespmem:v7+s16+$0x0], $0xffff  }
0x2ce: {  	v16 =	vor.u32 $0x26, v10;
	[tilespmem:$0x1F810] =	vst v0;
	v0 =	vld.idx.msk [tilespmem:v1+s18+$0x0], $0xffff  }
0x2cf: {  	v32 =	vld.idx.msk [tilespmem:v7+s18+$0x0], $0xffff  }
0x2d0: {  	v14 =	vor.u32 $0x24, v10;
	v35 =	vld.idx.msk [tilespmem:v8+s16+$0x0], $0xffff  }
0x2d1: {  	v36 =	vld.idx.msk [tilespmem:v8+s18+$0x0], $0xffff  }
0x2d2: {  	v9 =	vor.u32 $0x32, v10;
	v41 =	vld.idx.msk [tilespmem:v13+s16+$0x0], $0xffff  }
0x2d3: {  	[tilespmem:$0x1F820] =	vst v0;
	v0 =	vld.idx.msk [tilespmem:v16+s16+$0x0], $0xffff  }
0x2d4: {  	v18 =	vor.u32 $0x20, v10;
	v42 =	vld.idx.msk [tilespmem:v13+s18+$0x0], $0xffff  }
0x2d5: {  	v45 =	vld.idx.msk [tilespmem:v14+s16+$0x0], $0xffff  }
0x2d6: {  	v21 =	vor.u32 $0x21, v10;
	v46 =	vld.idx.msk [tilespmem:v14+s18+$0x0], $0xffff  }
0x2d7: {  	[tilespmem:$0x1F870] =	vst v2;
	v2 =	vld.idx.msk [tilespmem:v9+s16+$0x0], $0xffff  }
0x2d8: {  	v23 =	vor.u32 $0x22, v10;
	[tilespmem:$0x1F7F0] =	vst v0;
	v0 =	vld.idx.msk [tilespmem:v16+s18+$0x0], $0xffff  }
0x2d9: {  	v49 =	vld.idx.msk [tilespmem:v18+s16+$0x0], $0xffff  }
0x2da: {  	v27 =	vor.u32 $0x1C, v10;
	v50 =	vld.idx.msk [tilespmem:v18+s18+$0x0], $0xffff  }
0x2db: {  	v51 =	vld.idx.msk [tilespmem:v21+s16+$0x0], $0xffff  }
0x2dc: {  	[tilespmem:$0x1F850] =	vst v2;
	v2 =	vld.idx.msk [tilespmem:v9+s18+$0x0], $0xffff  }
0x2dd: {  	[tilespmem:$0x1F800] =	vst v0;
	v0 =	vld.idx.msk [tilespmem:v23+s16+$0x0], $0xffff  }
0x2de: {  	v28 =	vor.u32 $0x1D, v10;
	v52 =	vld.idx.msk [tilespmem:v21+s18+$0x0], $0xffff  }
0x2df: {  	v54 =	vld.idx.msk [tilespmem:v27+s16+$0x0], $0xffff  }
0x2e0: {  	v63 =	vor.u32 $0x18, v10;
	v56 =	vld.idx.msk [tilespmem:v27+s18+$0x0], $0xffff  }
0x2e1: {  	[tilespmem:$0x1F860] =	vst v2;
	v2 =	vld.idx.msk [tilespmem:v12+s18+$0x0], $0xffff  }
0x2e2: {  	v62 =	vor.u32 $0x1E, v10;
	[tilespmem:$0x1F7D0] =	vst v0;
	v0 =	vld.idx.msk [tilespmem:v23+s18+$0x0], $0xffff  }
0x2e3: {  	v61 =	vor.u32 $0x15, v10;
	v57 =	vld.idx.msk [tilespmem:v28+s16+$0x0], $0xffff  }
0x2e4: {  	v13 =	vor.u32 $0x25, v10;
	v58 =	vld.idx.msk [tilespmem:v28+s18+$0x0], $0xffff  }
0x2e5: {  	v53 =	vld.idx.msk [tilespmem:v63+s16+$0x0], $0xffff  }
0x2e6: {  	v55 =	vld.idx.msk [tilespmem:v63+s18+$0x0], $0xffff;
	[tilespmem:$0x1F840] =	vst v2;
	v2 =	vor.u32 $0xC, v10  }
0x2e7: {  	[tilespmem:$0x1F7E0] =	vst v0;
	v0 =	vld.idx.msk [tilespmem:v62+s16+$0x0], $0xffff  }
0x2e8: {  	v20 =	vld.idx.msk [tilespmem:v61+s16+$0x0], $0xffff  }
0x2e9: {  	v27 =	vor.u32 $0x19, v10;
	v47 =	vld.idx.msk [tilespmem:v13+s16+$0x0], $0xffff  }
0x2ea: {  	v48 =	vld.idx.msk [tilespmem:v13+s18+$0x0], $0xffff  }
0x2eb: {  	v1 =	vor.u32 $0x12, v10;
	v15 =	vld.idx.msk [tilespmem:v2+s18+$0x0], $0xffff  }
0x2ec: {  	v28 =	vor.u32 $0x1A, v10;
	[tilespmem:$0x1F7B0] =	vst v0;
	v0 =	vld.idx.msk [tilespmem:v62+s18+$0x0], $0xffff  }
0x2ed: {  	v16 =	vld.idx.msk [tilespmem:v2+s16+$0x0], $0xffff;
	v2 =	vor.u32 $0x9, v10  }
0x2ee: {  	v60 =	vld.idx.msk [tilespmem:v27+s16+$0x0], $0xffff  }
0x2ef: {  	v13 =	vld [tilespmem:$0x1F730]  }
0x2f0: {  	v3 =	vld.idx.msk [tilespmem:v1+s16+$0x0], $0xffff  }
0x2f1: {  	[tilespmem:$0x1F7C0] =	vst v0;
	v0 =	vld.idx.msk [tilespmem:v28+s16+$0x0], $0xffff  }
0x2f2: {  	v8 =	vld.idx.msk [tilespmem:v2+s16+$0x0], $0xffff  }
0x2f3: {  	v7 =	vld.idx.msk [tilespmem:v2+s18+$0x0], $0xffff  }
0x2f4: {  	v63 =	vor.u32 $0x10, v10;
	v62 =	vld.idx.msk [tilespmem:v27+s18+$0x0], $0xffff  }
0x2f5: {  	v27 =	vld.idx.msk [tilespmem:v1+s18+$0x0], $0xffff  }
0x2f6: {  	v2 =	vor.u32 $0x5, v10;
	[tilespmem:$0x1F790] =	vst v0;
	v0 =	vld.idx.msk [tilespmem:v28+s18+$0x0], $0xffff  }
0x2f7: {  	v1 =	vor.u32 $0x8, v10;
	v28 =	vld [tilespmem:$0x1F740]  }
0x2f8: {  	v61 =	vld.idx.msk [tilespmem:v61+s18+$0x0], $0xffff  }
0x2f9: {  	v19 =	vld.idx.msk [tilespmem:v63+s16+$0x0], $0xffff  }
0x2fa: {  	v63 =	vld.idx.msk [tilespmem:v63+s18+$0x0], $0xffff  }
0x2fb: {  	v4 =	vld.idx.msk [tilespmem:v2+s16+$0x0], $0xffff;
	[tilespmem:$0x1F7A0] =	vst v0;
	v0 =	vor.u32 $0x11, v10  }
0x2fc: {  	v11 =	vld.idx.msk [tilespmem:v1+s16+$0x0], $0xffff;
	v13 =	vmul.f32 v28, v13  }
0x2fd: {  	v28 =	vld [tilespmem:$0x1F760]  }
0x2fe: {  	[tilespmem:$0x1F910] =	vst v13;
	v13 =	vld [tilespmem:$0x1F750]  }
0x2ff: {  	v9 =	vld.idx.msk [tilespmem:v1+s18+$0x0], $0xffff;
	v1 =	vor.u32 $0x4, v10  }
0x300: {  	v18 =	vld.idx.msk [tilespmem:v0+s16+$0x0], $0xffff  }
0x301: {  	v17 =	vld.idx.msk [tilespmem:v0+s18+$0x0], $0xffff;
	v0 =	vor.u32 $0xD, v10  }
0x302: {  	[tilespmem:$0x1F780] =	vst v3;
	v3 =	vld.idx.msk [tilespmem:v2+s18+$0x0], $0xffff  }
0x303: {  	v13 =	vmul.f32 v28, v13;
	v28 =	vld [tilespmem:$0x1F770]  }
0x304: {  	v6 =	vld.idx.msk [tilespmem:v1+s16+$0x0], $0xffff  }
0x305: {  	v5 =	vld.idx.msk [tilespmem:v1+s18+$0x0], $0xffff;
	v1 =	vor.u32 $0x1, v10  }
0x306: {  	v14 =	vld.idx.msk [tilespmem:v0+s16+$0x0], $0xffff  }
0x307: {  	v12 =	vld.idx.msk [tilespmem:v0+s18+$0x0], $0xffff;
	v0 =	vor.u32 $0xA, v10  }
0x308: {  	v20 =	vmul.f32 v61, v20;
	v61 =	vld.idx.msk [tilespmem:v10+s18+$0x0], $0xffff;
	v24 =	vmul.f32 v24, v28  }
0x309: {  	v2 =	vor.u32 $0x2, v10;
	v3 =	vmul.f32 v3, v4;
	v4 =	vld [tilespmem:$0x1FC40]  }
0x30a: {  	[tilespmem:$0x1F8F0] =	vst v24;
	v24 =	vmul.f32 v26, v25;
	v26 =	vld.idx.msk [tilespmem:v1+s16+$0x0], $0xffff  }
0x30b: {  	v35 =	vmul.f32 v36, v35;
	v36 =	vor.u32 $0x3, v10;
	v1 =	vld.idx.msk [tilespmem:v1+s18+$0x0], $0xffff  }
0x30c: {  	v23 =	vld.idx.msk [tilespmem:v0+s16+$0x0], $0xffff  }
0x30d: {  	v22 =	vld.idx.msk [tilespmem:v0+s18+$0x0], $0xffff;
	[tilespmem:$0x1F8C0] =	vst v24;
	v24 =	vmul.f32 v30, v29  }
0x30e: {  	v17 =	vmul.f32 v17, v18;
	v18 =	vor.u32 $0xE, v10;
	v29 =	vmul.f32 v38, v37;
	v37 =	vld.idx.msk [tilespmem:v2+s16+$0x0], $0xffff  }
0x30f: {  	v25 =	vor.u32 $0x40, v10;
	v2 =	vld.idx.msk [tilespmem:v2+s18+$0x0], $0xffff;
	[tilespmem:$0x1F8B0] =	vst v24;
	v24 =	vmul.f32 v32, v31  }
0x310: {  	v32 =	vmul.f32 v44, v43;
	v43 =	vmul.f32 v56, v54;
	v54 =	vld.idx.msk [tilespmem:v36+s16+$0x0], $0xffff  }
0x311: {  	v0 =	vor.u32 $0x6, v10;
	v31 =	vmul.f32 v42, v41;
	v41 =	vmul.f32 v52, v51;
	v36 =	vld.idx.msk [tilespmem:v36+s18+$0x0], $0xffff  }
0x312: {  	v52 =	vmul.f32 v58, v57;
	v57 =	vmul.f32 v62, v60;
	v60 =	vld.idx.msk [tilespmem:v10+s16+$0x0], $0xffff  }
0x313: {  	v42 =	vor.u32 $0x7, v10;
	v62 =	vld.idx.msk [tilespmem:v18+s16+$0x0], $0xffff  }
0x314: {  	v30 =	vmul.f32 v40, v39;
	v39 =	vld.idx.msk [tilespmem:v25+s18+$0x0], $0xffff  }
0x315: {  	v58 =	vor.u32 $0xB, v10;
	v25 =	vld.idx.msk [tilespmem:v25+s16+$0x0], $0xffff  }
0x316: {  	[tilespmem:$0x1F900] =	vst v13;
	v13 =	vld.idx.msk [tilespmem:v0+s16+$0x0], $0xffff  }
0x317: {  	v9 =	vmul.f32 v9, v11;
	v11 =	vor.u32 $0xF, v10;
	v0 =	vld.idx.msk [tilespmem:v0+s18+$0x0], $0xffff  }
0x318: {  	v12 =	vmul.f32 v12, v14;
	v1 =	vmul.f32 v1, v26;
	v14 =	vld.idx.msk [tilespmem:v42+s16+$0x0], $0xffff  }
0x319: {  	v19 =	vmul.f32 v63, v19;
	v63 =	vor.u32 $0x13, v10;
	v7 =	vmul.f32 v7, v8;
	v8 =	vld.idx.msk [tilespmem:v42+s18+$0x0], $0xffff  }
0x31a: {  	v5 =	vmul.f32 v5, v6;
	v1 =	vadd.f32 $0.0e+00, v1;
	v6 =	vld.idx.msk [tilespmem:v58+s16+$0x0], $0xffff  }
0x31b: {  	v15 =	vmul.f32 v15, v16;
	v16 =	vld.idx.msk [tilespmem:v58+s18+$0x0], $0xffff;
	v4 =	vadd.f32 v25, v4  }
0x31c: {  	v2 =	vmul.f32 v2, v37;
	v1 =	vadd.f32 v3, v1;
	v3 =	vld.idx.msk [tilespmem:v11+s18+$0x0], $0xffff;
	v25 =	vor.u32 $0x16, v10  }
0x31d: {  	v26 =	vmul.f32 v61, v60;
	v0 =	vmul.f32 v0, v13;
	v13 =	vld.idx.msk [tilespmem:v18+s18+$0x0], $0xffff;
	v4 =	vadd.f32 v39, v4  }
0x31e: {  	v36 =	vmul.f32 v36, v54;
	v2 =	vadd.f32 $0.0e+00, v2;
	v1 =	vadd.f32 v7, v1;
	v7 =	vld.idx.msk [tilespmem:v63+s18+$0x0], $0xffff  }
0x31f: {  	v18 =	vor.u32 $0x17, v10;
	v4 =	vadd.f32 v26, v4;
	v8 =	vmul.f32 v8, v14;
	v14 =	vld.idx.msk [tilespmem:v11+s16+$0x0], $0xffff  }
0x320: {  	v0 =	vadd.f32 v0, v2;
	v2 =	vmul.f32 v22, v23;
	v22 =	vld [tilespmem:$0x1F780]  }
0x321: {  	v11 =	vadd.f32 $0.0e+00, v36;
	v4 =	vadd.f32 v5, v4;
	v5 =	vld.idx.msk [tilespmem:v25+s16+$0x0], $0xffff  }
0x322: {  	v0 =	vadd.f32 v2, v0;
	v2 =	vmul.f32 v13, v62;
	v13 =	vld.idx.msk [tilespmem:v25+s18+$0x0], $0xffff  }
0x323: {  	v6 =	vmul.f32 v16, v6;
	v16 =	vld.idx.msk [tilespmem:v63+s16+$0x0], $0xffff;
	v8 =	vadd.f32 v8, v11;
	v11 =	vor.u32 $0x1B, v10  }
0x324: {  	v3 =	vmul.f32 v3, v14;
	v14 =	vld.idx.msk [tilespmem:v18+s16+$0x0], $0xffff  }
0x325: {  	v0 =	vadd.f32 v2, v0;
	v22 =	vmul.f32 v27, v22;
	v18 =	vld.idx.msk [tilespmem:v18+s18+$0x0], $0xffff  }
0x326: {  	v4 =	vadd.f32 v9, v4;
	v6 =	vadd.f32 v6, v8  }
0x327: {  	v0 =	vadd.f32 v22, v0;
	v5 =	vmul.f32 v13, v5  }
0x328: {  	v7 =	vmul.f32 v7, v16;
	v4 =	vadd.f32 v15, v4;
	v15 =	vld.idx.msk [tilespmem:v11+s16+$0x0], $0xffff;
	v3 =	vadd.f32 v3, v6  }
0x329: {  	v9 =	vor.u32 $0x1F, v10;
	v0 =	vadd.f32 v5, v0;
	v5 =	vld [tilespmem:$0x1F790]  }
0x32a: {  	v3 =	vadd.f32 v7, v3;
	v7 =	vmul.f32 v18, v14;
	v14 =	vld [tilespmem:$0x1F7A0]  }
0x32b: {  	v1 =	vadd.f32 v12, v1;
	v11 =	vld.idx.msk [tilespmem:v11+s18+$0x0], $0xffff  }
0x32c: {  	v59 =	vor.u32 $0x14, v10  }
0x32d: {  	v12 =	vor.u32 $0x3F, v10;
	v23 =	vor.u32 $0x37, v10;
	v1 =	vadd.f32 v17, v1  }
0x32e: {  	v8 =	vor.u32 $0x3B, v10;
	v2 =	vor.u32 $0x23, v10;
	v16 =	vor.u32 $0x33, v10;
	v17 =	vld.idx.msk [tilespmem:v9+s16+$0x0], $0xffff  }
0x32f: {  	v22 =	vor.u32 $0x2F, v10;
	v6 =	vor.u32 $0x27, v10;
	v9 =	vld.idx.msk [tilespmem:v9+s18+$0x0], $0xffff;
	v5 =	vmul.f32 v14, v5  }
0x330: {  	v10 =	vor.u32 $0x2B, v10;
	v3 =	vadd.f32 v7, v3;
	v7 =	vmul.f32 v11, v15;
	v11 =	vld [tilespmem:$0x1F7C0]  }
0x331: {  	v0 =	vadd.f32 v5, v0;
	v5 =	vld [tilespmem:$0x1F7B0];
	_ =	sdelay $0x1  }
0x332: {  	v13 =	vld.idx.msk [tilespmem:v2+s16+$0x0], $0xffff  }
0x333: {  	v2 =	vld.idx.msk [tilespmem:v2+s18+$0x0], $0xffff  }
0x334: {  	v3 =	vadd.f32 v7, v3;
	v7 =	vmul.f32 v9, v17;
	v9 =	vld.idx.msk [tilespmem:v10+s18+$0x0], $0xffff  }
0x335: {  	v5 =	vmul.f32 v11, v5;
	v11 =	vld.idx.msk [tilespmem:v10+s16+$0x0], $0xffff  }
0x336: {  	v10 =	vld [tilespmem:$0x1F7E0]  }
0x337: {  	v0 =	vadd.f32 v5, v0;
	v5 =	vld [tilespmem:$0x1F7D0];
	_ =	sdelay $0x4  }
0x338: {  	v2 =	vmul.f32 v2, v13;
	v13 =	vld [tilespmem:$0x1F800];
	v5 =	vmul.f32 v10, v5  }
0x339: {  	v14 =	vld.idx.msk [tilespmem:v6+s16+$0x0], $0xffff  }
0x33a: {  	v0 =	vadd.f32 v5, v0;
	v5 =	vld [tilespmem:$0x1F7F0]  }
0x33b: {  	v6 =	vld.idx.msk [tilespmem:v6+s18+$0x0], $0xffff;
	_ =	sdelay $0x2  }
0x33c: {  	v3 =	vadd.f32 v7, v3  }
0x33d: {  	v5 =	vmul.f32 v13, v5  }
0x33e: {  	v2 =	vadd.f32 v2, v3;
	v3 =	vmul.f32 v6, v14;
	v14 =	vld [tilespmem:$0x1F820]  }
0x33f: {  	v0 =	vadd.f32 v5, v0;
	v5 =	vld [tilespmem:$0x1F810];
	_ =	sdelay $0x3  }
0x340: {  	v7 =	vld.idx.msk [tilespmem:v22+s18+$0x0], $0xffff  }
0x341: {  	v2 =	vadd.f32 v3, v2;
	v3 =	vmul.f32 v9, v11;
	v11 =	vld [tilespmem:$0x1F840];
	v5 =	vmul.f32 v14, v5  }
0x342: {  	v10 =	vld.idx.msk [tilespmem:v22+s16+$0x0], $0xffff  }
0x343: {  	v0 =	vadd.f32 v5, v0;
	v5 =	vld [tilespmem:$0x1F830];
	_ =	sdelay $0x3  }
0x344: {  	v2 =	vadd.f32 v3, v2;
	v3 =	vmul.f32 v7, v10;
	v7 =	vld.idx.msk [tilespmem:v8+s18+$0x0], $0xffff  }
0x345: {  	v5 =	vmul.f32 v11, v5;
	v11 =	vld.idx.msk [tilespmem:v8+s16+$0x0], $0xffff  }
0x346: {  	v8 =	vld [tilespmem:$0x1F860]  }
0x347: {  	v0 =	vadd.f32 v5, v0;
	v5 =	vld [tilespmem:$0x1F850]  }
0x348: {  	v21 =	vld.idx.msk [tilespmem:v59+s16+$0x0], $0xffff  }
0x349: {  	v59 =	vld.idx.msk [tilespmem:v59+s18+$0x0], $0xffff;
	v1 =	vadd.f32 v20, v1  }
0x34a: {  	v6 =	vld.idx.msk [tilespmem:v16+s18+$0x0], $0xffff  }
0x34b: {  	v1 =	vadd.f32 v57, v1;
	v9 =	vld.idx.msk [tilespmem:v23+s18+$0x0], $0xffff  }
0x34c: {  	v10 =	vld [tilespmem:$0x1F880];
	v5 =	vmul.f32 v8, v5  }
0x34d: {  	v1 =	vadd.f32 v52, v1;
	v13 =	vld.idx.msk [tilespmem:v16+s16+$0x0], $0xffff  }
0x34e: {  	v0 =	vadd.f32 v5, v0;
	v5 =	vld [tilespmem:$0x1F870]  }
0x34f: {  	v38 =	vmul.f32 v48, v47;
	v1 =	vadd.f32 v41, v1;
	v14 =	vld.idx.msk [tilespmem:v23+s16+$0x0], $0xffff;
	_ =	sdelay $0x1  }
0x350: {  	v21 =	vmul.f32 v59, v21;
	v1 =	vadd.f32 v38, v1  }
0x351: {  	v4 =	vadd.f32 v19, v4;
	v2 =	vadd.f32 v3, v2;
	v3 =	vmul.f32 v6, v13  }
0x352: {  	v56 =	vmul.f32 v55, v53;
	v1 =	vadd.f32 v32, v1;
	v5 =	vmul.f32 v10, v5  }
0x353: {  	v4 =	vadd.f32 v21, v4;
	v2 =	vadd.f32 v3, v2;
	v3 =	vmul.f32 v9, v14;
	v9 =	vld [tilespmem:$0x1F8A0]  }
0x354: {  	v1 =	vadd.f32 v30, v1;
	v0 =	vadd.f32 v5, v0;
	v5 =	vld [tilespmem:$0x1F890]  }
0x355: {  	v4 =	vadd.f32 v56, v4;
	v2 =	vadd.f32 v3, v2;
	v3 =	vmul.f32 v7, v11;
	v7 =	vld [tilespmem:$0x1F8C0]  }
0x356: {  	v1 =	vadd.f32 v35, v1  }
0x357: {  	v40 =	vmul.f32 v50, v49;
	v4 =	vadd.f32 v43, v4  }
0x358: {  	v34 =	vmul.f32 v34, v33;
	v1 =	vadd.f32 v24, v1  }
0x359: {  	v33 =	vmul.f32 v46, v45;
	v4 =	vadd.f32 v40, v4;
	v5 =	vmul.f32 v9, v5  }
0x35a: {  	v1 =	vadd.f32 v7, v1;
	v7 =	vld [tilespmem:$0x1F8E0]  }
0x35b: {  	v4 =	vadd.f32 v33, v4;
	v0 =	vadd.f32 v5, v0;
	v5 =	vld [tilespmem:$0x1F8D0]  }
0x35c: {  	v6 =	vld.idx.msk [tilespmem:v12+s18+$0x0], $0xffff  }
0x35d: {  	v4 =	vadd.f32 v31, v4;
	v8 =	vld.idx.msk [tilespmem:v12+s16+$0x0], $0xffff  }
0x35e: {  	v9 =	vld [tilespmem:$0x1F8B0]  }
0x35f: {  	v4 =	vadd.f32 v29, v4  }
0x360: {  	v5 =	vmul.f32 v7, v5;
	v7 =	vld [tilespmem:$0x1F8F0]  }
0x361: {  	v4 =	vadd.f32 v34, v4  }
0x362: {  	s28 =	simm.s32 $0x10;
	v2 =	vadd.f32 v3, v2  }
0x363: {  	v3 =	vmul.f32 v6, v8;
	v6 =	vmov s28;
	v4 =	vadd.f32 v9, v4  }
0x364: {  	v0 =	vadd.f32 v5, v0;
	v5 =	vshll.u32 v6, $0x7;
	v6 =	vld [tilespmem:$0x1F910]  }
0x365: {  	v4 =	vadd.f32 v7, v4;
	v7 =	vld [tilespmem:$0x1F900]  }
0x366: {  	v2 =	vadd.f32 v3, v2;
	v3 =	vld [tilespmem:$0x1FFF0];
	_ =	sdelay $0x3  }
0x367: {  	v4 =	vadd.f32 v6, v4;
	v1 =	vadd.f32 v7, v1  }
0x368: {  	v12 =	vor.u32 v3, v5  }
0x369: {  	v0 =	vadd.f32 v2, v0;
	v2 =	vor.u32 $0x3D, v12;
	v1 =	vadd.f32 v1, v4;
	_ =	sdelay $0x1  }
0x36a: {  	v0 =	vadd.f32 v0, v1;
	v1 =	vor.u32 $0x3E, v12  }
0x36b: {  	s28 =	simm.s32 $0x10500  }
0x36c: {  	v3 =	vor.u32 $0x3C, v12;
	[tilespmem:s28+$0x0] =	vst v0  }
0x36d: {  	v26 =	vld.idx.msk [tilespmem:v2+s16+$0x0], $0xffff  }
0x36e: {  	v29 =	vld.idx.msk [tilespmem:v2+s18+$0x0], $0xffff  }
0x36f: {  	v2 =	vld.idx.msk [tilespmem:v1+s16+$0x0], $0xffff  }
0x370: {  	v0 =	vor.u32 $0x38, v12  }
0x371: {  	v24 =	vld.idx.msk [tilespmem:v3+s16+$0x0], $0xffff  }
0x372: {  	v25 =	vld.idx.msk [tilespmem:v3+s18+$0x0], $0xffff;
	v3 =	vor.u32 $0x39, v12;
	_ =	sdelay $0x1  }
0x373: {  	v1 =	vld.idx.msk [tilespmem:v1+s18+$0x0], $0xffff;
	[tilespmem:$0x1F920] =	vst v2;
	v2 =	vor.u32 $0x3A, v12  }
0x374: {  	v39 =	vld.idx.msk [tilespmem:v0+s16+$0x0], $0xffff  }
0x375: {  	v41 =	vld.idx.msk [tilespmem:v0+s18+$0x0], $0xffff  }
0x376: {  	v43 =	vld.idx.msk [tilespmem:v3+s16+$0x0], $0xffff  }
0x377: {  	v28 =	vld.idx.msk [tilespmem:v3+s18+$0x0], $0xffff  }
0x378: {  	v0 =	vor.u32 $0x35, v12;
	v3 =	vld.idx.msk [tilespmem:v2+s16+$0x0], $0xffff;
	_ =	sdelay $0x1  }
0x379: {  	[tilespmem:$0x1F930] =	vst v1;
	v1 =	vor.u32 $0x34, v12;
	_ =	sdelay $0x2  }
0x37a: {  	v30 =	vld.idx.msk [tilespmem:v0+s18+$0x0], $0xffff;
	[tilespmem:$0x1F940] =	vst v3;
	v3 =	vor.u32 $0x36, v12  }
0x37b: {  	v2 =	vld.idx.msk [tilespmem:v2+s18+$0x0], $0xffff  }
0x37c: {  	v45 =	vld.idx.msk [tilespmem:v1+s16+$0x0], $0xffff  }
0x37d: {  	v40 =	vld.idx.msk [tilespmem:v1+s18+$0x0], $0xffff  }
0x37e: {  	v1 =	vld.idx.msk [tilespmem:v0+s16+$0x0], $0xffff  }
0x37f: {  	v0 =	vld.idx.msk [tilespmem:v3+s16+$0x0], $0xffff  }
0x380: {  	[tilespmem:$0x1F950] =	vst v2;
	v2 =	vor.u32 $0x30, v12;
	v3 =	vld.idx.msk [tilespmem:v3+s18+$0x0], $0xffff;
	_ =	sdelay $0x4  }
0x381: {  	[tilespmem:$0x1F980] =	vst v3;
	v3 =	vld.idx.msk [tilespmem:v2+s16+$0x0], $0xffff  }
0x382: {  	[tilespmem:$0x1F960] =	vst v1;
	v1 =	vor.u32 $0x31, v12;
	v2 =	vld.idx.msk [tilespmem:v2+s18+$0x0], $0xffff;
	_ =	sdelay $0x4  }
0x383: {  	[tilespmem:$0x1F9A0] =	vst v2;
	v2 =	vld.idx.msk [tilespmem:v1+s16+$0x0], $0xffff  }
0x384: {  	[tilespmem:$0x1F970] =	vst v0;
	v0 =	vor.u32 $0x32, v12;
	v1 =	vld.idx.msk [tilespmem:v1+s18+$0x0], $0xffff;
	_ =	sdelay $0x4  }
0x385: {  	[tilespmem:$0x1F9C0] =	vst v1;
	v1 =	vld.idx.msk [tilespmem:v0+s16+$0x0], $0xffff  }
0x386: {  	[tilespmem:$0x1F990] =	vst v3;
	v3 =	vor.u32 $0x2C, v12;
	v0 =	vld.idx.msk [tilespmem:v0+s18+$0x0], $0xffff;
	_ =	sdelay $0x1  }
0x387: {  	[tilespmem:$0x1F9B0] =	vst v2;
	v2 =	vor.u32 $0x2D, v12;
	_ =	sdelay $0x1  }
0x388: {  	[tilespmem:$0x1F9D0] =	vst v1;
	v1 =	vor.u32 $0x2E, v12  }
0x389: {  	[tilespmem:$0x1F9E0] =	vst v0;
	v0 =	vld.idx.msk [tilespmem:v3+s16+$0x0], $0xffff  }
0x38a: {  	v3 =	vld.idx.msk [tilespmem:v3+s18+$0x0], $0xffff  }
0x38b: {  	v42 =	vld.idx.msk [tilespmem:v2+s16+$0x0], $0xffff  }
0x38c: {  	v46 =	vld.idx.msk [tilespmem:v2+s18+$0x0], $0xffff  }
0x38d: {  	v2 =	vld.idx.msk [tilespmem:v1+s16+$0x0], $0xffff;
	_ =	sdelay $0x2  }
0x38e: {  	[tilespmem:$0x1FA00] =	vst v3;
	v3 =	vor.u32 $0x29, v12;
	_ =	sdelay $0x1  }
0x38f: {  	[tilespmem:$0x1FA10] =	vst v2;
	v2 =	vor.u32 $0x2A, v12  }
0x390: {  	v1 =	vld.idx.msk [tilespmem:v1+s18+$0x0], $0xffff  }
0x391: {  	[tilespmem:$0x1F9F0] =	vst v0;
	v0 =	vor.u32 $0x28, v12  }
0x392: {  	v50 =	vld.idx.msk [tilespmem:v3+s16+$0x0], $0xffff  }
0x393: {  	v51 =	vld.idx.msk [tilespmem:v3+s18+$0x0], $0xffff  }
0x394: {  	v3 =	vld.idx.msk [tilespmem:v2+s16+$0x0], $0xffff  }
0x395: {  	[tilespmem:$0x1FA20] =	vst v1;
	v1 =	vor.u32 $0x24, v12  }
0x396: {  	v47 =	vld.idx.msk [tilespmem:v0+s16+$0x0], $0xffff  }
0x397: {  	v49 =	vld.idx.msk [tilespmem:v0+s18+$0x0], $0xffff;
	v0 =	vor.u32 $0x25, v12;
	_ =	sdelay $0x1  }
0x398: {  	v2 =	vld.idx.msk [tilespmem:v2+s18+$0x0], $0xffff;
	[tilespmem:$0x1FA30] =	vst v3;
	v3 =	vor.u32 $0x26, v12  }
0x399: {  	v52 =	vld.idx.msk [tilespmem:v1+s16+$0x0], $0xffff  }
0x39a: {  	v55 =	vld.idx.msk [tilespmem:v1+s18+$0x0], $0xffff  }
0x39b: {  	v53 =	vld.idx.msk [tilespmem:v0+s16+$0x0], $0xffff  }
0x39c: {  	v54 =	vld.idx.msk [tilespmem:v0+s18+$0x0], $0xffff  }
0x39d: {  	v1 =	vor.u32 $0x21, v12;
	v0 =	vld.idx.msk [tilespmem:v3+s16+$0x0], $0xffff;
	_ =	sdelay $0x2  }
0x39e: {  	[tilespmem:$0x1FA40] =	vst v2;
	v2 =	vor.u32 $0x20, v12;
	_ =	sdelay $0x1  }
0x39f: {  	v56 =	vld.idx.msk [tilespmem:v1+s16+$0x0], $0xffff;
	[tilespmem:$0x1FA50] =	vst v0;
	v0 =	vor.u32 $0x22, v12  }
0x3a0: {  	v60 =	vld.idx.msk [tilespmem:v1+s18+$0x0], $0xffff  }
0x3a1: {  	v3 =	vld.idx.msk [tilespmem:v3+s18+$0x0], $0xffff  }
0x3a2: {  	v58 =	vld.idx.msk [tilespmem:v2+s16+$0x0], $0xffff  }
0x3a3: {  	v57 =	vld.idx.msk [tilespmem:v2+s18+$0x0], $0xffff  }
0x3a4: {  	v1 =	vld.idx.msk [tilespmem:v0+s16+$0x0], $0xffff  }
0x3a5: {  	v2 =	vor.u32 $0x1D, v12;
	v0 =	vld.idx.msk [tilespmem:v0+s18+$0x0], $0xffff;
	_ =	sdelay $0x1  }
0x3a6: {  	v4 =	vor.u32 $0x1E, v12;
	_ =	sdelay $0x1  }
0x3a7: {  	[tilespmem:$0x1FA60] =	vst v3;
	v3 =	vor.u32 $0x1C, v12  }
0x3a8: {  	[tilespmem:$0x1FA80] =	vst v0;
	v0 =	vld.idx.msk [tilespmem:v2+s16+$0x0], $0xffff  }
0x3a9: {  	[tilespmem:$0x1FA70] =	vst v1;
	v1 =	vld.idx.msk [tilespmem:v2+s18+$0x0], $0xffff  }
0x3aa: {  	v2 =	vld.idx.msk [tilespmem:v4+s16+$0x0], $0xffff;
	_ =	sdelay $0x1  }
0x3ab: {  	v62 =	vld.idx.msk [tilespmem:v3+s16+$0x0], $0xffff  }
0x3ac: {  	v63 =	vld.idx.msk [tilespmem:v3+s18+$0x0], $0xffff;
	v3 =	vor.u32 $0x19, v12  }
0x3ad: {  	v5 =	vor.u32 $0x18, v12  }
0x3ae: {  	[tilespmem:$0x1FA90] =	vst v2;
	v2 =	vld.idx.msk [tilespmem:v4+s18+$0x0], $0xffff;
	_ =	sdelay $0x1  }
0x3af: {  	v6 =	vor.u32 $0x1A, v12  }
0x3b0: {  	v7 =	vld.idx.msk [tilespmem:v3+s18+$0x0], $0xffff  }
0x3b1: {  	v4 =	vld.idx.msk [tilespmem:v5+s18+$0x0], $0xffff  }
0x3b2: {  	v9 =	vor.u32 $0x14, v12;
	[tilespmem:$0x1FAA0] =	vst v2;
	v2 =	vld.idx.msk [tilespmem:v5+s16+$0x0], $0xffff  }
0x3b3: {  	v5 =	vld.idx.msk [tilespmem:v3+s16+$0x0], $0xffff  }
0x3b4: {  	v11 =	vor.u32 $0x15, v12;
	v3 =	vld.idx.msk [tilespmem:v6+s16+$0x0], $0xffff;
	_ =	sdelay $0x1  }
0x3b5: {  	v22 =	vor.u32 $0x8, v12  }
0x3b6: {  	v8 =	vld.idx.msk [tilespmem:v9+s16+$0x0], $0xffff  }
0x3b7: {  	v37 =	vor.u32 $0x4, v12;
	v9 =	vld.idx.msk [tilespmem:v9+s18+$0x0], $0xffff  }
0x3b8: {  	v10 =	vld.idx.msk [tilespmem:v11+s16+$0x0], $0xffff;
	[tilespmem:$0x1FAB0] =	vst v3;
	v3 =	vor.u32 $0x16, v12  }
0x3b9: {  	v13 =	vld.idx.msk [tilespmem:v11+s18+$0x0], $0xffff  }
0x3ba: {  	v21 =	vld.idx.msk [tilespmem:v22+s16+$0x0], $0xffff  }
0x3bb: {  	v38 =	vor.u32 $0x5, v12;
	v22 =	vld.idx.msk [tilespmem:v22+s18+$0x0], $0xffff  }
0x3bc: {  	v31 =	vld.idx.msk [tilespmem:v37+s16+$0x0], $0xffff  }
0x3bd: {  	v14 =	vld.idx.msk [tilespmem:v3+s16+$0x0], $0xffff  }
0x3be: {  	v11 =	vor.u32 $0x11, v12;
	v33 =	vld.idx.msk [tilespmem:v37+s18+$0x0], $0xffff  }
0x3bf: {  	v44 =	vor.u32 $0x6, v12;
	v6 =	vld.idx.msk [tilespmem:v6+s18+$0x0], $0xffff  }
0x3c0: {  	v32 =	vld.idx.msk [tilespmem:v38+s16+$0x0], $0xffff  }
0x3c1: {  	v24 =	vmul.f32 v25, v24;
	v3 =	vld.idx.msk [tilespmem:v3+s18+$0x0], $0xffff  }
0x3c2: {  	v34 =	vld.idx.msk [tilespmem:v38+s18+$0x0], $0xffff;
	[tilespmem:$0x1FAD0] =	vst v14;
	v14 =	vor.u32 $0x12, v12  }
0x3c3: {  	v17 =	vld.idx.msk [tilespmem:v11+s16+$0x0], $0xffff;
	[tilespmem:$0x1FB00] =	vst v24;
	v24 =	vmul.f32 v29, v26  }
0x3c4: {  	v29 =	vld.idx.msk [tilespmem:v44+s18+$0x0], $0xffff;
	[tilespmem:$0x1FAC0] =	vst v6;
	v6 =	vor.u32 $0x10, v12  }
0x3c5: {  	[tilespmem:$0x1FB10] =	vst v24;
	v24 =	vld.idx.msk [tilespmem:v44+s16+$0x0], $0xffff  }
0x3c6: {  	[tilespmem:$0x1FAE0] =	vst v3;
	v3 =	vld.idx.msk [tilespmem:v11+s18+$0x0], $0xffff;
	v11 =	vor.u32 $0xD, v12  }
0x3c7: {  	v18 =	vld.idx.msk [tilespmem:v14+s16+$0x0], $0xffff  }
0x3c8: {  	v48 =	vld.idx.msk [tilespmem:v14+s18+$0x0], $0xffff;
	v14 =	vor.u32 $0xE, v12  }
0x3c9: {  	v15 =	vld.idx.msk [tilespmem:v6+s16+$0x0], $0xffff  }
0x3ca: {  	v16 =	vld.idx.msk [tilespmem:v6+s18+$0x0], $0xffff;
	v6 =	vor.u32 $0xC, v12  }
0x3cb: {  	v19 =	vld.idx.msk [tilespmem:v11+s16+$0x0], $0xffff  }
0x3cc: {  	v20 =	vld.idx.msk [tilespmem:v11+s18+$0x0], $0xffff;
	v11 =	vor.u32 $0x9, v12  }
0x3cd: {  	v59 =	vld.idx.msk [tilespmem:v14+s16+$0x0], $0xffff  }
0x3ce: {  	v61 =	vld.idx.msk [tilespmem:v14+s18+$0x0], $0xffff;
	v14 =	vor.u32 $0xA, v12  }
0x3cf: {  	[tilespmem:$0x1FAF0] =	vst v18;
	v18 =	vld.idx.msk [tilespmem:v6+s16+$0x0], $0xffff  }
0x3d0: {  	v6 =	vld.idx.msk [tilespmem:v6+s18+$0x0], $0xffff  }
0x3d1: {  	v23 =	vld.idx.msk [tilespmem:v11+s16+$0x0], $0xffff  }
0x3d2: {  	v27 =	vld.idx.msk [tilespmem:v11+s18+$0x0], $0xffff  }
0x3d3: {  	v36 =	vor.u32 $0x40, v12;
	v35 =	vor.u32 $0x37, v12;
	v11 =	vld.idx.msk [tilespmem:v14+s16+$0x0], $0xffff  }
0x3d4: {  	s29 =	simm.s32 $0x20;
	v37 =	vor.u32 $0x1, v12;
	v26 =	vor.u32 $0x3B, v12;
	v44 =	vor.u32 $0x3F, v12;
	v14 =	vld.idx.msk [tilespmem:v14+s18+$0x0], $0xffff  }
.LBB2_4:
0x3d5: {  	[tilespmem:$0x1F640] =	vst v44;
	v44 =	vmul.f32 v40, v45;
	v45 =	vld [tilespmem:$0x1F960];
	_ =	sdelay $0x3  }
0x3d6: {  	[tilespmem:$0x1F690] =	vst v44;
	v44 =	vld [tilespmem:$0x1F990]  }
0x3d7: {  	v30 =	vmul.f32 v30, v45;
	v45 =	vld [tilespmem:$0x1F9A0];
	_ =	sdelay $0x4  }
0x3d8: {  	v40 =	vmul.f32 v45, v44;
	v44 =	vld [tilespmem:$0x1F9B0]  }
0x3d9: {  	v45 =	vld [tilespmem:$0x1F9C0];
	_ =	sdelay $0x4  }
0x3da: {  	[tilespmem:$0x1F670] =	vst v40;
	v40 =	vmul.f32 v45, v44  }
0x3db: {  	v6 =	vmul.f32 v6, v18;
	v18 =	vor.u32 $0x13, v12;
	v44 =	vmov v42;
	v42 =	vld [tilespmem:$0x1FA00]  }
0x3dc: {  	[tilespmem:$0x1F660] =	vst v40;
	v40 =	vld [tilespmem:$0x1F9F0]  }
0x3dd: {  	v25 =	vor.u32 $0x2, v12;
	v39 =	vmul.f32 v41, v39;
	v28 =	vmul.f32 v28, v43;
	v43 =	vld.idx.msk [tilespmem:v12+s16+$0x0], $0xffff  }
0x3de: {  	v41 =	vld.idx.msk [tilespmem:v37+s16+$0x0], $0xffff;
	v0 =	vmul.f32 v1, v0;
	v2 =	vmul.f32 v4, v2  }
0x3df: {  	v4 =	vmul.f32 v7, v5;
	v3 =	vmul.f32 v3, v17;
	[tilespmem:$0x1F6B0] =	vst v39;
	v39 =	vld.idx.msk [tilespmem:v12+s18+$0x0], $0xffff;
	v45 =	vor.u32 $0x3, v12  }
0x3e0: {  	v8 =	vmul.f32 v9, v8;
	v24 =	vmul.f32 v29, v24;
	v29 =	vld.idx.msk [tilespmem:v18+s16+$0x0], $0xffff  }
0x3e1: {  	v40 =	vmul.f32 v42, v40;
	v42 =	vld.idx.msk [tilespmem:v37+s18+$0x0], $0xffff;
	v37 =	vmul.f32 v51, v50;
	v50 =	vor.u32 $0x7, v12  }
0x3e2: {  	v5 =	vor.u32 $0x23, v12;
	v46 =	vmul.f32 v46, v44;
	v44 =	vmul.f32 v49, v47;
	v49 =	vld.idx.msk [tilespmem:v25+s16+$0x0], $0xffff  }
0x3e3: {  	v47 =	vmul.f32 v54, v53;
	v54 =	vld.idx.msk [tilespmem:v25+s18+$0x0], $0xffff;
	v25 =	vmul.f32 v60, v56;
	v60 =	vor.u32 $0xB, v12  }
0x3e4: {  	[tilespmem:$0x1F6A0] =	vst v28;
	v28 =	vor.u32 $0x33, v12;
	v9 =	vmul.f32 v13, v10;
	v13 =	vmul.f32 v16, v15;
	v1 =	vld.idx.msk [tilespmem:v45+s16+$0x0], $0xffff  }
0x3e5: {  	v17 =	vmul.f32 v20, v19;
	[tilespmem:$0x1F630] =	vst v46;
	v46 =	vmul.f32 v55, v52;
	v55 =	vor.u32 $0xF, v12;
	v7 =	vld.idx.msk [tilespmem:v45+s18+$0x0], $0xffff  }
0x3e6: {  	v15 =	vor.u32 $0x1F, v12;
	v19 =	vmul.f32 v22, v21;
	v20 =	vmul.f32 v27, v23;
	v10 =	vld.idx.msk [tilespmem:v50+s16+$0x0], $0xffff  }
0x3e7: {  	v22 =	vor.u32 $0x17, v12;
	v27 =	vmul.f32 v33, v31;
	v31 =	vmul.f32 v34, v32;
	[tilespmem:$0x1F680] =	vst v30;
	v16 =	vld.idx.msk [tilespmem:v50+s18+$0x0], $0xffff  }
0x3e8: {  	v30 =	vor.u32 $0x2F, v12;
	v21 =	vld.idx.msk [tilespmem:v60+s16+$0x0], $0xffff;
	[tilespmem:$0x1F650] =	vst v40;
	v40 =	vmul.f32 v57, v58;
	v58 =	vmul.f32 v42, v41  }
0x3e9: {  	v56 =	vor.u32 $0x27, v12;
	v52 =	vmul.f32 v63, v62;
	v51 =	vor.u32 $0x2B, v12;
	v57 =	vld.idx.msk [tilespmem:v60+s18+$0x0], $0xffff  }
0x3ea: {  	v12 =	vor.u32 $0x1B, v12;
	v62 =	vld.idx.msk [tilespmem:v55+s16+$0x0], $0xffff;
	v1 =	vmul.f32 v7, v1;
	v33 =	vadd.f32 $0.0e+00, v58  }
0x3eb: {  	v7 =	vld.idx.msk [tilespmem:v55+s18+$0x0], $0xffff  }
0x3ec: {  	v1 =	vadd.f32 $0.0e+00, v1;
	v10 =	vmul.f32 v16, v10;
	v16 =	vld.idx.msk [tilespmem:v18+s18+$0x0], $0xffff;
	v18 =	vadd.f32 v31, v33  }
0x3ed: {  	v11 =	vmul.f32 v14, v11;
	v14 =	vld.idx.msk [tilespmem:v22+s16+$0x0], $0xffff;
	v60 =	vmul.f32 v54, v49  }
0x3ee: {  	v1 =	vadd.f32 v10, v1;
	v10 =	vmul.f32 v57, v21;
	v21 =	vld.idx.msk [tilespmem:v22+s18+$0x0], $0xffff;
	v18 =	vadd.f32 v20, v18  }
0x3ef: {  	v34 =	vadd.f32 $0.0e+00, v60;
	v22 =	vld.idx.msk [tilespmem:v12+s16+$0x0], $0xffff  }
0x3f0: {  	v1 =	vadd.f32 v10, v1;
	v10 =	vld.idx.msk [tilespmem:v12+s18+$0x0], $0xffff;
	v12 =	vadd.f32 v17, v18  }
0x3f1: {  	v7 =	vmul.f32 v7, v62;
	v17 =	vld [tilespmem:$0x1FAF0]  }
0x3f2: {  	v24 =	vadd.f32 v24, v34;
	v3 =	vadd.f32 v3, v12;
	v12 =	vld [tilespmem:$0x1FAD0]  }
0x3f3: {  	v1 =	vadd.f32 v7, v1;
	v7 =	vmul.f32 v16, v29;
	v16 =	vld [tilespmem:$0x1FAE0]  }
0x3f4: {  	v38 =	vld.idx.msk [tilespmem:v36+s18+$0x0], $0xffff;
	v11 =	vadd.f32 v11, v24;
	v20 =	vmul.f32 v61, v59  }
0x3f5: {  	v36 =	vld.idx.msk [tilespmem:v36+s16+$0x0], $0xffff  }
0x3f6: {  	v23 =	vld [tilespmem:$0x1FC40];
	v11 =	vadd.f32 v20, v11;
	v17 =	vmul.f32 v48, v17;
	_ =	sdelay $0x1  }
0x3f7: {  	v11 =	vadd.f32 v17, v11;
	v12 =	vmul.f32 v16, v12;
	_ =	sdelay $0x1  }
0x3f8: {  	v3 =	vadd.f32 v9, v3;
	v9 =	vadd.f32 v12, v11;
	v11 =	vld [tilespmem:$0x1FAB0]  }
0x3f9: {  	v23 =	vadd.f32 v36, v23;
	v12 =	vld [tilespmem:$0x1FAC0];
	_ =	sdelay $0x1  }
0x3fa: {  	v23 =	vadd.f32 v38, v23;
	v63 =	vmul.f32 v39, v43;
	_ =	sdelay $0x1  }
0x3fb: {  	v23 =	vadd.f32 v63, v23;
	v1 =	vadd.f32 v7, v1;
	v7 =	vmul.f32 v21, v14  }
0x3fc: {  	v11 =	vmul.f32 v12, v11  }
0x3fd: {  	v23 =	vadd.f32 v27, v23;
	v1 =	vadd.f32 v7, v1;
	v7 =	vmul.f32 v10, v22;
	v10 =	vld [tilespmem:$0x1FAA0]  }
0x3fe: {  	v3 =	vadd.f32 v4, v3;
	v4 =	vadd.f32 v11, v9;
	v9 =	vld [tilespmem:$0x1FA90];
	_ =	sdelay $0x1  }
0x3ff: {  	v19 =	vadd.f32 v19, v23;
	_ =	sdelay $0x1  }
0x400: {  	v6 =	vadd.f32 v6, v19  }
0x401: {  	v9 =	vmul.f32 v10, v9  }
0x402: {  	v6 =	vadd.f32 v13, v6  }
0x403: {  	v0 =	vadd.f32 v0, v3;
	v3 =	vadd.f32 v9, v4;
	v4 =	vld [tilespmem:$0x1FA70]  }
0x404: {  	v9 =	vld [tilespmem:$0x1FA80]  }
0x405: {  	v6 =	vadd.f32 v8, v6;
	v8 =	vld.idx.msk [tilespmem:v56+s18+$0x0], $0xffff  }
0x406: {  	v18 =	vld.idx.msk [tilespmem:v15+s16+$0x0], $0xffff  }
0x407: {  	v15 =	vld.idx.msk [tilespmem:v15+s18+$0x0], $0xffff  }
0x408: {  	v16 =	vld.idx.msk [tilespmem:v5+s16+$0x0], $0xffff  }
0x409: {  	v5 =	vld.idx.msk [tilespmem:v5+s18+$0x0], $0xffff;
	v4 =	vmul.f32 v9, v4  }
0x40a: {  	v11 =	vld [tilespmem:$0x1FA60]  }
0x40b: {  	v3 =	vadd.f32 v4, v3;
	v4 =	vld [tilespmem:$0x1FA50]  }
0x40c: {  	v12 =	vld.idx.msk [tilespmem:v56+s16+$0x0], $0xffff  }
0x40d: {  	v2 =	vadd.f32 v2, v6;
	v6 =	vmul.f32 v15, v18;
	v1 =	vadd.f32 v7, v1;
	_ =	sdelay $0x1  }
0x40e: {  	v1 =	vadd.f32 v6, v1;
	v5 =	vmul.f32 v5, v16  }
0x40f: {  	v7 =	vld.idx.msk [tilespmem:v51+s18+$0x0], $0xffff;
	v4 =	vmul.f32 v11, v4  }
0x410: {  	v1 =	vadd.f32 v5, v1;
	v5 =	vmul.f32 v8, v12;
	v12 =	vld [tilespmem:$0x1FA40]  }
0x411: {  	v3 =	vadd.f32 v4, v3;
	v4 =	vld [tilespmem:$0x1FA30]  }
0x412: {  	v10 =	vld.idx.msk [tilespmem:v51+s16+$0x0], $0xffff  }
0x413: {  	v6 =	vld.idx.msk [tilespmem:v30+s18+$0x0], $0xffff  }
0x414: {  	v9 =	vld.idx.msk [tilespmem:v30+s16+$0x0], $0xffff;
	_ =	sdelay $0x1  }
0x415: {  	v4 =	vmul.f32 v12, v4  }
0x416: {  	v1 =	vadd.f32 v5, v1;
	v5 =	vmul.f32 v7, v10;
	v10 =	vld [tilespmem:$0x1FA20]  }
0x417: {  	v0 =	vadd.f32 v25, v0;
	v3 =	vadd.f32 v4, v3;
	v4 =	vld [tilespmem:$0x1FA10]  }
0x418: {  	v1 =	vadd.f32 v5, v1;
	v5 =	vmul.f32 v6, v9;
	v9 =	vld [tilespmem:$0x1F630]  }
0x419: {  	v0 =	vadd.f32 v47, v0;
	v8 =	vld.idx.msk [tilespmem:v28+s18+$0x0], $0xffff  }
0x41a: {  	v11 =	vld.idx.msk [tilespmem:v28+s16+$0x0], $0xffff  }
0x41b: {  	v0 =	vadd.f32 v37, v0  }
0x41c: {  	v4 =	vmul.f32 v10, v4  }
0x41d: {  	v0 =	vadd.f32 v9, v0;
	v9 =	vld [tilespmem:$0x1F9E0]  }
0x41e: {  	v3 =	vadd.f32 v4, v3;
	v4 =	vld [tilespmem:$0x1F9D0]  }
0x41f: {  	v1 =	vadd.f32 v5, v1;
	v5 =	vmul.f32 v8, v11;
	v11 =	vld [tilespmem:$0x1F660]  }
0x420: {  	v7 =	vld.idx.msk [tilespmem:v35+s18+$0x0], $0xffff  }
0x421: {  	v12 =	vld.idx.msk [tilespmem:v35+s16+$0x0], $0xffff;
	_ =	sdelay $0x1  }
0x422: {  	v4 =	vmul.f32 v9, v4  }
0x423: {  	v0 =	vadd.f32 v11, v0;
	v11 =	vld [tilespmem:$0x1F980]  }
0x424: {  	v3 =	vadd.f32 v4, v3;
	v4 =	vld [tilespmem:$0x1F970]  }
0x425: {  	v1 =	vadd.f32 v5, v1;
	v5 =	vmul.f32 v7, v12;
	v7 =	vld [tilespmem:$0x1F680]  }
0x426: {  	v6 =	vld.idx.msk [tilespmem:v26+s18+$0x0], $0xffff  }
0x427: {  	v10 =	vld.idx.msk [tilespmem:v26+s16+$0x0], $0xffff;
	_ =	sdelay $0x1  }
0x428: {  	v14 =	vld [tilespmem:$0x1F640];
	v4 =	vmul.f32 v11, v4  }
0x429: {  	v0 =	vadd.f32 v7, v0;
	v7 =	vld [tilespmem:$0x1F950]  }
0x42a: {  	v3 =	vadd.f32 v4, v3;
	v4 =	vld [tilespmem:$0x1F940]  }
0x42b: {  	v1 =	vadd.f32 v5, v1;
	v5 =	vmul.f32 v6, v10;
	v6 =	vld [tilespmem:$0x1F6A0];
	_ =	sdelay $0x1  }
0x42c: {  	v2 =	vadd.f32 v52, v2;
	_ =	sdelay $0x1  }
0x42d: {  	v13 =	vld [tilespmem:$0x1F650];
	v2 =	vadd.f32 v40, v2;
	v4 =	vmul.f32 v7, v4  }
0x42e: {  	v0 =	vadd.f32 v6, v0;
	v6 =	vld [tilespmem:$0x1F930]  }
0x42f: {  	v2 =	vadd.f32 v46, v2;
	v3 =	vadd.f32 v4, v3;
	v4 =	vld [tilespmem:$0x1F920]  }
0x430: {  	v11 =	vld [tilespmem:$0x1F670]  }
0x431: {  	v2 =	vadd.f32 v44, v2;
	v8 =	vld.idx.msk [tilespmem:v14+s18+$0x0], $0xffff  }
0x432: {  	v7 =	vld [tilespmem:$0x1F690]  }
0x433: {  	v2 =	vadd.f32 v13, v2;
	v9 =	vld.idx.msk [tilespmem:v14+s16+$0x0], $0xffff  }
0x434: {  	v4 =	vmul.f32 v6, v4;
	v6 =	vld [tilespmem:$0x1F6B0]  }
0x435: {  	v2 =	vadd.f32 v11, v2;
	_ =	sdelay $0x1  }
0x436: {  	v2 =	vadd.f32 v7, v2  }
0x437: {  	v1 =	vadd.f32 v5, v1  }
0x438: {  	v5 =	vmul.f32 v8, v9;
	v7 =	vld [tilespmem:$0x1FB10];
	v2 =	vadd.f32 v6, v2;
	v6 =	vmov s29  }
0x439: {  	v3 =	vadd.f32 v4, v3;
	v4 =	vshll.u32 v6, $0x7;
	v6 =	vld [tilespmem:$0x1FB00]  }
0x43a: {  	v1 =	vadd.f32 v5, v1;
	v5 =	vld [tilespmem:$0x1FFF0];
	_ =	sdelay $0x3  }
0x43b: {  	v0 =	vadd.f32 v7, v0;
	v2 =	vadd.f32 v6, v2  }
0x43c: {  	v12 =	vor.u32 v5, v4  }
0x43d: {  	v1 =	vadd.f32 v1, v3;
	v4 =	vor.u32 $0x3C, v12;
	v0 =	vadd.f32 v0, v2;
	_ =	sdelay $0x1  }
0x43e: {  	v0 =	vadd.f32 v1, v0  }
0x43f: {  	s28 =	sadd.s32 $0x10, s28  }
0x440: {  	[tilespmem:s28+$0x0] =	vst v0  }
0x441: {  	v2 =	vor.u32 $0x3D, v12;
	v3 =	vld.idx.msk [tilespmem:v4+s18+$0x0], $0xffff;
	_ =	sdelay $0x4  }
0x442: {  	[tilespmem:$0x1F6C0] =	vst v3;
	v3 =	vld.idx.msk [tilespmem:v2+s16+$0x0], $0xffff  }
0x443: {  	v1 =	vor.u32 $0x3E, v12;
	v2 =	vld.idx.msk [tilespmem:v2+s18+$0x0], $0xffff;
	_ =	sdelay $0x4  }
0x444: {  	v0 =	vor.u32 $0x38, v12;
	[tilespmem:$0x1F6E0] =	vst v2;
	v2 =	vld.idx.msk [tilespmem:v1+s16+$0x0], $0xffff;
	_ =	sdelay $0x2  }
0x445: {  	[tilespmem:$0x1F6D0] =	vst v3;
	v3 =	vor.u32 $0x39, v12;
	_ =	sdelay $0x1  }
0x446: {  	v39 =	vld.idx.msk [tilespmem:v0+s16+$0x0], $0xffff;
	[tilespmem:$0x1F920] =	vst v2;
	v2 =	vor.u32 $0x3A, v12  }
0x447: {  	v41 =	vld.idx.msk [tilespmem:v0+s18+$0x0], $0xffff  }
0x448: {  	v1 =	vld.idx.msk [tilespmem:v1+s18+$0x0], $0xffff  }
0x449: {  	v43 =	vld.idx.msk [tilespmem:v3+s16+$0x0], $0xffff  }
0x44a: {  	v28 =	vld.idx.msk [tilespmem:v3+s18+$0x0], $0xffff  }
0x44b: {  	v0 =	vor.u32 $0x35, v12;
	v3 =	vld.idx.msk [tilespmem:v2+s16+$0x0], $0xffff;
	_ =	sdelay $0x1  }
0x44c: {  	[tilespmem:$0x1F930] =	vst v1;
	v1 =	vor.u32 $0x34, v12;
	_ =	sdelay $0x2  }
0x44d: {  	v30 =	vld.idx.msk [tilespmem:v0+s18+$0x0], $0xffff;
	[tilespmem:$0x1F940] =	vst v3;
	v3 =	vor.u32 $0x36, v12  }
0x44e: {  	v2 =	vld.idx.msk [tilespmem:v2+s18+$0x0], $0xffff  }
0x44f: {  	v45 =	vld.idx.msk [tilespmem:v1+s16+$0x0], $0xffff  }
0x450: {  	v40 =	vld.idx.msk [tilespmem:v1+s18+$0x0], $0xffff  }
0x451: {  	v1 =	vld.idx.msk [tilespmem:v0+s16+$0x0], $0xffff  }
0x452: {  	v0 =	vld.idx.msk [tilespmem:v3+s16+$0x0], $0xffff  }
0x453: {  	[tilespmem:$0x1F950] =	vst v2;
	v2 =	vor.u32 $0x30, v12;
	v3 =	vld.idx.msk [tilespmem:v3+s18+$0x0], $0xffff;
	_ =	sdelay $0x4  }
0x454: {  	[tilespmem:$0x1F980] =	vst v3;
	v3 =	vld.idx.msk [tilespmem:v2+s16+$0x0], $0xffff  }
0x455: {  	[tilespmem:$0x1F960] =	vst v1;
	v1 =	vor.u32 $0x31, v12;
	v2 =	vld.idx.msk [tilespmem:v2+s18+$0x0], $0xffff;
	_ =	sdelay $0x4  }
0x456: {  	[tilespmem:$0x1F9A0] =	vst v2;
	v2 =	vld.idx.msk [tilespmem:v1+s16+$0x0], $0xffff  }
0x457: {  	[tilespmem:$0x1F970] =	vst v0;
	v0 =	vor.u32 $0x32, v12;
	v1 =	vld.idx.msk [tilespmem:v1+s18+$0x0], $0xffff;
	_ =	sdelay $0x4  }
0x458: {  	[tilespmem:$0x1F9C0] =	vst v1;
	v1 =	vld.idx.msk [tilespmem:v0+s16+$0x0], $0xffff  }
0x459: {  	[tilespmem:$0x1F990] =	vst v3;
	v3 =	vor.u32 $0x2C, v12;
	v0 =	vld.idx.msk [tilespmem:v0+s18+$0x0], $0xffff;
	_ =	sdelay $0x1  }
0x45a: {  	[tilespmem:$0x1F9B0] =	vst v2;
	v2 =	vor.u32 $0x2D, v12;
	_ =	sdelay $0x1  }
0x45b: {  	[tilespmem:$0x1F9D0] =	vst v1;
	v1 =	vor.u32 $0x2E, v12  }
0x45c: {  	[tilespmem:$0x1F9E0] =	vst v0;
	v0 =	vld.idx.msk [tilespmem:v3+s16+$0x0], $0xffff  }
0x45d: {  	v3 =	vld.idx.msk [tilespmem:v3+s18+$0x0], $0xffff  }
0x45e: {  	v42 =	vld.idx.msk [tilespmem:v2+s16+$0x0], $0xffff  }
0x45f: {  	v46 =	vld.idx.msk [tilespmem:v2+s18+$0x0], $0xffff  }
0x460: {  	v2 =	vld.idx.msk [tilespmem:v1+s16+$0x0], $0xffff;
	_ =	sdelay $0x2  }
0x461: {  	[tilespmem:$0x1FA00] =	vst v3;
	v3 =	vor.u32 $0x29, v12;
	_ =	sdelay $0x1  }
0x462: {  	[tilespmem:$0x1FA10] =	vst v2;
	v2 =	vor.u32 $0x2A, v12  }
0x463: {  	v1 =	vld.idx.msk [tilespmem:v1+s18+$0x0], $0xffff  }
0x464: {  	[tilespmem:$0x1F9F0] =	vst v0;
	v0 =	vor.u32 $0x28, v12  }
0x465: {  	v50 =	vld.idx.msk [tilespmem:v3+s16+$0x0], $0xffff  }
0x466: {  	v51 =	vld.idx.msk [tilespmem:v3+s18+$0x0], $0xffff  }
0x467: {  	v3 =	vld.idx.msk [tilespmem:v2+s16+$0x0], $0xffff  }
0x468: {  	[tilespmem:$0x1FA20] =	vst v1;
	v1 =	vor.u32 $0x24, v12  }
0x469: {  	v47 =	vld.idx.msk [tilespmem:v0+s16+$0x0], $0xffff  }
0x46a: {  	v49 =	vld.idx.msk [tilespmem:v0+s18+$0x0], $0xffff;
	v0 =	vor.u32 $0x25, v12;
	_ =	sdelay $0x1  }
0x46b: {  	v2 =	vld.idx.msk [tilespmem:v2+s18+$0x0], $0xffff;
	[tilespmem:$0x1FA30] =	vst v3;
	v3 =	vor.u32 $0x26, v12  }
0x46c: {  	v52 =	vld.idx.msk [tilespmem:v1+s16+$0x0], $0xffff  }
0x46d: {  	v55 =	vld.idx.msk [tilespmem:v1+s18+$0x0], $0xffff  }
0x46e: {  	v53 =	vld.idx.msk [tilespmem:v0+s16+$0x0], $0xffff  }
0x46f: {  	v54 =	vld.idx.msk [tilespmem:v0+s18+$0x0], $0xffff  }
0x470: {  	v1 =	vor.u32 $0x21, v12;
	v0 =	vld.idx.msk [tilespmem:v3+s16+$0x0], $0xffff;
	_ =	sdelay $0x2  }
0x471: {  	[tilespmem:$0x1FA40] =	vst v2;
	v2 =	vor.u32 $0x20, v12;
	_ =	sdelay $0x1  }
0x472: {  	v56 =	vld.idx.msk [tilespmem:v1+s16+$0x0], $0xffff;
	[tilespmem:$0x1FA50] =	vst v0;
	v0 =	vor.u32 $0x22, v12  }
0x473: {  	v60 =	vld.idx.msk [tilespmem:v1+s18+$0x0], $0xffff  }
0x474: {  	v3 =	vld.idx.msk [tilespmem:v3+s18+$0x0], $0xffff  }
0x475: {  	v58 =	vld.idx.msk [tilespmem:v2+s16+$0x0], $0xffff  }
0x476: {  	v57 =	vld.idx.msk [tilespmem:v2+s18+$0x0], $0xffff  }
0x477: {  	v1 =	vld.idx.msk [tilespmem:v0+s16+$0x0], $0xffff  }
0x478: {  	v2 =	vor.u32 $0x1D, v12;
	v0 =	vld.idx.msk [tilespmem:v0+s18+$0x0], $0xffff;
	_ =	sdelay $0x1  }
0x479: {  	v38 =	vld.idx.msk [tilespmem:v4+s16+$0x0], $0xffff;
	v4 =	vor.u32 $0x1E, v12;
	_ =	sdelay $0x1  }
0x47a: {  	[tilespmem:$0x1FA60] =	vst v3;
	v3 =	vor.u32 $0x1C, v12  }
0x47b: {  	[tilespmem:$0x1FA80] =	vst v0;
	v0 =	vld.idx.msk [tilespmem:v2+s16+$0x0], $0xffff  }
0x47c: {  	[tilespmem:$0x1FA70] =	vst v1;
	v1 =	vld.idx.msk [tilespmem:v2+s18+$0x0], $0xffff  }
0x47d: {  	v2 =	vld.idx.msk [tilespmem:v4+s16+$0x0], $0xffff;
	_ =	sdelay $0x1  }
0x47e: {  	v62 =	vld.idx.msk [tilespmem:v3+s16+$0x0], $0xffff  }
0x47f: {  	v63 =	vld.idx.msk [tilespmem:v3+s18+$0x0], $0xffff;
	v3 =	vor.u32 $0x19, v12  }
0x480: {  	v5 =	vor.u32 $0x18, v12  }
0x481: {  	[tilespmem:$0x1FA90] =	vst v2;
	v2 =	vld.idx.msk [tilespmem:v4+s18+$0x0], $0xffff;
	_ =	sdelay $0x1  }
0x482: {  	v6 =	vor.u32 $0x1A, v12  }
0x483: {  	v7 =	vld.idx.msk [tilespmem:v3+s18+$0x0], $0xffff  }
0x484: {  	v4 =	vld.idx.msk [tilespmem:v5+s18+$0x0], $0xffff  }
0x485: {  	[tilespmem:$0x1FAA0] =	vst v2;
	v2 =	vld.idx.msk [tilespmem:v5+s16+$0x0], $0xffff  }
0x486: {  	v5 =	vld.idx.msk [tilespmem:v3+s16+$0x0], $0xffff  }
0x487: {  	v3 =	vld.idx.msk [tilespmem:v6+s16+$0x0], $0xffff;
	_ =	sdelay $0x2  }
0x488: {  	v11 =	vor.u32 $0x15, v12;
	_ =	sdelay $0x1  }
0x489: {  	[tilespmem:$0x1FAB0] =	vst v3;
	v3 =	vor.u32 $0x16, v12;
	_ =	sdelay $0x1  }
0x48a: {  	v6 =	vld.idx.msk [tilespmem:v6+s18+$0x0], $0xffff  }
0x48b: {  	v10 =	vld.idx.msk [tilespmem:v11+s16+$0x0], $0xffff  }
0x48c: {  	v13 =	vld.idx.msk [tilespmem:v11+s18+$0x0], $0xffff  }
0x48d: {  	v9 =	vor.u32 $0x14, v12;
	v11 =	vld.idx.msk [tilespmem:v3+s16+$0x0], $0xffff  }
0x48e: {  	v14 =	vor.u32 $0x11, v12  }
0x48f: {  	[tilespmem:$0x1FAC0] =	vst v6;
	v6 =	vor.u32 $0x10, v12  }
0x490: {  	v3 =	vld.idx.msk [tilespmem:v3+s18+$0x0], $0xffff;
	_ =	sdelay $0x1  }
0x491: {  	v8 =	vld.idx.msk [tilespmem:v9+s16+$0x0], $0xffff;
	[tilespmem:$0x1FAD0] =	vst v11;
	v11 =	vor.u32 $0x12, v12  }
0x492: {  	v17 =	vld.idx.msk [tilespmem:v14+s16+$0x0], $0xffff  }
0x493: {  	v15 =	vld.idx.msk [tilespmem:v6+s16+$0x0], $0xffff  }
0x494: {  	[tilespmem:$0x1FAE0] =	vst v3;
	v3 =	vld.idx.msk [tilespmem:v14+s18+$0x0], $0xffff;
	v14 =	vor.u32 $0xE, v12  }
0x495: {  	v16 =	vld.idx.msk [tilespmem:v6+s18+$0x0], $0xffff  }
0x496: {  	v25 =	vor.u32 $0xA, v12;
	v6 =	vld.idx.msk [tilespmem:v11+s16+$0x0], $0xffff  }
0x497: {  	v48 =	vld.idx.msk [tilespmem:v11+s18+$0x0], $0xffff;
	v11 =	vor.u32 $0x8, v12  }
0x498: {  	v9 =	vld.idx.msk [tilespmem:v9+s18+$0x0], $0xffff  }
0x499: {  	v59 =	vld.idx.msk [tilespmem:v14+s16+$0x0], $0xffff  }
0x49a: {  	v61 =	vld.idx.msk [tilespmem:v14+s18+$0x0], $0xffff  }
0x49b: {  	v19 =	vor.u32 $0xC, v12;
	v14 =	vld.idx.msk [tilespmem:v25+s18+$0x0], $0xffff  }
0x49c: {  	v24 =	vor.u32 $0x9, v12;
	v21 =	vld.idx.msk [tilespmem:v11+s16+$0x0], $0xffff  }
0x49d: {  	v22 =	vld.idx.msk [tilespmem:v11+s18+$0x0], $0xffff  }
0x49e: {  	v26 =	vor.u32 $0x4, v12;
	v11 =	vld.idx.msk [tilespmem:v25+s16+$0x0], $0xffff  }
0x49f: {  	v25 =	vld [tilespmem:$0x1F6C0]  }
0x4a0: {  	v18 =	vld.idx.msk [tilespmem:v19+s16+$0x0], $0xffff  }
0x4a1: {  	v23 =	vld.idx.msk [tilespmem:v24+s16+$0x0], $0xffff  }
0x4a2: {  	v29 =	vor.u32 $0x5, v12;
	v27 =	vld.idx.msk [tilespmem:v24+s18+$0x0], $0xffff  }
0x4a3: {  	v31 =	vld.idx.msk [tilespmem:v26+s16+$0x0], $0xffff  }
0x4a4: {  	v35 =	vor.u32 $0x6, v12;
	v33 =	vld.idx.msk [tilespmem:v26+s18+$0x0], $0xffff;
	v38 =	vmul.f32 v25, v38  }
0x4a5: {  	v25 =	vld [tilespmem:$0x1F6D0]  }
0x4a6: {  	[tilespmem:$0x1FB00] =	vst v38;
	v38 =	vld [tilespmem:$0x1F6E0]  }
0x4a7: {  	v20 =	vor.u32 $0xD, v12;
	v32 =	vld.idx.msk [tilespmem:v29+s16+$0x0], $0xffff  }
0x4a8: {  	p0 =	sne.s32 s29, $0x70;
	v34 =	vld.idx.msk [tilespmem:v29+s18+$0x0], $0xffff  }
.Ltmp1:
0x4a9: {  	v24 =	vld.idx.msk [tilespmem:v35+s16+$0x0], $0xffff;
	(pc) =	sbr.rel @p0 .LBB2_4-.Ltmp1, $4  }
0x4aa: {  	v29 =	vld.idx.msk [tilespmem:v35+s18+$0x0], $0xffff  }
0x4ab: {  	[tilespmem:$0x1FAF0] =	vst v6;
	v6 =	vld.idx.msk [tilespmem:v19+s18+$0x0], $0xffff;
	v38 =	vmul.f32 v38, v25  }
0x4ac: {  	v36 =	vor.u32 $0x40, v12;
	v37 =	vor.u32 $0x1, v12;
	v19 =	vld.idx.msk [tilespmem:v20+s16+$0x0], $0xffff  }
0x4ad: {  	s29 =	sadd.s32 $0x10, s29;
	v44 =	vor.u32 $0x3F, v12;
	v26 =	vor.u32 $0x3B, v12;
	v35 =	vor.u32 $0x37, v12;
	v20 =	vld.idx.msk [tilespmem:v20+s18+$0x0], $0xffff;
	[tilespmem:$0x1FB10] =	vst v38  }
0x4ae: {  	v25 =	vmul.f32 v41, v39;
	_ =	sdelay $0x1  }
0x4af: {  	[tilespmem:$0x1F230] =	vst v25;
	v25 =	vmul.f32 v28, v43  }
0x4b0: {  	v38 =	vmov v45  }
0x4b1: {  	[tilespmem:$0x1F220] =	vst v25;
	v25 =	vmul.f32 v40, v38;
	_ =	sdelay $0x1  }
0x4b2: {  	[tilespmem:$0x1F210] =	vst v25;
	v25 =	vld [tilespmem:$0x1F960];
	_ =	sdelay $0x4  }
0x4b3: {  	v25 =	vmul.f32 v30, v25  }
0x4b4: {  	v28 =	vld [tilespmem:$0x1F9A0]  }
0x4b5: {  	[tilespmem:$0x1F200] =	vst v25;
	v25 =	vld [tilespmem:$0x1F990];
	_ =	sdelay $0x3  }
0x4b6: {  	v40 =	vld [tilespmem:$0x1F9C0]  }
0x4b7: {  	v30 =	vmul.f32 v28, v25;
	v25 =	vld [tilespmem:$0x1F9B0];
	_ =	sdelay $0x2  }
0x4b8: {  	v41 =	vld [tilespmem:$0x1FA00]  }
0x4b9: {  	v45 =	vor.u32 $0x2, v12;
	v0 =	vmul.f32 v1, v0;
	v1 =	vmul.f32 v4, v2;
	v2 =	vld.idx.msk [tilespmem:v12+s16+$0x0], $0xffff  }
0x4ba: {  	v4 =	vmul.f32 v7, v5;
	v43 =	vmul.f32 v40, v25;
	v25 =	vld [tilespmem:$0x1F9F0]  }
0x4bb: {  	v5 =	vmul.f32 v9, v8;
	v7 =	vld.idx.msk [tilespmem:v12+s18+$0x0], $0xffff;
	v9 =	vmul.f32 v13, v10  }
0x4bc: {  	v10 =	vmul.f32 v16, v15;
	v38 =	vmul.f32 v46, v42;
	v46 =	vld.idx.msk [tilespmem:v36+s16+$0x0], $0xffff  }
0x4bd: {  	v16 =	vmul.f32 v20, v19;
	v20 =	vmul.f32 v27, v23;
	v23 =	vld [tilespmem:$0x1FC40]  }
0x4be: {  	v42 =	vld.idx.msk [tilespmem:v45+s16+$0x0], $0xffff;
	v40 =	vmul.f32 v49, v47;
	v47 =	vor.u32 $0x3, v12  }
0x4bf: {  	v45 =	vld.idx.msk [tilespmem:v45+s18+$0x0], $0xffff;
	v39 =	vmul.f32 v41, v25  }
0x4c0: {  	v28 =	vld.idx.msk [tilespmem:v37+s16+$0x0], $0xffff;
	v41 =	vmul.f32 v51, v50;
	v50 =	vmul.f32 v57, v58;
	v57 =	vor.u32 $0x7, v12  }
0x4c1: {  	v37 =	vld.idx.msk [tilespmem:v37+s18+$0x0], $0xffff  }
0x4c2: {  	v51 =	vld.idx.msk [tilespmem:v36+s18+$0x0], $0xffff  }
0x4c3: {  	v8 =	vor.u32 $0xB, v12;
	v13 =	vld.idx.msk [tilespmem:v47+s16+$0x0], $0xffff  }
0x4c4: {  	v3 =	vmul.f32 v3, v17;
	v15 =	vld.idx.msk [tilespmem:v47+s18+$0x0], $0xffff  }
0x4c5: {  	v17 =	vmul.f32 v22, v21;
	v21 =	vmul.f32 v33, v31;
	v31 =	vor.u32 $0x13, v12;
	v19 =	vld.idx.msk [tilespmem:v57+s16+$0x0], $0xffff  }
0x4c6: {  	v6 =	vmul.f32 v6, v18;
	v2 =	vmul.f32 v7, v2;
	v23 =	vadd.f32 v46, v23;
	v22 =	vld.idx.msk [tilespmem:v57+s18+$0x0], $0xffff  }
0x4c7: {  	v18 =	vor.u32 $0xF, v12;
	v28 =	vmul.f32 v37, v28;
	v25 =	vmul.f32 v55, v52  }
0x4c8: {  	v7 =	vld.idx.msk [tilespmem:v8+s18+$0x0], $0xffff;
	v52 =	vmul.f32 v60, v56;
	v60 =	vmul.f32 v45, v42;
	v23 =	vadd.f32 v51, v23  }
0x4c9: {  	v27 =	vmul.f32 v34, v32;
	v58 =	vld.idx.msk [tilespmem:v8+s16+$0x0], $0xffff;
	v8 =	vmul.f32 v15, v13;
	v15 =	vadd.f32 $0.0e+00, v28  }
0x4ca: {  	v13 =	vmul.f32 v29, v24;
	v2 =	vadd.f32 v2, v23;
	v23 =	vadd.f32 $0.0e+00, v60  }
0x4cb: {  	v11 =	vmul.f32 v14, v11;
	v8 =	vadd.f32 $0.0e+00, v8;
	v19 =	vmul.f32 v22, v19  }
0x4cc: {  	v24 =	vor.u32 $0x17, v12;
	v15 =	vadd.f32 v27, v15;
	v13 =	vadd.f32 v13, v23;
	v22 =	vld.idx.msk [tilespmem:v31+s16+$0x0], $0xffff  }
0x4cd: {  	v8 =	vadd.f32 v19, v8;
	v19 =	vld.idx.msk [tilespmem:v31+s18+$0x0], $0xffff  }
0x4ce: {  	v28 =	vld.idx.msk [tilespmem:v18+s16+$0x0], $0xffff;
	v15 =	vadd.f32 v20, v15;
	v20 =	vmul.f32 v61, v59;
	v11 =	vadd.f32 v11, v13  }
0x4cf: {  	v23 =	vld [tilespmem:$0x1FAE0]  }
0x4d0: {  	v11 =	vadd.f32 v20, v11;
	v20 =	vld [tilespmem:$0x1FAF0]  }
0x4d1: {  	v7 =	vmul.f32 v7, v58;
	v15 =	vadd.f32 v16, v15;
	v16 =	vld.idx.msk [tilespmem:v24+s18+$0x0], $0xffff  }
0x4d2: {  	v19 =	vmul.f32 v19, v22;
	v22 =	vld [tilespmem:$0x1FAD0]  }
0x4d3: {  	v7 =	vadd.f32 v7, v8;
	v8 =	vld.idx.msk [tilespmem:v24+s16+$0x0], $0xffff  }
0x4d4: {  	v18 =	vld.idx.msk [tilespmem:v18+s18+$0x0], $0xffff  }
0x4d5: {  	v20 =	vmul.f32 v48, v20  }
0x4d6: {  	v2 =	vadd.f32 v21, v2  }
0x4d7: {  	v3 =	vadd.f32 v3, v15;
	v11 =	vadd.f32 v20, v11;
	v22 =	vmul.f32 v23, v22  }
0x4d8: {  	v2 =	vadd.f32 v17, v2;
	v8 =	vmul.f32 v16, v8;
	v16 =	vld [tilespmem:$0x1FAC0]  }
0x4d9: {  	v17 =	vmul.f32 v18, v28;
	v3 =	vadd.f32 v9, v3;
	v9 =	vadd.f32 v22, v11;
	v11 =	vld [tilespmem:$0x1FAB0];
	_ =	sdelay $0x1  }
0x4da: {  	v2 =	vadd.f32 v6, v2;
	v7 =	vadd.f32 v17, v7;
	_ =	sdelay $0x1  }
0x4db: {  	v2 =	vadd.f32 v10, v2;
	v7 =	vadd.f32 v19, v7  }
0x4dc: {  	v11 =	vmul.f32 v16, v11  }
0x4dd: {  	v2 =	vadd.f32 v5, v2;
	v5 =	vadd.f32 v8, v7;
	v8 =	vld [tilespmem:$0x1FA90]  }
0x4de: {  	v3 =	vadd.f32 v4, v3;
	v4 =	vadd.f32 v11, v9;
	v9 =	vld [tilespmem:$0x1FAA0];
	_ =	sdelay $0x3  }
0x4df: {  	v14 =	vor.u32 $0x1B, v12  }
0x4e0: {  	v8 =	vmul.f32 v9, v8  }
0x4e1: {  	v13 =	vor.u32 $0x1F, v12  }
0x4e2: {  	v0 =	vadd.f32 v0, v3;
	v3 =	vadd.f32 v8, v4;
	v4 =	vld [tilespmem:$0x1FA70]  }
0x4e3: {  	v18 =	vor.u32 $0x23, v12;
	v8 =	vld [tilespmem:$0x1FA80]  }
0x4e4: {  	v6 =	vld.idx.msk [tilespmem:v14+s16+$0x0], $0xffff  }
0x4e5: {  	v14 =	vld.idx.msk [tilespmem:v14+s18+$0x0], $0xffff  }
0x4e6: {  	v17 =	vor.u32 $0x27, v12;
	v15 =	vld.idx.msk [tilespmem:v13+s16+$0x0], $0xffff  }
0x4e7: {  	v21 =	vor.u32 $0x33, v12;
	v13 =	vld.idx.msk [tilespmem:v13+s18+$0x0], $0xffff  }
0x4e8: {  	v10 =	vld.idx.msk [tilespmem:v18+s18+$0x0], $0xffff;
	v20 =	vor.u32 $0x2F, v12;
	v12 =	vor.u32 $0x2B, v12;
	v4 =	vmul.f32 v8, v4  }
0x4e9: {  	v11 =	vld [tilespmem:$0x1FA60]  }
0x4ea: {  	v3 =	vadd.f32 v4, v3;
	v4 =	vld [tilespmem:$0x1FA50]  }
0x4eb: {  	v6 =	vmul.f32 v14, v6;
	v7 =	vld.idx.msk [tilespmem:v17+s18+$0x0], $0xffff  }
0x4ec: {  	v23 =	vld.idx.msk [tilespmem:v18+s16+$0x0], $0xffff  }
0x4ed: {  	v1 =	vadd.f32 v1, v2;
	v2 =	vadd.f32 v6, v5;
	v6 =	vld.idx.msk [tilespmem:v12+s18+$0x0], $0xffff  }
0x4ee: {  	v16 =	vld.idx.msk [tilespmem:v17+s16+$0x0], $0xffff  }
0x4ef: {  	v9 =	vld.idx.msk [tilespmem:v12+s16+$0x0], $0xffff;
	v4 =	vmul.f32 v11, v4  }
0x4f0: {  	v12 =	vld [tilespmem:$0x1FA40]  }
0x4f1: {  	v5 =	vmul.f32 v13, v15;
	v3 =	vadd.f32 v4, v3;
	v4 =	vld [tilespmem:$0x1FA30];
	_ =	sdelay $0x1  }
0x4f2: {  	v2 =	vadd.f32 v5, v2;
	v5 =	vmul.f32 v10, v23;
	_ =	sdelay $0x1  }
0x4f3: {  	v2 =	vadd.f32 v5, v2;
	v5 =	vmul.f32 v7, v16  }
0x4f4: {  	v10 =	vld.idx.msk [tilespmem:v20+s18+$0x0], $0xffff;
	v4 =	vmul.f32 v12, v4  }
0x4f5: {  	v2 =	vadd.f32 v5, v2;
	v5 =	vmul.f32 v6, v9;
	v9 =	vld [tilespmem:$0x1FA20]  }
0x4f6: {  	v3 =	vadd.f32 v4, v3;
	v4 =	vld [tilespmem:$0x1FA10]  }
0x4f7: {  	v8 =	vld.idx.msk [tilespmem:v20+s16+$0x0], $0xffff;
	_ =	sdelay $0x3  }
0x4f8: {  	v7 =	vld.idx.msk [tilespmem:v21+s18+$0x0], $0xffff;
	v4 =	vmul.f32 v9, v4  }
0x4f9: {  	v2 =	vadd.f32 v5, v2;
	v5 =	vmul.f32 v10, v8;
	v10 =	vld [tilespmem:$0x1F9E0]  }
0x4fa: {  	v3 =	vadd.f32 v4, v3;
	v4 =	vld [tilespmem:$0x1F9D0]  }
0x4fb: {  	v11 =	vld.idx.msk [tilespmem:v21+s16+$0x0], $0xffff  }
0x4fc: {  	v6 =	vld.idx.msk [tilespmem:v35+s18+$0x0], $0xffff  }
0x4fd: {  	v49 =	vmul.f32 v54, v53;
	v0 =	vadd.f32 v52, v0;
	v12 =	vld.idx.msk [tilespmem:v35+s16+$0x0], $0xffff;
	_ =	sdelay $0x1  }
0x4fe: {  	v0 =	vadd.f32 v49, v0;
	v4 =	vmul.f32 v10, v4  }
0x4ff: {  	v2 =	vadd.f32 v5, v2;
	v5 =	vmul.f32 v7, v11;
	v11 =	vld [tilespmem:$0x1F980]  }
0x500: {  	v0 =	vadd.f32 v41, v0;
	v3 =	vadd.f32 v4, v3;
	v4 =	vld [tilespmem:$0x1F970]  }
0x501: {  	v2 =	vadd.f32 v5, v2;
	v5 =	vmul.f32 v6, v12;
	v6 =	vld [tilespmem:$0x1F200]  }
0x502: {  	v0 =	vadd.f32 v38, v0  }
0x503: {  	v63 =	vmul.f32 v63, v62  }
0x504: {  	v0 =	vadd.f32 v43, v0  }
0x505: {  	v1 =	vadd.f32 v63, v1;
	v4 =	vmul.f32 v11, v4  }
0x506: {  	v0 =	vadd.f32 v6, v0;
	v6 =	vld [tilespmem:$0x1F950]  }
0x507: {  	v1 =	vadd.f32 v50, v1;
	v3 =	vadd.f32 v4, v3;
	v4 =	vld [tilespmem:$0x1F940];
	_ =	sdelay $0x1  }
0x508: {  	v1 =	vadd.f32 v25, v1;
	_ =	sdelay $0x1  }
0x509: {  	v1 =	vadd.f32 v40, v1  }
0x50a: {  	v4 =	vmul.f32 v6, v4;
	v6 =	vld [tilespmem:$0x1F210]  }
0x50b: {  	v1 =	vadd.f32 v39, v1;
	_ =	sdelay $0x1  }
0x50c: {  	v1 =	vadd.f32 v30, v1;
	_ =	sdelay $0x1  }
0x50d: {  	v1 =	vadd.f32 v6, v1;
	v6 =	vld [tilespmem:$0x1F220];
	_ =	sdelay $0x3  }
0x50e: {  	v3 =	vadd.f32 v4, v3;
	v4 =	vld [tilespmem:$0x1F920]  }
0x50f: {  	v0 =	vadd.f32 v6, v0;
	v6 =	vld [tilespmem:$0x1F930];
	_ =	sdelay $0x2  }
0x510: {  	v8 =	vld.idx.msk [tilespmem:v26+s18+$0x0], $0xffff  }
0x511: {  	v9 =	vld.idx.msk [tilespmem:v26+s16+$0x0], $0xffff  }
0x512: {  	v4 =	vmul.f32 v6, v4;
	v6 =	vld [tilespmem:$0x1F230]  }
0x513: {  	v7 =	vld.idx.msk [tilespmem:v44+s18+$0x0], $0xffff  }
0x514: {  	v10 =	vld.idx.msk [tilespmem:v44+s16+$0x0], $0xffff;
	_ =	sdelay $0x1  }
0x515: {  	v3 =	vadd.f32 v4, v3;
	v4 =	vld [tilespmem:$0x1FB00]  }
0x516: {  	v2 =	vadd.f32 v5, v2;
	v5 =	vmul.f32 v8, v9;
	v1 =	vadd.f32 v6, v1;
	v6 =	vld [tilespmem:$0x1FB10];
	_ =	sdelay $0x1  }
0x517: {  	v2 =	vadd.f32 v5, v2;
	v5 =	vmul.f32 v7, v10;
	_ =	sdelay $0x1  }
0x518: {  	v2 =	vadd.f32 v5, v2  }
0x519: {  	v1 =	vadd.f32 v4, v1;
	v0 =	vadd.f32 v6, v0;
	_ =	sdelay $0x1  }
0x51a: {  	v0 =	vadd.f32 v0, v1;
	v1 =	vadd.f32 v2, v3;
	_ =	sdelay $0x1  }
0x51b: {  	v0 =	vadd.f32 v1, v0  }
0x51c: {  	s28 =	sadd.s32 $0x10, s28  }
0x51d: {  	[tilespmem:s28+$0x0] =	vst v0  }
0x51e: {  	[tilespmem:s16], [sflag:$0x2] =	stream.indirect.gather [hbm4b:s1+s13], $0x80, s23, s13, $0xb8;
	[tilespmem:$0x10680] =	vst v63  }
0x51f: {  	_ = 	snop  }
0x520: {  	[tilespmem:s18], [sflag:$0x2] =	stream.indirect.gather [hbm4b:s4+s13], $0x80, s24, s13, $0xb8;
	[tilespmem:$0x10680] =	vst v63  }
0x521: {  	_ =	swait.ge [sflag:s19], $0x4000  }
0x522: {  	v1 =	vld [tilespmem:$0x1FFF0];
	_ =	sdelay $0x1  }
0x523: {  	s28 =	simm.s32 $0x0  }
0x524: {  	v0 =	vmov s28  }
0x525: {  	v0 =	vshll.u32 v0, $0x7  }
0x526: {  	v10 =	vor.u32 v1, v0  }
0x527: {  	[sflag:s19] =	ssyncset.done $0x0;
	v0 =	vor.u32 $0x3C, v10  }
0x528: {  	[sflag:s19] =	ssyncadd.s32 $0xFFFFC000  }
0x529: {  	_ =	swait.ge [sflag:s19], $0x4000  }
0x52a: {  	[sflag:s19] =	ssyncset.done $0x0  }
0x52b: {  	[sflag:s19] =	ssyncadd.s32 $0xFFFFC000  }
0x52c: {  	v2 =	vld.idx.msk [tilespmem:v0+s14+$0x0], $0xffff  }
0x52d: {  	v1 =	vor.u32 $0x3D, v10;
	v0 =	vld.idx.msk [tilespmem:v0+s15+$0x0], $0xffff;
	_ =	sdelay $0x4  }
0x52e: {  	[tilespmem:$0x1F250] =	vst v0;
	v0 =	vld.idx.msk [tilespmem:v1+s14+$0x0], $0xffff  }
0x52f: {  	v3 =	vor.u32 $0x3E, v10;
	v1 =	vld.idx.msk [tilespmem:v1+s15+$0x0], $0xffff;
	_ =	sdelay $0x4  }
0x530: {  	[tilespmem:$0x1F270] =	vst v1;
	v1 =	vld.idx.msk [tilespmem:v3+s14+$0x0], $0xffff;
	_ =	sdelay $0x2  }
0x531: {  	[tilespmem:$0x1F260] =	vst v0;
	v0 =	vor.u32 $0x39, v10;
	_ =	sdelay $0x1  }
0x532: {  	[tilespmem:$0x1F3E0] =	vst v1;
	v1 =	vor.u32 $0x3A, v10;
	_ =	sdelay $0x1  }
0x533: {  	[tilespmem:$0x1F240] =	vst v2;
	v2 =	vld.idx.msk [tilespmem:v3+s15+$0x0], $0xffff  }
0x534: {  	v25 =	vld.idx.msk [tilespmem:v0+s14+$0x0], $0xffff  }
0x535: {  	v26 =	vld.idx.msk [tilespmem:v0+s15+$0x0], $0xffff  }
0x536: {  	v4 =	vor.u32 $0x38, v10;
	v0 =	vld.idx.msk [tilespmem:v1+s14+$0x0], $0xffff;
	_ =	sdelay $0x1  }
0x537: {  	v1 =	vld.idx.msk [tilespmem:v1+s15+$0x0], $0xffff;
	_ =	sdelay $0x1  }
0x538: {  	[tilespmem:$0x1F3F0] =	vst v2  }
0x539: {  	v2 =	vld.idx.msk [tilespmem:v4+s14+$0x0], $0xffff;
	[tilespmem:$0x1F3A0] =	vst v0;
	v0 =	vor.u32 $0x36, v10;
	_ =	sdelay $0x1  }
0x53a: {  	[tilespmem:$0x1F3B0] =	vst v1;
	v1 =	vor.u32 $0x30, v10;
	_ =	sdelay $0x2  }
0x53b: {  	[tilespmem:$0x1F280] =	vst v2;
	v2 =	vld.idx.msk [tilespmem:v0+s14+$0x0], $0xffff  }
0x53c: {  	v0 =	vld.idx.msk [tilespmem:v0+s15+$0x0], $0xffff  }
0x53d: {  	v33 =	vld.idx.msk [tilespmem:v1+s14+$0x0], $0xffff  }
0x53e: {  	v34 =	vld.idx.msk [tilespmem:v1+s15+$0x0], $0xffff;
	v1 =	vor.u32 $0x2D, v10;
	_ =	sdelay $0x1  }
0x53f: {  	v12 =	vor.u32 $0x2E, v10;
	_ =	sdelay $0x1  }
0x540: {  	[tilespmem:$0x1F390] =	vst v0;
	v0 =	vor.u32 $0x2C, v10  }
0x541: {  	v39 =	vld.idx.msk [tilespmem:v1+s14+$0x0], $0xffff  }
0x542: {  	v40 =	vld.idx.msk [tilespmem:v1+s15+$0x0], $0xffff  }
0x543: {  	v1 =	vld.idx.msk [tilespmem:v12+s14+$0x0], $0xffff;
	_ =	sdelay $0x1  }
0x544: {  	v37 =	vld.idx.msk [tilespmem:v0+s14+$0x0], $0xffff  }
0x545: {  	v38 =	vld.idx.msk [tilespmem:v0+s15+$0x0], $0xffff;
	v0 =	vor.u32 $0x29, v10;
	_ =	sdelay $0x1  }
0x546: {  	[tilespmem:$0x1F340] =	vst v1;
	v1 =	vor.u32 $0x2A, v10;
	_ =	sdelay $0x1  }
0x547: {  	v6 =	vor.u32 $0x34, v10  }
0x548: {  	v43 =	vld.idx.msk [tilespmem:v0+s14+$0x0], $0xffff  }
0x549: {  	v7 =	vor.u32 $0x35, v10;
	v44 =	vld.idx.msk [tilespmem:v0+s15+$0x0], $0xffff  }
0x54a: {  	v0 =	vld.idx.msk [tilespmem:v1+s14+$0x0], $0xffff  }
0x54b: {  	v24 =	vld.idx.msk [tilespmem:v4+s15+$0x0], $0xffff  }
0x54c: {  	v8 =	vor.u32 $0x31, v10;
	v29 =	vld.idx.msk [tilespmem:v6+s14+$0x0], $0xffff  }
0x54d: {  	v30 =	vld.idx.msk [tilespmem:v6+s15+$0x0], $0xffff  }
0x54e: {  	v13 =	vor.u32 $0x28, v10;
	v31 =	vld.idx.msk [tilespmem:v7+s14+$0x0], $0xffff  }
0x54f: {  	v16 =	vor.u32 $0x26, v10;
	[tilespmem:$0x1F320] =	vst v0;
	v0 =	vld.idx.msk [tilespmem:v1+s15+$0x0], $0xffff  }
0x550: {  	v32 =	vld.idx.msk [tilespmem:v7+s15+$0x0], $0xffff  }
0x551: {  	v14 =	vor.u32 $0x24, v10;
	v35 =	vld.idx.msk [tilespmem:v8+s14+$0x0], $0xffff  }
0x552: {  	v36 =	vld.idx.msk [tilespmem:v8+s15+$0x0], $0xffff  }
0x553: {  	v9 =	vor.u32 $0x32, v10;
	v41 =	vld.idx.msk [tilespmem:v13+s14+$0x0], $0xffff  }
0x554: {  	[tilespmem:$0x1F330] =	vst v0;
	v0 =	vld.idx.msk [tilespmem:v16+s14+$0x0], $0xffff  }
0x555: {  	v18 =	vor.u32 $0x20, v10;
	v42 =	vld.idx.msk [tilespmem:v13+s15+$0x0], $0xffff  }
0x556: {  	v45 =	vld.idx.msk [tilespmem:v14+s14+$0x0], $0xffff  }
0x557: {  	v21 =	vor.u32 $0x21, v10;
	v46 =	vld.idx.msk [tilespmem:v14+s15+$0x0], $0xffff  }
0x558: {  	[tilespmem:$0x1F380] =	vst v2;
	v2 =	vld.idx.msk [tilespmem:v9+s14+$0x0], $0xffff  }
0x559: {  	v23 =	vor.u32 $0x22, v10;
	[tilespmem:$0x1F300] =	vst v0;
	v0 =	vld.idx.msk [tilespmem:v16+s15+$0x0], $0xffff  }
0x55a: {  	v49 =	vld.idx.msk [tilespmem:v18+s14+$0x0], $0xffff  }
0x55b: {  	v27 =	vor.u32 $0x1C, v10;
	v50 =	vld.idx.msk [tilespmem:v18+s15+$0x0], $0xffff  }
0x55c: {  	v51 =	vld.idx.msk [tilespmem:v21+s14+$0x0], $0xffff  }
0x55d: {  	[tilespmem:$0x1F360] =	vst v2;
	v2 =	vld.idx.msk [tilespmem:v9+s15+$0x0], $0xffff  }
0x55e: {  	[tilespmem:$0x1F310] =	vst v0;
	v0 =	vld.idx.msk [tilespmem:v23+s14+$0x0], $0xffff  }
0x55f: {  	v28 =	vor.u32 $0x1D, v10;
	v52 =	vld.idx.msk [tilespmem:v21+s15+$0x0], $0xffff  }
0x560: {  	v54 =	vld.idx.msk [tilespmem:v27+s14+$0x0], $0xffff  }
0x561: {  	v63 =	vor.u32 $0x18, v10;
	v56 =	vld.idx.msk [tilespmem:v27+s15+$0x0], $0xffff  }
0x562: {  	[tilespmem:$0x1F370] =	vst v2;
	v2 =	vld.idx.msk [tilespmem:v12+s15+$0x0], $0xffff  }
0x563: {  	v62 =	vor.u32 $0x1E, v10;
	[tilespmem:$0x1F2E0] =	vst v0;
	v0 =	vld.idx.msk [tilespmem:v23+s15+$0x0], $0xffff  }
0x564: {  	v61 =	vor.u32 $0x15, v10;
	v57 =	vld.idx.msk [tilespmem:v28+s14+$0x0], $0xffff  }
0x565: {  	v13 =	vor.u32 $0x25, v10;
	v58 =	vld.idx.msk [tilespmem:v28+s15+$0x0], $0xffff  }
0x566: {  	v53 =	vld.idx.msk [tilespmem:v63+s14+$0x0], $0xffff  }
0x567: {  	v55 =	vld.idx.msk [tilespmem:v63+s15+$0x0], $0xffff;
	[tilespmem:$0x1F350] =	vst v2;
	v2 =	vor.u32 $0xC, v10  }
0x568: {  	[tilespmem:$0x1F2F0] =	vst v0;
	v0 =	vld.idx.msk [tilespmem:v62+s14+$0x0], $0xffff  }
0x569: {  	v20 =	vld.idx.msk [tilespmem:v61+s14+$0x0], $0xffff  }
0x56a: {  	v27 =	vor.u32 $0x19, v10;
	v47 =	vld.idx.msk [tilespmem:v13+s14+$0x0], $0xffff  }
0x56b: {  	v48 =	vld.idx.msk [tilespmem:v13+s15+$0x0], $0xffff  }
0x56c: {  	v1 =	vor.u32 $0x12, v10;
	v15 =	vld.idx.msk [tilespmem:v2+s15+$0x0], $0xffff  }
0x56d: {  	v28 =	vor.u32 $0x1A, v10;
	[tilespmem:$0x1F2C0] =	vst v0;
	v0 =	vld.idx.msk [tilespmem:v62+s15+$0x0], $0xffff  }
0x56e: {  	v16 =	vld.idx.msk [tilespmem:v2+s14+$0x0], $0xffff;
	v2 =	vor.u32 $0x9, v10  }
0x56f: {  	v60 =	vld.idx.msk [tilespmem:v27+s14+$0x0], $0xffff  }
0x570: {  	v13 =	vld [tilespmem:$0x1F240]  }
0x571: {  	v3 =	vld.idx.msk [tilespmem:v1+s14+$0x0], $0xffff  }
0x572: {  	[tilespmem:$0x1F2D0] =	vst v0;
	v0 =	vld.idx.msk [tilespmem:v28+s14+$0x0], $0xffff  }
0x573: {  	v8 =	vld.idx.msk [tilespmem:v2+s14+$0x0], $0xffff  }
0x574: {  	v7 =	vld.idx.msk [tilespmem:v2+s15+$0x0], $0xffff  }
0x575: {  	v63 =	vor.u32 $0x10, v10;
	v62 =	vld.idx.msk [tilespmem:v27+s15+$0x0], $0xffff  }
0x576: {  	v27 =	vld.idx.msk [tilespmem:v1+s15+$0x0], $0xffff  }
0x577: {  	v2 =	vor.u32 $0x5, v10;
	[tilespmem:$0x1F2A0] =	vst v0;
	v0 =	vld.idx.msk [tilespmem:v28+s15+$0x0], $0xffff  }
0x578: {  	v1 =	vor.u32 $0x8, v10;
	v28 =	vld [tilespmem:$0x1F250]  }
0x579: {  	v61 =	vld.idx.msk [tilespmem:v61+s15+$0x0], $0xffff  }
0x57a: {  	v19 =	vld.idx.msk [tilespmem:v63+s14+$0x0], $0xffff  }
0x57b: {  	v63 =	vld.idx.msk [tilespmem:v63+s15+$0x0], $0xffff  }
0x57c: {  	v4 =	vld.idx.msk [tilespmem:v2+s14+$0x0], $0xffff;
	[tilespmem:$0x1F2B0] =	vst v0;
	v0 =	vor.u32 $0x11, v10  }
0x57d: {  	v11 =	vld.idx.msk [tilespmem:v1+s14+$0x0], $0xffff;
	v13 =	vmul.f32 v28, v13  }
0x57e: {  	v28 =	vld [tilespmem:$0x1F270]  }
0x57f: {  	[tilespmem:$0x1F420] =	vst v13;
	v13 =	vld [tilespmem:$0x1F260]  }
0x580: {  	v9 =	vld.idx.msk [tilespmem:v1+s15+$0x0], $0xffff;
	v1 =	vor.u32 $0x4, v10  }
0x581: {  	v18 =	vld.idx.msk [tilespmem:v0+s14+$0x0], $0xffff  }
0x582: {  	v17 =	vld.idx.msk [tilespmem:v0+s15+$0x0], $0xffff;
	v0 =	vor.u32 $0xD, v10  }
0x583: {  	[tilespmem:$0x1F290] =	vst v3;
	v3 =	vld.idx.msk [tilespmem:v2+s15+$0x0], $0xffff  }
0x584: {  	v13 =	vmul.f32 v28, v13;
	v28 =	vld [tilespmem:$0x1F280]  }
0x585: {  	v6 =	vld.idx.msk [tilespmem:v1+s14+$0x0], $0xffff  }
0x586: {  	v5 =	vld.idx.msk [tilespmem:v1+s15+$0x0], $0xffff;
	v1 =	vor.u32 $0x1, v10  }
0x587: {  	v14 =	vld.idx.msk [tilespmem:v0+s14+$0x0], $0xffff  }
0x588: {  	v12 =	vld.idx.msk [tilespmem:v0+s15+$0x0], $0xffff;
	v0 =	vor.u32 $0xA, v10  }
0x589: {  	v20 =	vmul.f32 v61, v20;
	v61 =	vld.idx.msk [tilespmem:v10+s15+$0x0], $0xffff;
	v24 =	vmul.f32 v24, v28  }
0x58a: {  	v2 =	vor.u32 $0x2, v10;
	v3 =	vmul.f32 v3, v4;
	v4 =	vld [tilespmem:$0x1FC40]  }
0x58b: {  	[tilespmem:$0x1F400] =	vst v24;
	v24 =	vmul.f32 v26, v25;
	v26 =	vld.idx.msk [tilespmem:v1+s14+$0x0], $0xffff  }
0x58c: {  	v35 =	vmul.f32 v36, v35;
	v36 =	vor.u32 $0x3, v10;
	v1 =	vld.idx.msk [tilespmem:v1+s15+$0x0], $0xffff  }
0x58d: {  	v23 =	vld.idx.msk [tilespmem:v0+s14+$0x0], $0xffff  }
0x58e: {  	v22 =	vld.idx.msk [tilespmem:v0+s15+$0x0], $0xffff;
	[tilespmem:$0x1F3D0] =	vst v24;
	v24 =	vmul.f32 v30, v29  }
0x58f: {  	v17 =	vmul.f32 v17, v18;
	v18 =	vor.u32 $0xE, v10;
	v29 =	vmul.f32 v38, v37;
	v37 =	vld.idx.msk [tilespmem:v2+s14+$0x0], $0xffff  }
0x590: {  	v25 =	vor.u32 $0x40, v10;
	v2 =	vld.idx.msk [tilespmem:v2+s15+$0x0], $0xffff;
	[tilespmem:$0x1F3C0] =	vst v24;
	v24 =	vmul.f32 v32, v31  }
0x591: {  	v32 =	vmul.f32 v44, v43;
	v43 =	vmul.f32 v56, v54;
	v54 =	vld.idx.msk [tilespmem:v36+s14+$0x0], $0xffff  }
0x592: {  	v0 =	vor.u32 $0x6, v10;
	v31 =	vmul.f32 v42, v41;
	v41 =	vmul.f32 v52, v51;
	v36 =	vld.idx.msk [tilespmem:v36+s15+$0x0], $0xffff  }
0x593: {  	v52 =	vmul.f32 v58, v57;
	v57 =	vmul.f32 v62, v60;
	v60 =	vld.idx.msk [tilespmem:v10+s14+$0x0], $0xffff  }
0x594: {  	v42 =	vor.u32 $0x7, v10;
	v62 =	vld.idx.msk [tilespmem:v18+s14+$0x0], $0xffff  }
0x595: {  	v30 =	vmul.f32 v40, v39;
	v39 =	vld.idx.msk [tilespmem:v25+s15+$0x0], $0xffff  }
0x596: {  	v58 =	vor.u32 $0xB, v10;
	v25 =	vld.idx.msk [tilespmem:v25+s14+$0x0], $0xffff  }
0x597: {  	[tilespmem:$0x1F410] =	vst v13;
	v13 =	vld.idx.msk [tilespmem:v0+s14+$0x0], $0xffff  }
0x598: {  	v9 =	vmul.f32 v9, v11;
	v11 =	vor.u32 $0xF, v10;
	v0 =	vld.idx.msk [tilespmem:v0+s15+$0x0], $0xffff  }
0x599: {  	v12 =	vmul.f32 v12, v14;
	v1 =	vmul.f32 v1, v26;
	v14 =	vld.idx.msk [tilespmem:v42+s14+$0x0], $0xffff  }
0x59a: {  	v19 =	vmul.f32 v63, v19;
	v63 =	vor.u32 $0x13, v10;
	v7 =	vmul.f32 v7, v8;
	v8 =	vld.idx.msk [tilespmem:v42+s15+$0x0], $0xffff  }
0x59b: {  	v5 =	vmul.f32 v5, v6;
	v1 =	vadd.f32 $0.0e+00, v1;
	v6 =	vld.idx.msk [tilespmem:v58+s14+$0x0], $0xffff  }
0x59c: {  	v15 =	vmul.f32 v15, v16;
	v16 =	vld.idx.msk [tilespmem:v58+s15+$0x0], $0xffff;
	v4 =	vadd.f32 v25, v4  }
0x59d: {  	v2 =	vmul.f32 v2, v37;
	v1 =	vadd.f32 v3, v1;
	v3 =	vld.idx.msk [tilespmem:v11+s15+$0x0], $0xffff;
	v25 =	vor.u32 $0x16, v10  }
0x59e: {  	v26 =	vmul.f32 v61, v60;
	v0 =	vmul.f32 v0, v13;
	v13 =	vld.idx.msk [tilespmem:v18+s15+$0x0], $0xffff;
	v4 =	vadd.f32 v39, v4  }
0x59f: {  	v36 =	vmul.f32 v36, v54;
	v2 =	vadd.f32 $0.0e+00, v2;
	v1 =	vadd.f32 v7, v1;
	v7 =	vld.idx.msk [tilespmem:v63+s15+$0x0], $0xffff  }
0x5a0: {  	v18 =	vor.u32 $0x17, v10;
	v4 =	vadd.f32 v26, v4;
	v8 =	vmul.f32 v8, v14;
	v14 =	vld.idx.msk [tilespmem:v11+s14+$0x0], $0xffff  }
0x5a1: {  	v0 =	vadd.f32 v0, v2;
	v2 =	vmul.f32 v22, v23;
	v22 =	vld [tilespmem:$0x1F290]  }
0x5a2: {  	v11 =	vadd.f32 $0.0e+00, v36;
	v4 =	vadd.f32 v5, v4;
	v5 =	vld.idx.msk [tilespmem:v25+s14+$0x0], $0xffff  }
0x5a3: {  	v0 =	vadd.f32 v2, v0;
	v2 =	vmul.f32 v13, v62;
	v13 =	vld.idx.msk [tilespmem:v25+s15+$0x0], $0xffff  }
0x5a4: {  	v6 =	vmul.f32 v16, v6;
	v16 =	vld.idx.msk [tilespmem:v63+s14+$0x0], $0xffff;
	v8 =	vadd.f32 v8, v11;
	v11 =	vor.u32 $0x1B, v10  }
0x5a5: {  	v3 =	vmul.f32 v3, v14;
	v14 =	vld.idx.msk [tilespmem:v18+s14+$0x0], $0xffff  }
0x5a6: {  	v0 =	vadd.f32 v2, v0;
	v22 =	vmul.f32 v27, v22;
	v18 =	vld.idx.msk [tilespmem:v18+s15+$0x0], $0xffff  }
0x5a7: {  	v4 =	vadd.f32 v9, v4;
	v6 =	vadd.f32 v6, v8  }
0x5a8: {  	v0 =	vadd.f32 v22, v0;
	v5 =	vmul.f32 v13, v5  }
0x5a9: {  	v7 =	vmul.f32 v7, v16;
	v4 =	vadd.f32 v15, v4;
	v15 =	vld.idx.msk [tilespmem:v11+s14+$0x0], $0xffff;
	v3 =	vadd.f32 v3, v6  }
0x5aa: {  	v9 =	vor.u32 $0x1F, v10;
	v0 =	vadd.f32 v5, v0;
	v5 =	vld [tilespmem:$0x1F2A0]  }
0x5ab: {  	v3 =	vadd.f32 v7, v3;
	v7 =	vmul.f32 v18, v14;
	v14 =	vld [tilespmem:$0x1F2B0]  }
0x5ac: {  	v1 =	vadd.f32 v12, v1;
	v11 =	vld.idx.msk [tilespmem:v11+s15+$0x0], $0xffff  }
0x5ad: {  	v59 =	vor.u32 $0x14, v10  }
0x5ae: {  	v12 =	vor.u32 $0x3F, v10;
	v23 =	vor.u32 $0x37, v10;
	v1 =	vadd.f32 v17, v1  }
0x5af: {  	v8 =	vor.u32 $0x3B, v10;
	v2 =	vor.u32 $0x23, v10;
	v16 =	vor.u32 $0x33, v10;
	v17 =	vld.idx.msk [tilespmem:v9+s14+$0x0], $0xffff  }
0x5b0: {  	v22 =	vor.u32 $0x2F, v10;
	v6 =	vor.u32 $0x27, v10;
	v9 =	vld.idx.msk [tilespmem:v9+s15+$0x0], $0xffff;
	v5 =	vmul.f32 v14, v5  }
0x5b1: {  	v10 =	vor.u32 $0x2B, v10;
	v3 =	vadd.f32 v7, v3;
	v7 =	vmul.f32 v11, v15;
	v11 =	vld [tilespmem:$0x1F2D0]  }
0x5b2: {  	v0 =	vadd.f32 v5, v0;
	v5 =	vld [tilespmem:$0x1F2C0];
	_ =	sdelay $0x1  }
0x5b3: {  	v13 =	vld.idx.msk [tilespmem:v2+s14+$0x0], $0xffff  }
0x5b4: {  	v2 =	vld.idx.msk [tilespmem:v2+s15+$0x0], $0xffff  }
0x5b5: {  	v3 =	vadd.f32 v7, v3;
	v7 =	vmul.f32 v9, v17;
	v9 =	vld.idx.msk [tilespmem:v10+s15+$0x0], $0xffff  }
0x5b6: {  	v5 =	vmul.f32 v11, v5;
	v11 =	vld.idx.msk [tilespmem:v10+s14+$0x0], $0xffff  }
0x5b7: {  	v10 =	vld [tilespmem:$0x1F2F0]  }
0x5b8: {  	v0 =	vadd.f32 v5, v0;
	v5 =	vld [tilespmem:$0x1F2E0];
	_ =	sdelay $0x4  }
0x5b9: {  	v2 =	vmul.f32 v2, v13;
	v13 =	vld [tilespmem:$0x1F310];
	v5 =	vmul.f32 v10, v5  }
0x5ba: {  	v14 =	vld.idx.msk [tilespmem:v6+s14+$0x0], $0xffff  }
0x5bb: {  	v0 =	vadd.f32 v5, v0;
	v5 =	vld [tilespmem:$0x1F300]  }
0x5bc: {  	v6 =	vld.idx.msk [tilespmem:v6+s15+$0x0], $0xffff;
	_ =	sdelay $0x2  }
0x5bd: {  	v3 =	vadd.f32 v7, v3  }
0x5be: {  	v5 =	vmul.f32 v13, v5  }
0x5bf: {  	v2 =	vadd.f32 v2, v3;
	v3 =	vmul.f32 v6, v14;
	v14 =	vld [tilespmem:$0x1F330]  }
0x5c0: {  	v0 =	vadd.f32 v5, v0;
	v5 =	vld [tilespmem:$0x1F320];
	_ =	sdelay $0x3  }
0x5c1: {  	v7 =	vld.idx.msk [tilespmem:v22+s15+$0x0], $0xffff  }
0x5c2: {  	v2 =	vadd.f32 v3, v2;
	v3 =	vmul.f32 v9, v11;
	v11 =	vld [tilespmem:$0x1F350];
	v5 =	vmul.f32 v14, v5  }
0x5c3: {  	v10 =	vld.idx.msk [tilespmem:v22+s14+$0x0], $0xffff  }
0x5c4: {  	v0 =	vadd.f32 v5, v0;
	v5 =	vld [tilespmem:$0x1F340];
	_ =	sdelay $0x3  }
0x5c5: {  	v2 =	vadd.f32 v3, v2;
	v3 =	vmul.f32 v7, v10;
	v7 =	vld.idx.msk [tilespmem:v8+s15+$0x0], $0xffff  }
0x5c6: {  	v5 =	vmul.f32 v11, v5;
	v11 =	vld.idx.msk [tilespmem:v8+s14+$0x0], $0xffff  }
0x5c7: {  	v8 =	vld [tilespmem:$0x1F370]  }
0x5c8: {  	v0 =	vadd.f32 v5, v0;
	v5 =	vld [tilespmem:$0x1F360]  }
0x5c9: {  	v21 =	vld.idx.msk [tilespmem:v59+s14+$0x0], $0xffff  }
0x5ca: {  	v59 =	vld.idx.msk [tilespmem:v59+s15+$0x0], $0xffff;
	v1 =	vadd.f32 v20, v1  }
0x5cb: {  	v6 =	vld.idx.msk [tilespmem:v16+s15+$0x0], $0xffff  }
0x5cc: {  	v1 =	vadd.f32 v57, v1;
	v9 =	vld.idx.msk [tilespmem:v23+s15+$0x0], $0xffff  }
0x5cd: {  	v10 =	vld [tilespmem:$0x1F390];
	v5 =	vmul.f32 v8, v5  }
0x5ce: {  	v1 =	vadd.f32 v52, v1;
	v13 =	vld.idx.msk [tilespmem:v16+s14+$0x0], $0xffff  }
0x5cf: {  	v0 =	vadd.f32 v5, v0;
	v5 =	vld [tilespmem:$0x1F380]  }
0x5d0: {  	v38 =	vmul.f32 v48, v47;
	v1 =	vadd.f32 v41, v1;
	v14 =	vld.idx.msk [tilespmem:v23+s14+$0x0], $0xffff;
	_ =	sdelay $0x1  }
0x5d1: {  	v21 =	vmul.f32 v59, v21;
	v1 =	vadd.f32 v38, v1  }
0x5d2: {  	v4 =	vadd.f32 v19, v4;
	v2 =	vadd.f32 v3, v2;
	v3 =	vmul.f32 v6, v13  }
0x5d3: {  	v56 =	vmul.f32 v55, v53;
	v1 =	vadd.f32 v32, v1;
	v5 =	vmul.f32 v10, v5  }
0x5d4: {  	v4 =	vadd.f32 v21, v4;
	v2 =	vadd.f32 v3, v2;
	v3 =	vmul.f32 v9, v14;
	v9 =	vld [tilespmem:$0x1F3B0]  }
0x5d5: {  	v1 =	vadd.f32 v30, v1;
	v0 =	vadd.f32 v5, v0;
	v5 =	vld [tilespmem:$0x1F3A0]  }
0x5d6: {  	v4 =	vadd.f32 v56, v4;
	v2 =	vadd.f32 v3, v2;
	v3 =	vmul.f32 v7, v11;
	v7 =	vld [tilespmem:$0x1F3D0]  }
0x5d7: {  	v1 =	vadd.f32 v35, v1  }
0x5d8: {  	v40 =	vmul.f32 v50, v49;
	v4 =	vadd.f32 v43, v4  }
0x5d9: {  	v34 =	vmul.f32 v34, v33;
	v1 =	vadd.f32 v24, v1  }
0x5da: {  	v33 =	vmul.f32 v46, v45;
	v4 =	vadd.f32 v40, v4;
	v5 =	vmul.f32 v9, v5  }
0x5db: {  	v1 =	vadd.f32 v7, v1;
	v7 =	vld [tilespmem:$0x1F3F0]  }
0x5dc: {  	v4 =	vadd.f32 v33, v4;
	v0 =	vadd.f32 v5, v0;
	v5 =	vld [tilespmem:$0x1F3E0]  }
0x5dd: {  	v6 =	vld.idx.msk [tilespmem:v12+s15+$0x0], $0xffff  }
0x5de: {  	v4 =	vadd.f32 v31, v4;
	v8 =	vld.idx.msk [tilespmem:v12+s14+$0x0], $0xffff  }
0x5df: {  	v9 =	vld [tilespmem:$0x1F3C0]  }
0x5e0: {  	v4 =	vadd.f32 v29, v4  }
0x5e1: {  	v5 =	vmul.f32 v7, v5;
	v7 =	vld [tilespmem:$0x1F400]  }
0x5e2: {  	v4 =	vadd.f32 v34, v4  }
0x5e3: {  	s28 =	simm.s32 $0x10;
	v2 =	vadd.f32 v3, v2  }
0x5e4: {  	v3 =	vmul.f32 v6, v8;
	v6 =	vmov s28;
	v4 =	vadd.f32 v9, v4  }
0x5e5: {  	v0 =	vadd.f32 v5, v0;
	v5 =	vshll.u32 v6, $0x7;
	v6 =	vld [tilespmem:$0x1F420]  }
0x5e6: {  	v4 =	vadd.f32 v7, v4;
	v7 =	vld [tilespmem:$0x1F410]  }
0x5e7: {  	v2 =	vadd.f32 v3, v2;
	v3 =	vld [tilespmem:$0x1FFF0];
	_ =	sdelay $0x3  }
0x5e8: {  	v4 =	vadd.f32 v6, v4;
	v1 =	vadd.f32 v7, v1  }
0x5e9: {  	v12 =	vor.u32 v3, v5  }
0x5ea: {  	v0 =	vadd.f32 v2, v0;
	v2 =	vor.u32 $0x3D, v12;
	v1 =	vadd.f32 v1, v4;
	_ =	sdelay $0x1  }
0x5eb: {  	v0 =	vadd.f32 v0, v1;
	v1 =	vor.u32 $0x3E, v12  }
0x5ec: {  	s28 =	simm.s32 $0x10580  }
0x5ed: {  	v3 =	vor.u32 $0x3C, v12;
	[tilespmem:s28+$0x0] =	vst v0  }
0x5ee: {  	v26 =	vld.idx.msk [tilespmem:v2+s14+$0x0], $0xffff  }
0x5ef: {  	v29 =	vld.idx.msk [tilespmem:v2+s15+$0x0], $0xffff  }
0x5f0: {  	v2 =	vld.idx.msk [tilespmem:v1+s14+$0x0], $0xffff  }
0x5f1: {  	v0 =	vor.u32 $0x38, v12  }
0x5f2: {  	v24 =	vld.idx.msk [tilespmem:v3+s14+$0x0], $0xffff  }
0x5f3: {  	v25 =	vld.idx.msk [tilespmem:v3+s15+$0x0], $0xffff;
	v3 =	vor.u32 $0x39, v12;
	_ =	sdelay $0x1  }
0x5f4: {  	v1 =	vld.idx.msk [tilespmem:v1+s15+$0x0], $0xffff;
	[tilespmem:$0x1F430] =	vst v2;
	v2 =	vor.u32 $0x3A, v12  }
0x5f5: {  	v39 =	vld.idx.msk [tilespmem:v0+s14+$0x0], $0xffff  }
0x5f6: {  	v41 =	vld.idx.msk [tilespmem:v0+s15+$0x0], $0xffff  }
0x5f7: {  	v43 =	vld.idx.msk [tilespmem:v3+s14+$0x0], $0xffff  }
0x5f8: {  	v28 =	vld.idx.msk [tilespmem:v3+s15+$0x0], $0xffff  }
0x5f9: {  	v0 =	vor.u32 $0x35, v12;
	v3 =	vld.idx.msk [tilespmem:v2+s14+$0x0], $0xffff;
	_ =	sdelay $0x1  }
0x5fa: {  	[tilespmem:$0x1F440] =	vst v1;
	v1 =	vor.u32 $0x34, v12;
	_ =	sdelay $0x2  }
0x5fb: {  	v30 =	vld.idx.msk [tilespmem:v0+s15+$0x0], $0xffff;
	[tilespmem:$0x1F450] =	vst v3;
	v3 =	vor.u32 $0x36, v12  }
0x5fc: {  	v2 =	vld.idx.msk [tilespmem:v2+s15+$0x0], $0xffff  }
0x5fd: {  	v45 =	vld.idx.msk [tilespmem:v1+s14+$0x0], $0xffff  }
0x5fe: {  	v40 =	vld.idx.msk [tilespmem:v1+s15+$0x0], $0xffff  }
0x5ff: {  	v1 =	vld.idx.msk [tilespmem:v0+s14+$0x0], $0xffff  }
0x600: {  	v0 =	vld.idx.msk [tilespmem:v3+s14+$0x0], $0xffff  }
0x601: {  	[tilespmem:$0x1F460] =	vst v2;
	v2 =	vor.u32 $0x30, v12;
	v3 =	vld.idx.msk [tilespmem:v3+s15+$0x0], $0xffff;
	_ =	sdelay $0x4  }
0x602: {  	[tilespmem:$0x1F490] =	vst v3;
	v3 =	vld.idx.msk [tilespmem:v2+s14+$0x0], $0xffff  }
0x603: {  	[tilespmem:$0x1F470] =	vst v1;
	v1 =	vor.u32 $0x31, v12;
	v2 =	vld.idx.msk [tilespmem:v2+s15+$0x0], $0xffff;
	_ =	sdelay $0x4  }
0x604: {  	[tilespmem:$0x1F4B0] =	vst v2;
	v2 =	vld.idx.msk [tilespmem:v1+s14+$0x0], $0xffff  }
0x605: {  	[tilespmem:$0x1F480] =	vst v0;
	v0 =	vor.u32 $0x32, v12;
	v1 =	vld.idx.msk [tilespmem:v1+s15+$0x0], $0xffff;
	_ =	sdelay $0x4  }
0x606: {  	[tilespmem:$0x1F4D0] =	vst v1;
	v1 =	vld.idx.msk [tilespmem:v0+s14+$0x0], $0xffff  }
0x607: {  	[tilespmem:$0x1F4A0] =	vst v3;
	v3 =	vor.u32 $0x2C, v12;
	v0 =	vld.idx.msk [tilespmem:v0+s15+$0x0], $0xffff;
	_ =	sdelay $0x1  }
0x608: {  	[tilespmem:$0x1F4C0] =	vst v2;
	v2 =	vor.u32 $0x2D, v12;
	_ =	sdelay $0x1  }
0x609: {  	[tilespmem:$0x1F4E0] =	vst v1;
	v1 =	vor.u32 $0x2E, v12  }
0x60a: {  	[tilespmem:$0x1F4F0] =	vst v0;
	v0 =	vld.idx.msk [tilespmem:v3+s14+$0x0], $0xffff  }
0x60b: {  	v3 =	vld.idx.msk [tilespmem:v3+s15+$0x0], $0xffff  }
0x60c: {  	v42 =	vld.idx.msk [tilespmem:v2+s14+$0x0], $0xffff  }
0x60d: {  	v46 =	vld.idx.msk [tilespmem:v2+s15+$0x0], $0xffff  }
0x60e: {  	v2 =	vld.idx.msk [tilespmem:v1+s14+$0x0], $0xffff;
	_ =	sdelay $0x2  }
0x60f: {  	[tilespmem:$0x1F510] =	vst v3;
	v3 =	vor.u32 $0x29, v12;
	_ =	sdelay $0x1  }
0x610: {  	[tilespmem:$0x1F520] =	vst v2;
	v2 =	vor.u32 $0x2A, v12  }
0x611: {  	v1 =	vld.idx.msk [tilespmem:v1+s15+$0x0], $0xffff  }
0x612: {  	[tilespmem:$0x1F500] =	vst v0;
	v0 =	vor.u32 $0x28, v12  }
0x613: {  	v50 =	vld.idx.msk [tilespmem:v3+s14+$0x0], $0xffff  }
0x614: {  	v51 =	vld.idx.msk [tilespmem:v3+s15+$0x0], $0xffff  }
0x615: {  	v3 =	vld.idx.msk [tilespmem:v2+s14+$0x0], $0xffff  }
0x616: {  	[tilespmem:$0x1F530] =	vst v1;
	v1 =	vor.u32 $0x24, v12  }
0x617: {  	v47 =	vld.idx.msk [tilespmem:v0+s14+$0x0], $0xffff  }
0x618: {  	v49 =	vld.idx.msk [tilespmem:v0+s15+$0x0], $0xffff;
	v0 =	vor.u32 $0x25, v12;
	_ =	sdelay $0x1  }
0x619: {  	v2 =	vld.idx.msk [tilespmem:v2+s15+$0x0], $0xffff;
	[tilespmem:$0x1F540] =	vst v3;
	v3 =	vor.u32 $0x26, v12  }
0x61a: {  	v52 =	vld.idx.msk [tilespmem:v1+s14+$0x0], $0xffff  }
0x61b: {  	v55 =	vld.idx.msk [tilespmem:v1+s15+$0x0], $0xffff  }
0x61c: {  	v53 =	vld.idx.msk [tilespmem:v0+s14+$0x0], $0xffff  }
0x61d: {  	v54 =	vld.idx.msk [tilespmem:v0+s15+$0x0], $0xffff  }
0x61e: {  	v1 =	vor.u32 $0x21, v12;
	v0 =	vld.idx.msk [tilespmem:v3+s14+$0x0], $0xffff;
	_ =	sdelay $0x2  }
0x61f: {  	[tilespmem:$0x1F550] =	vst v2;
	v2 =	vor.u32 $0x20, v12;
	_ =	sdelay $0x1  }
0x620: {  	v56 =	vld.idx.msk [tilespmem:v1+s14+$0x0], $0xffff;
	[tilespmem:$0x1F560] =	vst v0;
	v0 =	vor.u32 $0x22, v12  }
0x621: {  	v60 =	vld.idx.msk [tilespmem:v1+s15+$0x0], $0xffff  }
0x622: {  	v3 =	vld.idx.msk [tilespmem:v3+s15+$0x0], $0xffff  }
0x623: {  	v58 =	vld.idx.msk [tilespmem:v2+s14+$0x0], $0xffff  }
0x624: {  	v57 =	vld.idx.msk [tilespmem:v2+s15+$0x0], $0xffff  }
0x625: {  	v1 =	vld.idx.msk [tilespmem:v0+s14+$0x0], $0xffff  }
0x626: {  	v2 =	vor.u32 $0x1D, v12;
	v0 =	vld.idx.msk [tilespmem:v0+s15+$0x0], $0xffff;
	_ =	sdelay $0x1  }
0x627: {  	v4 =	vor.u32 $0x1E, v12;
	_ =	sdelay $0x1  }
0x628: {  	[tilespmem:$0x1F570] =	vst v3;
	v3 =	vor.u32 $0x1C, v12  }
0x629: {  	[tilespmem:$0x1F590] =	vst v0;
	v0 =	vld.idx.msk [tilespmem:v2+s14+$0x0], $0xffff  }
0x62a: {  	[tilespmem:$0x1F580] =	vst v1;
	v1 =	vld.idx.msk [tilespmem:v2+s15+$0x0], $0xffff  }
0x62b: {  	v2 =	vld.idx.msk [tilespmem:v4+s14+$0x0], $0xffff;
	_ =	sdelay $0x1  }
0x62c: {  	v62 =	vld.idx.msk [tilespmem:v3+s14+$0x0], $0xffff  }
0x62d: {  	v63 =	vld.idx.msk [tilespmem:v3+s15+$0x0], $0xffff;
	v3 =	vor.u32 $0x19, v12  }
0x62e: {  	v5 =	vor.u32 $0x18, v12  }
0x62f: {  	[tilespmem:$0x1F5A0] =	vst v2;
	v2 =	vld.idx.msk [tilespmem:v4+s15+$0x0], $0xffff;
	_ =	sdelay $0x1  }
0x630: {  	v6 =	vor.u32 $0x1A, v12  }
0x631: {  	v7 =	vld.idx.msk [tilespmem:v3+s15+$0x0], $0xffff  }
0x632: {  	v4 =	vld.idx.msk [tilespmem:v5+s15+$0x0], $0xffff  }
0x633: {  	v9 =	vor.u32 $0x14, v12;
	[tilespmem:$0x1F5B0] =	vst v2;
	v2 =	vld.idx.msk [tilespmem:v5+s14+$0x0], $0xffff  }
0x634: {  	v5 =	vld.idx.msk [tilespmem:v3+s14+$0x0], $0xffff  }
0x635: {  	v11 =	vor.u32 $0x15, v12;
	v3 =	vld.idx.msk [tilespmem:v6+s14+$0x0], $0xffff;
	_ =	sdelay $0x1  }
0x636: {  	v22 =	vor.u32 $0x8, v12  }
0x637: {  	v8 =	vld.idx.msk [tilespmem:v9+s14+$0x0], $0xffff  }
0x638: {  	v37 =	vor.u32 $0x4, v12;
	v9 =	vld.idx.msk [tilespmem:v9+s15+$0x0], $0xffff  }
0x639: {  	v10 =	vld.idx.msk [tilespmem:v11+s14+$0x0], $0xffff;
	[tilespmem:$0x1F5C0] =	vst v3;
	v3 =	vor.u32 $0x16, v12  }
0x63a: {  	v13 =	vld.idx.msk [tilespmem:v11+s15+$0x0], $0xffff  }
0x63b: {  	v21 =	vld.idx.msk [tilespmem:v22+s14+$0x0], $0xffff  }
0x63c: {  	v38 =	vor.u32 $0x5, v12;
	v22 =	vld.idx.msk [tilespmem:v22+s15+$0x0], $0xffff  }
0x63d: {  	v31 =	vld.idx.msk [tilespmem:v37+s14+$0x0], $0xffff  }
0x63e: {  	v14 =	vld.idx.msk [tilespmem:v3+s14+$0x0], $0xffff  }
0x63f: {  	v11 =	vor.u32 $0x11, v12;
	v33 =	vld.idx.msk [tilespmem:v37+s15+$0x0], $0xffff  }
0x640: {  	v44 =	vor.u32 $0x6, v12;
	v6 =	vld.idx.msk [tilespmem:v6+s15+$0x0], $0xffff  }
0x641: {  	v32 =	vld.idx.msk [tilespmem:v38+s14+$0x0], $0xffff  }
0x642: {  	v24 =	vmul.f32 v25, v24;
	v3 =	vld.idx.msk [tilespmem:v3+s15+$0x0], $0xffff  }
0x643: {  	v34 =	vld.idx.msk [tilespmem:v38+s15+$0x0], $0xffff;
	[tilespmem:$0x1F5E0] =	vst v14;
	v14 =	vor.u32 $0x12, v12  }
0x644: {  	v17 =	vld.idx.msk [tilespmem:v11+s14+$0x0], $0xffff;
	[tilespmem:$0x1F610] =	vst v24;
	v24 =	vmul.f32 v29, v26  }
0x645: {  	v29 =	vld.idx.msk [tilespmem:v44+s15+$0x0], $0xffff;
	[tilespmem:$0x1F5D0] =	vst v6;
	v6 =	vor.u32 $0x10, v12  }
0x646: {  	[tilespmem:$0x1F620] =	vst v24;
	v24 =	vld.idx.msk [tilespmem:v44+s14+$0x0], $0xffff  }
0x647: {  	[tilespmem:$0x1F5F0] =	vst v3;
	v3 =	vld.idx.msk [tilespmem:v11+s15+$0x0], $0xffff;
	v11 =	vor.u32 $0xD, v12  }
0x648: {  	v18 =	vld.idx.msk [tilespmem:v14+s14+$0x0], $0xffff  }
0x649: {  	v48 =	vld.idx.msk [tilespmem:v14+s15+$0x0], $0xffff;
	v14 =	vor.u32 $0xE, v12  }
0x64a: {  	v15 =	vld.idx.msk [tilespmem:v6+s14+$0x0], $0xffff  }
0x64b: {  	v16 =	vld.idx.msk [tilespmem:v6+s15+$0x0], $0xffff;
	v6 =	vor.u32 $0xC, v12  }
0x64c: {  	v19 =	vld.idx.msk [tilespmem:v11+s14+$0x0], $0xffff  }
0x64d: {  	v20 =	vld.idx.msk [tilespmem:v11+s15+$0x0], $0xffff;
	v11 =	vor.u32 $0x9, v12  }
0x64e: {  	v59 =	vld.idx.msk [tilespmem:v14+s14+$0x0], $0xffff  }
0x64f: {  	v61 =	vld.idx.msk [tilespmem:v14+s15+$0x0], $0xffff;
	v14 =	vor.u32 $0xA, v12  }
0x650: {  	[tilespmem:$0x1F600] =	vst v18;
	v18 =	vld.idx.msk [tilespmem:v6+s14+$0x0], $0xffff  }
0x651: {  	v6 =	vld.idx.msk [tilespmem:v6+s15+$0x0], $0xffff  }
0x652: {  	v23 =	vld.idx.msk [tilespmem:v11+s14+$0x0], $0xffff  }
0x653: {  	v27 =	vld.idx.msk [tilespmem:v11+s15+$0x0], $0xffff  }
0x654: {  	v36 =	vor.u32 $0x40, v12;
	v35 =	vor.u32 $0x37, v12;
	v11 =	vld.idx.msk [tilespmem:v14+s14+$0x0], $0xffff  }
0x655: {  	s29 =	simm.s32 $0x20;
	v37 =	vor.u32 $0x1, v12;
	v26 =	vor.u32 $0x3B, v12;
	v44 =	vor.u32 $0x3F, v12;
	v14 =	vld.idx.msk [tilespmem:v14+s15+$0x0], $0xffff  }
.LBB2_6:
0x656: {  	[tilespmem:$0x1F150] =	vst v44;
	v44 =	vmul.f32 v40, v45;
	v45 =	vld [tilespmem:$0x1F470];
	_ =	sdelay $0x3  }
0x657: {  	[tilespmem:$0x1F1A0] =	vst v44;
	v44 =	vld [tilespmem:$0x1F4A0]  }
0x658: {  	v30 =	vmul.f32 v30, v45;
	v45 =	vld [tilespmem:$0x1F4B0];
	_ =	sdelay $0x4  }
0x659: {  	v40 =	vmul.f32 v45, v44;
	v44 =	vld [tilespmem:$0x1F4C0]  }
0x65a: {  	v45 =	vld [tilespmem:$0x1F4D0];
	_ =	sdelay $0x4  }
0x65b: {  	[tilespmem:$0x1F180] =	vst v40;
	v40 =	vmul.f32 v45, v44  }
0x65c: {  	v6 =	vmul.f32 v6, v18;
	v18 =	vor.u32 $0x13, v12;
	v44 =	vmov v42;
	v42 =	vld [tilespmem:$0x1F510]  }
0x65d: {  	[tilespmem:$0x1F170] =	vst v40;
	v40 =	vld [tilespmem:$0x1F500]  }
0x65e: {  	v25 =	vor.u32 $0x2, v12;
	v39 =	vmul.f32 v41, v39;
	v28 =	vmul.f32 v28, v43;
	v43 =	vld.idx.msk [tilespmem:v12+s14+$0x0], $0xffff  }
0x65f: {  	v41 =	vld.idx.msk [tilespmem:v37+s14+$0x0], $0xffff;
	v0 =	vmul.f32 v1, v0;
	v2 =	vmul.f32 v4, v2  }
0x660: {  	v4 =	vmul.f32 v7, v5;
	v3 =	vmul.f32 v3, v17;
	[tilespmem:$0x1F1C0] =	vst v39;
	v39 =	vld.idx.msk [tilespmem:v12+s15+$0x0], $0xffff;
	v45 =	vor.u32 $0x3, v12  }
0x661: {  	v8 =	vmul.f32 v9, v8;
	v24 =	vmul.f32 v29, v24;
	v29 =	vld.idx.msk [tilespmem:v18+s14+$0x0], $0xffff  }
0x662: {  	v40 =	vmul.f32 v42, v40;
	v42 =	vld.idx.msk [tilespmem:v37+s15+$0x0], $0xffff;
	v37 =	vmul.f32 v51, v50;
	v50 =	vor.u32 $0x7, v12  }
0x663: {  	v5 =	vor.u32 $0x23, v12;
	v46 =	vmul.f32 v46, v44;
	v44 =	vmul.f32 v49, v47;
	v49 =	vld.idx.msk [tilespmem:v25+s14+$0x0], $0xffff  }
0x664: {  	v47 =	vmul.f32 v54, v53;
	v54 =	vld.idx.msk [tilespmem:v25+s15+$0x0], $0xffff;
	v25 =	vmul.f32 v60, v56;
	v60 =	vor.u32 $0xB, v12  }
0x665: {  	[tilespmem:$0x1F1B0] =	vst v28;
	v28 =	vor.u32 $0x33, v12;
	v9 =	vmul.f32 v13, v10;
	v13 =	vmul.f32 v16, v15;
	v1 =	vld.idx.msk [tilespmem:v45+s14+$0x0], $0xffff  }
0x666: {  	v17 =	vmul.f32 v20, v19;
	[tilespmem:$0x1F140] =	vst v46;
	v46 =	vmul.f32 v55, v52;
	v55 =	vor.u32 $0xF, v12;
	v7 =	vld.idx.msk [tilespmem:v45+s15+$0x0], $0xffff  }
0x667: {  	v15 =	vor.u32 $0x1F, v12;
	v19 =	vmul.f32 v22, v21;
	v20 =	vmul.f32 v27, v23;
	v10 =	vld.idx.msk [tilespmem:v50+s14+$0x0], $0xffff  }
0x668: {  	v22 =	vor.u32 $0x17, v12;
	v27 =	vmul.f32 v33, v31;
	v31 =	vmul.f32 v34, v32;
	[tilespmem:$0x1F190] =	vst v30;
	v16 =	vld.idx.msk [tilespmem:v50+s15+$0x0], $0xffff  }
0x669: {  	v30 =	vor.u32 $0x2F, v12;
	v21 =	vld.idx.msk [tilespmem:v60+s14+$0x0], $0xffff;
	[tilespmem:$0x1F160] =	vst v40;
	v40 =	vmul.f32 v57, v58;
	v58 =	vmul.f32 v42, v41  }
0x66a: {  	v56 =	vor.u32 $0x27, v12;
	v52 =	vmul.f32 v63, v62;
	v51 =	vor.u32 $0x2B, v12;
	v57 =	vld.idx.msk [tilespmem:v60+s15+$0x0], $0xffff  }
0x66b: {  	v12 =	vor.u32 $0x1B, v12;
	v62 =	vld.idx.msk [tilespmem:v55+s14+$0x0], $0xffff;
	v1 =	vmul.f32 v7, v1;
	v33 =	vadd.f32 $0.0e+00, v58  }
0x66c: {  	v7 =	vld.idx.msk [tilespmem:v55+s15+$0x0], $0xffff  }
0x66d: {  	v1 =	vadd.f32 $0.0e+00, v1;
	v10 =	vmul.f32 v16, v10;
	v16 =	vld.idx.msk [tilespmem:v18+s15+$0x0], $0xffff;
	v18 =	vadd.f32 v31, v33  }
0x66e: {  	v11 =	vmul.f32 v14, v11;
	v14 =	vld.idx.msk [tilespmem:v22+s14+$0x0], $0xffff;
	v60 =	vmul.f32 v54, v49  }
0x66f: {  	v1 =	vadd.f32 v10, v1;
	v10 =	vmul.f32 v57, v21;
	v21 =	vld.idx.msk [tilespmem:v22+s15+$0x0], $0xffff;
	v18 =	vadd.f32 v20, v18  }
0x670: {  	v34 =	vadd.f32 $0.0e+00, v60;
	v22 =	vld.idx.msk [tilespmem:v12+s14+$0x0], $0xffff  }
0x671: {  	v1 =	vadd.f32 v10, v1;
	v10 =	vld.idx.msk [tilespmem:v12+s15+$0x0], $0xffff;
	v12 =	vadd.f32 v17, v18  }
0x672: {  	v7 =	vmul.f32 v7, v62;
	v17 =	vld [tilespmem:$0x1F600]  }
0x673: {  	v24 =	vadd.f32 v24, v34;
	v3 =	vadd.f32 v3, v12;
	v12 =	vld [tilespmem:$0x1F5E0]  }
0x674: {  	v1 =	vadd.f32 v7, v1;
	v7 =	vmul.f32 v16, v29;
	v16 =	vld [tilespmem:$0x1F5F0]  }
0x675: {  	v38 =	vld.idx.msk [tilespmem:v36+s15+$0x0], $0xffff;
	v11 =	vadd.f32 v11, v24;
	v20 =	vmul.f32 v61, v59  }
0x676: {  	v36 =	vld.idx.msk [tilespmem:v36+s14+$0x0], $0xffff  }
0x677: {  	v23 =	vld [tilespmem:$0x1FC40];
	v11 =	vadd.f32 v20, v11;
	v17 =	vmul.f32 v48, v17;
	_ =	sdelay $0x1  }
0x678: {  	v11 =	vadd.f32 v17, v11;
	v12 =	vmul.f32 v16, v12;
	_ =	sdelay $0x1  }
0x679: {  	v3 =	vadd.f32 v9, v3;
	v9 =	vadd.f32 v12, v11;
	v11 =	vld [tilespmem:$0x1F5C0]  }
0x67a: {  	v23 =	vadd.f32 v36, v23;
	v12 =	vld [tilespmem:$0x1F5D0];
	_ =	sdelay $0x1  }
0x67b: {  	v23 =	vadd.f32 v38, v23;
	v63 =	vmul.f32 v39, v43;
	_ =	sdelay $0x1  }
0x67c: {  	v23 =	vadd.f32 v63, v23;
	v1 =	vadd.f32 v7, v1;
	v7 =	vmul.f32 v21, v14  }
0x67d: {  	v11 =	vmul.f32 v12, v11  }
0x67e: {  	v23 =	vadd.f32 v27, v23;
	v1 =	vadd.f32 v7, v1;
	v7 =	vmul.f32 v10, v22;
	v10 =	vld [tilespmem:$0x1F5B0]  }
0x67f: {  	v3 =	vadd.f32 v4, v3;
	v4 =	vadd.f32 v11, v9;
	v9 =	vld [tilespmem:$0x1F5A0];
	_ =	sdelay $0x1  }
0x680: {  	v19 =	vadd.f32 v19, v23;
	_ =	sdelay $0x1  }
0x681: {  	v6 =	vadd.f32 v6, v19  }
0x682: {  	v9 =	vmul.f32 v10, v9  }
0x683: {  	v6 =	vadd.f32 v13, v6  }
0x684: {  	v0 =	vadd.f32 v0, v3;
	v3 =	vadd.f32 v9, v4;
	v4 =	vld [tilespmem:$0x1F580]  }
0x685: {  	v9 =	vld [tilespmem:$0x1F590]  }
0x686: {  	v6 =	vadd.f32 v8, v6;
	v8 =	vld.idx.msk [tilespmem:v56+s15+$0x0], $0xffff  }
0x687: {  	v18 =	vld.idx.msk [tilespmem:v15+s14+$0x0], $0xffff  }
0x688: {  	v15 =	vld.idx.msk [tilespmem:v15+s15+$0x0], $0xffff  }
0x689: {  	v16 =	vld.idx.msk [tilespmem:v5+s14+$0x0], $0xffff  }
0x68a: {  	v5 =	vld.idx.msk [tilespmem:v5+s15+$0x0], $0xffff;
	v4 =	vmul.f32 v9, v4  }
0x68b: {  	v11 =	vld [tilespmem:$0x1F570]  }
0x68c: {  	v3 =	vadd.f32 v4, v3;
	v4 =	vld [tilespmem:$0x1F560]  }
0x68d: {  	v12 =	vld.idx.msk [tilespmem:v56+s14+$0x0], $0xffff  }
0x68e: {  	v2 =	vadd.f32 v2, v6;
	v6 =	vmul.f32 v15, v18;
	v1 =	vadd.f32 v7, v1;
	_ =	sdelay $0x1  }
0x68f: {  	v1 =	vadd.f32 v6, v1;
	v5 =	vmul.f32 v5, v16  }
0x690: {  	v7 =	vld.idx.msk [tilespmem:v51+s15+$0x0], $0xffff;
	v4 =	vmul.f32 v11, v4  }
0x691: {  	v1 =	vadd.f32 v5, v1;
	v5 =	vmul.f32 v8, v12;
	v12 =	vld [tilespmem:$0x1F550]  }
0x692: {  	v3 =	vadd.f32 v4, v3;
	v4 =	vld [tilespmem:$0x1F540]  }
0x693: {  	v10 =	vld.idx.msk [tilespmem:v51+s14+$0x0], $0xffff  }
0x694: {  	v6 =	vld.idx.msk [tilespmem:v30+s15+$0x0], $0xffff  }
0x695: {  	v9 =	vld.idx.msk [tilespmem:v30+s14+$0x0], $0xffff;
	_ =	sdelay $0x1  }
0x696: {  	v4 =	vmul.f32 v12, v4  }
0x697: {  	v1 =	vadd.f32 v5, v1;
	v5 =	vmul.f32 v7, v10;
	v10 =	vld [tilespmem:$0x1F530]  }
0x698: {  	v0 =	vadd.f32 v25, v0;
	v3 =	vadd.f32 v4, v3;
	v4 =	vld [tilespmem:$0x1F520]  }
0x699: {  	v1 =	vadd.f32 v5, v1;
	v5 =	vmul.f32 v6, v9;
	v9 =	vld [tilespmem:$0x1F140]  }
0x69a: {  	v0 =	vadd.f32 v47, v0;
	v8 =	vld.idx.msk [tilespmem:v28+s15+$0x0], $0xffff  }
0x69b: {  	v11 =	vld.idx.msk [tilespmem:v28+s14+$0x0], $0xffff  }
0x69c: {  	v0 =	vadd.f32 v37, v0  }
0x69d: {  	v4 =	vmul.f32 v10, v4  }
0x69e: {  	v0 =	vadd.f32 v9, v0;
	v9 =	vld [tilespmem:$0x1F4F0]  }
0x69f: {  	v3 =	vadd.f32 v4, v3;
	v4 =	vld [tilespmem:$0x1F4E0]  }
0x6a0: {  	v1 =	vadd.f32 v5, v1;
	v5 =	vmul.f32 v8, v11;
	v11 =	vld [tilespmem:$0x1F170]  }
0x6a1: {  	v7 =	vld.idx.msk [tilespmem:v35+s15+$0x0], $0xffff  }
0x6a2: {  	v12 =	vld.idx.msk [tilespmem:v35+s14+$0x0], $0xffff;
	_ =	sdelay $0x1  }
0x6a3: {  	v4 =	vmul.f32 v9, v4  }
0x6a4: {  	v0 =	vadd.f32 v11, v0;
	v11 =	vld [tilespmem:$0x1F490]  }
0x6a5: {  	v3 =	vadd.f32 v4, v3;
	v4 =	vld [tilespmem:$0x1F480]  }
0x6a6: {  	v1 =	vadd.f32 v5, v1;
	v5 =	vmul.f32 v7, v12;
	v7 =	vld [tilespmem:$0x1F190]  }
0x6a7: {  	v6 =	vld.idx.msk [tilespmem:v26+s15+$0x0], $0xffff  }
0x6a8: {  	v10 =	vld.idx.msk [tilespmem:v26+s14+$0x0], $0xffff;
	_ =	sdelay $0x1  }
0x6a9: {  	v14 =	vld [tilespmem:$0x1F150];
	v4 =	vmul.f32 v11, v4  }
0x6aa: {  	v0 =	vadd.f32 v7, v0;
	v7 =	vld [tilespmem:$0x1F460]  }
0x6ab: {  	v3 =	vadd.f32 v4, v3;
	v4 =	vld [tilespmem:$0x1F450]  }
0x6ac: {  	v1 =	vadd.f32 v5, v1;
	v5 =	vmul.f32 v6, v10;
	v6 =	vld [tilespmem:$0x1F1B0];
	_ =	sdelay $0x1  }
0x6ad: {  	v2 =	vadd.f32 v52, v2;
	_ =	sdelay $0x1  }
0x6ae: {  	v13 =	vld [tilespmem:$0x1F160];
	v2 =	vadd.f32 v40, v2;
	v4 =	vmul.f32 v7, v4  }
0x6af: {  	v0 =	vadd.f32 v6, v0;
	v6 =	vld [tilespmem:$0x1F440]  }
0x6b0: {  	v2 =	vadd.f32 v46, v2;
	v3 =	vadd.f32 v4, v3;
	v4 =	vld [tilespmem:$0x1F430]  }
0x6b1: {  	v11 =	vld [tilespmem:$0x1F180]  }
0x6b2: {  	v2 =	vadd.f32 v44, v2;
	v8 =	vld.idx.msk [tilespmem:v14+s15+$0x0], $0xffff  }
0x6b3: {  	v7 =	vld [tilespmem:$0x1F1A0]  }
0x6b4: {  	v2 =	vadd.f32 v13, v2;
	v9 =	vld.idx.msk [tilespmem:v14+s14+$0x0], $0xffff  }
0x6b5: {  	v4 =	vmul.f32 v6, v4;
	v6 =	vld [tilespmem:$0x1F1C0]  }
0x6b6: {  	v2 =	vadd.f32 v11, v2;
	_ =	sdelay $0x1  }
0x6b7: {  	v2 =	vadd.f32 v7, v2  }
0x6b8: {  	v1 =	vadd.f32 v5, v1  }
0x6b9: {  	v5 =	vmul.f32 v8, v9;
	v7 =	vld [tilespmem:$0x1F620];
	v2 =	vadd.f32 v6, v2;
	v6 =	vmov s29  }
0x6ba: {  	v3 =	vadd.f32 v4, v3;
	v4 =	vshll.u32 v6, $0x7;
	v6 =	vld [tilespmem:$0x1F610]  }
0x6bb: {  	v1 =	vadd.f32 v5, v1;
	v5 =	vld [tilespmem:$0x1FFF0];
	_ =	sdelay $0x3  }
0x6bc: {  	v0 =	vadd.f32 v7, v0;
	v2 =	vadd.f32 v6, v2  }
0x6bd: {  	v12 =	vor.u32 v5, v4  }
0x6be: {  	v1 =	vadd.f32 v1, v3;
	v4 =	vor.u32 $0x3C, v12;
	v0 =	vadd.f32 v0, v2;
	_ =	sdelay $0x1  }
0x6bf: {  	v0 =	vadd.f32 v1, v0  }
0x6c0: {  	s28 =	sadd.s32 $0x10, s28  }
0x6c1: {  	[tilespmem:s28+$0x0] =	vst v0  }
0x6c2: {  	v2 =	vor.u32 $0x3D, v12;
	v3 =	vld.idx.msk [tilespmem:v4+s15+$0x0], $0xffff;
	_ =	sdelay $0x4  }
0x6c3: {  	[tilespmem:$0x1F1D0] =	vst v3;
	v3 =	vld.idx.msk [tilespmem:v2+s14+$0x0], $0xffff  }
0x6c4: {  	v1 =	vor.u32 $0x3E, v12;
	v2 =	vld.idx.msk [tilespmem:v2+s15+$0x0], $0xffff;
	_ =	sdelay $0x4  }
0x6c5: {  	v0 =	vor.u32 $0x38, v12;
	[tilespmem:$0x1F1F0] =	vst v2;
	v2 =	vld.idx.msk [tilespmem:v1+s14+$0x0], $0xffff;
	_ =	sdelay $0x2  }
0x6c6: {  	[tilespmem:$0x1F1E0] =	vst v3;
	v3 =	vor.u32 $0x39, v12;
	_ =	sdelay $0x1  }
0x6c7: {  	v39 =	vld.idx.msk [tilespmem:v0+s14+$0x0], $0xffff;
	[tilespmem:$0x1F430] =	vst v2;
	v2 =	vor.u32 $0x3A, v12  }
0x6c8: {  	v41 =	vld.idx.msk [tilespmem:v0+s15+$0x0], $0xffff  }
0x6c9: {  	v1 =	vld.idx.msk [tilespmem:v1+s15+$0x0], $0xffff  }
0x6ca: {  	v43 =	vld.idx.msk [tilespmem:v3+s14+$0x0], $0xffff  }
0x6cb: {  	v28 =	vld.idx.msk [tilespmem:v3+s15+$0x0], $0xffff  }
0x6cc: {  	v0 =	vor.u32 $0x35, v12;
	v3 =	vld.idx.msk [tilespmem:v2+s14+$0x0], $0xffff;
	_ =	sdelay $0x1  }
0x6cd: {  	[tilespmem:$0x1F440] =	vst v1;
	v1 =	vor.u32 $0x34, v12;
	_ =	sdelay $0x2  }
0x6ce: {  	v30 =	vld.idx.msk [tilespmem:v0+s15+$0x0], $0xffff;
	[tilespmem:$0x1F450] =	vst v3;
	v3 =	vor.u32 $0x36, v12  }
0x6cf: {  	v2 =	vld.idx.msk [tilespmem:v2+s15+$0x0], $0xffff  }
0x6d0: {  	v45 =	vld.idx.msk [tilespmem:v1+s14+$0x0], $0xffff  }
0x6d1: {  	v40 =	vld.idx.msk [tilespmem:v1+s15+$0x0], $0xffff  }
0x6d2: {  	v1 =	vld.idx.msk [tilespmem:v0+s14+$0x0], $0xffff  }
0x6d3: {  	v0 =	vld.idx.msk [tilespmem:v3+s14+$0x0], $0xffff  }
0x6d4: {  	[tilespmem:$0x1F460] =	vst v2;
	v2 =	vor.u32 $0x30, v12;
	v3 =	vld.idx.msk [tilespmem:v3+s15+$0x0], $0xffff;
	_ =	sdelay $0x4  }
0x6d5: {  	[tilespmem:$0x1F490] =	vst v3;
	v3 =	vld.idx.msk [tilespmem:v2+s14+$0x0], $0xffff  }
0x6d6: {  	[tilespmem:$0x1F470] =	vst v1;
	v1 =	vor.u32 $0x31, v12;
	v2 =	vld.idx.msk [tilespmem:v2+s15+$0x0], $0xffff;
	_ =	sdelay $0x4  }
0x6d7: {  	[tilespmem:$0x1F4B0] =	vst v2;
	v2 =	vld.idx.msk [tilespmem:v1+s14+$0x0], $0xffff  }
0x6d8: {  	[tilespmem:$0x1F480] =	vst v0;
	v0 =	vor.u32 $0x32, v12;
	v1 =	vld.idx.msk [tilespmem:v1+s15+$0x0], $0xffff;
	_ =	sdelay $0x4  }
0x6d9: {  	[tilespmem:$0x1F4D0] =	vst v1;
	v1 =	vld.idx.msk [tilespmem:v0+s14+$0x0], $0xffff  }
0x6da: {  	[tilespmem:$0x1F4A0] =	vst v3;
	v3 =	vor.u32 $0x2C, v12;
	v0 =	vld.idx.msk [tilespmem:v0+s15+$0x0], $0xffff;
	_ =	sdelay $0x1  }
0x6db: {  	[tilespmem:$0x1F4C0] =	vst v2;
	v2 =	vor.u32 $0x2D, v12;
	_ =	sdelay $0x1  }
0x6dc: {  	[tilespmem:$0x1F4E0] =	vst v1;
	v1 =	vor.u32 $0x2E, v12  }
0x6dd: {  	[tilespmem:$0x1F4F0] =	vst v0;
	v0 =	vld.idx.msk [tilespmem:v3+s14+$0x0], $0xffff  }
0x6de: {  	v3 =	vld.idx.msk [tilespmem:v3+s15+$0x0], $0xffff  }
0x6df: {  	v42 =	vld.idx.msk [tilespmem:v2+s14+$0x0], $0xffff  }
0x6e0: {  	v46 =	vld.idx.msk [tilespmem:v2+s15+$0x0], $0xffff  }
0x6e1: {  	v2 =	vld.idx.msk [tilespmem:v1+s14+$0x0], $0xffff;
	_ =	sdelay $0x2  }
0x6e2: {  	[tilespmem:$0x1F510] =	vst v3;
	v3 =	vor.u32 $0x29, v12;
	_ =	sdelay $0x1  }
0x6e3: {  	[tilespmem:$0x1F520] =	vst v2;
	v2 =	vor.u32 $0x2A, v12  }
0x6e4: {  	v1 =	vld.idx.msk [tilespmem:v1+s15+$0x0], $0xffff  }
0x6e5: {  	[tilespmem:$0x1F500] =	vst v0;
	v0 =	vor.u32 $0x28, v12  }
0x6e6: {  	v50 =	vld.idx.msk [tilespmem:v3+s14+$0x0], $0xffff  }
0x6e7: {  	v51 =	vld.idx.msk [tilespmem:v3+s15+$0x0], $0xffff  }
0x6e8: {  	v3 =	vld.idx.msk [tilespmem:v2+s14+$0x0], $0xffff  }
0x6e9: {  	[tilespmem:$0x1F530] =	vst v1;
	v1 =	vor.u32 $0x24, v12  }
0x6ea: {  	v47 =	vld.idx.msk [tilespmem:v0+s14+$0x0], $0xffff  }
0x6eb: {  	v49 =	vld.idx.msk [tilespmem:v0+s15+$0x0], $0xffff;
	v0 =	vor.u32 $0x25, v12;
	_ =	sdelay $0x1  }
0x6ec: {  	v2 =	vld.idx.msk [tilespmem:v2+s15+$0x0], $0xffff;
	[tilespmem:$0x1F540] =	vst v3;
	v3 =	vor.u32 $0x26, v12  }
0x6ed: {  	v52 =	vld.idx.msk [tilespmem:v1+s14+$0x0], $0xffff  }
0x6ee: {  	v55 =	vld.idx.msk [tilespmem:v1+s15+$0x0], $0xffff  }
0x6ef: {  	v53 =	vld.idx.msk [tilespmem:v0+s14+$0x0], $0xffff  }
0x6f0: {  	v54 =	vld.idx.msk [tilespmem:v0+s15+$0x0], $0xffff  }
0x6f1: {  	v1 =	vor.u32 $0x21, v12;
	v0 =	vld.idx.msk [tilespmem:v3+s14+$0x0], $0xffff;
	_ =	sdelay $0x2  }
0x6f2: {  	[tilespmem:$0x1F550] =	vst v2;
	v2 =	vor.u32 $0x20, v12;
	_ =	sdelay $0x1  }
0x6f3: {  	v56 =	vld.idx.msk [tilespmem:v1+s14+$0x0], $0xffff;
	[tilespmem:$0x1F560] =	vst v0;
	v0 =	vor.u32 $0x22, v12  }
0x6f4: {  	v60 =	vld.idx.msk [tilespmem:v1+s15+$0x0], $0xffff  }
0x6f5: {  	v3 =	vld.idx.msk [tilespmem:v3+s15+$0x0], $0xffff  }
0x6f6: {  	v58 =	vld.idx.msk [tilespmem:v2+s14+$0x0], $0xffff  }
0x6f7: {  	v57 =	vld.idx.msk [tilespmem:v2+s15+$0x0], $0xffff  }
0x6f8: {  	v1 =	vld.idx.msk [tilespmem:v0+s14+$0x0], $0xffff  }
0x6f9: {  	v2 =	vor.u32 $0x1D, v12;
	v0 =	vld.idx.msk [tilespmem:v0+s15+$0x0], $0xffff;
	_ =	sdelay $0x1  }
0x6fa: {  	v38 =	vld.idx.msk [tilespmem:v4+s14+$0x0], $0xffff;
	v4 =	vor.u32 $0x1E, v12;
	_ =	sdelay $0x1  }
0x6fb: {  	[tilespmem:$0x1F570] =	vst v3;
	v3 =	vor.u32 $0x1C, v12  }
0x6fc: {  	[tilespmem:$0x1F590] =	vst v0;
	v0 =	vld.idx.msk [tilespmem:v2+s14+$0x0], $0xffff  }
0x6fd: {  	[tilespmem:$0x1F580] =	vst v1;
	v1 =	vld.idx.msk [tilespmem:v2+s15+$0x0], $0xffff  }
0x6fe: {  	v2 =	vld.idx.msk [tilespmem:v4+s14+$0x0], $0xffff;
	_ =	sdelay $0x1  }
0x6ff: {  	v62 =	vld.idx.msk [tilespmem:v3+s14+$0x0], $0xffff  }
0x700: {  	v63 =	vld.idx.msk [tilespmem:v3+s15+$0x0], $0xffff;
	v3 =	vor.u32 $0x19, v12  }
0x701: {  	v5 =	vor.u32 $0x18, v12  }
0x702: {  	[tilespmem:$0x1F5A0] =	vst v2;
	v2 =	vld.idx.msk [tilespmem:v4+s15+$0x0], $0xffff;
	_ =	sdelay $0x1  }
0x703: {  	v6 =	vor.u32 $0x1A, v12  }
0x704: {  	v7 =	vld.idx.msk [tilespmem:v3+s15+$0x0], $0xffff  }
0x705: {  	v4 =	vld.idx.msk [tilespmem:v5+s15+$0x0], $0xffff  }
0x706: {  	[tilespmem:$0x1F5B0] =	vst v2;
	v2 =	vld.idx.msk [tilespmem:v5+s14+$0x0], $0xffff  }
0x707: {  	v5 =	vld.idx.msk [tilespmem:v3+s14+$0x0], $0xffff  }
0x708: {  	v3 =	vld.idx.msk [tilespmem:v6+s14+$0x0], $0xffff;
	_ =	sdelay $0x2  }
0x709: {  	v11 =	vor.u32 $0x15, v12;
	_ =	sdelay $0x1  }
0x70a: {  	[tilespmem:$0x1F5C0] =	vst v3;
	v3 =	vor.u32 $0x16, v12;
	_ =	sdelay $0x1  }
0x70b: {  	v6 =	vld.idx.msk [tilespmem:v6+s15+$0x0], $0xffff  }
0x70c: {  	v10 =	vld.idx.msk [tilespmem:v11+s14+$0x0], $0xffff  }
0x70d: {  	v13 =	vld.idx.msk [tilespmem:v11+s15+$0x0], $0xffff  }
0x70e: {  	v9 =	vor.u32 $0x14, v12;
	v11 =	vld.idx.msk [tilespmem:v3+s14+$0x0], $0xffff  }
0x70f: {  	v14 =	vor.u32 $0x11, v12  }
0x710: {  	[tilespmem:$0x1F5D0] =	vst v6;
	v6 =	vor.u32 $0x10, v12  }
0x711: {  	v3 =	vld.idx.msk [tilespmem:v3+s15+$0x0], $0xffff;
	_ =	sdelay $0x1  }
0x712: {  	v8 =	vld.idx.msk [tilespmem:v9+s14+$0x0], $0xffff;
	[tilespmem:$0x1F5E0] =	vst v11;
	v11 =	vor.u32 $0x12, v12  }
0x713: {  	v17 =	vld.idx.msk [tilespmem:v14+s14+$0x0], $0xffff  }
0x714: {  	v15 =	vld.idx.msk [tilespmem:v6+s14+$0x0], $0xffff  }
0x715: {  	[tilespmem:$0x1F5F0] =	vst v3;
	v3 =	vld.idx.msk [tilespmem:v14+s15+$0x0], $0xffff;
	v14 =	vor.u32 $0xE, v12  }
0x716: {  	v16 =	vld.idx.msk [tilespmem:v6+s15+$0x0], $0xffff  }
0x717: {  	v25 =	vor.u32 $0xA, v12;
	v6 =	vld.idx.msk [tilespmem:v11+s14+$0x0], $0xffff  }
0x718: {  	v48 =	vld.idx.msk [tilespmem:v11+s15+$0x0], $0xffff;
	v11 =	vor.u32 $0x8, v12  }
0x719: {  	v9 =	vld.idx.msk [tilespmem:v9+s15+$0x0], $0xffff  }
0x71a: {  	v59 =	vld.idx.msk [tilespmem:v14+s14+$0x0], $0xffff  }
0x71b: {  	v61 =	vld.idx.msk [tilespmem:v14+s15+$0x0], $0xffff  }
0x71c: {  	v19 =	vor.u32 $0xC, v12;
	v14 =	vld.idx.msk [tilespmem:v25+s15+$0x0], $0xffff  }
0x71d: {  	v24 =	vor.u32 $0x9, v12;
	v21 =	vld.idx.msk [tilespmem:v11+s14+$0x0], $0xffff  }
0x71e: {  	v22 =	vld.idx.msk [tilespmem:v11+s15+$0x0], $0xffff  }
0x71f: {  	v26 =	vor.u32 $0x4, v12;
	v11 =	vld.idx.msk [tilespmem:v25+s14+$0x0], $0xffff  }
0x720: {  	v25 =	vld [tilespmem:$0x1F1D0]  }
0x721: {  	v18 =	vld.idx.msk [tilespmem:v19+s14+$0x0], $0xffff  }
0x722: {  	v23 =	vld.idx.msk [tilespmem:v24+s14+$0x0], $0xffff  }
0x723: {  	v29 =	vor.u32 $0x5, v12;
	v27 =	vld.idx.msk [tilespmem:v24+s15+$0x0], $0xffff  }
0x724: {  	v31 =	vld.idx.msk [tilespmem:v26+s14+$0x0], $0xffff  }
0x725: {  	v35 =	vor.u32 $0x6, v12;
	v33 =	vld.idx.msk [tilespmem:v26+s15+$0x0], $0xffff;
	v38 =	vmul.f32 v25, v38  }
0x726: {  	v25 =	vld [tilespmem:$0x1F1E0]  }
0x727: {  	[tilespmem:$0x1F610] =	vst v38;
	v38 =	vld [tilespmem:$0x1F1F0]  }
0x728: {  	v20 =	vor.u32 $0xD, v12;
	v32 =	vld.idx.msk [tilespmem:v29+s14+$0x0], $0xffff  }
0x729: {  	p0 =	sne.s32 s29, $0x70;
	v34 =	vld.idx.msk [tilespmem:v29+s15+$0x0], $0xffff  }
.Ltmp2:
0x72a: {  	v24 =	vld.idx.msk [tilespmem:v35+s14+$0x0], $0xffff;
	(pc) =	sbr.rel @p0 .LBB2_6-.Ltmp2, $4  }
0x72b: {  	v29 =	vld.idx.msk [tilespmem:v35+s15+$0x0], $0xffff  }
0x72c: {  	[tilespmem:$0x1F600] =	vst v6;
	v6 =	vld.idx.msk [tilespmem:v19+s15+$0x0], $0xffff;
	v38 =	vmul.f32 v38, v25  }
0x72d: {  	v36 =	vor.u32 $0x40, v12;
	v37 =	vor.u32 $0x1, v12;
	v19 =	vld.idx.msk [tilespmem:v20+s14+$0x0], $0xffff  }
0x72e: {  	s29 =	sadd.s32 $0x10, s29;
	v44 =	vor.u32 $0x3F, v12;
	v26 =	vor.u32 $0x3B, v12;
	v35 =	vor.u32 $0x37, v12;
	v20 =	vld.idx.msk [tilespmem:v20+s15+$0x0], $0xffff;
	[tilespmem:$0x1F620] =	vst v38  }
0x72f: {  	v25 =	vmul.f32 v41, v39;
	_ =	sdelay $0x1  }
0x730: {  	[tilespmem:$0x1ED50] =	vst v25;
	v25 =	vmul.f32 v28, v43  }
0x731: {  	v38 =	vmov v45  }
0x732: {  	[tilespmem:$0x1ED40] =	vst v25;
	v25 =	vmul.f32 v40, v38;
	_ =	sdelay $0x1  }
0x733: {  	[tilespmem:$0x1ED30] =	vst v25;
	v25 =	vld [tilespmem:$0x1F470];
	_ =	sdelay $0x4  }
0x734: {  	v25 =	vmul.f32 v30, v25  }
0x735: {  	v28 =	vld [tilespmem:$0x1F4B0]  }
0x736: {  	[tilespmem:$0x1ED20] =	vst v25;
	v25 =	vld [tilespmem:$0x1F4A0];
	_ =	sdelay $0x3  }
0x737: {  	v40 =	vld [tilespmem:$0x1F4D0]  }
0x738: {  	v30 =	vmul.f32 v28, v25;
	v25 =	vld [tilespmem:$0x1F4C0];
	_ =	sdelay $0x2  }
0x739: {  	v41 =	vld [tilespmem:$0x1F510]  }
0x73a: {  	v45 =	vor.u32 $0x2, v12;
	v0 =	vmul.f32 v1, v0;
	v1 =	vmul.f32 v4, v2;
	v2 =	vld.idx.msk [tilespmem:v12+s14+$0x0], $0xffff  }
0x73b: {  	v4 =	vmul.f32 v7, v5;
	v43 =	vmul.f32 v40, v25;
	v25 =	vld [tilespmem:$0x1F500]  }
0x73c: {  	v5 =	vmul.f32 v9, v8;
	v7 =	vld.idx.msk [tilespmem:v12+s15+$0x0], $0xffff;
	v9 =	vmul.f32 v13, v10  }
0x73d: {  	v10 =	vmul.f32 v16, v15;
	v38 =	vmul.f32 v46, v42;
	v46 =	vld.idx.msk [tilespmem:v36+s14+$0x0], $0xffff  }
0x73e: {  	v16 =	vmul.f32 v20, v19;
	v20 =	vmul.f32 v27, v23;
	v23 =	vld [tilespmem:$0x1FC40]  }
0x73f: {  	v42 =	vld.idx.msk [tilespmem:v45+s14+$0x0], $0xffff;
	v40 =	vmul.f32 v49, v47;
	v47 =	vor.u32 $0x3, v12  }
0x740: {  	v45 =	vld.idx.msk [tilespmem:v45+s15+$0x0], $0xffff;
	v39 =	vmul.f32 v41, v25  }
0x741: {  	v28 =	vld.idx.msk [tilespmem:v37+s14+$0x0], $0xffff;
	v41 =	vmul.f32 v51, v50;
	v50 =	vmul.f32 v57, v58;
	v57 =	vor.u32 $0x7, v12  }
0x742: {  	v37 =	vld.idx.msk [tilespmem:v37+s15+$0x0], $0xffff  }
0x743: {  	v51 =	vld.idx.msk [tilespmem:v36+s15+$0x0], $0xffff  }
0x744: {  	v8 =	vor.u32 $0xB, v12;
	v13 =	vld.idx.msk [tilespmem:v47+s14+$0x0], $0xffff  }
0x745: {  	v3 =	vmul.f32 v3, v17;
	v15 =	vld.idx.msk [tilespmem:v47+s15+$0x0], $0xffff  }
0x746: {  	v17 =	vmul.f32 v22, v21;
	v21 =	vmul.f32 v33, v31;
	v31 =	vor.u32 $0x13, v12;
	v19 =	vld.idx.msk [tilespmem:v57+s14+$0x0], $0xffff  }
0x747: {  	v6 =	vmul.f32 v6, v18;
	v2 =	vmul.f32 v7, v2;
	v23 =	vadd.f32 v46, v23;
	v22 =	vld.idx.msk [tilespmem:v57+s15+$0x0], $0xffff  }
0x748: {  	v18 =	vor.u32 $0xF, v12;
	v28 =	vmul.f32 v37, v28;
	v25 =	vmul.f32 v55, v52  }
0x749: {  	v7 =	vld.idx.msk [tilespmem:v8+s15+$0x0], $0xffff;
	v52 =	vmul.f32 v60, v56;
	v60 =	vmul.f32 v45, v42;
	v23 =	vadd.f32 v51, v23  }
0x74a: {  	v27 =	vmul.f32 v34, v32;
	v58 =	vld.idx.msk [tilespmem:v8+s14+$0x0], $0xffff;
	v8 =	vmul.f32 v15, v13;
	v15 =	vadd.f32 $0.0e+00, v28  }
0x74b: {  	v13 =	vmul.f32 v29, v24;
	v2 =	vadd.f32 v2, v23;
	v23 =	vadd.f32 $0.0e+00, v60  }
0x74c: {  	v11 =	vmul.f32 v14, v11;
	v8 =	vadd.f32 $0.0e+00, v8;
	v19 =	vmul.f32 v22, v19  }
0x74d: {  	v24 =	vor.u32 $0x17, v12;
	v15 =	vadd.f32 v27, v15;
	v13 =	vadd.f32 v13, v23;
	v22 =	vld.idx.msk [tilespmem:v31+s14+$0x0], $0xffff  }
0x74e: {  	v8 =	vadd.f32 v19, v8;
	v19 =	vld.idx.msk [tilespmem:v31+s15+$0x0], $0xffff  }
0x74f: {  	v28 =	vld.idx.msk [tilespmem:v18+s14+$0x0], $0xffff;
	v15 =	vadd.f32 v20, v15;
	v20 =	vmul.f32 v61, v59;
	v11 =	vadd.f32 v11, v13  }
0x750: {  	v23 =	vld [tilespmem:$0x1F5F0]  }
0x751: {  	v11 =	vadd.f32 v20, v11;
	v20 =	vld [tilespmem:$0x1F600]  }
0x752: {  	v7 =	vmul.f32 v7, v58;
	v15 =	vadd.f32 v16, v15;
	v16 =	vld.idx.msk [tilespmem:v24+s15+$0x0], $0xffff  }
0x753: {  	v19 =	vmul.f32 v19, v22;
	v22 =	vld [tilespmem:$0x1F5E0]  }
0x754: {  	v7 =	vadd.f32 v7, v8;
	v8 =	vld.idx.msk [tilespmem:v24+s14+$0x0], $0xffff  }
0x755: {  	v18 =	vld.idx.msk [tilespmem:v18+s15+$0x0], $0xffff  }
0x756: {  	v20 =	vmul.f32 v48, v20  }
0x757: {  	v2 =	vadd.f32 v21, v2  }
0x758: {  	v3 =	vadd.f32 v3, v15;
	v11 =	vadd.f32 v20, v11;
	v22 =	vmul.f32 v23, v22  }
0x759: {  	v2 =	vadd.f32 v17, v2;
	v8 =	vmul.f32 v16, v8;
	v16 =	vld [tilespmem:$0x1F5D0]  }
0x75a: {  	v17 =	vmul.f32 v18, v28;
	v3 =	vadd.f32 v9, v3;
	v9 =	vadd.f32 v22, v11;
	v11 =	vld [tilespmem:$0x1F5C0];
	_ =	sdelay $0x1  }
0x75b: {  	v2 =	vadd.f32 v6, v2;
	v7 =	vadd.f32 v17, v7;
	_ =	sdelay $0x1  }
0x75c: {  	v2 =	vadd.f32 v10, v2;
	v7 =	vadd.f32 v19, v7  }
0x75d: {  	v11 =	vmul.f32 v16, v11  }
0x75e: {  	v2 =	vadd.f32 v5, v2;
	v5 =	vadd.f32 v8, v7;
	v8 =	vld [tilespmem:$0x1F5A0]  }
0x75f: {  	v3 =	vadd.f32 v4, v3;
	v4 =	vadd.f32 v11, v9;
	v9 =	vld [tilespmem:$0x1F5B0];
	_ =	sdelay $0x3  }
0x760: {  	v14 =	vor.u32 $0x1B, v12  }
0x761: {  	v8 =	vmul.f32 v9, v8  }
0x762: {  	v13 =	vor.u32 $0x1F, v12  }
0x763: {  	v0 =	vadd.f32 v0, v3;
	v3 =	vadd.f32 v8, v4;
	v4 =	vld [tilespmem:$0x1F580]  }
0x764: {  	v18 =	vor.u32 $0x23, v12;
	v8 =	vld [tilespmem:$0x1F590]  }
0x765: {  	v6 =	vld.idx.msk [tilespmem:v14+s14+$0x0], $0xffff  }
0x766: {  	v14 =	vld.idx.msk [tilespmem:v14+s15+$0x0], $0xffff  }
0x767: {  	v17 =	vor.u32 $0x27, v12;
	v15 =	vld.idx.msk [tilespmem:v13+s14+$0x0], $0xffff  }
0x768: {  	v21 =	vor.u32 $0x33, v12;
	v13 =	vld.idx.msk [tilespmem:v13+s15+$0x0], $0xffff  }
0x769: {  	v10 =	vld.idx.msk [tilespmem:v18+s15+$0x0], $0xffff;
	v20 =	vor.u32 $0x2F, v12;
	v12 =	vor.u32 $0x2B, v12;
	v4 =	vmul.f32 v8, v4  }
0x76a: {  	v11 =	vld [tilespmem:$0x1F570]  }
0x76b: {  	v3 =	vadd.f32 v4, v3;
	v4 =	vld [tilespmem:$0x1F560]  }
0x76c: {  	v6 =	vmul.f32 v14, v6;
	v7 =	vld.idx.msk [tilespmem:v17+s15+$0x0], $0xffff  }
0x76d: {  	v23 =	vld.idx.msk [tilespmem:v18+s14+$0x0], $0xffff  }
0x76e: {  	v1 =	vadd.f32 v1, v2;
	v2 =	vadd.f32 v6, v5;
	v6 =	vld.idx.msk [tilespmem:v12+s15+$0x0], $0xffff  }
0x76f: {  	v16 =	vld.idx.msk [tilespmem:v17+s14+$0x0], $0xffff  }
0x770: {  	v9 =	vld.idx.msk [tilespmem:v12+s14+$0x0], $0xffff;
	v4 =	vmul.f32 v11, v4  }
0x771: {  	v12 =	vld [tilespmem:$0x1F550]  }
0x772: {  	v5 =	vmul.f32 v13, v15;
	v3 =	vadd.f32 v4, v3;
	v4 =	vld [tilespmem:$0x1F540];
	_ =	sdelay $0x1  }
0x773: {  	v2 =	vadd.f32 v5, v2;
	v5 =	vmul.f32 v10, v23;
	_ =	sdelay $0x1  }
0x774: {  	v2 =	vadd.f32 v5, v2;
	v5 =	vmul.f32 v7, v16  }
0x775: {  	v10 =	vld.idx.msk [tilespmem:v20+s15+$0x0], $0xffff;
	v4 =	vmul.f32 v12, v4  }
0x776: {  	v2 =	vadd.f32 v5, v2;
	v5 =	vmul.f32 v6, v9;
	v9 =	vld [tilespmem:$0x1F530]  }
0x777: {  	v3 =	vadd.f32 v4, v3;
	v4 =	vld [tilespmem:$0x1F520]  }
0x778: {  	v8 =	vld.idx.msk [tilespmem:v20+s14+$0x0], $0xffff;
	_ =	sdelay $0x3  }
0x779: {  	v7 =	vld.idx.msk [tilespmem:v21+s15+$0x0], $0xffff;
	v4 =	vmul.f32 v9, v4  }
0x77a: {  	v2 =	vadd.f32 v5, v2;
	v5 =	vmul.f32 v10, v8;
	v10 =	vld [tilespmem:$0x1F4F0]  }
0x77b: {  	v3 =	vadd.f32 v4, v3;
	v4 =	vld [tilespmem:$0x1F4E0]  }
0x77c: {  	v11 =	vld.idx.msk [tilespmem:v21+s14+$0x0], $0xffff  }
0x77d: {  	v6 =	vld.idx.msk [tilespmem:v35+s15+$0x0], $0xffff  }
0x77e: {  	v49 =	vmul.f32 v54, v53;
	v0 =	vadd.f32 v52, v0;
	v12 =	vld.idx.msk [tilespmem:v35+s14+$0x0], $0xffff;
	_ =	sdelay $0x1  }
0x77f: {  	v0 =	vadd.f32 v49, v0;
	v4 =	vmul.f32 v10, v4  }
0x780: {  	v2 =	vadd.f32 v5, v2;
	v5 =	vmul.f32 v7, v11;
	v11 =	vld [tilespmem:$0x1F490]  }
0x781: {  	v0 =	vadd.f32 v41, v0;
	v3 =	vadd.f32 v4, v3;
	v4 =	vld [tilespmem:$0x1F480]  }
0x782: {  	v2 =	vadd.f32 v5, v2;
	v5 =	vmul.f32 v6, v12;
	v6 =	vld [tilespmem:$0x1ED20]  }
0x783: {  	v0 =	vadd.f32 v38, v0  }
0x784: {  	v63 =	vmul.f32 v63, v62  }
0x785: {  	v0 =	vadd.f32 v43, v0  }
0x786: {  	v1 =	vadd.f32 v63, v1;
	v4 =	vmul.f32 v11, v4  }
0x787: {  	v0 =	vadd.f32 v6, v0;
	v6 =	vld [tilespmem:$0x1F460]  }
0x788: {  	v1 =	vadd.f32 v50, v1;
	v3 =	vadd.f32 v4, v3;
	v4 =	vld [tilespmem:$0x1F450];
	_ =	sdelay $0x1  }
0x789: {  	v1 =	vadd.f32 v25, v1;
	_ =	sdelay $0x1  }
0x78a: {  	v1 =	vadd.f32 v40, v1  }
0x78b: {  	v4 =	vmul.f32 v6, v4;
	v6 =	vld [tilespmem:$0x1ED30]  }
0x78c: {  	v1 =	vadd.f32 v39, v1;
	_ =	sdelay $0x1  }
0x78d: {  	v1 =	vadd.f32 v30, v1;
	_ =	sdelay $0x1  }
0x78e: {  	v1 =	vadd.f32 v6, v1;
	v6 =	vld [tilespmem:$0x1ED40];
	_ =	sdelay $0x3  }
0x78f: {  	v3 =	vadd.f32 v4, v3;
	v4 =	vld [tilespmem:$0x1F430]  }
0x790: {  	v0 =	vadd.f32 v6, v0;
	v6 =	vld [tilespmem:$0x1F440];
	_ =	sdelay $0x2  }
0x791: {  	v8 =	vld.idx.msk [tilespmem:v26+s15+$0x0], $0xffff  }
0x792: {  	v9 =	vld.idx.msk [tilespmem:v26+s14+$0x0], $0xffff  }
0x793: {  	v4 =	vmul.f32 v6, v4;
	v6 =	vld [tilespmem:$0x1ED50]  }
0x794: {  	v7 =	vld.idx.msk [tilespmem:v44+s15+$0x0], $0xffff  }
0x795: {  	v10 =	vld.idx.msk [tilespmem:v44+s14+$0x0], $0xffff;
	_ =	sdelay $0x1  }
0x796: {  	v3 =	vadd.f32 v4, v3;
	v4 =	vld [tilespmem:$0x1F610]  }
0x797: {  	v2 =	vadd.f32 v5, v2;
	v5 =	vmul.f32 v8, v9;
	v1 =	vadd.f32 v6, v1;
	v6 =	vld [tilespmem:$0x1F620];
	_ =	sdelay $0x1  }
0x798: {  	v2 =	vadd.f32 v5, v2;
	v5 =	vmul.f32 v7, v10;
	_ =	sdelay $0x1  }
0x799: {  	v2 =	vadd.f32 v5, v2  }
0x79a: {  	v1 =	vadd.f32 v4, v1;
	v0 =	vadd.f32 v6, v0;
	_ =	sdelay $0x1  }
0x79b: {  	v0 =	vadd.f32 v0, v1;
	v1 =	vadd.f32 v2, v3;
	_ =	sdelay $0x1  }
0x79c: {  	v0 =	vadd.f32 v1, v0  }
0x79d: {  	s28 =	sadd.s32 $0x10, s28  }
0x79e: {  	s29 =	simm.s32 $0x0;
	[tilespmem:s28+$0x0] =	vst v0  }
0x79f: {  	v1 =	vmov s29;
	_ =	swait.ge [sflag:s22], $0x4000  }
0x7a0: {  	v0 =	vshll.u32 v1, $0x7;
	v1 =	vld [tilespmem:$0x1FFF0];
	_ =	sdelay $0x4  }
0x7a1: {  	v10 =	vor.u32 v1, v0  }
0x7a2: {  	[sflag:s22] =	ssyncset.done $0x0;
	v0 =	vor.u32 $0x3C, v10  }
0x7a3: {  	[sflag:s22] =	ssyncadd.s32 $0xFFFFC000  }
0x7a4: {  	_ =	swait.ge [sflag:s22], $0x4000  }
0x7a5: {  	[sflag:s22] =	ssyncset.done $0x0  }
0x7a6: {  	[sflag:s22] =	ssyncadd.s32 $0xFFFFC000  }
0x7a7: {  	v2 =	vld.idx.msk [tilespmem:v0+s16+$0x0], $0xffff  }
0x7a8: {  	v1 =	vor.u32 $0x3D, v10;
	v0 =	vld.idx.msk [tilespmem:v0+s18+$0x0], $0xffff;
	_ =	sdelay $0x4  }
0x7a9: {  	[tilespmem:$0x1ED70] =	vst v0;
	v0 =	vld.idx.msk [tilespmem:v1+s16+$0x0], $0xffff  }
0x7aa: {  	v3 =	vor.u32 $0x3E, v10;
	v1 =	vld.idx.msk [tilespmem:v1+s18+$0x0], $0xffff;
	_ =	sdelay $0x4  }
0x7ab: {  	[tilespmem:$0x1ED90] =	vst v1;
	v1 =	vld.idx.msk [tilespmem:v3+s16+$0x0], $0xffff;
	_ =	sdelay $0x2  }
0x7ac: {  	[tilespmem:$0x1ED80] =	vst v0;
	v0 =	vor.u32 $0x39, v10;
	_ =	sdelay $0x1  }
0x7ad: {  	[tilespmem:$0x1EF00] =	vst v1;
	v1 =	vor.u32 $0x3A, v10;
	_ =	sdelay $0x1  }
0x7ae: {  	[tilespmem:$0x1ED60] =	vst v2;
	v2 =	vld.idx.msk [tilespmem:v3+s18+$0x0], $0xffff  }
0x7af: {  	v25 =	vld.idx.msk [tilespmem:v0+s16+$0x0], $0xffff  }
0x7b0: {  	v26 =	vld.idx.msk [tilespmem:v0+s18+$0x0], $0xffff  }
0x7b1: {  	v4 =	vor.u32 $0x38, v10;
	v0 =	vld.idx.msk [tilespmem:v1+s16+$0x0], $0xffff;
	_ =	sdelay $0x1  }
0x7b2: {  	v1 =	vld.idx.msk [tilespmem:v1+s18+$0x0], $0xffff;
	_ =	sdelay $0x1  }
0x7b3: {  	[tilespmem:$0x1EF10] =	vst v2  }
0x7b4: {  	v2 =	vld.idx.msk [tilespmem:v4+s16+$0x0], $0xffff;
	[tilespmem:$0x1EEC0] =	vst v0;
	v0 =	vor.u32 $0x36, v10;
	_ =	sdelay $0x1  }
0x7b5: {  	[tilespmem:$0x1EED0] =	vst v1;
	v1 =	vor.u32 $0x30, v10;
	_ =	sdelay $0x2  }
0x7b6: {  	[tilespmem:$0x1EDA0] =	vst v2;
	v2 =	vld.idx.msk [tilespmem:v0+s16+$0x0], $0xffff  }
0x7b7: {  	v0 =	vld.idx.msk [tilespmem:v0+s18+$0x0], $0xffff  }
0x7b8: {  	v33 =	vld.idx.msk [tilespmem:v1+s16+$0x0], $0xffff  }
0x7b9: {  	v34 =	vld.idx.msk [tilespmem:v1+s18+$0x0], $0xffff;
	v1 =	vor.u32 $0x2D, v10;
	_ =	sdelay $0x1  }
0x7ba: {  	v12 =	vor.u32 $0x2E, v10;
	_ =	sdelay $0x1  }
0x7bb: {  	[tilespmem:$0x1EEB0] =	vst v0;
	v0 =	vor.u32 $0x2C, v10  }
0x7bc: {  	v39 =	vld.idx.msk [tilespmem:v1+s16+$0x0], $0xffff  }
0x7bd: {  	v40 =	vld.idx.msk [tilespmem:v1+s18+$0x0], $0xffff  }
0x7be: {  	v1 =	vld.idx.msk [tilespmem:v12+s16+$0x0], $0xffff;
	_ =	sdelay $0x1  }
0x7bf: {  	v37 =	vld.idx.msk [tilespmem:v0+s16+$0x0], $0xffff  }
0x7c0: {  	v38 =	vld.idx.msk [tilespmem:v0+s18+$0x0], $0xffff;
	v0 =	vor.u32 $0x29, v10;
	_ =	sdelay $0x1  }
0x7c1: {  	[tilespmem:$0x1EE60] =	vst v1;
	v1 =	vor.u32 $0x2A, v10;
	_ =	sdelay $0x1  }
0x7c2: {  	v6 =	vor.u32 $0x34, v10  }
0x7c3: {  	v43 =	vld.idx.msk [tilespmem:v0+s16+$0x0], $0xffff  }
0x7c4: {  	v7 =	vor.u32 $0x35, v10;
	v44 =	vld.idx.msk [tilespmem:v0+s18+$0x0], $0xffff  }
0x7c5: {  	v0 =	vld.idx.msk [tilespmem:v1+s16+$0x0], $0xffff  }
0x7c6: {  	v24 =	vld.idx.msk [tilespmem:v4+s18+$0x0], $0xffff  }
0x7c7: {  	v8 =	vor.u32 $0x31, v10;
	v29 =	vld.idx.msk [tilespmem:v6+s16+$0x0], $0xffff  }
0x7c8: {  	v30 =	vld.idx.msk [tilespmem:v6+s18+$0x0], $0xffff  }
0x7c9: {  	v13 =	vor.u32 $0x28, v10;
	v31 =	vld.idx.msk [tilespmem:v7+s16+$0x0], $0xffff  }
0x7ca: {  	v16 =	vor.u32 $0x26, v10;
	[tilespmem:$0x1EE40] =	vst v0;
	v0 =	vld.idx.msk [tilespmem:v1+s18+$0x0], $0xffff  }
0x7cb: {  	v32 =	vld.idx.msk [tilespmem:v7+s18+$0x0], $0xffff  }
0x7cc: {  	v14 =	vor.u32 $0x24, v10;
	v35 =	vld.idx.msk [tilespmem:v8+s16+$0x0], $0xffff  }
0x7cd: {  	v36 =	vld.idx.msk [tilespmem:v8+s18+$0x0], $0xffff  }
0x7ce: {  	v9 =	vor.u32 $0x32, v10;
	v41 =	vld.idx.msk [tilespmem:v13+s16+$0x0], $0xffff  }
0x7cf: {  	[tilespmem:$0x1EE50] =	vst v0;
	v0 =	vld.idx.msk [tilespmem:v16+s16+$0x0], $0xffff  }
0x7d0: {  	v18 =	vor.u32 $0x20, v10;
	v42 =	vld.idx.msk [tilespmem:v13+s18+$0x0], $0xffff  }
0x7d1: {  	v45 =	vld.idx.msk [tilespmem:v14+s16+$0x0], $0xffff  }
0x7d2: {  	v21 =	vor.u32 $0x21, v10;
	v46 =	vld.idx.msk [tilespmem:v14+s18+$0x0], $0xffff  }
0x7d3: {  	[tilespmem:$0x1EEA0] =	vst v2;
	v2 =	vld.idx.msk [tilespmem:v9+s16+$0x0], $0xffff  }
0x7d4: {  	v23 =	vor.u32 $0x22, v10;
	[tilespmem:$0x1EE20] =	vst v0;
	v0 =	vld.idx.msk [tilespmem:v16+s18+$0x0], $0xffff  }
0x7d5: {  	v49 =	vld.idx.msk [tilespmem:v18+s16+$0x0], $0xffff  }
0x7d6: {  	v27 =	vor.u32 $0x1C, v10;
	v50 =	vld.idx.msk [tilespmem:v18+s18+$0x0], $0xffff  }
0x7d7: {  	v51 =	vld.idx.msk [tilespmem:v21+s16+$0x0], $0xffff  }
0x7d8: {  	[tilespmem:$0x1EE80] =	vst v2;
	v2 =	vld.idx.msk [tilespmem:v9+s18+$0x0], $0xffff  }
0x7d9: {  	[tilespmem:$0x1EE30] =	vst v0;
	v0 =	vld.idx.msk [tilespmem:v23+s16+$0x0], $0xffff  }
0x7da: {  	v28 =	vor.u32 $0x1D, v10;
	v52 =	vld.idx.msk [tilespmem:v21+s18+$0x0], $0xffff  }
0x7db: {  	v54 =	vld.idx.msk [tilespmem:v27+s16+$0x0], $0xffff  }
0x7dc: {  	v63 =	vor.u32 $0x18, v10;
	v56 =	vld.idx.msk [tilespmem:v27+s18+$0x0], $0xffff  }
0x7dd: {  	[tilespmem:$0x1EE90] =	vst v2;
	v2 =	vld.idx.msk [tilespmem:v12+s18+$0x0], $0xffff  }
0x7de: {  	v62 =	vor.u32 $0x1E, v10;
	[tilespmem:$0x1EE00] =	vst v0;
	v0 =	vld.idx.msk [tilespmem:v23+s18+$0x0], $0xffff  }
0x7df: {  	v61 =	vor.u32 $0x15, v10;
	v57 =	vld.idx.msk [tilespmem:v28+s16+$0x0], $0xffff  }
0x7e0: {  	v13 =	vor.u32 $0x25, v10;
	v58 =	vld.idx.msk [tilespmem:v28+s18+$0x0], $0xffff  }
0x7e1: {  	v53 =	vld.idx.msk [tilespmem:v63+s16+$0x0], $0xffff  }
0x7e2: {  	v55 =	vld.idx.msk [tilespmem:v63+s18+$0x0], $0xffff;
	[tilespmem:$0x1EE70] =	vst v2;
	v2 =	vor.u32 $0xC, v10  }
0x7e3: {  	[tilespmem:$0x1EE10] =	vst v0;
	v0 =	vld.idx.msk [tilespmem:v62+s16+$0x0], $0xffff  }
0x7e4: {  	v20 =	vld.idx.msk [tilespmem:v61+s16+$0x0], $0xffff  }
0x7e5: {  	v27 =	vor.u32 $0x19, v10;
	v47 =	vld.idx.msk [tilespmem:v13+s16+$0x0], $0xffff  }
0x7e6: {  	v48 =	vld.idx.msk [tilespmem:v13+s18+$0x0], $0xffff  }
0x7e7: {  	v1 =	vor.u32 $0x12, v10;
	v15 =	vld.idx.msk [tilespmem:v2+s18+$0x0], $0xffff  }
0x7e8: {  	v28 =	vor.u32 $0x1A, v10;
	[tilespmem:$0x1EDE0] =	vst v0;
	v0 =	vld.idx.msk [tilespmem:v62+s18+$0x0], $0xffff  }
0x7e9: {  	v16 =	vld.idx.msk [tilespmem:v2+s16+$0x0], $0xffff;
	v2 =	vor.u32 $0x9, v10  }
0x7ea: {  	v60 =	vld.idx.msk [tilespmem:v27+s16+$0x0], $0xffff  }
0x7eb: {  	v13 =	vld [tilespmem:$0x1ED60]  }
0x7ec: {  	v3 =	vld.idx.msk [tilespmem:v1+s16+$0x0], $0xffff  }
0x7ed: {  	[tilespmem:$0x1EDF0] =	vst v0;
	v0 =	vld.idx.msk [tilespmem:v28+s16+$0x0], $0xffff  }
0x7ee: {  	v8 =	vld.idx.msk [tilespmem:v2+s16+$0x0], $0xffff  }
0x7ef: {  	v7 =	vld.idx.msk [tilespmem:v2+s18+$0x0], $0xffff  }
0x7f0: {  	v63 =	vor.u32 $0x10, v10;
	v62 =	vld.idx.msk [tilespmem:v27+s18+$0x0], $0xffff  }
0x7f1: {  	v27 =	vld.idx.msk [tilespmem:v1+s18+$0x0], $0xffff  }
0x7f2: {  	v2 =	vor.u32 $0x5, v10;
	[tilespmem:$0x1EDC0] =	vst v0;
	v0 =	vld.idx.msk [tilespmem:v28+s18+$0x0], $0xffff  }
0x7f3: {  	v1 =	vor.u32 $0x8, v10;
	v28 =	vld [tilespmem:$0x1ED70]  }
0x7f4: {  	v61 =	vld.idx.msk [tilespmem:v61+s18+$0x0], $0xffff  }
0x7f5: {  	v19 =	vld.idx.msk [tilespmem:v63+s16+$0x0], $0xffff  }
0x7f6: {  	v63 =	vld.idx.msk [tilespmem:v63+s18+$0x0], $0xffff  }
0x7f7: {  	v4 =	vld.idx.msk [tilespmem:v2+s16+$0x0], $0xffff;
	[tilespmem:$0x1EDD0] =	vst v0;
	v0 =	vor.u32 $0x11, v10  }
0x7f8: {  	v11 =	vld.idx.msk [tilespmem:v1+s16+$0x0], $0xffff;
	v13 =	vmul.f32 v28, v13  }
0x7f9: {  	v28 =	vld [tilespmem:$0x1ED90]  }
0x7fa: {  	[tilespmem:$0x1EF40] =	vst v13;
	v13 =	vld [tilespmem:$0x1ED80]  }
0x7fb: {  	v9 =	vld.idx.msk [tilespmem:v1+s18+$0x0], $0xffff;
	v1 =	vor.u32 $0x4, v10  }
0x7fc: {  	v18 =	vld.idx.msk [tilespmem:v0+s16+$0x0], $0xffff  }
0x7fd: {  	v17 =	vld.idx.msk [tilespmem:v0+s18+$0x0], $0xffff;
	v0 =	vor.u32 $0xD, v10  }
0x7fe: {  	[tilespmem:$0x1EDB0] =	vst v3;
	v3 =	vld.idx.msk [tilespmem:v2+s18+$0x0], $0xffff  }
0x7ff: {  	v13 =	vmul.f32 v28, v13;
	v28 =	vld [tilespmem:$0x1EDA0]  }
0x800: {  	v6 =	vld.idx.msk [tilespmem:v1+s16+$0x0], $0xffff  }
0x801: {  	v5 =	vld.idx.msk [tilespmem:v1+s18+$0x0], $0xffff;
	v1 =	vor.u32 $0x1, v10  }
0x802: {  	v14 =	vld.idx.msk [tilespmem:v0+s16+$0x0], $0xffff  }
0x803: {  	v12 =	vld.idx.msk [tilespmem:v0+s18+$0x0], $0xffff;
	v0 =	vor.u32 $0xA, v10  }
0x804: {  	v20 =	vmul.f32 v61, v20;
	v61 =	vld.idx.msk [tilespmem:v10+s16+$0x0], $0xffff;
	v24 =	vmul.f32 v24, v28  }
0x805: {  	v3 =	vmul.f32 v3, v4;
	v4 =	vld [tilespmem:$0x1FC40];
	v17 =	vmul.f32 v17, v18;
	v18 =	vor.u32 $0xE, v10  }
0x806: {  	v2 =	vor.u32 $0x2, v10;
	[tilespmem:$0x1EF20] =	vst v24;
	v24 =	vmul.f32 v26, v25;
	v26 =	vld.idx.msk [tilespmem:v1+s16+$0x0], $0xffff  }
0x807: {  	v1 =	vld.idx.msk [tilespmem:v1+s18+$0x0], $0xffff  }
0x808: {  	v35 =	vmul.f32 v36, v35;
	v36 =	vor.u32 $0x3, v10;
	v23 =	vld.idx.msk [tilespmem:v0+s16+$0x0], $0xffff  }
0x809: {  	v22 =	vld.idx.msk [tilespmem:v0+s18+$0x0], $0xffff  }
0x80a: {  	v19 =	vmul.f32 v63, v19;
	v63 =	vld.idx.msk [tilespmem:v18+s16+$0x0], $0xffff;
	[tilespmem:$0x1EEF0] =	vst v24;
	v24 =	vmul.f32 v30, v29  }
0x80b: {  	v25 =	vor.u32 $0x40, v10;
	v29 =	vmul.f32 v38, v37;
	v37 =	vld.idx.msk [tilespmem:v2+s16+$0x0], $0xffff  }
0x80c: {  	v2 =	vld.idx.msk [tilespmem:v2+s18+$0x0], $0xffff;
	[tilespmem:$0x1EEE0] =	vst v24;
	v24 =	vmul.f32 v32, v31;
	v31 =	vmul.f32 v42, v41  }
0x80d: {  	v0 =	vor.u32 $0x6, v10;
	v41 =	vmul.f32 v52, v51;
	v52 =	vmul.f32 v56, v54;
	v56 =	vld.idx.msk [tilespmem:v36+s16+$0x0], $0xffff  }
0x80e: {  	v36 =	vld.idx.msk [tilespmem:v36+s18+$0x0], $0xffff  }
0x80f: {  	v42 =	vor.u32 $0x7, v10;
	v54 =	vmul.f32 v58, v57;
	v58 =	vmul.f32 v62, v60;
	v62 =	vld.idx.msk [tilespmem:v10+s18+$0x0], $0xffff  }
0x810: {  	v30 =	vmul.f32 v40, v39;
	v39 =	vld.idx.msk [tilespmem:v25+s18+$0x0], $0xffff  }
0x811: {  	v60 =	vor.u32 $0xB, v10;
	v25 =	vld.idx.msk [tilespmem:v25+s16+$0x0], $0xffff  }
0x812: {  	[tilespmem:$0x1EF30] =	vst v13;
	v13 =	vld.idx.msk [tilespmem:v0+s16+$0x0], $0xffff  }
0x813: {  	v9 =	vmul.f32 v9, v11;
	v11 =	vor.u32 $0xF, v10;
	v0 =	vld.idx.msk [tilespmem:v0+s18+$0x0], $0xffff  }
0x814: {  	v12 =	vmul.f32 v12, v14;
	v1 =	vmul.f32 v1, v26;
	v14 =	vld.idx.msk [tilespmem:v42+s16+$0x0], $0xffff  }
0x815: {  	v7 =	vmul.f32 v7, v8;
	v2 =	vmul.f32 v2, v37;
	v8 =	vld.idx.msk [tilespmem:v42+s18+$0x0], $0xffff  }
0x816: {  	v15 =	vmul.f32 v15, v16;
	v5 =	vmul.f32 v5, v6;
	v1 =	vadd.f32 $0.0e+00, v1;
	v6 =	vld.idx.msk [tilespmem:v60+s16+$0x0], $0xffff  }
0x817: {  	v16 =	vld.idx.msk [tilespmem:v60+s18+$0x0], $0xffff;
	v42 =	vor.u32 $0x13, v10;
	v2 =	vadd.f32 $0.0e+00, v2;
	v4 =	vadd.f32 v25, v4  }
0x818: {  	v1 =	vadd.f32 v3, v1;
	v3 =	vld.idx.msk [tilespmem:v11+s18+$0x0], $0xffff;
	v25 =	vor.u32 $0x16, v10;
	v0 =	vmul.f32 v0, v13  }
0x819: {  	v26 =	vmul.f32 v62, v61;
	v13 =	vld.idx.msk [tilespmem:v18+s18+$0x0], $0xffff;
	v4 =	vadd.f32 v39, v4  }
0x81a: {  	v36 =	vmul.f32 v36, v56;
	v0 =	vadd.f32 v0, v2;
	v2 =	vmul.f32 v22, v23;
	v22 =	vld [tilespmem:$0x1EDB0]  }
0x81b: {  	v18 =	vor.u32 $0x17, v10;
	v4 =	vadd.f32 v26, v4;
	v8 =	vmul.f32 v8, v14;
	v14 =	vld.idx.msk [tilespmem:v11+s16+$0x0], $0xffff  }
0x81c: {  	v6 =	vmul.f32 v16, v6;
	v16 =	vld.idx.msk [tilespmem:v42+s16+$0x0], $0xffff  }
0x81d: {  	v11 =	vadd.f32 $0.0e+00, v36;
	v4 =	vadd.f32 v5, v4;
	v5 =	vld.idx.msk [tilespmem:v25+s16+$0x0], $0xffff  }
0x81e: {  	v0 =	vadd.f32 v2, v0;
	v2 =	vmul.f32 v13, v63;
	v13 =	vld.idx.msk [tilespmem:v25+s18+$0x0], $0xffff  }
0x81f: {  	v1 =	vadd.f32 v7, v1;
	v7 =	vld.idx.msk [tilespmem:v42+s18+$0x0], $0xffff;
	v8 =	vadd.f32 v8, v11;
	v11 =	vor.u32 $0x1B, v10  }
0x820: {  	v3 =	vmul.f32 v3, v14;
	v14 =	vld.idx.msk [tilespmem:v18+s16+$0x0], $0xffff  }
0x821: {  	v0 =	vadd.f32 v2, v0;
	v22 =	vmul.f32 v27, v22;
	v18 =	vld.idx.msk [tilespmem:v18+s18+$0x0], $0xffff  }
0x822: {  	v4 =	vadd.f32 v9, v4;
	v6 =	vadd.f32 v6, v8  }
0x823: {  	v0 =	vadd.f32 v22, v0;
	v5 =	vmul.f32 v13, v5  }
0x824: {  	v7 =	vmul.f32 v7, v16;
	v4 =	vadd.f32 v15, v4;
	v15 =	vld.idx.msk [tilespmem:v11+s16+$0x0], $0xffff;
	v3 =	vadd.f32 v3, v6  }
0x825: {  	v9 =	vor.u32 $0x1F, v10;
	v0 =	vadd.f32 v5, v0;
	v5 =	vld [tilespmem:$0x1EDC0]  }
0x826: {  	v3 =	vadd.f32 v7, v3;
	v7 =	vmul.f32 v18, v14;
	v14 =	vld [tilespmem:$0x1EDD0]  }
0x827: {  	v1 =	vadd.f32 v12, v1;
	v11 =	vld.idx.msk [tilespmem:v11+s18+$0x0], $0xffff  }
0x828: {  	v59 =	vor.u32 $0x14, v10  }
0x829: {  	v12 =	vor.u32 $0x3F, v10;
	v23 =	vor.u32 $0x37, v10;
	v1 =	vadd.f32 v17, v1  }
0x82a: {  	v8 =	vor.u32 $0x3B, v10;
	v2 =	vor.u32 $0x23, v10;
	v16 =	vor.u32 $0x33, v10;
	v17 =	vld.idx.msk [tilespmem:v9+s16+$0x0], $0xffff  }
0x82b: {  	v22 =	vor.u32 $0x2F, v10;
	v6 =	vor.u32 $0x27, v10;
	v9 =	vld.idx.msk [tilespmem:v9+s18+$0x0], $0xffff;
	v5 =	vmul.f32 v14, v5  }
0x82c: {  	v10 =	vor.u32 $0x2B, v10;
	v3 =	vadd.f32 v7, v3;
	v7 =	vmul.f32 v11, v15;
	v11 =	vld [tilespmem:$0x1EDF0]  }
0x82d: {  	v0 =	vadd.f32 v5, v0;
	v5 =	vld [tilespmem:$0x1EDE0];
	_ =	sdelay $0x1  }
0x82e: {  	v13 =	vld.idx.msk [tilespmem:v2+s16+$0x0], $0xffff  }
0x82f: {  	v2 =	vld.idx.msk [tilespmem:v2+s18+$0x0], $0xffff  }
0x830: {  	v3 =	vadd.f32 v7, v3;
	v7 =	vmul.f32 v9, v17;
	v9 =	vld.idx.msk [tilespmem:v10+s18+$0x0], $0xffff  }
0x831: {  	v5 =	vmul.f32 v11, v5;
	v11 =	vld.idx.msk [tilespmem:v10+s16+$0x0], $0xffff  }
0x832: {  	v10 =	vld [tilespmem:$0x1EE10]  }
0x833: {  	v0 =	vadd.f32 v5, v0;
	v5 =	vld [tilespmem:$0x1EE00];
	_ =	sdelay $0x4  }
0x834: {  	v2 =	vmul.f32 v2, v13;
	v13 =	vld [tilespmem:$0x1EE30];
	v5 =	vmul.f32 v10, v5  }
0x835: {  	v14 =	vld.idx.msk [tilespmem:v6+s16+$0x0], $0xffff  }
0x836: {  	v0 =	vadd.f32 v5, v0;
	v5 =	vld [tilespmem:$0x1EE20]  }
0x837: {  	v6 =	vld.idx.msk [tilespmem:v6+s18+$0x0], $0xffff;
	_ =	sdelay $0x2  }
0x838: {  	v3 =	vadd.f32 v7, v3  }
0x839: {  	v5 =	vmul.f32 v13, v5  }
0x83a: {  	v2 =	vadd.f32 v2, v3;
	v3 =	vmul.f32 v6, v14;
	v14 =	vld [tilespmem:$0x1EE50]  }
0x83b: {  	v0 =	vadd.f32 v5, v0;
	v5 =	vld [tilespmem:$0x1EE40];
	_ =	sdelay $0x3  }
0x83c: {  	v7 =	vld.idx.msk [tilespmem:v22+s18+$0x0], $0xffff  }
0x83d: {  	v2 =	vadd.f32 v3, v2;
	v3 =	vmul.f32 v9, v11;
	v11 =	vld [tilespmem:$0x1EE70];
	v5 =	vmul.f32 v14, v5  }
0x83e: {  	v10 =	vld.idx.msk [tilespmem:v22+s16+$0x0], $0xffff  }
0x83f: {  	v0 =	vadd.f32 v5, v0;
	v5 =	vld [tilespmem:$0x1EE60];
	_ =	sdelay $0x3  }
0x840: {  	v2 =	vadd.f32 v3, v2;
	v3 =	vmul.f32 v7, v10;
	v7 =	vld.idx.msk [tilespmem:v8+s18+$0x0], $0xffff  }
0x841: {  	v5 =	vmul.f32 v11, v5;
	v11 =	vld.idx.msk [tilespmem:v8+s16+$0x0], $0xffff  }
0x842: {  	v8 =	vld [tilespmem:$0x1EE90]  }
0x843: {  	v0 =	vadd.f32 v5, v0;
	v5 =	vld [tilespmem:$0x1EE80]  }
0x844: {  	v21 =	vld.idx.msk [tilespmem:v59+s16+$0x0], $0xffff  }
0x845: {  	v59 =	vld.idx.msk [tilespmem:v59+s18+$0x0], $0xffff;
	v1 =	vadd.f32 v20, v1  }
0x846: {  	v6 =	vld.idx.msk [tilespmem:v16+s18+$0x0], $0xffff  }
0x847: {  	v1 =	vadd.f32 v58, v1;
	v9 =	vld.idx.msk [tilespmem:v23+s18+$0x0], $0xffff  }
0x848: {  	v10 =	vld [tilespmem:$0x1EEB0];
	v5 =	vmul.f32 v8, v5  }
0x849: {  	v1 =	vadd.f32 v54, v1;
	v13 =	vld.idx.msk [tilespmem:v16+s16+$0x0], $0xffff  }
0x84a: {  	v0 =	vadd.f32 v5, v0;
	v5 =	vld [tilespmem:$0x1EEA0]  }
0x84b: {  	v38 =	vmul.f32 v48, v47;
	v1 =	vadd.f32 v41, v1;
	v14 =	vld.idx.msk [tilespmem:v23+s16+$0x0], $0xffff;
	_ =	sdelay $0x1  }
0x84c: {  	v21 =	vmul.f32 v59, v21;
	v32 =	vmul.f32 v44, v43;
	v1 =	vadd.f32 v38, v1  }
0x84d: {  	v4 =	vadd.f32 v19, v4;
	v2 =	vadd.f32 v3, v2;
	v3 =	vmul.f32 v6, v13  }
0x84e: {  	v57 =	vmul.f32 v55, v53;
	v1 =	vadd.f32 v32, v1;
	v5 =	vmul.f32 v10, v5  }
0x84f: {  	v4 =	vadd.f32 v21, v4;
	v2 =	vadd.f32 v3, v2;
	v3 =	vmul.f32 v9, v14;
	v9 =	vld [tilespmem:$0x1EED0]  }
0x850: {  	v1 =	vadd.f32 v30, v1;
	v0 =	vadd.f32 v5, v0;
	v5 =	vld [tilespmem:$0x1EEC0]  }
0x851: {  	v4 =	vadd.f32 v57, v4;
	v2 =	vadd.f32 v3, v2;
	v3 =	vmul.f32 v7, v11;
	v7 =	vld [tilespmem:$0x1EEF0]  }
0x852: {  	v1 =	vadd.f32 v35, v1  }
0x853: {  	v40 =	vmul.f32 v50, v49;
	v4 =	vadd.f32 v52, v4  }
0x854: {  	v34 =	vmul.f32 v34, v33;
	v1 =	vadd.f32 v24, v1  }
0x855: {  	v33 =	vmul.f32 v46, v45;
	v4 =	vadd.f32 v40, v4;
	v5 =	vmul.f32 v9, v5  }
0x856: {  	v1 =	vadd.f32 v7, v1;
	v7 =	vld [tilespmem:$0x1EF10]  }
0x857: {  	v4 =	vadd.f32 v33, v4;
	v0 =	vadd.f32 v5, v0;
	v5 =	vld [tilespmem:$0x1EF00]  }
0x858: {  	v6 =	vld.idx.msk [tilespmem:v12+s18+$0x0], $0xffff  }
0x859: {  	v4 =	vadd.f32 v31, v4;
	v8 =	vld.idx.msk [tilespmem:v12+s16+$0x0], $0xffff  }
0x85a: {  	v9 =	vld [tilespmem:$0x1EEE0]  }
0x85b: {  	v4 =	vadd.f32 v29, v4  }
0x85c: {  	v5 =	vmul.f32 v7, v5;
	v7 =	vld [tilespmem:$0x1EF20]  }
0x85d: {  	v4 =	vadd.f32 v34, v4  }
0x85e: {  	s28 =	simm.s32 $0x10;
	v2 =	vadd.f32 v3, v2  }
0x85f: {  	v3 =	vmul.f32 v6, v8;
	v6 =	vmov s28;
	v4 =	vadd.f32 v9, v4  }
0x860: {  	v0 =	vadd.f32 v5, v0;
	v5 =	vshll.u32 v6, $0x7;
	v6 =	vld [tilespmem:$0x1EF40]  }
0x861: {  	v4 =	vadd.f32 v7, v4;
	v7 =	vld [tilespmem:$0x1EF30]  }
0x862: {  	v2 =	vadd.f32 v3, v2;
	v3 =	vld [tilespmem:$0x1FFF0];
	_ =	sdelay $0x3  }
0x863: {  	v4 =	vadd.f32 v6, v4;
	v1 =	vadd.f32 v7, v1  }
0x864: {  	v11 =	vor.u32 v3, v5  }
0x865: {  	v0 =	vadd.f32 v2, v0;
	v2 =	vor.u32 $0x3D, v11;
	v1 =	vadd.f32 v1, v4;
	_ =	sdelay $0x1  }
0x866: {  	v0 =	vadd.f32 v0, v1;
	v1 =	vor.u32 $0x3E, v11  }
0x867: {  	s28 =	simm.s32 $0x10600  }
0x868: {  	v3 =	vor.u32 $0x3C, v11;
	[tilespmem:s28+$0x0] =	vst v0  }
0x869: {  	v26 =	vld.idx.msk [tilespmem:v2+s16+$0x0], $0xffff  }
0x86a: {  	v29 =	vld.idx.msk [tilespmem:v2+s18+$0x0], $0xffff  }
0x86b: {  	v2 =	vld.idx.msk [tilespmem:v1+s16+$0x0], $0xffff;
	_ =	sdelay $0x1  }
0x86c: {  	v0 =	vor.u32 $0x38, v11;
	v36 =	vld.idx.msk [tilespmem:v3+s16+$0x0], $0xffff  }
0x86d: {  	v25 =	vld.idx.msk [tilespmem:v3+s18+$0x0], $0xffff;
	v3 =	vor.u32 $0x39, v11;
	_ =	sdelay $0x1  }
0x86e: {  	[tilespmem:$0x1EF50] =	vst v2;
	v2 =	vor.u32 $0x3A, v11  }
0x86f: {  	v1 =	vld.idx.msk [tilespmem:v1+s18+$0x0], $0xffff  }
0x870: {  	v39 =	vld.idx.msk [tilespmem:v0+s16+$0x0], $0xffff  }
0x871: {  	v44 =	vld.idx.msk [tilespmem:v3+s16+$0x0], $0xffff  }
0x872: {  	v28 =	vld.idx.msk [tilespmem:v3+s18+$0x0], $0xffff  }
0x873: {  	v3 =	vld.idx.msk [tilespmem:v2+s16+$0x0], $0xffff  }
0x874: {  	v41 =	vld.idx.msk [tilespmem:v0+s18+$0x0], $0xffff;
	v0 =	vor.u32 $0x35, v11;
	_ =	sdelay $0x2  }
0x875: {  	[tilespmem:$0x1EF60] =	vst v1;
	v1 =	vor.u32 $0x34, v11  }
0x876: {  	[tilespmem:$0x1EF70] =	vst v3;
	v3 =	vor.u32 $0x36, v11  }
0x877: {  	v43 =	vld.idx.msk [tilespmem:v0+s16+$0x0], $0xffff  }
0x878: {  	v31 =	vld.idx.msk [tilespmem:v0+s18+$0x0], $0xffff  }
0x879: {  	v2 =	vld.idx.msk [tilespmem:v2+s18+$0x0], $0xffff  }
0x87a: {  	v42 =	vld.idx.msk [tilespmem:v1+s16+$0x0], $0xffff  }
0x87b: {  	v0 =	vld.idx.msk [tilespmem:v3+s16+$0x0], $0xffff  }
0x87c: {  	v40 =	vld.idx.msk [tilespmem:v1+s18+$0x0], $0xffff;
	v1 =	vor.u32 $0x31, v11  }
0x87d: {  	v3 =	vld.idx.msk [tilespmem:v3+s18+$0x0], $0xffff  }
0x87e: {  	[tilespmem:$0x1EF80] =	vst v2;
	v2 =	vor.u32 $0x30, v11;
	_ =	sdelay $0x1  }
0x87f: {  	[tilespmem:$0x1EF90] =	vst v0;
	v0 =	vor.u32 $0x32, v11  }
0x880: {  	v51 =	vld.idx.msk [tilespmem:v1+s16+$0x0], $0xffff  }
0x881: {  	v52 =	vld.idx.msk [tilespmem:v1+s18+$0x0], $0xffff;
	[tilespmem:$0x1EFA0] =	vst v3;
	v3 =	vor.u32 $0x2C, v11  }
0x882: {  	v47 =	vld.idx.msk [tilespmem:v2+s16+$0x0], $0xffff  }
0x883: {  	v48 =	vld.idx.msk [tilespmem:v2+s18+$0x0], $0xffff;
	v2 =	vor.u32 $0x2D, v11  }
0x884: {  	v1 =	vld.idx.msk [tilespmem:v0+s16+$0x0], $0xffff;
	_ =	sdelay $0x1  }
0x885: {  	v53 =	vld.idx.msk [tilespmem:v3+s16+$0x0], $0xffff  }
0x886: {  	v54 =	vld.idx.msk [tilespmem:v3+s18+$0x0], $0xffff  }
0x887: {  	v3 =	vld.idx.msk [tilespmem:v2+s16+$0x0], $0xffff  }
0x888: {  	v2 =	vld.idx.msk [tilespmem:v2+s18+$0x0], $0xffff;
	[tilespmem:$0x1EFB0] =	vst v1;
	v1 =	vor.u32 $0x2E, v11  }
0x889: {  	v0 =	vld.idx.msk [tilespmem:v0+s18+$0x0], $0xffff;
	_ =	sdelay $0x3  }
0x88a: {  	[tilespmem:$0x1EFE0] =	vst v2;
	v2 =	vld.idx.msk [tilespmem:v1+s16+$0x0], $0xffff  }
0x88b: {  	[tilespmem:$0x1EFC0] =	vst v0;
	v0 =	vor.u32 $0x28, v11;
	v1 =	vld.idx.msk [tilespmem:v1+s18+$0x0], $0xffff;
	_ =	sdelay $0x1  }
0x88c: {  	[tilespmem:$0x1EFD0] =	vst v3;
	v3 =	vor.u32 $0x29, v11;
	_ =	sdelay $0x1  }
0x88d: {  	[tilespmem:$0x1EFF0] =	vst v2;
	v2 =	vor.u32 $0x2A, v11  }
0x88e: {  	[tilespmem:$0x1F000] =	vst v1;
	v1 =	vld.idx.msk [tilespmem:v0+s16+$0x0], $0xffff;
	_ =	sdelay $0x1  }
0x88f: {  	v50 =	vld.idx.msk [tilespmem:v3+s16+$0x0], $0xffff  }
0x890: {  	v24 =	vld.idx.msk [tilespmem:v3+s18+$0x0], $0xffff  }
0x891: {  	v3 =	vld.idx.msk [tilespmem:v2+s16+$0x0], $0xffff  }
0x892: {  	[tilespmem:$0x1F010] =	vst v1;
	v1 =	vor.u32 $0x24, v11;
	v2 =	vld.idx.msk [tilespmem:v2+s18+$0x0], $0xffff;
	_ =	sdelay $0x3  }
0x893: {  	v49 =	vld.idx.msk [tilespmem:v0+s18+$0x0], $0xffff  }
0x894: {  	[tilespmem:$0x1F030] =	vst v2;
	v2 =	vld.idx.msk [tilespmem:v1+s16+$0x0], $0xffff  }
0x895: {  	v0 =	vor.u32 $0x25, v11;
	v1 =	vld.idx.msk [tilespmem:v1+s18+$0x0], $0xffff;
	_ =	sdelay $0x1  }
0x896: {  	[tilespmem:$0x1F020] =	vst v3;
	v3 =	vor.u32 $0x26, v11;
	_ =	sdelay $0x2  }
0x897: {  	[tilespmem:$0x1F050] =	vst v1;
	v1 =	vld.idx.msk [tilespmem:v0+s16+$0x0], $0xffff  }
0x898: {  	v55 =	vld.idx.msk [tilespmem:v0+s18+$0x0], $0xffff  }
0x899: {  	v0 =	vld.idx.msk [tilespmem:v3+s16+$0x0], $0xffff  }
0x89a: {  	[tilespmem:$0x1F040] =	vst v2;
	v2 =	vor.u32 $0x20, v11;
	_ =	sdelay $0x1  }
0x89b: {  	[tilespmem:$0x1F060] =	vst v1;
	v1 =	vor.u32 $0x21, v11;
	_ =	sdelay $0x1  }
0x89c: {  	v3 =	vld.idx.msk [tilespmem:v3+s18+$0x0], $0xffff;
	[tilespmem:$0x1F070] =	vst v0;
	v0 =	vor.u32 $0x22, v11  }
0x89d: {  	v56 =	vld.idx.msk [tilespmem:v2+s16+$0x0], $0xffff  }
0x89e: {  	v57 =	vld.idx.msk [tilespmem:v2+s18+$0x0], $0xffff  }
0x89f: {  	v58 =	vld.idx.msk [tilespmem:v1+s16+$0x0], $0xffff  }
0x8a0: {  	v60 =	vld.idx.msk [tilespmem:v1+s18+$0x0], $0xffff  }
0x8a1: {  	v1 =	vld.idx.msk [tilespmem:v0+s16+$0x0], $0xffff  }
0x8a2: {  	v2 =	vor.u32 $0x1D, v11;
	v0 =	vld.idx.msk [tilespmem:v0+s18+$0x0], $0xffff;
	_ =	sdelay $0x1  }
0x8a3: {  	v4 =	vor.u32 $0x1E, v11;
	_ =	sdelay $0x1  }
0x8a4: {  	[tilespmem:$0x1F080] =	vst v3;
	v3 =	vor.u32 $0x1C, v11  }
0x8a5: {  	[tilespmem:$0x1F0A0] =	vst v0;
	v0 =	vld.idx.msk [tilespmem:v2+s16+$0x0], $0xffff  }
0x8a6: {  	[tilespmem:$0x1F090] =	vst v1;
	v1 =	vld.idx.msk [tilespmem:v2+s18+$0x0], $0xffff  }
0x8a7: {  	v2 =	vld.idx.msk [tilespmem:v4+s16+$0x0], $0xffff;
	_ =	sdelay $0x1  }
0x8a8: {  	v62 =	vld.idx.msk [tilespmem:v3+s16+$0x0], $0xffff  }
0x8a9: {  	v63 =	vld.idx.msk [tilespmem:v3+s18+$0x0], $0xffff;
	v3 =	vor.u32 $0x19, v11  }
0x8aa: {  	v5 =	vor.u32 $0x18, v11  }
0x8ab: {  	[tilespmem:$0x1F0B0] =	vst v2;
	v2 =	vld.idx.msk [tilespmem:v4+s18+$0x0], $0xffff;
	_ =	sdelay $0x1  }
0x8ac: {  	v6 =	vor.u32 $0x1A, v11  }
0x8ad: {  	v7 =	vld.idx.msk [tilespmem:v3+s18+$0x0], $0xffff  }
0x8ae: {  	v4 =	vld.idx.msk [tilespmem:v5+s18+$0x0], $0xffff  }
0x8af: {  	[tilespmem:$0x1F0C0] =	vst v2;
	v2 =	vld.idx.msk [tilespmem:v5+s16+$0x0], $0xffff  }
0x8b0: {  	v5 =	vld.idx.msk [tilespmem:v3+s16+$0x0], $0xffff  }
0x8b1: {  	v3 =	vld.idx.msk [tilespmem:v6+s16+$0x0], $0xffff;
	_ =	sdelay $0x2  }
0x8b2: {  	v9 =	vor.u32 $0x14, v11;
	_ =	sdelay $0x1  }
0x8b3: {  	[tilespmem:$0x1F0D0] =	vst v3;
	v3 =	vor.u32 $0x16, v11  }
0x8b4: {  	v12 =	vor.u32 $0x15, v11;
	_ =	sdelay $0x1  }
0x8b5: {  	v22 =	vor.u32 $0x8, v11;
	v8 =	vld.idx.msk [tilespmem:v9+s16+$0x0], $0xffff  }
0x8b6: {  	v9 =	vld.idx.msk [tilespmem:v9+s18+$0x0], $0xffff  }
0x8b7: {  	v32 =	vor.u32 $0x4, v11;
	v14 =	vld.idx.msk [tilespmem:v3+s16+$0x0], $0xffff  }
0x8b8: {  	v10 =	vld.idx.msk [tilespmem:v12+s16+$0x0], $0xffff  }
0x8b9: {  	v13 =	vld.idx.msk [tilespmem:v12+s18+$0x0], $0xffff;
	v12 =	vor.u32 $0x11, v11  }
0x8ba: {  	v21 =	vld.idx.msk [tilespmem:v22+s16+$0x0], $0xffff  }
0x8bb: {  	v22 =	vld.idx.msk [tilespmem:v22+s18+$0x0], $0xffff  }
0x8bc: {  	v30 =	vld.idx.msk [tilespmem:v32+s16+$0x0], $0xffff;
	[tilespmem:$0x1F0F0] =	vst v14;
	v14 =	vor.u32 $0x12, v11  }
0x8bd: {  	v33 =	vld.idx.msk [tilespmem:v32+s18+$0x0], $0xffff  }
0x8be: {  	v17 =	vld.idx.msk [tilespmem:v12+s16+$0x0], $0xffff  }
0x8bf: {  	v35 =	vor.u32 $0x5, v11;
	v6 =	vld.idx.msk [tilespmem:v6+s18+$0x0], $0xffff  }
0x8c0: {  	v45 =	vld.idx.msk [tilespmem:v3+s18+$0x0], $0xffff  }
0x8c1: {  	v46 =	vor.u32 $0x6, v11;
	v18 =	vld.idx.msk [tilespmem:v14+s16+$0x0], $0xffff  }
0x8c2: {  	v25 =	vmul.f32 v25, v36;
	v14 =	vld.idx.msk [tilespmem:v14+s18+$0x0], $0xffff  }
0x8c3: {  	v3 =	vld.idx.msk [tilespmem:v12+s18+$0x0], $0xffff;
	v12 =	vor.u32 $0xD, v11  }
0x8c4: {  	v34 =	vld.idx.msk [tilespmem:v35+s16+$0x0], $0xffff;
	[tilespmem:$0x1F120] =	vst v25;
	v25 =	vmul.f32 v29, v26  }
0x8c5: {  	v35 =	vld.idx.msk [tilespmem:v35+s18+$0x0], $0xffff;
	[tilespmem:$0x1F0E0] =	vst v6;
	v6 =	vor.u32 $0x10, v11  }
0x8c6: {  	v29 =	vld.idx.msk [tilespmem:v46+s18+$0x0], $0xffff;
	[tilespmem:$0x1F130] =	vst v25  }
0x8c7: {  	v25 =	vld.idx.msk [tilespmem:v46+s16+$0x0], $0xffff;
	[tilespmem:$0x1F110] =	vst v14;
	v14 =	vor.u32 $0xE, v11  }
0x8c8: {  	v19 =	vld.idx.msk [tilespmem:v12+s16+$0x0], $0xffff  }
0x8c9: {  	v20 =	vld.idx.msk [tilespmem:v12+s18+$0x0], $0xffff;
	v12 =	vor.u32 $0x9, v11  }
0x8ca: {  	v15 =	vld.idx.msk [tilespmem:v6+s16+$0x0], $0xffff  }
0x8cb: {  	v16 =	vld.idx.msk [tilespmem:v6+s18+$0x0], $0xffff;
	v6 =	vor.u32 $0xC, v11  }
0x8cc: {  	v59 =	vld.idx.msk [tilespmem:v14+s16+$0x0], $0xffff  }
0x8cd: {  	v61 =	vld.idx.msk [tilespmem:v14+s18+$0x0], $0xffff;
	v14 =	vor.u32 $0xA, v11  }
0x8ce: {  	v23 =	vld.idx.msk [tilespmem:v12+s16+$0x0], $0xffff  }
0x8cf: {  	v27 =	vld.idx.msk [tilespmem:v12+s18+$0x0], $0xffff  }
0x8d0: {  	[tilespmem:$0x1F100] =	vst v18;
	v18 =	vld.idx.msk [tilespmem:v6+s16+$0x0], $0xffff  }
0x8d1: {  	v6 =	vld.idx.msk [tilespmem:v6+s18+$0x0], $0xffff  }
0x8d2: {  	v37 =	vor.u32 $0x1, v11;
	v32 =	vor.u32 $0x37, v11;
	v12 =	vld.idx.msk [tilespmem:v14+s16+$0x0], $0xffff  }
0x8d3: {  	s29 =	simm.s32 $0x20;
	v36 =	vor.u32 $0x40, v11;
	v26 =	vor.u32 $0x3B, v11;
	v46 =	vor.u32 $0x3F, v11;
	v14 =	vld.idx.msk [tilespmem:v14+s18+$0x0], $0xffff  }
.LBB2_8:
0x8d4: {  	v28 =	vmul.f32 v28, v44;
	v44 =	vld.idx.msk [tilespmem:v11+s16+$0x0], $0xffff;
	v48 =	vmul.f32 v48, v47  }
0x8d5: {  	v53 =	vmul.f32 v54, v53;
	v54 =	vld [tilespmem:$0x1EFD0]  }
0x8d6: {  	v42 =	vmul.f32 v40, v42;
	[tilespmem:$0x1EC80] =	vst v48;
	v48 =	vld [tilespmem:$0x1F010]  }
0x8d7: {  	[tilespmem:$0x1EC70] =	vst v46;
	v46 =	vmov v45;
	v45 =	vor.u32 $0x2, v11;
	v47 =	vld [tilespmem:$0x1EFE0]  }
0x8d8: {  	v52 =	vmul.f32 v52, v51;
	v51 =	vld [tilespmem:$0x1F040];
	[tilespmem:$0x1ECA0] =	vst v42;
	v42 =	vor.u32 $0x3, v11  }
0x8d9: {  	v39 =	vmul.f32 v41, v39;
	v41 =	vld.idx.msk [tilespmem:v37+s16+$0x0], $0xffff  }
0x8da: {  	v31 =	vmul.f32 v31, v43;
	v43 =	vmul.f32 v57, v56;
	v37 =	vld.idx.msk [tilespmem:v37+s18+$0x0], $0xffff  }
0x8db: {  	v56 =	vor.u32 $0xB, v11;
	v0 =	vmul.f32 v1, v0;
	v40 =	vmul.f32 v49, v48;
	v48 =	vld [tilespmem:$0x1F050]  }
0x8dc: {  	v54 =	vmul.f32 v47, v54;
	v47 =	vmul.f32 v24, v50;
	v50 =	vld.idx.msk [tilespmem:v45+s16+$0x0], $0xffff;
	v24 =	vor.u32 $0x7, v11  }
0x8dd: {  	v2 =	vmul.f32 v4, v2;
	v4 =	vmul.f32 v7, v5;
	v5 =	vor.u32 $0x23, v11;
	[tilespmem:$0x1ECB0] =	vst v28;
	v1 =	vld.idx.msk [tilespmem:v42+s16+$0x0], $0xffff  }
0x8de: {  	v3 =	vmul.f32 v3, v17;
	v25 =	vmul.f32 v29, v25;
	v28 =	vor.u32 $0x33, v11;
	[tilespmem:$0x1EC90] =	vst v31;
	v7 =	vld.idx.msk [tilespmem:v42+s18+$0x0], $0xffff  }
0x8df: {  	v31 =	vor.u32 $0x2F, v11;
	v8 =	vmul.f32 v9, v8;
	v9 =	vmul.f32 v13, v10;
	[tilespmem:$0x1EC60] =	vst v40;
	v40 =	vld.idx.msk [tilespmem:v45+s18+$0x0], $0xffff  }
0x8e0: {  	v13 =	vmul.f32 v16, v15;
	v15 =	vor.u32 $0x1F, v11;
	v48 =	vmul.f32 v48, v51;
	v51 =	vld [tilespmem:$0x1F060]  }
0x8e1: {  	v6 =	vmul.f32 v6, v18;
	v17 =	vmul.f32 v20, v19;
	v18 =	vor.u32 $0x13, v11;
	v10 =	vld.idx.msk [tilespmem:v24+s16+$0x0], $0xffff  }
0x8e2: {  	v19 =	vmul.f32 v22, v21;
	v22 =	vor.u32 $0x17, v11;
	v45 =	vmul.f32 v60, v58;
	v16 =	vld.idx.msk [tilespmem:v24+s18+$0x0], $0xffff  }
0x8e3: {  	v21 =	vld.idx.msk [tilespmem:v56+s16+$0x0], $0xffff;
	v49 =	vor.u32 $0x2B, v11;
	v60 =	vmul.f32 v63, v62;
	v63 =	vmul.f32 v37, v41  }
0x8e4: {  	v62 =	vor.u32 $0xF, v11;
	v24 =	vmul.f32 v33, v30;
	v30 =	vld.idx.msk [tilespmem:v56+s18+$0x0], $0xffff;
	v1 =	vmul.f32 v7, v1  }
0x8e5: {  	[tilespmem:$0x1ECC0] =	vst v39;
	v39 =	vld.idx.msk [tilespmem:v11+s18+$0x0], $0xffff;
	v51 =	vmul.f32 v55, v51;
	v55 =	vor.u32 $0x27, v11;
	v11 =	vor.u32 $0x1B, v11  }
0x8e6: {  	v20 =	vmul.f32 v27, v23;
	v27 =	vmul.f32 v35, v34;
	v29 =	vld.idx.msk [tilespmem:v18+s16+$0x0], $0xffff;
	v33 =	vadd.f32 $0.0e+00, v63  }
0x8e7: {  	v12 =	vmul.f32 v14, v12;
	v14 =	vld.idx.msk [tilespmem:v22+s16+$0x0], $0xffff;
	v1 =	vadd.f32 $0.0e+00, v1;
	v10 =	vmul.f32 v16, v10  }
0x8e8: {  	v16 =	vld.idx.msk [tilespmem:v18+s18+$0x0], $0xffff;
	v18 =	vadd.f32 v27, v33  }
0x8e9: {  	v1 =	vadd.f32 v10, v1;
	v10 =	vmul.f32 v30, v21;
	v21 =	vld.idx.msk [tilespmem:v22+s18+$0x0], $0xffff  }
0x8ea: {  	v40 =	vmul.f32 v40, v50;
	v18 =	vadd.f32 v20, v18;
	v22 =	vld.idx.msk [tilespmem:v11+s16+$0x0], $0xffff  }
0x8eb: {  	v1 =	vadd.f32 v10, v1;
	v10 =	vld.idx.msk [tilespmem:v11+s18+$0x0], $0xffff  }
0x8ec: {  	v34 =	vadd.f32 $0.0e+00, v40;
	v11 =	vadd.f32 v17, v18;
	v17 =	vld [tilespmem:$0x1F100]  }
0x8ed: {  	v18 =	vld [tilespmem:$0x1F110]  }
0x8ee: {  	v25 =	vadd.f32 v25, v34;
	_ =	sdelay $0x1  }
0x8ef: {  	v20 =	vmul.f32 v61, v59;
	v12 =	vadd.f32 v12, v25;
	_ =	sdelay $0x1  }
0x8f0: {  	v12 =	vadd.f32 v20, v12;
	v17 =	vmul.f32 v18, v17;
	_ =	sdelay $0x1  }
0x8f1: {  	v3 =	vadd.f32 v3, v11;
	v11 =	vadd.f32 v17, v12;
	v12 =	vld [tilespmem:$0x1F0F0];
	_ =	sdelay $0x1  }
0x8f2: {  	v41 =	vld.idx.msk [tilespmem:v62+s16+$0x0], $0xffff  }
0x8f3: {  	v7 =	vld.idx.msk [tilespmem:v62+s18+$0x0], $0xffff  }
0x8f4: {  	v38 =	vld.idx.msk [tilespmem:v36+s18+$0x0], $0xffff  }
0x8f5: {  	v36 =	vld.idx.msk [tilespmem:v36+s16+$0x0], $0xffff;
	v12 =	vmul.f32 v46, v12  }
0x8f6: {  	v23 =	vld [tilespmem:$0x1FC40]  }
0x8f7: {  	v3 =	vadd.f32 v9, v3;
	v9 =	vadd.f32 v12, v11;
	v11 =	vld [tilespmem:$0x1F0D0]  }
0x8f8: {  	v7 =	vmul.f32 v7, v41;
	v12 =	vld [tilespmem:$0x1F0E0];
	_ =	sdelay $0x1  }
0x8f9: {  	v1 =	vadd.f32 v7, v1;
	v7 =	vmul.f32 v16, v29;
	_ =	sdelay $0x1  }
0x8fa: {  	v23 =	vadd.f32 v36, v23;
	v1 =	vadd.f32 v7, v1;
	v7 =	vmul.f32 v21, v14  }
0x8fb: {  	v11 =	vmul.f32 v12, v11  }
0x8fc: {  	v23 =	vadd.f32 v38, v23;
	v1 =	vadd.f32 v7, v1;
	v7 =	vmul.f32 v10, v22;
	v10 =	vld [tilespmem:$0x1F0C0]  }
0x8fd: {  	v44 =	vmul.f32 v39, v44;
	v3 =	vadd.f32 v4, v3;
	v4 =	vadd.f32 v11, v9;
	v9 =	vld [tilespmem:$0x1F0B0];
	_ =	sdelay $0x1  }
0x8fe: {  	v23 =	vadd.f32 v44, v23;
	_ =	sdelay $0x1  }
0x8ff: {  	v23 =	vadd.f32 v24, v23  }
0x900: {  	v9 =	vmul.f32 v10, v9  }
0x901: {  	v19 =	vadd.f32 v19, v23  }
0x902: {  	v0 =	vadd.f32 v0, v3;
	v3 =	vadd.f32 v9, v4;
	v4 =	vld [tilespmem:$0x1F090]  }
0x903: {  	v9 =	vld [tilespmem:$0x1F0A0]  }
0x904: {  	v6 =	vadd.f32 v6, v19;
	v16 =	vld.idx.msk [tilespmem:v5+s16+$0x0], $0xffff  }
0x905: {  	v5 =	vld.idx.msk [tilespmem:v5+s18+$0x0], $0xffff  }
0x906: {  	v6 =	vadd.f32 v13, v6;
	v18 =	vld.idx.msk [tilespmem:v15+s16+$0x0], $0xffff  }
0x907: {  	v15 =	vld.idx.msk [tilespmem:v15+s18+$0x0], $0xffff  }
0x908: {  	v6 =	vadd.f32 v8, v6;
	v8 =	vld.idx.msk [tilespmem:v55+s18+$0x0], $0xffff;
	v4 =	vmul.f32 v9, v4  }
0x909: {  	v11 =	vld [tilespmem:$0x1F080]  }
0x90a: {  	v3 =	vadd.f32 v4, v3;
	v4 =	vld [tilespmem:$0x1F070]  }
0x90b: {  	v12 =	vld.idx.msk [tilespmem:v55+s16+$0x0], $0xffff  }
0x90c: {  	v2 =	vadd.f32 v2, v6;
	v1 =	vadd.f32 v7, v1;
	v6 =	vmul.f32 v15, v18;
	_ =	sdelay $0x1  }
0x90d: {  	v5 =	vmul.f32 v5, v16;
	v1 =	vadd.f32 v6, v1  }
0x90e: {  	v7 =	vld.idx.msk [tilespmem:v49+s18+$0x0], $0xffff;
	v4 =	vmul.f32 v11, v4  }
0x90f: {  	v1 =	vadd.f32 v5, v1;
	v5 =	vmul.f32 v8, v12;
	v12 =	vld [tilespmem:$0x1F030]  }
0x910: {  	v3 =	vadd.f32 v4, v3;
	v4 =	vld [tilespmem:$0x1F020]  }
0x911: {  	v10 =	vld.idx.msk [tilespmem:v49+s16+$0x0], $0xffff;
	_ =	sdelay $0x3  }
0x912: {  	v6 =	vld.idx.msk [tilespmem:v31+s18+$0x0], $0xffff;
	v4 =	vmul.f32 v12, v4  }
0x913: {  	v1 =	vadd.f32 v5, v1;
	v5 =	vmul.f32 v7, v10;
	v10 =	vld [tilespmem:$0x1F000]  }
0x914: {  	v3 =	vadd.f32 v4, v3;
	v4 =	vld [tilespmem:$0x1EFF0]  }
0x915: {  	v9 =	vld.idx.msk [tilespmem:v31+s16+$0x0], $0xffff;
	_ =	sdelay $0x3  }
0x916: {  	v8 =	vld.idx.msk [tilespmem:v28+s18+$0x0], $0xffff;
	v4 =	vmul.f32 v10, v4  }
0x917: {  	v1 =	vadd.f32 v5, v1;
	v5 =	vmul.f32 v6, v9;
	v9 =	vld [tilespmem:$0x1EFC0]  }
0x918: {  	v3 =	vadd.f32 v4, v3;
	v4 =	vld [tilespmem:$0x1EFB0]  }
0x919: {  	v11 =	vld.idx.msk [tilespmem:v28+s16+$0x0], $0xffff  }
0x91a: {  	v7 =	vld.idx.msk [tilespmem:v32+s18+$0x0], $0xffff  }
0x91b: {  	v0 =	vadd.f32 v45, v0;
	v12 =	vld.idx.msk [tilespmem:v32+s16+$0x0], $0xffff;
	_ =	sdelay $0x1  }
0x91c: {  	v13 =	vld [tilespmem:$0x1EC60];
	v0 =	vadd.f32 v51, v0;
	v4 =	vmul.f32 v9, v4  }
0x91d: {  	v2 =	vadd.f32 v60, v2;
	v1 =	vadd.f32 v5, v1;
	v5 =	vmul.f32 v8, v11;
	v11 =	vld [tilespmem:$0x1EFA0]  }
0x91e: {  	v0 =	vadd.f32 v47, v0;
	v3 =	vadd.f32 v4, v3;
	v4 =	vld [tilespmem:$0x1EF90]  }
0x91f: {  	v2 =	vadd.f32 v43, v2;
	v1 =	vadd.f32 v5, v1;
	v5 =	vmul.f32 v7, v12;
	v7 =	vld [tilespmem:$0x1EC90]  }
0x920: {  	v0 =	vadd.f32 v54, v0;
	v6 =	vld.idx.msk [tilespmem:v26+s18+$0x0], $0xffff  }
0x921: {  	v2 =	vadd.f32 v48, v2;
	v10 =	vld.idx.msk [tilespmem:v26+s16+$0x0], $0xffff  }
0x922: {  	v0 =	vadd.f32 v52, v0  }
0x923: {  	v2 =	vadd.f32 v13, v2;
	v13 =	vld [tilespmem:$0x1EC70];
	v4 =	vmul.f32 v11, v4  }
0x924: {  	v0 =	vadd.f32 v7, v0;
	v7 =	vld [tilespmem:$0x1EF80]  }
0x925: {  	v3 =	vadd.f32 v4, v3;
	v4 =	vld [tilespmem:$0x1EF70]  }
0x926: {  	v1 =	vadd.f32 v5, v1;
	v5 =	vmul.f32 v6, v10;
	v6 =	vld [tilespmem:$0x1ECB0];
	_ =	sdelay $0x3  }
0x927: {  	v4 =	vmul.f32 v7, v4  }
0x928: {  	v0 =	vadd.f32 v6, v0;
	v6 =	vld [tilespmem:$0x1EF60]  }
0x929: {  	v3 =	vadd.f32 v4, v3;
	v4 =	vld [tilespmem:$0x1EF50]  }
0x92a: {  	v11 =	vld [tilespmem:$0x1EC80]  }
0x92b: {  	v8 =	vld.idx.msk [tilespmem:v13+s18+$0x0], $0xffff  }
0x92c: {  	v7 =	vld [tilespmem:$0x1ECA0]  }
0x92d: {  	v2 =	vadd.f32 v53, v2;
	v9 =	vld.idx.msk [tilespmem:v13+s16+$0x0], $0xffff  }
0x92e: {  	v4 =	vmul.f32 v6, v4;
	v6 =	vld [tilespmem:$0x1ECC0]  }
0x92f: {  	v2 =	vadd.f32 v11, v2;
	_ =	sdelay $0x1  }
0x930: {  	v2 =	vadd.f32 v7, v2  }
0x931: {  	v1 =	vadd.f32 v5, v1  }
0x932: {  	v5 =	vmul.f32 v8, v9;
	v7 =	vld [tilespmem:$0x1F130];
	v2 =	vadd.f32 v6, v2;
	v6 =	vmov s29  }
0x933: {  	v3 =	vadd.f32 v4, v3;
	v4 =	vshll.u32 v6, $0x7;
	v6 =	vld [tilespmem:$0x1F120]  }
0x934: {  	v1 =	vadd.f32 v5, v1;
	v5 =	vld [tilespmem:$0x1FFF0];
	_ =	sdelay $0x3  }
0x935: {  	v0 =	vadd.f32 v7, v0;
	v2 =	vadd.f32 v6, v2  }
0x936: {  	v11 =	vor.u32 v5, v4  }
0x937: {  	v1 =	vadd.f32 v1, v3;
	v4 =	vor.u32 $0x3C, v11;
	v0 =	vadd.f32 v0, v2;
	_ =	sdelay $0x1  }
0x938: {  	v0 =	vadd.f32 v1, v0  }
0x939: {  	s28 =	sadd.s32 $0x10, s28  }
0x93a: {  	[tilespmem:s28+$0x0] =	vst v0  }
0x93b: {  	v2 =	vor.u32 $0x3D, v11;
	v3 =	vld.idx.msk [tilespmem:v4+s18+$0x0], $0xffff;
	_ =	sdelay $0x4  }
0x93c: {  	[tilespmem:$0x1ECE0] =	vst v3;
	v3 =	vld.idx.msk [tilespmem:v2+s16+$0x0], $0xffff  }
0x93d: {  	v1 =	vor.u32 $0x3E, v11;
	v2 =	vld.idx.msk [tilespmem:v2+s18+$0x0], $0xffff  }
0x93e: {  	v0 =	vld.idx.msk [tilespmem:v4+s16+$0x0], $0xffff;
	_ =	sdelay $0x3  }
0x93f: {  	[tilespmem:$0x1ED00] =	vst v2;
	v2 =	vld.idx.msk [tilespmem:v1+s16+$0x0], $0xffff  }
0x940: {  	[tilespmem:$0x1ECD0] =	vst v0;
	v0 =	vor.u32 $0x38, v11;
	_ =	sdelay $0x1  }
0x941: {  	[tilespmem:$0x1ECF0] =	vst v3;
	v3 =	vor.u32 $0x39, v11;
	_ =	sdelay $0x1  }
0x942: {  	v1 =	vld.idx.msk [tilespmem:v1+s18+$0x0], $0xffff;
	[tilespmem:$0x1EF50] =	vst v2;
	v2 =	vor.u32 $0x3A, v11  }
0x943: {  	v41 =	vld.idx.msk [tilespmem:v0+s16+$0x0], $0xffff  }
0x944: {  	v0 =	vld.idx.msk [tilespmem:v0+s18+$0x0], $0xffff  }
0x945: {  	v44 =	vld.idx.msk [tilespmem:v3+s16+$0x0], $0xffff  }
0x946: {  	v28 =	vld.idx.msk [tilespmem:v3+s18+$0x0], $0xffff  }
0x947: {  	v3 =	vld.idx.msk [tilespmem:v2+s16+$0x0], $0xffff;
	_ =	sdelay $0x1  }
0x948: {  	[tilespmem:$0x1EF60] =	vst v1;
	v1 =	vor.u32 $0x34, v11  }
0x949: {  	[tilespmem:$0x1ED10] =	vst v0;
	v0 =	vor.u32 $0x35, v11;
	_ =	sdelay $0x1  }
0x94a: {  	[tilespmem:$0x1EF70] =	vst v3;
	v3 =	vor.u32 $0x36, v11  }
0x94b: {  	v2 =	vld.idx.msk [tilespmem:v2+s18+$0x0], $0xffff  }
0x94c: {  	v42 =	vld.idx.msk [tilespmem:v1+s16+$0x0], $0xffff  }
0x94d: {  	v43 =	vld.idx.msk [tilespmem:v0+s16+$0x0], $0xffff  }
0x94e: {  	v31 =	vld.idx.msk [tilespmem:v0+s18+$0x0], $0xffff  }
0x94f: {  	v0 =	vld.idx.msk [tilespmem:v3+s16+$0x0], $0xffff  }
0x950: {  	v40 =	vld.idx.msk [tilespmem:v1+s18+$0x0], $0xffff;
	v1 =	vor.u32 $0x31, v11  }
0x951: {  	v3 =	vld.idx.msk [tilespmem:v3+s18+$0x0], $0xffff  }
0x952: {  	[tilespmem:$0x1EF80] =	vst v2;
	v2 =	vor.u32 $0x30, v11;
	_ =	sdelay $0x1  }
0x953: {  	[tilespmem:$0x1EF90] =	vst v0;
	v0 =	vor.u32 $0x32, v11  }
0x954: {  	v51 =	vld.idx.msk [tilespmem:v1+s16+$0x0], $0xffff  }
0x955: {  	v52 =	vld.idx.msk [tilespmem:v1+s18+$0x0], $0xffff;
	[tilespmem:$0x1EFA0] =	vst v3;
	v3 =	vor.u32 $0x2C, v11  }
0x956: {  	v47 =	vld.idx.msk [tilespmem:v2+s16+$0x0], $0xffff  }
0x957: {  	v48 =	vld.idx.msk [tilespmem:v2+s18+$0x0], $0xffff;
	v2 =	vor.u32 $0x2D, v11  }
0x958: {  	v1 =	vld.idx.msk [tilespmem:v0+s16+$0x0], $0xffff;
	_ =	sdelay $0x1  }
0x959: {  	v53 =	vld.idx.msk [tilespmem:v3+s16+$0x0], $0xffff  }
0x95a: {  	v54 =	vld.idx.msk [tilespmem:v3+s18+$0x0], $0xffff  }
0x95b: {  	v3 =	vld.idx.msk [tilespmem:v2+s16+$0x0], $0xffff  }
0x95c: {  	v2 =	vld.idx.msk [tilespmem:v2+s18+$0x0], $0xffff;
	[tilespmem:$0x1EFB0] =	vst v1;
	v1 =	vor.u32 $0x2E, v11  }
0x95d: {  	v0 =	vld.idx.msk [tilespmem:v0+s18+$0x0], $0xffff;
	_ =	sdelay $0x3  }
0x95e: {  	[tilespmem:$0x1EFE0] =	vst v2;
	v2 =	vld.idx.msk [tilespmem:v1+s16+$0x0], $0xffff  }
0x95f: {  	[tilespmem:$0x1EFC0] =	vst v0;
	v0 =	vor.u32 $0x28, v11;
	v1 =	vld.idx.msk [tilespmem:v1+s18+$0x0], $0xffff;
	_ =	sdelay $0x1  }
0x960: {  	[tilespmem:$0x1EFD0] =	vst v3;
	v3 =	vor.u32 $0x29, v11;
	_ =	sdelay $0x1  }
0x961: {  	[tilespmem:$0x1EFF0] =	vst v2;
	v2 =	vor.u32 $0x2A, v11  }
0x962: {  	[tilespmem:$0x1F000] =	vst v1;
	v1 =	vld.idx.msk [tilespmem:v0+s16+$0x0], $0xffff;
	_ =	sdelay $0x1  }
0x963: {  	v50 =	vld.idx.msk [tilespmem:v3+s16+$0x0], $0xffff  }
0x964: {  	v24 =	vld.idx.msk [tilespmem:v3+s18+$0x0], $0xffff  }
0x965: {  	v3 =	vld.idx.msk [tilespmem:v2+s16+$0x0], $0xffff  }
0x966: {  	[tilespmem:$0x1F010] =	vst v1;
	v1 =	vor.u32 $0x24, v11;
	v2 =	vld.idx.msk [tilespmem:v2+s18+$0x0], $0xffff;
	_ =	sdelay $0x3  }
0x967: {  	v49 =	vld.idx.msk [tilespmem:v0+s18+$0x0], $0xffff  }
0x968: {  	[tilespmem:$0x1F030] =	vst v2;
	v2 =	vld.idx.msk [tilespmem:v1+s16+$0x0], $0xffff  }
0x969: {  	v0 =	vor.u32 $0x25, v11;
	v1 =	vld.idx.msk [tilespmem:v1+s18+$0x0], $0xffff;
	_ =	sdelay $0x1  }
0x96a: {  	[tilespmem:$0x1F020] =	vst v3;
	v3 =	vor.u32 $0x26, v11;
	_ =	sdelay $0x2  }
0x96b: {  	[tilespmem:$0x1F050] =	vst v1;
	v1 =	vld.idx.msk [tilespmem:v0+s16+$0x0], $0xffff  }
0x96c: {  	v55 =	vld.idx.msk [tilespmem:v0+s18+$0x0], $0xffff  }
0x96d: {  	v0 =	vld.idx.msk [tilespmem:v3+s16+$0x0], $0xffff  }
0x96e: {  	[tilespmem:$0x1F040] =	vst v2;
	v2 =	vor.u32 $0x20, v11;
	_ =	sdelay $0x1  }
0x96f: {  	[tilespmem:$0x1F060] =	vst v1;
	v1 =	vor.u32 $0x21, v11;
	_ =	sdelay $0x1  }
0x970: {  	v3 =	vld.idx.msk [tilespmem:v3+s18+$0x0], $0xffff;
	[tilespmem:$0x1F070] =	vst v0;
	v0 =	vor.u32 $0x22, v11  }
0x971: {  	v56 =	vld.idx.msk [tilespmem:v2+s16+$0x0], $0xffff  }
0x972: {  	v57 =	vld.idx.msk [tilespmem:v2+s18+$0x0], $0xffff  }
0x973: {  	v58 =	vld.idx.msk [tilespmem:v1+s16+$0x0], $0xffff  }
0x974: {  	v60 =	vld.idx.msk [tilespmem:v1+s18+$0x0], $0xffff  }
0x975: {  	v1 =	vld.idx.msk [tilespmem:v0+s16+$0x0], $0xffff  }
0x976: {  	v2 =	vor.u32 $0x1D, v11;
	v0 =	vld.idx.msk [tilespmem:v0+s18+$0x0], $0xffff;
	_ =	sdelay $0x1  }
0x977: {  	v4 =	vor.u32 $0x1E, v11;
	_ =	sdelay $0x1  }
0x978: {  	[tilespmem:$0x1F080] =	vst v3;
	v3 =	vor.u32 $0x1C, v11  }
0x979: {  	[tilespmem:$0x1F0A0] =	vst v0;
	v0 =	vld.idx.msk [tilespmem:v2+s16+$0x0], $0xffff  }
0x97a: {  	[tilespmem:$0x1F090] =	vst v1;
	v1 =	vld.idx.msk [tilespmem:v2+s18+$0x0], $0xffff  }
0x97b: {  	v2 =	vld.idx.msk [tilespmem:v4+s16+$0x0], $0xffff  }
0x97c: {  	v12 =	vor.u32 $0x15, v11  }
0x97d: {  	v62 =	vld.idx.msk [tilespmem:v3+s16+$0x0], $0xffff  }
0x97e: {  	v63 =	vld.idx.msk [tilespmem:v3+s18+$0x0], $0xffff;
	v3 =	vor.u32 $0x19, v11  }
0x97f: {  	v5 =	vor.u32 $0x18, v11  }
0x980: {  	[tilespmem:$0x1F0B0] =	vst v2;
	v2 =	vld.idx.msk [tilespmem:v4+s18+$0x0], $0xffff  }
0x981: {  	v10 =	vld.idx.msk [tilespmem:v12+s16+$0x0], $0xffff  }
0x982: {  	v6 =	vor.u32 $0x1A, v11;
	v13 =	vld.idx.msk [tilespmem:v12+s18+$0x0], $0xffff  }
0x983: {  	v25 =	vor.u32 $0x9, v11;
	v7 =	vld.idx.msk [tilespmem:v3+s18+$0x0], $0xffff  }
0x984: {  	v4 =	vld.idx.msk [tilespmem:v5+s18+$0x0], $0xffff  }
0x985: {  	v29 =	vor.u32 $0x4, v11;
	[tilespmem:$0x1F0C0] =	vst v2;
	v2 =	vld.idx.msk [tilespmem:v5+s16+$0x0], $0xffff  }
0x986: {  	v5 =	vld.idx.msk [tilespmem:v3+s16+$0x0], $0xffff  }
0x987: {  	v38 =	vor.u32 $0x6, v11;
	v3 =	vld.idx.msk [tilespmem:v6+s16+$0x0], $0xffff  }
0x988: {  	v23 =	vld.idx.msk [tilespmem:v25+s16+$0x0], $0xffff  }
0x989: {  	v27 =	vld.idx.msk [tilespmem:v25+s18+$0x0], $0xffff  }
0x98a: {  	v30 =	vld.idx.msk [tilespmem:v29+s16+$0x0], $0xffff  }
0x98b: {  	v33 =	vld.idx.msk [tilespmem:v29+s18+$0x0], $0xffff  }
0x98c: {  	v25 =	vld.idx.msk [tilespmem:v38+s16+$0x0], $0xffff;
	[tilespmem:$0x1F0D0] =	vst v3;
	v3 =	vor.u32 $0x16, v11  }
0x98d: {  	v29 =	vld.idx.msk [tilespmem:v38+s18+$0x0], $0xffff  }
0x98e: {  	v9 =	vor.u32 $0x14, v11;
	v38 =	vld [tilespmem:$0x1ECD0]  }
0x98f: {  	v6 =	vld.idx.msk [tilespmem:v6+s18+$0x0], $0xffff  }
0x990: {  	v14 =	vor.u32 $0x11, v11;
	v39 =	vld [tilespmem:$0x1ECE0]  }
0x991: {  	v19 =	vor.u32 $0xC, v11;
	v12 =	vld.idx.msk [tilespmem:v3+s16+$0x0], $0xffff;
	_ =	sdelay $0x1  }
0x992: {  	v8 =	vld.idx.msk [tilespmem:v9+s16+$0x0], $0xffff  }
0x993: {  	v9 =	vld.idx.msk [tilespmem:v9+s18+$0x0], $0xffff;
	[tilespmem:$0x1F0E0] =	vst v6;
	v6 =	vor.u32 $0x10, v11  }
0x994: {  	v17 =	vld.idx.msk [tilespmem:v14+s16+$0x0], $0xffff;
	v38 =	vmul.f32 v39, v38  }
0x995: {  	v18 =	vld.idx.msk [tilespmem:v19+s16+$0x0], $0xffff;
	[tilespmem:$0x1F0F0] =	vst v12;
	v12 =	vor.u32 $0x12, v11  }
0x996: {  	[tilespmem:$0x1F120] =	vst v38;
	v38 =	vld [tilespmem:$0x1ECF0]  }
0x997: {  	v39 =	vmov v41;
	v41 =	vld [tilespmem:$0x1ED00]  }
0x998: {  	v46 =	vor.u32 $0x5, v11;
	v15 =	vld.idx.msk [tilespmem:v6+s16+$0x0], $0xffff  }
0x999: {  	v16 =	vld.idx.msk [tilespmem:v6+s18+$0x0], $0xffff  }
0x99a: {  	v6 =	vld.idx.msk [tilespmem:v12+s16+$0x0], $0xffff  }
0x99b: {  	v45 =	vld.idx.msk [tilespmem:v3+s18+$0x0], $0xffff  }
0x99c: {  	v3 =	vld.idx.msk [tilespmem:v14+s18+$0x0], $0xffff;
	v14 =	vor.u32 $0xE, v11  }
0x99d: {  	v34 =	vld.idx.msk [tilespmem:v46+s16+$0x0], $0xffff  }
0x99e: {  	v26 =	vor.u32 $0xA, v11;
	v35 =	vld.idx.msk [tilespmem:v46+s18+$0x0], $0xffff  }
0x99f: {  	[tilespmem:$0x1F100] =	vst v6;
	v6 =	vld.idx.msk [tilespmem:v12+s18+$0x0], $0xffff  }
0x9a0: {  	v20 =	vor.u32 $0xD, v11;
	v38 =	vmul.f32 v41, v38;
	v41 =	vld [tilespmem:$0x1ED10]  }
0x9a1: {  	v59 =	vld.idx.msk [tilespmem:v14+s16+$0x0], $0xffff  }
0x9a2: {  	v61 =	vld.idx.msk [tilespmem:v14+s18+$0x0], $0xffff;
	v12 =	vor.u32 $0x8, v11  }
0x9a3: {  	v14 =	vld.idx.msk [tilespmem:v26+s18+$0x0], $0xffff  }
0x9a4: {  	p0 =	sne.s32 s29, $0x70;
	[tilespmem:$0x1F110] =	vst v6;
	v6 =	vld.idx.msk [tilespmem:v19+s18+$0x0], $0xffff  }
.Ltmp3:
0x9a5: {  	v19 =	vld.idx.msk [tilespmem:v20+s16+$0x0], $0xffff;
	(pc) =	sbr.rel @p0 .LBB2_8-.Ltmp3, $4  }
0x9a6: {  	v20 =	vld.idx.msk [tilespmem:v20+s18+$0x0], $0xffff  }
0x9a7: {  	v21 =	vld.idx.msk [tilespmem:v12+s16+$0x0], $0xffff  }
0x9a8: {  	v36 =	vor.u32 $0x40, v11;
	v37 =	vor.u32 $0x1, v11;
	v22 =	vld.idx.msk [tilespmem:v12+s18+$0x0], $0xffff  }
0x9a9: {  	s29 =	sadd.s32 $0x10, s29;
	v32 =	vor.u32 $0x37, v11;
	v46 =	vor.u32 $0x3F, v11;
	[tilespmem:$0x1F130] =	vst v38;
	v12 =	vld.idx.msk [tilespmem:v26+s16+$0x0], $0xffff;
	v26 =	vor.u32 $0x3B, v11  }
0x9aa: {  	_ =	sdelay $0x3  }
0x9ab: {  	v0 =	vmul.f32 v1, v0;
	v1 =	vmul.f32 v4, v2;
	v2 =	vld.idx.msk [tilespmem:v11+s16+$0x0], $0xffff  }
0x9ac: {  	v38 =	vmov v42;
	v28 =	vmul.f32 v28, v44;
	v4 =	vmul.f32 v7, v5;
	v7 =	vld.idx.msk [tilespmem:v11+s18+$0x0], $0xffff  }
0x9ad: {  	v44 =	vmul.f32 v40, v38;
	v38 =	vmul.f32 v52, v51;
	v51 =	vld [tilespmem:$0x1F010]  }
0x9ae: {  	v52 =	vld [tilespmem:$0x1F040]  }
0x9af: {  	[tilespmem:$0x1EC40] =	vst v28;
	v28 =	vmul.f32 v31, v43;
	v31 =	vmul.f32 v48, v47;
	v47 =	vld [tilespmem:$0x1EFD0]  }
0x9b0: {  	v39 =	vmul.f32 v41, v39;
	v48 =	vld [tilespmem:$0x1EFE0]  }
0x9b1: {  	v41 =	vmul.f32 v24, v50;
	v24 =	vor.u32 $0x7, v11;
	v43 =	vmul.f32 v54, v53;
	v53 =	vld [tilespmem:$0x1F050]  }
0x9b2: {  	v54 =	vld [tilespmem:$0x1F060]  }
0x9b3: {  	v42 =	vor.u32 $0x2, v11;
	v5 =	vmul.f32 v9, v8;
	[tilespmem:$0x1EC30] =	vst v44;
	v44 =	vld.idx.msk [tilespmem:v37+s16+$0x0], $0xffff  }
0x9b4: {  	v9 =	vmul.f32 v13, v10;
	v3 =	vmul.f32 v3, v17;
	v37 =	vld.idx.msk [tilespmem:v37+s18+$0x0], $0xffff  }
0x9b5: {  	v17 =	vmul.f32 v22, v21;
	v22 =	vmul.f32 v33, v30;
	v33 =	vld [tilespmem:$0x1F100]  }
0x9b6: {  	v10 =	vmul.f32 v16, v15;
	v16 =	vmul.f32 v20, v19;
	v19 =	vld.idx.msk [tilespmem:v24+s16+$0x0], $0xffff  }
0x9b7: {  	v40 =	vmul.f32 v49, v51;
	v51 =	vmul.f32 v57, v56;
	v57 =	vld [tilespmem:$0x1FC40]  }
0x9b8: {  	v8 =	vor.u32 $0xB, v11;
	[tilespmem:$0x1EC50] =	vst v39;
	v39 =	vmul.f32 v48, v47;
	v48 =	vld.idx.msk [tilespmem:v42+s16+$0x0], $0xffff  }
0x9b9: {  	v42 =	vld.idx.msk [tilespmem:v42+s18+$0x0], $0xffff  }
0x9ba: {  	v49 =	vor.u32 $0x3, v11;
	v47 =	vmul.f32 v53, v52;
	v52 =	vld.idx.msk [tilespmem:v36+s18+$0x0], $0xffff  }
0x9bb: {  	v50 =	vmul.f32 v55, v54;
	v54 =	vmul.f32 v63, v62;
	v63 =	vld.idx.msk [tilespmem:v36+s16+$0x0], $0xffff  }
0x9bc: {  	v53 =	vmul.f32 v60, v58;
	v58 =	vld.idx.msk [tilespmem:v24+s18+$0x0], $0xffff  }
0x9bd: {  	v36 =	vld.idx.msk [tilespmem:v8+s16+$0x0], $0xffff;
	v55 =	vor.u32 $0x17, v11  }
0x9be: {  	v60 =	vmul.f32 v35, v34;
	v34 =	vld [tilespmem:$0x1F110]  }
0x9bf: {  	v13 =	vld.idx.msk [tilespmem:v49+s16+$0x0], $0xffff  }
0x9c0: {  	v56 =	vld.idx.msk [tilespmem:v49+s18+$0x0], $0xffff  }
0x9c1: {  	v30 =	vor.u32 $0x23, v11;
	v62 =	vmul.f32 v37, v44;
	v37 =	vmul.f32 v42, v48;
	v42 =	vld.idx.msk [tilespmem:v8+s18+$0x0], $0xffff  }
0x9c2: {  	v6 =	vmul.f32 v6, v18;
	v24 =	vld.idx.msk [tilespmem:v55+s16+$0x0], $0xffff  }
0x9c3: {  	v18 =	vor.u32 $0xF, v11;
	v49 =	vadd.f32 $0.0e+00, v62;
	v48 =	vmul.f32 v29, v25;
	v29 =	vld.idx.msk [tilespmem:v55+s18+$0x0], $0xffff  }
0x9c4: {  	v55 =	vld [tilespmem:$0x1F0E0]  }
0x9c5: {  	v20 =	vmul.f32 v27, v23;
	v25 =	vld [tilespmem:$0x1F080];
	v15 =	vadd.f32 v60, v49  }
0x9c6: {  	v21 =	vadd.f32 v63, v57;
	v63 =	vor.u32 $0x13, v11;
	v49 =	vld.idx.msk [tilespmem:v30+s16+$0x0], $0xffff  }
0x9c7: {  	v57 =	vor.u32 $0x1B, v11;
	v15 =	vadd.f32 v20, v15;
	v20 =	vmul.f32 v34, v33;
	v34 =	vld.idx.msk [tilespmem:v32+s16+$0x0], $0xffff  }
0x9c8: {  	v21 =	vadd.f32 v52, v21;
	v52 =	vadd.f32 $0.0e+00, v37;
	v44 =	vmul.f32 v56, v13;
	v56 =	vld.idx.msk [tilespmem:v18+s16+$0x0], $0xffff  }
0x9c9: {  	v18 =	vld.idx.msk [tilespmem:v18+s18+$0x0], $0xffff  }
0x9ca: {  	v13 =	vadd.f32 v48, v52;
	v52 =	vld [tilespmem:$0x1F0D0]  }
0x9cb: {  	v19 =	vmul.f32 v58, v19;
	v58 =	vld.idx.msk [tilespmem:v63+s16+$0x0], $0xffff  }
0x9cc: {  	v60 =	vld.idx.msk [tilespmem:v63+s18+$0x0], $0xffff  }
0x9cd: {  	v35 =	vld.idx.msk [tilespmem:v57+s16+$0x0], $0xffff  }
0x9ce: {  	v12 =	vmul.f32 v14, v12;
	v62 =	vor.u32 $0x1F, v11;
	v14 =	vld.idx.msk [tilespmem:v57+s18+$0x0], $0xffff  }
0x9cf: {  	v2 =	vmul.f32 v7, v2;
	v7 =	vmul.f32 v42, v36;
	v42 =	vld [tilespmem:$0x1F0F0]  }
0x9d0: {  	v37 =	vor.u32 $0x27, v11;
	v57 =	vld.idx.msk [tilespmem:v30+s18+$0x0], $0xffff  }
0x9d1: {  	v63 =	vmul.f32 v61, v59;
	v61 =	vld [tilespmem:$0x1F0C0]  }
0x9d2: {  	v30 =	vld [tilespmem:$0x1F030]  }
0x9d3: {  	v8 =	vadd.f32 $0.0e+00, v44;
	v12 =	vadd.f32 v12, v13;
	v44 =	vld.idx.msk [tilespmem:v62+s16+$0x0], $0xffff  }
0x9d4: {  	v13 =	vld.idx.msk [tilespmem:v62+s18+$0x0], $0xffff  }
0x9d5: {  	v12 =	vadd.f32 v63, v12;
	v63 =	vld.idx.msk [tilespmem:v37+s18+$0x0], $0xffff  }
0x9d6: {  	v2 =	vadd.f32 v2, v21;
	v8 =	vadd.f32 v19, v8;
	v19 =	vld [tilespmem:$0x1F090]  }
0x9d7: {  	v36 =	vmul.f32 v60, v58;
	v58 =	vld.idx.msk [tilespmem:v37+s16+$0x0], $0xffff  }
0x9d8: {  	v2 =	vadd.f32 v22, v2;
	v60 =	vld [tilespmem:$0x1F0B0]  }
0x9d9: {  	v12 =	vadd.f32 v20, v12;
	v20 =	vld [tilespmem:$0x1F0A0]  }
0x9da: {  	v2 =	vadd.f32 v17, v2;
	v7 =	vadd.f32 v7, v8;
	v8 =	vmul.f32 v29, v24;
	v24 =	vld [tilespmem:$0x1F070]  }
0x9db: {  	v15 =	vadd.f32 v16, v15;
	v29 =	vld [tilespmem:$0x1F020]  }
0x9dc: {  	v62 =	vor.u32 $0x33, v11;
	v2 =	vadd.f32 v6, v2;
	v6 =	vmul.f32 v14, v35;
	v35 =	vld [tilespmem:$0x1EFF0]  }
0x9dd: {  	v37 =	vld.idx.msk [tilespmem:v32+s18+$0x0], $0xffff  }
0x9de: {  	v3 =	vadd.f32 v3, v15;
	v15 =	vmul.f32 v45, v42;
	v42 =	vld [tilespmem:$0x1EFB0]  }
0x9df: {  	v22 =	vmul.f32 v57, v49;
	v49 =	vld [tilespmem:$0x1EF90]  }
0x9e0: {  	v27 =	vmul.f32 v18, v56;
	v56 =	vor.u32 $0x2F, v11;
	v57 =	vld [tilespmem:$0x1EC40]  }
0x9e1: {  	v45 =	vor.u32 $0x2B, v11;
	v11 =	vld.idx.msk [tilespmem:v62+s18+$0x0], $0xffff  }
0x9e2: {  	v17 =	vmul.f32 v13, v44;
	v44 =	vld [tilespmem:$0x1EFC0];
	v7 =	vadd.f32 v27, v7  }
0x9e3: {  	v2 =	vadd.f32 v10, v2;
	v27 =	vld.idx.msk [tilespmem:v62+s16+$0x0], $0xffff  }
0x9e4: {  	v48 =	vadd.f32 v15, v12;
	v15 =	vmul.f32 v55, v52;
	v55 =	vld [tilespmem:$0x1EC30];
	v7 =	vadd.f32 v36, v7  }
0x9e5: {  	v3 =	vadd.f32 v9, v3;
	v23 =	vld.idx.msk [tilespmem:v56+s16+$0x0], $0xffff  }
0x9e6: {  	v2 =	vadd.f32 v5, v2;
	v5 =	vld.idx.msk [tilespmem:v56+s18+$0x0], $0xffff;
	v7 =	vadd.f32 v8, v7  }
0x9e7: {  	v3 =	vadd.f32 v4, v3;
	v59 =	vadd.f32 v15, v48;
	v36 =	vld [tilespmem:$0x1F000];
	v9 =	vmul.f32 v61, v60  }
0x9e8: {  	v18 =	vld.idx.msk [tilespmem:v45+s16+$0x0], $0xffff;
	v1 =	vadd.f32 v1, v2;
	v2 =	vadd.f32 v6, v7  }
0x9e9: {  	v0 =	vadd.f32 v0, v3;
	v21 =	vld.idx.msk [tilespmem:v45+s18+$0x0], $0xffff;
	v8 =	vmul.f32 v20, v19;
	v3 =	vadd.f32 v9, v59  }
0x9ea: {  	v48 =	vld.idx.msk [tilespmem:v46+s16+$0x0], $0xffff;
	v1 =	vadd.f32 v54, v1;
	v2 =	vadd.f32 v17, v2  }
0x9eb: {  	v0 =	vadd.f32 v53, v0;
	v45 =	vld.idx.msk [tilespmem:v26+s18+$0x0], $0xffff;
	v3 =	vadd.f32 v8, v3;
	v8 =	vmul.f32 v25, v24  }
0x9ec: {  	v4 =	vmul.f32 v63, v58;
	v53 =	vld [tilespmem:$0x1EF70];
	v1 =	vadd.f32 v51, v1;
	v2 =	vadd.f32 v22, v2  }
0x9ed: {  	v58 =	vld [tilespmem:$0x1EF50];
	v0 =	vadd.f32 v50, v0;
	v3 =	vadd.f32 v8, v3;
	v8 =	vmul.f32 v30, v29  }
0x9ee: {  	v50 =	vld [tilespmem:$0x1EFA0];
	v33 =	vmul.f32 v21, v18;
	v1 =	vadd.f32 v47, v1;
	v2 =	vadd.f32 v4, v2  }
0x9ef: {  	v60 =	vld [tilespmem:$0x1EC50];
	v0 =	vadd.f32 v41, v0;
	v3 =	vadd.f32 v8, v3;
	v8 =	vmul.f32 v36, v35  }
0x9f0: {  	v54 =	vld [tilespmem:$0x1EF80];
	v1 =	vadd.f32 v40, v1;
	v40 =	vmul.f32 v5, v23;
	v2 =	vadd.f32 v33, v2  }
0x9f1: {  	v41 =	vld.idx.msk [tilespmem:v26+s16+$0x0], $0xffff;
	v0 =	vadd.f32 v39, v0;
	v3 =	vadd.f32 v8, v3;
	v8 =	vmul.f32 v44, v42  }
0x9f2: {  	v59 =	vld [tilespmem:$0x1EF60];
	v47 =	vmul.f32 v11, v27;
	v1 =	vadd.f32 v43, v1;
	v2 =	vadd.f32 v40, v2  }
0x9f3: {  	v51 =	vld.idx.msk [tilespmem:v46+s18+$0x0], $0xffff;
	v0 =	vadd.f32 v38, v0;
	v3 =	vadd.f32 v8, v3;
	v8 =	vmul.f32 v50, v49  }
0x9f4: {  	v62 =	vld [tilespmem:$0x1F130];
	v52 =	vmul.f32 v37, v34;
	v1 =	vadd.f32 v31, v1;
	v2 =	vadd.f32 v47, v2  }
0x9f5: {  	v63 =	vld [tilespmem:$0x1F120];
	v7 =	vmul.f32 v54, v53;
	v0 =	vadd.f32 v28, v0;
	v3 =	vadd.f32 v8, v3  }
0x9f6: {  	v56 =	vmul.f32 v45, v41;
	v1 =	vadd.f32 v55, v1;
	v2 =	vadd.f32 v52, v2  }
0x9f7: {  	v5 =	vmul.f32 v59, v58;
	v0 =	vadd.f32 v57, v0;
	v3 =	vadd.f32 v7, v3  }
0x9f8: {  	v61 =	vmul.f32 v51, v48;
	v1 =	vadd.f32 v60, v1;
	v2 =	vadd.f32 v56, v2  }
0x9f9: {  	v0 =	vadd.f32 v62, v0;
	v3 =	vadd.f32 v5, v3  }
0x9fa: {  	v1 =	vadd.f32 v63, v1;
	v2 =	vadd.f32 v61, v2;
	_ =	sdelay $0x1  }
0x9fb: {  	v0 =	vadd.f32 v0, v1;
	v1 =	vadd.f32 v2, v3;
	_ =	sdelay $0x1  }
0x9fc: {  	s26 =	sadd.s32 $0x1, s26;
	v0 =	vadd.f32 v1, v0  }
0x9fd: {  	s28 =	sadd.s32 $0x10, s28;
	p0 =	sne.s32 s26, s9  }
.Ltmp4:
0x9fe: {  	[tilespmem:s28+$0x0] =	vst v0;
	(pc) =	sbr.rel @p0 .LBB2_1-.Ltmp4, $4  }
0x9ff: {  	[hbm4b:s8+s2] =	stream.linear.scatter [tilespmem:s25], [sflag:$0x3], $0x200, $0x38;
	[tilespmem:$0x10680] =	vst v63  }
0xa00: {  	_ =	swait.ge [sflag:s10], $0x200  }
0xa01: {  	[sflag:s10] =	ssyncset.done $0x0  }
0xa02: {  	v1 =	vld [tilespmem:$0x1FFF0];
	[sflag:s10] =	ssyncadd.s32 $0xFFFFFE00  }
0xa03: {  	_ =	sfence.sel $0x180000  }
0xa04: {  	[bflag:$0x0] =	sbarrier.arrive $0xFFFF  }
0xa05: {  	p0 =	sne.s32 s3, $0x0;
	_ =	strace $0x90000047  }
0xa06: {  	s0 =	sadd.s32 @!p0 $0x100000, s0;
	[bflag:$0x2] =	sbarrier.arrive $0xFFFF  }
0xa07: {  	[sflag:s0] =	ssyncadd.tile.s32 @!p0 $0x1;
	_ =	shalt  }
.Lfunc_end2:
_tile_overlayer_lowered:
.L_overlay_start_2:
0xa08: {  	(tag) =	ssettag $0x2  }
0xa09: {  	s0 =	rddreg [dreg:$0x0];
	s2 =	stileid.u32  }
0xa0a: {  	s1 =	rddreg [dreg:$0x1];
	p0 =	sne.s32 s2, $0x0  }
0xa0b: {  	s3 =	rddreg [dreg:$0x2];
	[bflag:$0x3] =	sbarrier.arrive $0xFFFF;
	s2 =	simm.s32 @!p0 $0x1C03  }
0xa0c: {  	[timem:s3], [sflag:s2] =	dma.local @!p0 [hbm:s0], s1  }
0xa0d: {  	s0 =	simm.s32 @!p0 $0x3  }
0xa0e: {  	_ =	swait.ge @!p0 [sflag:s0], s1  }
0xa0f: {  	s1 =	ssub.s32 @!p0 $0x0, s1;
	[sflag:s0] =	ssyncset.done @!p0 $0x0  }
0xa10: {  	[sflag:s0] =	ssyncadd.s32 @!p0 s1  }
0xa11: {  	[bflag:$0x3] =	sbarrier.arrive $0xFFFF  }
0xa12: {  	_ =	shalt  }

</sc_bundles>
